<compile_context>
chip_gen: v7x
topology: tpu7x:2x2x1
jax: 0.10.2.dev20260603
libtpu: 0.0.44.dev20260713+nightly
codegen_flags: <defaults>
</compile_context>

<pallas_src>
import functools

import jax
import jax.numpy as jnp
from jax import lax
from jax.experimental import pallas as pl
from jax.experimental.pallas import tpu as pltpu
from jax.experimental.pallas import tpu_sc as plsc

_B = 16384
_F = 16
_NMCOL = 782
_NMPAD = _NMCOL * 128

_info = plsc.get_sparse_core_info()
_NC, _NS = _info.num_cores, _info.num_subcores
_NW = _NC * _NS
_BPW = _B // _NW
_MCPW = (_NMCOL + _NS - 1) // _NS

_mesh = plsc.VectorSubcoreMesh(core_axis_name="c", subcore_axis_name="s")


@functools.partial(
    pl.kernel,
    out_type=(jax.ShapeDtypeStruct((_B,), jnp.float32),
              jax.ShapeDtypeStruct((_NMCOL * 16, 128), jnp.float32)),
    mesh=_mesh,
    compiler_params=pltpu.CompilerParams(needs_layout_passes=False),
    scratch_types=[
        pltpu.VMEM((_BPW,), jnp.int32),
        pltpu.VMEM((_BPW,), jnp.int32),
        pltpu.VMEM((_BPW,), jnp.int32),
        pltpu.VMEM((2, 16, 2, 8, 128), jnp.float32),
        pltpu.VMEM((2, 16, 128), jnp.float32),
        pltpu.VMEM((2, 16, 128), jnp.float32),
        pltpu.VMEM((2, 16, 128), jnp.float32),
        pltpu.VMEM((_BPW,), jnp.float32),
        pltpu.SemaphoreType.DMA,
        pltpu.SemaphoreType.DMA,
        pltpu.SemaphoreType.DMA,
        pltpu.SemaphoreType.DMA,
        pltpu.SemaphoreType.DMA,
        pltpu.SemaphoreType.DMA,
    ],
)
def _sc_dot_kernel(user_h, movie_h, ut3_h, mtT_h, out_h, spm,
                   uidx, midx, mgidx, ublk, mbuf, bounce, trows, outv,
                   sem_u0, sem_m0, sem_u1, sem_m1, sem_st, sem_wb):
    sid = lax.axis_index("s")
    wid = sid * _NC + lax.axis_index("c")
    base = wid * _BPW

    pltpu.sync_copy(user_h.at[pl.ds(base, _BPW)], uidx)
    pltpu.sync_copy(movie_h.at[pl.ds(base, _BPW)], midx)

    lane = lax.iota(jnp.int32, 16)

    def mg_body(i, carry):
        mgidx[pl.ds(i * 16, 16)] = midx[pl.ds(i * 16, 16)] >> 3
        return carry

    lax.fori_loop(0, _BPW // 16, mg_body, 0, unroll=False)

    def col_of(k):
        return sid * _MCPW + k

    def st_fetch(k, kb):
        @pl.when(col_of(k) < _NMCOL)
        def _():
            j0 = pl.multiple_of(col_of(k) * 128, 128)
            pltpu.async_copy(mtT_h.at[:, pl.ds(j0, 128)],
                             bounce.at[kb], sem_st)

    st_fetch(0, 0)

    def st_body(k, carry):
        kb = k & 1
        st_fetch(k + 1, 1 - kb)

        @pl.when(col_of(k) < _NMCOL)
        def _():
            pltpu.make_async_copy(mtT_h.at[:, pl.ds(0, 128)],
                                  bounce.at[0], sem_st).wait()
            kbv = jnp.zeros((16,), jnp.int32) + kb

            def tr(i, carry2):
                c0 = i * 8
                for dc in range(8):
                    cv = jnp.zeros((16,), jnp.int32) + (c0 + dc)
                    row = plsc.load_gather(bounce, [kbv, lane, cv])
                    trows[kb, i, pl.ds(dc * 16, 16)] = row
                return carry2

            lax.fori_loop(0, 16, tr, 0, unroll=False)

        @pl.when(jnp.logical_and(k > 0, col_of(k - 1) < _NMCOL))
        def _():
            pltpu.make_async_copy(trows.at[0],
                                  spm.at[pl.ds(0, 16), :], sem_wb).wait()

        @pl.when(col_of(k) < _NMCOL)
        def _():
            q0 = pl.multiple_of(col_of(k) * 16, 16)
            pltpu.async_copy(trows.at[kb],
                             spm.at[pl.ds(q0, 16), :], sem_wb)

        return carry

    lax.fori_loop(0, _MCPW, st_body, 0, unroll=False)

    @pl.when(col_of(_MCPW - 1) < _NMCOL)
    def _():
        pltpu.make_async_copy(trows.at[0],
                              spm.at[pl.ds(0, 16), :], sem_wb).wait()

    plsc.subcore_barrier()

    def issue_chunk(c, buf, sem_u, sem_m):
        b0 = c * 16
        u16 = uidx[pl.ds(b0, 16)]
        for r in range(16):
            j0 = pl.multiple_of((u16[r] >> 7) * 128, 128)
            pltpu.async_copy(ut3_h.at[:, :, pl.ds(j0, 128)],
                             ublk.at[buf, r], sem_u)
        pltpu.async_copy(spm.at[mgidx.at[pl.ds(b0, 16)]],
                         mbuf.at[buf], sem_m)

    def wait_chunk(sem_u, sem_m):
        for _ in range(16):
            pltpu.make_async_copy(ut3_h.at[:, :, pl.ds(0, 128)],
                                  ublk.at[0, 0], sem_u).wait()
        pltpu.make_async_copy(spm.at[mgidx.at[pl.ds(0, 16)]],
                              mbuf.at[0], sem_m).wait()

    def compute_chunk(c, buf):
        b0 = c * 16
        u16 = uidx[pl.ds(b0, 16)]
        m16 = midx[pl.ds(b0, 16)]
        cv = u16 & 127
        mcol0 = (m16 & 7) * 16
        bufv = jnp.zeros((16,), jnp.int32) + buf
        acc = jnp.zeros((16,), jnp.float32)
        for f in range(_F):
            hiv = jnp.full((16,), f >> 3, jnp.int32)
            lov = jnp.full((16,), f & 7, jnp.int32)
            uf = plsc.load_gather(ublk, [bufv, lane, hiv, lov, cv])
            mf = plsc.load_gather(mbuf, [bufv, lane, mcol0 + f])
            acc = acc + uf * mf
        outv[pl.ds(b0, 16)] = acc

    n_pairs = _BPW // 32
    issue_chunk(0, 0, sem_u0, sem_m0)

    def u_body(k, carry):
        c = k * 2
        issue_chunk(c + 1, 1, sem_u1, sem_m1)
        wait_chunk(sem_u0, sem_m0)
        compute_chunk(c, 0)

        @pl.when(k < n_pairs - 1)
        def _():
            issue_chunk(c + 2, 0, sem_u0, sem_m0)

        wait_chunk(sem_u1, sem_m1)
        compute_chunk(c + 1, 1)
        return carry

    lax.fori_loop(0, n_pairs, u_body, 0, unroll=False)

    pltpu.sync_copy(outv, out_h.at[pl.ds(base, _BPW)])


def kernel(user, movie, user_to_feature, movie_to_feature):
    n_u = user_to_feature.shape[0]
    ut3 = user_to_feature.T.reshape(2, 8, n_u)
    mtT = movie_to_feature.T
    out, _ = _sc_dot_kernel(user, movie, ut3, mtT)
    return out

# --- scband reference (transcript-rebuilt; emitter-appended) ---
"""Pipeline reference for scband-movie-reco-model-41661182771411 (READ-ONLY COPY).

The authoritative reference and input builder live on the scoring server;
editing this copy changes nothing except your own understanding.
"""

import jax, jax.numpy as jnp
import numpy as np

NUM_USERS = 1000000
NUM_MOVIES = 100000
NUM_FEATURES = 16
BATCH = 16384


def setup_inputs(seed: int = 0) -> dict:
    key = jax.random.key(seed)
    k1, k2, k3, k4 = jax.random.split(key, 4)
    user = jax.random.randint(k1, (BATCH,), 0, NUM_USERS, dtype=jnp.int64 if jax.config.jax_enable_x64 else jnp.int32)
    movie = jax.random.randint(k2, (BATCH,), 0, NUM_MOVIES, dtype=jnp.int64 if jax.config.jax_enable_x64 else jnp.int32)
    user_to_feature = jax.random.normal(k3, (NUM_USERS, NUM_FEATURES), dtype=jnp.float32)
    movie_to_feature = jax.random.normal(k4, (NUM_MOVIES, NUM_FEATURES), dtype=jnp.float32)
    return {
        "user": user,
        "movie": movie,
        "user_to_feature": user_to_feature,
        "movie_to_feature": movie_to_feature,
    }


def reference(user, movie, user_to_feature, movie_to_feature):
    # Faithful translation of MovieRecoModel.forward:
    #   user_features = self.user_to_feature[user]
    #   movie_features = self.movie_to_feature[movie]
    #   return (user_features * movie_features).sum(1)
    user_features = jnp.take(user_to_feature, user, axis=0)
    movie_features = jnp.take(movie_to_feature, movie, axis=0)
    return (user_features * movie_features).sum(1)

if __name__ == "__main__":
    import jax
    _d = setup_inputs()
    print(jax.jit(kernel)(*tuple(_d.values())))

</pallas_src>

<mosaic_0001>
#map = affine_map<(d0, d1) -> (0)>
#map1 = affine_map<(d0, d1) -> (0, 0, 0)>
#map2 = affine_map<(d0, d1) -> (0, 0)>
module attributes {stable_mosaic.version = 14 : i64} {
  func.func @_sc_dot_kernel(%arg0: i32, %arg1: i32, %arg2: memref<16384xi32, #tpu.memory_space<hbm>>, %arg3: memref<16384xi32, #tpu.memory_space<hbm>>, %arg4: memref<2x8x1000000xf32, #tpu.memory_space<hbm>>, %arg5: memref<16x100000xf32, #tpu.memory_space<hbm>>, %arg6: memref<16384xf32, #tpu.memory_space<hbm>>, %arg7: memref<12512x128xf32, #tpu.memory_space<hbm>>, %arg8: memref<512xi32, #tpu.memory_space<vmem>>, %arg9: memref<512xi32, #tpu.memory_space<vmem>>, %arg10: memref<512xi32, #tpu.memory_space<vmem>>, %arg11: memref<2x16x2x8x128xf32, #tpu.memory_space<vmem>>, %arg12: memref<2x16x128xf32, #tpu.memory_space<vmem>>, %arg13: memref<2x16x128xf32, #tpu.memory_space<vmem>>, %arg14: memref<2x16x128xf32, #tpu.memory_space<vmem>>, %arg15: memref<512xf32, #tpu.memory_space<vmem>>, %arg16: memref<!tpu.dma_semaphore, #tpu.memory_space<semaphore_mem>>, %arg17: memref<!tpu.dma_semaphore, #tpu.memory_space<semaphore_mem>>, %arg18: memref<!tpu.dma_semaphore, #tpu.memory_space<semaphore_mem>>, %arg19: memref<!tpu.dma_semaphore, #tpu.memory_space<semaphore_mem>>, %arg20: memref<!tpu.dma_semaphore, #tpu.memory_space<semaphore_mem>>, %arg21: memref<!tpu.dma_semaphore, #tpu.memory_space<semaphore_mem>>) attributes {dimension_semantics = [#tpu.dimension_semantics<core_parallel>, #tpu.dimension_semantics<subcore_parallel>], iteration_bounds = array<i64: 2, 16>, scalar_prefetch = 0 : i64, scratch_operands = 14 : i64, tpu.core_type = #tpu.core_type<sc_vector_subcore>, window_params = [{transform_indices = #map}, {transform_indices = #map}, {transform_indices = #map1}, {transform_indices = #map2}, {transform_indices = #map}, {transform_indices = #map2}]} {
    %mul3A = arith.constant 2 : i32
    %mul3A_0 = arith.muli %arg1, %mul3A : i32
    %add3A = arith.addi %mul3A_0, %arg0 : i32
    %mul3A_1 = arith.constant 512 : i32
    %mul3A_2 = arith.muli %add3A, %mul3A_1 : i32
    "tpu.region"() ({
      %run_scoped3A = tpu.sem_alloc : memref<!tpu.dma_semaphore, #tpu.memory_space<semaphore_mem>>
      %dma_start3A_441 = tpu.memref_slice %arg2[%mul3A_2] : memref<16384xi32, #tpu.memory_space<hbm>> -> memref<512xi32, #tpu.memory_space<hbm>>
      %dma_start3A_442 = tpu.memref_slice %arg2[%mul3A_2] : memref<16384xi32, #tpu.memory_space<hbm>> -> memref<512xi32, #tpu.memory_space<hbm>>
      tpu.enqueue_dma source(%dma_start3A_442 : memref<512xi32, #tpu.memory_space<hbm>>) target(%arg8 : memref<512xi32, #tpu.memory_space<vmem>>) target_semaphore(%run_scoped3A : memref<!tpu.dma_semaphore, #tpu.memory_space<semaphore_mem>>)
      %dma_wait3A = tpu.memref_slice %arg2[%mul3A_2] : memref<16384xi32, #tpu.memory_space<hbm>> -> memref<512xi32, #tpu.memory_space<hbm>>
      %dma_wait3A_443 = tpu.memref_slice %arg2[%mul3A_2] : memref<16384xi32, #tpu.memory_space<hbm>> -> memref<512xi32, #tpu.memory_space<hbm>>
      tpu.wait_dma2 semaphore(%run_scoped3A : memref<!tpu.dma_semaphore, #tpu.memory_space<semaphore_mem>>) src(%dma_wait3A_443 : memref<512xi32, #tpu.memory_space<hbm>>) dst(%arg8 : memref<512xi32, #tpu.memory_space<vmem>>)
      tpu.yield
    }) : () -> ()
    "tpu.region"() ({
      %run_scoped3A = tpu.sem_alloc : memref<!tpu.dma_semaphore, #tpu.memory_space<semaphore_mem>>
      %dma_start3A_441 = tpu.memref_slice %arg3[%mul3A_2] : memref<16384xi32, #tpu.memory_space<hbm>> -> memref<512xi32, #tpu.memory_space<hbm>>
      %dma_start3A_442 = tpu.memref_slice %arg3[%mul3A_2] : memref<16384xi32, #tpu.memory_space<hbm>> -> memref<512xi32, #tpu.memory_space<hbm>>
      tpu.enqueue_dma source(%dma_start3A_442 : memref<512xi32, #tpu.memory_space<hbm>>) target(%arg9 : memref<512xi32, #tpu.memory_space<vmem>>) target_semaphore(%run_scoped3A : memref<!tpu.dma_semaphore, #tpu.memory_space<semaphore_mem>>)
      %dma_wait3A = tpu.memref_slice %arg3[%mul3A_2] : memref<16384xi32, #tpu.memory_space<hbm>> -> memref<512xi32, #tpu.memory_space<hbm>>
      %dma_wait3A_443 = tpu.memref_slice %arg3[%mul3A_2] : memref<16384xi32, #tpu.memory_space<hbm>> -> memref<512xi32, #tpu.memory_space<hbm>>
      tpu.wait_dma2 semaphore(%run_scoped3A : memref<!tpu.dma_semaphore, #tpu.memory_space<semaphore_mem>>) src(%dma_wait3A_443 : memref<512xi32, #tpu.memory_space<hbm>>) dst(%arg9 : memref<512xi32, #tpu.memory_space<vmem>>)
      tpu.yield
    }) : () -> ()
    %iota3A = tpu.iota {dimensions = array<i32: 0>} : vector<16xi32>
    %scan3A = arith.constant 0 : i32
    %scan3A_3 = arith.constant 0 : i32
    %scan3A_4 = arith.constant 32 : i32
    %scan3A_5 = arith.addi %scan3A_3, %scan3A_4 : i32
    %scan3A_6 = arith.constant 1 : i32
    scf.for %scan3A_441 = %scan3A_3 to %scan3A_5 step %scan3A_6  : i32 {
      %mul3A_442 = arith.constant 16 : i32
      %mul3A_443 = arith.muli %scan3A_441, %mul3A_442 : i32
      %get3A_444 = arith.index_cast %mul3A_443 : i32 to index
      %get3A_445 = tpu.vector_load %arg9[%get3A_444] {strides = array<i32>} : memref<512xi32, #tpu.memory_space<vmem>>, vector<16xi32>,
      %shift_right_arithmetic3A_446 = arith.constant 3 : i32
      %shift_right_arithmetic3A_447 = vector.broadcast %shift_right_arithmetic3A_446 : i32 to vector<16xi32>
      %shift_right_arithmetic3A_448 = arith.shrsi %get3A_445, %shift_right_arithmetic3A_447 : vector<16xi32>
      %mul3A_449 = arith.constant 16 : i32
      %mul3A_450 = arith.muli %scan3A_441, %mul3A_449 : i32
      %swap3A = arith.index_cast %mul3A_450 : i32 to index
      %swap3A_451 = tpu.vector_load %arg10[%swap3A] {strides = array<i32>} : memref<512xi32, #tpu.memory_space<vmem>>, vector<16xi32>,
      tpu.vector_store %arg10[%swap3A], %shift_right_arithmetic3A_448 {strides = array<i32>} : memref<512xi32, #tpu.memory_space<vmem>>, vector<16xi32>,
    }
    %scan3A_7 = arith.constant 32 : i32
    %mul3A_8 = arith.constant 49 : i32
    %mul3A_9 = arith.muli %arg1, %mul3A_8 : i32
    %add3A_10 = arith.constant 0 : i32
    %add3A_11 = arith.addi %mul3A_9, %add3A_10 : i32
    %lt3A = arith.constant 782 : i32
    %lt3A_12 = arith.cmpi slt, %add3A_11, %lt3A : i32
    %convert_element_type3A = arith.extui %lt3A_12 : i1 to i32
    %cond3A = arith.constant 0 : i32
    %cond3A_13 = arith.cmpi ne, %convert_element_type3A, %cond3A : i32
    scf.if %cond3A_13 {
      %mul3A_441 = arith.constant 49 : i32
      %mul3A_442 = arith.muli %arg1, %mul3A_441 : i32
      %add3A_443 = arith.constant 0 : i32
      %add3A_444 = arith.addi %mul3A_442, %add3A_443 : i32
      %mul3A_445 = arith.constant 128 : i32
      %mul3A_446 = arith.muli %add3A_444, %mul3A_445 : i32
      %multiple_of3A_447 = tpu.assume_multiple %mul3A_446, 128 : i32
      %dma_start3A_448 = arith.constant 0 : i32
      %dma_start3A_449 = arith.constant 0 : i32
      %dma_start3A_450 = arith.constant 0 : i32
      %dma_start3A_451 = tpu.memref_slice %arg13[%dma_start3A_448, %dma_start3A_449, %dma_start3A_450] : memref<2x16x128xf32, #tpu.memory_space<vmem>> -> memref<1x16x128xf32, #tpu.memory_space<vmem>>
      %dma_start3A_452 = tpu.memref_squeeze %dma_start3A_451 : memref<1x16x128xf32, #tpu.memory_space<vmem>> -> memref<16x128xf32, #tpu.memory_space<vmem>>
      %dma_start3A_453 = arith.constant 0 : i32
      %dma_start3A_454 = tpu.memref_slice %arg5[%dma_start3A_453, %multiple_of3A_447] : memref<16x100000xf32, #tpu.memory_space<hbm>> -> memref<16x128xf32, #tpu.memory_space<hbm>>
      %dma_start3A_455 = arith.constant 0 : i32
      %dma_start3A_456 = arith.constant 0 : i32
      %dma_start3A_457 = tpu.memref_slice %arg13[%dma_start3A_448, %dma_start3A_455, %dma_start3A_456] : memref<2x16x128xf32, #tpu.memory_space<vmem>> -> memref<1x16x128xf32, #tpu.memory_space<vmem>>
      %dma_start3A_458 = tpu.memref_squeeze %dma_start3A_457 : memref<1x16x128xf32, #tpu.memory_space<vmem>> -> memref<16x128xf32, #tpu.memory_space<vmem>>
      %dma_start3A_459 = arith.constant 0 : i32
      %dma_start3A_460 = tpu.memref_slice %arg5[%dma_start3A_459, %multiple_of3A_447] : memref<16x100000xf32, #tpu.memory_space<hbm>> -> memref<16x128xf32, #tpu.memory_space<hbm>>
      tpu.enqueue_dma source(%dma_start3A_460 : memref<16x128xf32, #tpu.memory_space<hbm>>) target(%dma_start3A_458 : memref<16x128xf32, #tpu.memory_space<vmem>>) target_semaphore(%arg20 : memref<!tpu.dma_semaphore, #tpu.memory_space<semaphore_mem>>)
    } else {
    }
    %scan3A_14 = arith.constant 0 : i32
    %scan3A_15 = arith.constant 0 : i32
    %scan3A_16 = arith.constant 49 : i32
    %scan3A_17 = arith.addi %scan3A_15, %scan3A_16 : i32
    %scan3A_18 = arith.constant 1 : i32
    scf.for %scan3A_441 = %scan3A_15 to %scan3A_17 step %scan3A_18  : i32 {
      %and3A = arith.constant 1 : i32
      %and3A_442 = arith.andi %scan3A_441, %and3A : i32
      %add3A_443 = arith.constant 1 : i32
      %add3A_444 = arith.addi %scan3A_441, %add3A_443 : i32
      %sub3A = arith.constant 1 : i32
      %sub3A_445 = arith.subi %sub3A, %and3A_442 : i32
      %mul3A_446 = arith.constant 49 : i32
      %mul3A_447 = arith.muli %arg1, %mul3A_446 : i32
      %add3A_448 = arith.addi %mul3A_447, %add3A_444 : i32
      %lt3A_449 = arith.constant 782 : i32
      %lt3A_450 = arith.cmpi slt, %add3A_448, %lt3A_449 : i32
      %convert_element_type3A_451 = arith.extui %lt3A_450 : i1 to i32
      %cond3A_452 = arith.constant 0 : i32
      %cond3A_453 = arith.cmpi ne, %convert_element_type3A_451, %cond3A_452 : i32
      scf.if %cond3A_453 {
        %mul3A_482 = arith.constant 49 : i32
        %mul3A_483 = arith.muli %arg1, %mul3A_482 : i32
        %add3A_484 = arith.addi %mul3A_483, %add3A_444 : i32
        %mul3A_485 = arith.constant 128 : i32
        %mul3A_486 = arith.muli %add3A_484, %mul3A_485 : i32
        %multiple_of3A_487 = tpu.assume_multiple %mul3A_486, 128 : i32
        %dma_start3A_488 = arith.constant 0 : i32
        %dma_start3A_489 = arith.constant 0 : i32
        %dma_start3A_490 = tpu.memref_slice %arg13[%sub3A_445, %dma_start3A_488, %dma_start3A_489] : memref<2x16x128xf32, #tpu.memory_space<vmem>> -> memref<1x16x128xf32, #tpu.memory_space<vmem>>
        %dma_start3A_491 = tpu.memref_squeeze %dma_start3A_490 : memref<1x16x128xf32, #tpu.memory_space<vmem>> -> memref<16x128xf32, #tpu.memory_space<vmem>>
        %dma_start3A_492 = arith.constant 0 : i32
        %dma_start3A_493 = tpu.memref_slice %arg5[%dma_start3A_492, %multiple_of3A_487] : memref<16x100000xf32, #tpu.memory_space<hbm>> -> memref<16x128xf32, #tpu.memory_space<hbm>>
        %dma_start3A_494 = arith.constant 0 : i32
        %dma_start3A_495 = arith.constant 0 : i32
        %dma_start3A_496 = tpu.memref_slice %arg13[%sub3A_445, %dma_start3A_494, %dma_start3A_495] : memref<2x16x128xf32, #tpu.memory_space<vmem>> -> memref<1x16x128xf32, #tpu.memory_space<vmem>>
        %dma_start3A_497 = tpu.memref_squeeze %dma_start3A_496 : memref<1x16x128xf32, #tpu.memory_space<vmem>> -> memref<16x128xf32, #tpu.memory_space<vmem>>
        %dma_start3A_498 = arith.constant 0 : i32
        %dma_start3A_499 = tpu.memref_slice %arg5[%dma_start3A_498, %multiple_of3A_487] : memref<16x100000xf32, #tpu.memory_space<hbm>> -> memref<16x128xf32, #tpu.memory_space<hbm>>
        tpu.enqueue_dma source(%dma_start3A_499 : memref<16x128xf32, #tpu.memory_space<hbm>>) target(%dma_start3A_497 : memref<16x128xf32, #tpu.memory_space<vmem>>) target_semaphore(%arg20 : memref<!tpu.dma_semaphore, #tpu.memory_space<semaphore_mem>>)
      } else {
      }
      %mul3A_454 = arith.constant 49 : i32
      %mul3A_455 = arith.muli %arg1, %mul3A_454 : i32
      %add3A_456 = arith.addi %mul3A_455, %scan3A_441 : i32
      %lt3A_457 = arith.constant 782 : i32
      %lt3A_458 = arith.cmpi slt, %add3A_456, %lt3A_457 : i32
      %convert_element_type3A_459 = arith.extui %lt3A_458 : i1 to i32
      %cond3A_460 = arith.constant 0 : i32
      %cond3A_461 = arith.cmpi ne, %convert_element_type3A_459, %cond3A_460 : i32
      scf.if %cond3A_461 {
        %dma_wait3A = arith.constant 0 : i32
        %dma_wait3A_482 = arith.constant 0 : i32
        %dma_wait3A_483 = arith.constant 0 : i32
        %dma_wait3A_484 = tpu.memref_slice %arg13[%dma_wait3A, %dma_wait3A_482, %dma_wait3A_483] : memref<2x16x128xf32, #tpu.memory_space<vmem>> -> memref<1x16x128xf32, #tpu.memory_space<vmem>>
        %dma_wait3A_485 = tpu.memref_squeeze %dma_wait3A_484 : memref<1x16x128xf32, #tpu.memory_space<vmem>> -> memref<16x128xf32, #tpu.memory_space<vmem>>
        %dma_wait3A_486 = arith.constant 0 : i32
        %dma_wait3A_487 = arith.constant 0 : i32
        %dma_wait3A_488 = tpu.memref_slice %arg5[%dma_wait3A_486, %dma_wait3A_487] : memref<16x100000xf32, #tpu.memory_space<hbm>> -> memref<16x128xf32, #tpu.memory_space<hbm>>
        %dma_wait3A_489 = arith.constant 0 : i32
        %dma_wait3A_490 = arith.constant 0 : i32
        %dma_wait3A_491 = tpu.memref_slice %arg13[%dma_wait3A, %dma_wait3A_489, %dma_wait3A_490] : memref<2x16x128xf32, #tpu.memory_space<vmem>> -> memref<1x16x128xf32, #tpu.memory_space<vmem>>
        %dma_wait3A_492 = tpu.memref_squeeze %dma_wait3A_491 : memref<1x16x128xf32, #tpu.memory_space<vmem>> -> memref<16x128xf32, #tpu.memory_space<vmem>>
        %dma_wait3A_493 = arith.constant 0 : i32
        %dma_wait3A_494 = arith.constant 0 : i32
        %dma_wait3A_495 = tpu.memref_slice %arg5[%dma_wait3A_493, %dma_wait3A_494] : memref<16x100000xf32, #tpu.memory_space<hbm>> -> memref<16x128xf32, #tpu.memory_space<hbm>>
        tpu.wait_dma2 semaphore(%arg20 : memref<!tpu.dma_semaphore, #tpu.memory_space<semaphore_mem>>) src(%dma_wait3A_495 : memref<16x128xf32, #tpu.memory_space<hbm>>) dst(%dma_wait3A_492 : memref<16x128xf32, #tpu.memory_space<vmem>>)
        %broadcast_in_dim3A = arith.constant 0 : i32
        %broadcast_in_dim3A_496 = vector.broadcast %broadcast_in_dim3A : i32 to vector<16xi32>
        %add3A_497 = vector.broadcast %and3A_442 : i32 to vector<16xi32>
        %add3A_498 = arith.addi %broadcast_in_dim3A_496, %add3A_497 : vector<16xi32>
        %scan3A_499 = arith.constant 0 : i32
        %scan3A_500 = arith.constant 0 : i32
        %scan3A_501 = arith.constant 16 : i32
        %scan3A_502 = arith.addi %scan3A_500, %scan3A_501 : i32
        %scan3A_503 = arith.constant 1 : i32
        scf.for %scan3A_505 = %scan3A_500 to %scan3A_502 step %scan3A_503  : i32 {
          %mul3A_506 = arith.constant 8 : i32
          %mul3A_507 = arith.muli %scan3A_505, %mul3A_506 : i32
          %broadcast_in_dim3A_508 = arith.constant 0 : i32
          %broadcast_in_dim3A_509 = vector.broadcast %broadcast_in_dim3A_508 : i32 to vector<16xi32>
          %add3A_510 = arith.constant 0 : i32
          %add3A_511 = arith.addi %mul3A_507, %add3A_510 : i32
          %add3A_512 = vector.broadcast %add3A_511 : i32 to vector<16xi32>
          %add3A_513 = arith.addi %broadcast_in_dim3A_509, %add3A_512 : vector<16xi32>
          %gather3A = tpu.vector_load_idx %arg13[%add3A_498, %iota3A, %add3A_513] : memref<2x16x128xf32, #tpu.memory_space<vmem>>[vector<16xi32>, vector<16xi32>, vector<16xi32>], vector<16xf32>,
          %swap3A = arith.index_cast %and3A_442 : i32 to index
          %swap3A_514 = arith.index_cast %scan3A_505 : i32 to index
          %swap3A_515 = arith.constant 0 : index
          %swap3A_516 = tpu.vector_load %arg14[%swap3A, %swap3A_514, %swap3A_515] {strides = array<i32>} : memref<2x16x128xf32, #tpu.memory_space<vmem>>, vector<16xf32>,
          tpu.vector_store %arg14[%swap3A, %swap3A_514, %swap3A_515], %gather3A {strides = array<i32>} : memref<2x16x128xf32, #tpu.memory_space<vmem>>, vector<16xf32>,
          %broadcast_in_dim3A_517 = arith.constant 0 : i32
          %broadcast_in_dim3A_518 = vector.broadcast %broadcast_in_dim3A_517 : i32 to vector<16xi32>
          %add3A_519 = arith.constant 1 : i32
          %add3A_520 = arith.addi %mul3A_507, %add3A_519 : i32
          %add3A_521 = vector.broadcast %add3A_520 : i32 to vector<16xi32>
          %add3A_522 = arith.addi %broadcast_in_dim3A_518, %add3A_521 : vector<16xi32>
          %gather3A_523 = tpu.vector_load_idx %arg13[%add3A_498, %iota3A, %add3A_522] : memref<2x16x128xf32, #tpu.memory_space<vmem>>[vector<16xi32>, vector<16xi32>, vector<16xi32>], vector<16xf32>,
          %swap3A_524 = arith.index_cast %and3A_442 : i32 to index
          %swap3A_525 = arith.index_cast %scan3A_505 : i32 to index
          %swap3A_526 = arith.constant 16 : index
          %swap3A_527 = tpu.vector_load %arg14[%swap3A_524, %swap3A_525, %swap3A_526] {strides = array<i32>} : memref<2x16x128xf32, #tpu.memory_space<vmem>>, vector<16xf32>,
          tpu.vector_store %arg14[%swap3A_524, %swap3A_525, %swap3A_526], %gather3A_523 {strides = array<i32>} : memref<2x16x128xf32, #tpu.memory_space<vmem>>, vector<16xf32>,
          %broadcast_in_dim3A_528 = arith.constant 0 : i32
          %broadcast_in_dim3A_529 = vector.broadcast %broadcast_in_dim3A_528 : i32 to vector<16xi32>
          %add3A_530 = arith.constant 2 : i32
          %add3A_531 = arith.addi %mul3A_507, %add3A_530 : i32
          %add3A_532 = vector.broadcast %add3A_531 : i32 to vector<16xi32>
          %add3A_533 = arith.addi %broadcast_in_dim3A_529, %add3A_532 : vector<16xi32>
          %gather3A_534 = tpu.vector_load_idx %arg13[%add3A_498, %iota3A, %add3A_533] : memref<2x16x128xf32, #tpu.memory_space<vmem>>[vector<16xi32>, vector<16xi32>, vector<16xi32>], vector<16xf32>,
          %swap3A_535 = arith.index_cast %and3A_442 : i32 to index
          %swap3A_536 = arith.index_cast %scan3A_505 : i32 to index
          %swap3A_537 = arith.constant 32 : index
          %swap3A_538 = tpu.vector_load %arg14[%swap3A_535, %swap3A_536, %swap3A_537] {strides = array<i32>} : memref<2x16x128xf32, #tpu.memory_space<vmem>>, vector<16xf32>,
          tpu.vector_store %arg14[%swap3A_535, %swap3A_536, %swap3A_537], %gather3A_534 {strides = array<i32>} : memref<2x16x128xf32, #tpu.memory_space<vmem>>, vector<16xf32>,
          %broadcast_in_dim3A_539 = arith.constant 0 : i32
          %broadcast_in_dim3A_540 = vector.broadcast %broadcast_in_dim3A_539 : i32 to vector<16xi32>
          %add3A_541 = arith.constant 3 : i32
          %add3A_542 = arith.addi %mul3A_507, %add3A_541 : i32
          %add3A_543 = vector.broadcast %add3A_542 : i32 to vector<16xi32>
          %add3A_544 = arith.addi %broadcast_in_dim3A_540, %add3A_543 : vector<16xi32>
          %gather3A_545 = tpu.vector_load_idx %arg13[%add3A_498, %iota3A, %add3A_544] : memref<2x16x128xf32, #tpu.memory_space<vmem>>[vector<16xi32>, vector<16xi32>, vector<16xi32>], vector<16xf32>,
          %swap3A_546 = arith.index_cast %and3A_442 : i32 to index
          %swap3A_547 = arith.index_cast %scan3A_505 : i32 to index
          %swap3A_548 = arith.constant 48 : index
          %swap3A_549 = tpu.vector_load %arg14[%swap3A_546, %swap3A_547, %swap3A_548] {strides = array<i32>} : memref<2x16x128xf32, #tpu.memory_space<vmem>>, vector<16xf32>,
          tpu.vector_store %arg14[%swap3A_546, %swap3A_547, %swap3A_548], %gather3A_545 {strides = array<i32>} : memref<2x16x128xf32, #tpu.memory_space<vmem>>, vector<16xf32>,
          %broadcast_in_dim3A_550 = arith.constant 0 : i32
          %broadcast_in_dim3A_551 = vector.broadcast %broadcast_in_dim3A_550 : i32 to vector<16xi32>
          %add3A_552 = arith.constant 4 : i32
          %add3A_553 = arith.addi %mul3A_507, %add3A_552 : i32
          %add3A_554 = vector.broadcast %add3A_553 : i32 to vector<16xi32>
          %add3A_555 = arith.addi %broadcast_in_dim3A_551, %add3A_554 : vector<16xi32>
          %gather3A_556 = tpu.vector_load_idx %arg13[%add3A_498, %iota3A, %add3A_555] : memref<2x16x128xf32, #tpu.memory_space<vmem>>[vector<16xi32>, vector<16xi32>, vector<16xi32>], vector<16xf32>,
          %swap3A_557 = arith.index_cast %and3A_442 : i32 to index
          %swap3A_558 = arith.index_cast %scan3A_505 : i32 to index
          %swap3A_559 = arith.constant 64 : index
          %swap3A_560 = tpu.vector_load %arg14[%swap3A_557, %swap3A_558, %swap3A_559] {strides = array<i32>} : memref<2x16x128xf32, #tpu.memory_space<vmem>>, vector<16xf32>,
          tpu.vector_store %arg14[%swap3A_557, %swap3A_558, %swap3A_559], %gather3A_556 {strides = array<i32>} : memref<2x16x128xf32, #tpu.memory_space<vmem>>, vector<16xf32>,
          %broadcast_in_dim3A_561 = arith.constant 0 : i32
          %broadcast_in_dim3A_562 = vector.broadcast %broadcast_in_dim3A_561 : i32 to vector<16xi32>
          %add3A_563 = arith.constant 5 : i32
          %add3A_564 = arith.addi %mul3A_507, %add3A_563 : i32
          %add3A_565 = vector.broadcast %add3A_564 : i32 to vector<16xi32>
          %add3A_566 = arith.addi %broadcast_in_dim3A_562, %add3A_565 : vector<16xi32>
          %gather3A_567 = tpu.vector_load_idx %arg13[%add3A_498, %iota3A, %add3A_566] : memref<2x16x128xf32, #tpu.memory_space<vmem>>[vector<16xi32>, vector<16xi32>, vector<16xi32>], vector<16xf32>,
          %swap3A_568 = arith.index_cast %and3A_442 : i32 to index
          %swap3A_569 = arith.index_cast %scan3A_505 : i32 to index
          %swap3A_570 = arith.constant 80 : index
          %swap3A_571 = tpu.vector_load %arg14[%swap3A_568, %swap3A_569, %swap3A_570] {strides = array<i32>} : memref<2x16x128xf32, #tpu.memory_space<vmem>>, vector<16xf32>,
          tpu.vector_store %arg14[%swap3A_568, %swap3A_569, %swap3A_570], %gather3A_567 {strides = array<i32>} : memref<2x16x128xf32, #tpu.memory_space<vmem>>, vector<16xf32>,
          %broadcast_in_dim3A_572 = arith.constant 0 : i32
          %broadcast_in_dim3A_573 = vector.broadcast %broadcast_in_dim3A_572 : i32 to vector<16xi32>
          %add3A_574 = arith.constant 6 : i32
          %add3A_575 = arith.addi %mul3A_507, %add3A_574 : i32
          %add3A_576 = vector.broadcast %add3A_575 : i32 to vector<16xi32>
          %add3A_577 = arith.addi %broadcast_in_dim3A_573, %add3A_576 : vector<16xi32>
          %gather3A_578 = tpu.vector_load_idx %arg13[%add3A_498, %iota3A, %add3A_577] : memref<2x16x128xf32, #tpu.memory_space<vmem>>[vector<16xi32>, vector<16xi32>, vector<16xi32>], vector<16xf32>,
          %swap3A_579 = arith.index_cast %and3A_442 : i32 to index
          %swap3A_580 = arith.index_cast %scan3A_505 : i32 to index
          %swap3A_581 = arith.constant 96 : index
          %swap3A_582 = tpu.vector_load %arg14[%swap3A_579, %swap3A_580, %swap3A_581] {strides = array<i32>} : memref<2x16x128xf32, #tpu.memory_space<vmem>>, vector<16xf32>,
          tpu.vector_store %arg14[%swap3A_579, %swap3A_580, %swap3A_581], %gather3A_578 {strides = array<i32>} : memref<2x16x128xf32, #tpu.memory_space<vmem>>, vector<16xf32>,
          %broadcast_in_dim3A_583 = arith.constant 0 : i32
          %broadcast_in_dim3A_584 = vector.broadcast %broadcast_in_dim3A_583 : i32 to vector<16xi32>
          %add3A_585 = arith.constant 7 : i32
          %add3A_586 = arith.addi %mul3A_507, %add3A_585 : i32
          %add3A_587 = vector.broadcast %add3A_586 : i32 to vector<16xi32>
          %add3A_588 = arith.addi %broadcast_in_dim3A_584, %add3A_587 : vector<16xi32>
          %gather3A_589 = tpu.vector_load_idx %arg13[%add3A_498, %iota3A, %add3A_588] : memref<2x16x128xf32, #tpu.memory_space<vmem>>[vector<16xi32>, vector<16xi32>, vector<16xi32>], vector<16xf32>,
          %swap3A_590 = arith.index_cast %and3A_442 : i32 to index
          %swap3A_591 = arith.index_cast %scan3A_505 : i32 to index
          %swap3A_592 = arith.constant 112 : index
          %swap3A_593 = tpu.vector_load %arg14[%swap3A_590, %swap3A_591, %swap3A_592] {strides = array<i32>} : memref<2x16x128xf32, #tpu.memory_space<vmem>>, vector<16xf32>,
          tpu.vector_store %arg14[%swap3A_590, %swap3A_591, %swap3A_592], %gather3A_589 {strides = array<i32>} : memref<2x16x128xf32, #tpu.memory_space<vmem>>, vector<16xf32>,
        }
        %scan3A_504 = arith.constant 16 : i32
      } else {
      }
      %gt3A = arith.constant 0 : i32
      %gt3A_462 = arith.cmpi sgt, %scan3A_441, %gt3A : i32
      %sub3A_463 = arith.constant 1 : i32
      %sub3A_464 = arith.subi %scan3A_441, %sub3A_463 : i32
      %mul3A_465 = arith.constant 49 : i32
      %mul3A_466 = arith.muli %arg1, %mul3A_465 : i32
      %add3A_467 = arith.addi %mul3A_466, %sub3A_464 : i32
      %lt3A_468 = arith.constant 782 : i32
      %lt3A_469 = arith.cmpi slt, %add3A_467, %lt3A_468 : i32
      %and3A_470 = arith.andi %gt3A_462, %lt3A_469 : i1
      %convert_element_type3A_471 = arith.extui %and3A_470 : i1 to i32
      %cond3A_472 = arith.constant 0 : i32
      %cond3A_473 = arith.cmpi ne, %convert_element_type3A_471, %cond3A_472 : i32
      scf.if %cond3A_473 {
        %dma_wait3A = arith.constant 0 : i32
        %dma_wait3A_482 = arith.constant 0 : i32
        %dma_wait3A_483 = arith.constant 0 : i32
        %dma_wait3A_484 = tpu.memref_slice %arg14[%dma_wait3A, %dma_wait3A_482, %dma_wait3A_483] : memref<2x16x128xf32, #tpu.memory_space<vmem>> -> memref<1x16x128xf32, #tpu.memory_space<vmem>>
        %dma_wait3A_485 = tpu.memref_squeeze %dma_wait3A_484 : memref<1x16x128xf32, #tpu.memory_space<vmem>> -> memref<16x128xf32, #tpu.memory_space<vmem>>
        %dma_wait3A_486 = arith.constant 0 : i32
        %dma_wait3A_487 = arith.constant 0 : i32
        %dma_wait3A_488 = tpu.memref_slice %arg7[%dma_wait3A_486, %dma_wait3A_487] : memref<12512x128xf32, #tpu.memory_space<hbm>> -> memref<16x128xf32, #tpu.memory_space<hbm>>
        %dma_wait3A_489 = arith.constant 0 : i32
        %dma_wait3A_490 = arith.constant 0 : i32
        %dma_wait3A_491 = tpu.memref_slice %arg7[%dma_wait3A_489, %dma_wait3A_490] : memref<12512x128xf32, #tpu.memory_space<hbm>> -> memref<16x128xf32, #tpu.memory_space<hbm>>
        %dma_wait3A_492 = arith.constant 0 : i32
        %dma_wait3A_493 = arith.constant 0 : i32
        %dma_wait3A_494 = tpu.memref_slice %arg14[%dma_wait3A, %dma_wait3A_492, %dma_wait3A_493] : memref<2x16x128xf32, #tpu.memory_space<vmem>> -> memref<1x16x128xf32, #tpu.memory_space<vmem>>
        %dma_wait3A_495 = tpu.memref_squeeze %dma_wait3A_494 : memref<1x16x128xf32, #tpu.memory_space<vmem>> -> memref<16x128xf32, #tpu.memory_space<vmem>>
        tpu.wait_dma2 semaphore(%arg21 : memref<!tpu.dma_semaphore, #tpu.memory_space<semaphore_mem>>) src(%dma_wait3A_495 : memref<16x128xf32, #tpu.memory_space<vmem>>) dst(%dma_wait3A_491 : memref<16x128xf32, #tpu.memory_space<hbm>>)
      } else {
      }
      %mul3A_474 = arith.constant 49 : i32
      %mul3A_475 = arith.muli %arg1, %mul3A_474 : i32
      %add3A_476 = arith.addi %mul3A_475, %scan3A_441 : i32
      %lt3A_477 = arith.constant 782 : i32
      %lt3A_478 = arith.cmpi slt, %add3A_476, %lt3A_477 : i32
      %convert_element_type3A_479 = arith.extui %lt3A_478 : i1 to i32
      %cond3A_480 = arith.constant 0 : i32
      %cond3A_481 = arith.cmpi ne, %convert_element_type3A_479, %cond3A_480 : i32
      scf.if %cond3A_481 {
        %mul3A_482 = arith.constant 49 : i32
        %mul3A_483 = arith.muli %arg1, %mul3A_482 : i32
        %add3A_484 = arith.addi %mul3A_483, %scan3A_441 : i32
        %mul3A_485 = arith.constant 16 : i32
        %mul3A_486 = arith.muli %add3A_484, %mul3A_485 : i32
        %multiple_of3A_487 = tpu.assume_multiple %mul3A_486, 16 : i32
        %dma_start3A_488 = arith.constant 0 : i32
        %dma_start3A_489 = arith.constant 0 : i32
        %dma_start3A_490 = tpu.memref_slice %arg14[%and3A_442, %dma_start3A_488, %dma_start3A_489] : memref<2x16x128xf32, #tpu.memory_space<vmem>> -> memref<1x16x128xf32, #tpu.memory_space<vmem>>
        %dma_start3A_491 = tpu.memref_squeeze %dma_start3A_490 : memref<1x16x128xf32, #tpu.memory_space<vmem>> -> memref<16x128xf32, #tpu.memory_space<vmem>>
        %dma_start3A_492 = arith.constant 0 : i32
        %dma_start3A_493 = tpu.memref_slice %arg7[%multiple_of3A_487, %dma_start3A_492] : memref<12512x128xf32, #tpu.memory_space<hbm>> -> memref<16x128xf32, #tpu.memory_space<hbm>>
        %dma_start3A_494 = arith.constant 0 : i32
        %dma_start3A_495 = tpu.memref_slice %arg7[%multiple_of3A_487, %dma_start3A_494] : memref<12512x128xf32, #tpu.memory_space<hbm>> -> memref<16x128xf32, #tpu.memory_space<hbm>>
        %dma_start3A_496 = arith.constant 0 : i32
        %dma_start3A_497 = arith.constant 0 : i32
        %dma_start3A_498 = tpu.memref_slice %arg14[%and3A_442, %dma_start3A_496, %dma_start3A_497] : memref<2x16x128xf32, #tpu.memory_space<vmem>> -> memref<1x16x128xf32, #tpu.memory_space<vmem>>
        %dma_start3A_499 = tpu.memref_squeeze %dma_start3A_498 : memref<1x16x128xf32, #tpu.memory_space<vmem>> -> memref<16x128xf32, #tpu.memory_space<vmem>>
        tpu.enqueue_dma source(%dma_start3A_499 : memref<16x128xf32, #tpu.memory_space<vmem>>) target(%dma_start3A_495 : memref<16x128xf32, #tpu.memory_space<hbm>>) target_semaphore(%arg21 : memref<!tpu.dma_semaphore, #tpu.memory_space<semaphore_mem>>)
      } else {
      }
    }
    %scan3A_19 = arith.constant 49 : i32
    %mul3A_20 = arith.constant 49 : i32
    %mul3A_21 = arith.muli %arg1, %mul3A_20 : i32
    %add3A_22 = arith.constant 48 : i32
    %add3A_23 = arith.addi %mul3A_21, %add3A_22 : i32
    %lt3A_24 = arith.constant 782 : i32
    %lt3A_25 = arith.cmpi slt, %add3A_23, %lt3A_24 : i32
    %convert_element_type3A_26 = arith.extui %lt3A_25 : i1 to i32
    %cond3A_27 = arith.constant 0 : i32
    %cond3A_28 = arith.cmpi ne, %convert_element_type3A_26, %cond3A_27 : i32
    scf.if %cond3A_28 {
      %dma_wait3A = arith.constant 0 : i32
      %dma_wait3A_441 = arith.constant 0 : i32
      %dma_wait3A_442 = arith.constant 0 : i32
      %dma_wait3A_443 = tpu.memref_slice %arg14[%dma_wait3A, %dma_wait3A_441, %dma_wait3A_442] : memref<2x16x128xf32, #tpu.memory_space<vmem>> -> memref<1x16x128xf32, #tpu.memory_space<vmem>>
      %dma_wait3A_444 = tpu.memref_squeeze %dma_wait3A_443 : memref<1x16x128xf32, #tpu.memory_space<vmem>> -> memref<16x128xf32, #tpu.memory_space<vmem>>
      %dma_wait3A_445 = arith.constant 0 : i32
      %dma_wait3A_446 = arith.constant 0 : i32
      %dma_wait3A_447 = tpu.memref_slice %arg7[%dma_wait3A_445, %dma_wait3A_446] : memref<12512x128xf32, #tpu.memory_space<hbm>> -> memref<16x128xf32, #tpu.memory_space<hbm>>
      %dma_wait3A_448 = arith.constant 0 : i32
      %dma_wait3A_449 = arith.constant 0 : i32
      %dma_wait3A_450 = tpu.memref_slice %arg7[%dma_wait3A_448, %dma_wait3A_449] : memref<12512x128xf32, #tpu.memory_space<hbm>> -> memref<16x128xf32, #tpu.memory_space<hbm>>
      %dma_wait3A_451 = arith.constant 0 : i32
      %dma_wait3A_452 = arith.constant 0 : i32
      %dma_wait3A_453 = tpu.memref_slice %arg14[%dma_wait3A, %dma_wait3A_451, %dma_wait3A_452] : memref<2x16x128xf32, #tpu.memory_space<vmem>> -> memref<1x16x128xf32, #tpu.memory_space<vmem>>
      %dma_wait3A_454 = tpu.memref_squeeze %dma_wait3A_453 : memref<1x16x128xf32, #tpu.memory_space<vmem>> -> memref<16x128xf32, #tpu.memory_space<vmem>>
      tpu.wait_dma2 semaphore(%arg21 : memref<!tpu.dma_semaphore, #tpu.memory_space<semaphore_mem>>) src(%dma_wait3A_454 : memref<16x128xf32, #tpu.memory_space<vmem>>) dst(%dma_wait3A_450 : memref<16x128xf32, #tpu.memory_space<hbm>>)
    } else {
    }
    %barrier3A = arith.constant 0 : index
    tpu.barrier barrier_id(%barrier3A)
    %get3A = arith.constant 0 : index
    %get3A_29 = tpu.vector_load %arg8[%get3A] {strides = array<i32>} : memref<512xi32, #tpu.memory_space<vmem>>, vector<16xi32>,
    %slice3A = vector.extract_strided_slice %get3A_29 {offsets = [0], sizes = [1], strides = [1]} : vector<16xi32> to vector<1xi32>
    %squeeze3A = vector.extract %slice3A[0] : i32 from vector<1xi32>
    %shift_right_arithmetic3A = arith.constant 7 : i32
    %shift_right_arithmetic3A_30 = arith.shrsi %squeeze3A, %shift_right_arithmetic3A : i32
    %mul3A_31 = arith.constant 128 : i32
    %mul3A_32 = arith.muli %shift_right_arithmetic3A_30, %mul3A_31 : i32
    %multiple_of3A = tpu.assume_multiple %mul3A_32, 128 : i32
    %dma_start3A = arith.constant 0 : i32
    %dma_start3A_33 = arith.constant 0 : i32
    %dma_start3A_34 = arith.constant 0 : i32
    %dma_start3A_35 = arith.constant 0 : i32
    %dma_start3A_36 = arith.constant 0 : i32
    %dma_start3A_37 = tpu.memref_slice %arg11[%dma_start3A, %dma_start3A_33, %dma_start3A_34, %dma_start3A_35, %dma_start3A_36] : memref<2x16x2x8x128xf32, #tpu.memory_space<vmem>> -> memref<1x1x2x8x128xf32, #tpu.memory_space<vmem>>
    %dma_start3A_38 = tpu.memref_squeeze %dma_start3A_37 : memref<1x1x2x8x128xf32, #tpu.memory_space<vmem>> -> memref<2x8x128xf32, #tpu.memory_space<vmem>>
    %dma_start3A_39 = arith.constant 0 : i32
    %dma_start3A_40 = arith.constant 0 : i32
    %dma_start3A_41 = tpu.memref_slice %arg4[%dma_start3A_39, %dma_start3A_40, %multiple_of3A] : memref<2x8x1000000xf32, #tpu.memory_space<hbm>> -> memref<2x8x128xf32, #tpu.memory_space<hbm>>
    %dma_start3A_42 = arith.constant 0 : i32
    %dma_start3A_43 = arith.constant 0 : i32
    %dma_start3A_44 = arith.constant 0 : i32
    %dma_start3A_45 = tpu.memref_slice %arg11[%dma_start3A, %dma_start3A_33, %dma_start3A_42, %dma_start3A_43, %dma_start3A_44] : memref<2x16x2x8x128xf32, #tpu.memory_space<vmem>> -> memref<1x1x2x8x128xf32, #tpu.memory_space<vmem>>
    %dma_start3A_46 = tpu.memref_squeeze %dma_start3A_45 : memref<1x1x2x8x128xf32, #tpu.memory_space<vmem>> -> memref<2x8x128xf32, #tpu.memory_space<vmem>>
    %dma_start3A_47 = arith.constant 0 : i32
    %dma_start3A_48 = arith.constant 0 : i32
    %dma_start3A_49 = tpu.memref_slice %arg4[%dma_start3A_47, %dma_start3A_48, %multiple_of3A] : memref<2x8x1000000xf32, #tpu.memory_space<hbm>> -> memref<2x8x128xf32, #tpu.memory_space<hbm>>
    tpu.enqueue_dma source(%dma_start3A_49 : memref<2x8x128xf32, #tpu.memory_space<hbm>>) target(%dma_start3A_46 : memref<2x8x128xf32, #tpu.memory_space<vmem>>) target_semaphore(%arg16 : memref<!tpu.dma_semaphore, #tpu.memory_space<semaphore_mem>>)
    %slice3A_50 = vector.extract_strided_slice %get3A_29 {offsets = [1], sizes = [1], strides = [1]} : vector<16xi32> to vector<1xi32>
    %squeeze3A_51 = vector.extract %slice3A_50[0] : i32 from vector<1xi32>
    %shift_right_arithmetic3A_52 = arith.constant 7 : i32
    %shift_right_arithmetic3A_53 = arith.shrsi %squeeze3A_51, %shift_right_arithmetic3A_52 : i32
    %mul3A_54 = arith.constant 128 : i32
    %mul3A_55 = arith.muli %shift_right_arithmetic3A_53, %mul3A_54 : i32
    %multiple_of3A_56 = tpu.assume_multiple %mul3A_55, 128 : i32
    %dma_start3A_57 = arith.constant 0 : i32
    %dma_start3A_58 = arith.constant 1 : i32
    %dma_start3A_59 = arith.constant 0 : i32
    %dma_start3A_60 = arith.constant 0 : i32
    %dma_start3A_61 = arith.constant 0 : i32
    %dma_start3A_62 = tpu.memref_slice %arg11[%dma_start3A_57, %dma_start3A_58, %dma_start3A_59, %dma_start3A_60, %dma_start3A_61] : memref<2x16x2x8x128xf32, #tpu.memory_space<vmem>> -> memref<1x1x2x8x128xf32, #tpu.memory_space<vmem>>
    %dma_start3A_63 = tpu.memref_squeeze %dma_start3A_62 : memref<1x1x2x8x128xf32, #tpu.memory_space<vmem>> -> memref<2x8x128xf32, #tpu.memory_space<vmem>>
    %dma_start3A_64 = arith.constant 0 : i32
    %dma_start3A_65 = arith.constant 0 : i32
    %dma_start3A_66 = tpu.memref_slice %arg4[%dma_start3A_64, %dma_start3A_65, %multiple_of3A_56] : memref<2x8x1000000xf32, #tpu.memory_space<hbm>> -> memref<2x8x128xf32, #tpu.memory_space<hbm>>
    %dma_start3A_67 = arith.constant 0 : i32
    %dma_start3A_68 = arith.constant 0 : i32
    %dma_start3A_69 = arith.constant 0 : i32
    %dma_start3A_70 = tpu.memref_slice %arg11[%dma_start3A_57, %dma_start3A_58, %dma_start3A_67, %dma_start3A_68, %dma_start3A_69] : memref<2x16x2x8x128xf32, #tpu.memory_space<vmem>> -> memref<1x1x2x8x128xf32, #tpu.memory_space<vmem>>
    %dma_start3A_71 = tpu.memref_squeeze %dma_start3A_70 : memref<1x1x2x8x128xf32, #tpu.memory_space<vmem>> -> memref<2x8x128xf32, #tpu.memory_space<vmem>>
    %dma_start3A_72 = arith.constant 0 : i32
    %dma_start3A_73 = arith.constant 0 : i32
    %dma_start3A_74 = tpu.memref_slice %arg4[%dma_start3A_72, %dma_start3A_73, %multiple_of3A_56] : memref<2x8x1000000xf32, #tpu.memory_space<hbm>> -> memref<2x8x128xf32, #tpu.memory_space<hbm>>
    tpu.enqueue_dma source(%dma_start3A_74 : memref<2x8x128xf32, #tpu.memory_space<hbm>>) target(%dma_start3A_71 : memref<2x8x128xf32, #tpu.memory_space<vmem>>) target_semaphore(%arg16 : memref<!tpu.dma_semaphore, #tpu.memory_space<semaphore_mem>>)
    %slice3A_75 = vector.extract_strided_slice %get3A_29 {offsets = [2], sizes = [1], strides = [1]} : vector<16xi32> to vector<1xi32>
    %squeeze3A_76 = vector.extract %slice3A_75[0] : i32 from vector<1xi32>
    %shift_right_arithmetic3A_77 = arith.constant 7 : i32
    %shift_right_arithmetic3A_78 = arith.shrsi %squeeze3A_76, %shift_right_arithmetic3A_77 : i32
    %mul3A_79 = arith.constant 128 : i32
    %mul3A_80 = arith.muli %shift_right_arithmetic3A_78, %mul3A_79 : i32
    %multiple_of3A_81 = tpu.assume_multiple %mul3A_80, 128 : i32
    %dma_start3A_82 = arith.constant 0 : i32
    %dma_start3A_83 = arith.constant 2 : i32
    %dma_start3A_84 = arith.constant 0 : i32
    %dma_start3A_85 = arith.constant 0 : i32
    %dma_start3A_86 = arith.constant 0 : i32
    %dma_start3A_87 = tpu.memref_slice %arg11[%dma_start3A_82, %dma_start3A_83, %dma_start3A_84, %dma_start3A_85, %dma_start3A_86] : memref<2x16x2x8x128xf32, #tpu.memory_space<vmem>> -> memref<1x1x2x8x128xf32, #tpu.memory_space<vmem>>
    %dma_start3A_88 = tpu.memref_squeeze %dma_start3A_87 : memref<1x1x2x8x128xf32, #tpu.memory_space<vmem>> -> memref<2x8x128xf32, #tpu.memory_space<vmem>>
    %dma_start3A_89 = arith.constant 0 : i32
    %dma_start3A_90 = arith.constant 0 : i32
    %dma_start3A_91 = tpu.memref_slice %arg4[%dma_start3A_89, %dma_start3A_90, %multiple_of3A_81] : memref<2x8x1000000xf32, #tpu.memory_space<hbm>> -> memref<2x8x128xf32, #tpu.memory_space<hbm>>
    %dma_start3A_92 = arith.constant 0 : i32
    %dma_start3A_93 = arith.constant 0 : i32
    %dma_start3A_94 = arith.constant 0 : i32
    %dma_start3A_95 = tpu.memref_slice %arg11[%dma_start3A_82, %dma_start3A_83, %dma_start3A_92, %dma_start3A_93, %dma_start3A_94] : memref<2x16x2x8x128xf32, #tpu.memory_space<vmem>> -> memref<1x1x2x8x128xf32, #tpu.memory_space<vmem>>
    %dma_start3A_96 = tpu.memref_squeeze %dma_start3A_95 : memref<1x1x2x8x128xf32, #tpu.memory_space<vmem>> -> memref<2x8x128xf32, #tpu.memory_space<vmem>>
    %dma_start3A_97 = arith.constant 0 : i32
    %dma_start3A_98 = arith.constant 0 : i32
    %dma_start3A_99 = tpu.memref_slice %arg4[%dma_start3A_97, %dma_start3A_98, %multiple_of3A_81] : memref<2x8x1000000xf32, #tpu.memory_space<hbm>> -> memref<2x8x128xf32, #tpu.memory_space<hbm>>
    tpu.enqueue_dma source(%dma_start3A_99 : memref<2x8x128xf32, #tpu.memory_space<hbm>>) target(%dma_start3A_96 : memref<2x8x128xf32, #tpu.memory_space<vmem>>) target_semaphore(%arg16 : memref<!tpu.dma_semaphore, #tpu.memory_space<semaphore_mem>>)
    %slice3A_100 = vector.extract_strided_slice %get3A_29 {offsets = [3], sizes = [1], strides = [1]} : vector<16xi32> to vector<1xi32>
    %squeeze3A_101 = vector.extract %slice3A_100[0] : i32 from vector<1xi32>
    %shift_right_arithmetic3A_102 = arith.constant 7 : i32
    %shift_right_arithmetic3A_103 = arith.shrsi %squeeze3A_101, %shift_right_arithmetic3A_102 : i32
    %mul3A_104 = arith.constant 128 : i32
    %mul3A_105 = arith.muli %shift_right_arithmetic3A_103, %mul3A_104 : i32
    %multiple_of3A_106 = tpu.assume_multiple %mul3A_105, 128 : i32
    %dma_start3A_107 = arith.constant 0 : i32
    %dma_start3A_108 = arith.constant 3 : i32
    %dma_start3A_109 = arith.constant 0 : i32
    %dma_start3A_110 = arith.constant 0 : i32
    %dma_start3A_111 = arith.constant 0 : i32
    %dma_start3A_112 = tpu.memref_slice %arg11[%dma_start3A_107, %dma_start3A_108, %dma_start3A_109, %dma_start3A_110, %dma_start3A_111] : memref<2x16x2x8x128xf32, #tpu.memory_space<vmem>> -> memref<1x1x2x8x128xf32, #tpu.memory_space<vmem>>
    %dma_start3A_113 = tpu.memref_squeeze %dma_start3A_112 : memref<1x1x2x8x128xf32, #tpu.memory_space<vmem>> -> memref<2x8x128xf32, #tpu.memory_space<vmem>>
    %dma_start3A_114 = arith.constant 0 : i32
    %dma_start3A_115 = arith.constant 0 : i32
    %dma_start3A_116 = tpu.memref_slice %arg4[%dma_start3A_114, %dma_start3A_115, %multiple_of3A_106] : memref<2x8x1000000xf32, #tpu.memory_space<hbm>> -> memref<2x8x128xf32, #tpu.memory_space<hbm>>
    %dma_start3A_117 = arith.constant 0 : i32
    %dma_start3A_118 = arith.constant 0 : i32
    %dma_start3A_119 = arith.constant 0 : i32
    %dma_start3A_120 = tpu.memref_slice %arg11[%dma_start3A_107, %dma_start3A_108, %dma_start3A_117, %dma_start3A_118, %dma_start3A_119] : memref<2x16x2x8x128xf32, #tpu.memory_space<vmem>> -> memref<1x1x2x8x128xf32, #tpu.memory_space<vmem>>
    %dma_start3A_121 = tpu.memref_squeeze %dma_start3A_120 : memref<1x1x2x8x128xf32, #tpu.memory_space<vmem>> -> memref<2x8x128xf32, #tpu.memory_space<vmem>>
    %dma_start3A_122 = arith.constant 0 : i32
    %dma_start3A_123 = arith.constant 0 : i32
    %dma_start3A_124 = tpu.memref_slice %arg4[%dma_start3A_122, %dma_start3A_123, %multiple_of3A_106] : memref<2x8x1000000xf32, #tpu.memory_space<hbm>> -> memref<2x8x128xf32, #tpu.memory_space<hbm>>
    tpu.enqueue_dma source(%dma_start3A_124 : memref<2x8x128xf32, #tpu.memory_space<hbm>>) target(%dma_start3A_121 : memref<2x8x128xf32, #tpu.memory_space<vmem>>) target_semaphore(%arg16 : memref<!tpu.dma_semaphore, #tpu.memory_space<semaphore_mem>>)
    %slice3A_125 = vector.extract_strided_slice %get3A_29 {offsets = [4], sizes = [1], strides = [1]} : vector<16xi32> to vector<1xi32>
    %squeeze3A_126 = vector.extract %slice3A_125[0] : i32 from vector<1xi32>
    %shift_right_arithmetic3A_127 = arith.constant 7 : i32
    %shift_right_arithmetic3A_128 = arith.shrsi %squeeze3A_126, %shift_right_arithmetic3A_127 : i32
    %mul3A_129 = arith.constant 128 : i32
    %mul3A_130 = arith.muli %shift_right_arithmetic3A_128, %mul3A_129 : i32
    %multiple_of3A_131 = tpu.assume_multiple %mul3A_130, 128 : i32
    %dma_start3A_132 = arith.constant 0 : i32
    %dma_start3A_133 = arith.constant 4 : i32
    %dma_start3A_134 = arith.constant 0 : i32
    %dma_start3A_135 = arith.constant 0 : i32
    %dma_start3A_136 = arith.constant 0 : i32
    %dma_start3A_137 = tpu.memref_slice %arg11[%dma_start3A_132, %dma_start3A_133, %dma_start3A_134, %dma_start3A_135, %dma_start3A_136] : memref<2x16x2x8x128xf32, #tpu.memory_space<vmem>> -> memref<1x1x2x8x128xf32, #tpu.memory_space<vmem>>
    %dma_start3A_138 = tpu.memref_squeeze %dma_start3A_137 : memref<1x1x2x8x128xf32, #tpu.memory_space<vmem>> -> memref<2x8x128xf32, #tpu.memory_space<vmem>>
    %dma_start3A_139 = arith.constant 0 : i32
    %dma_start3A_140 = arith.constant 0 : i32
    %dma_start3A_141 = tpu.memref_slice %arg4[%dma_start3A_139, %dma_start3A_140, %multiple_of3A_131] : memref<2x8x1000000xf32, #tpu.memory_space<hbm>> -> memref<2x8x128xf32, #tpu.memory_space<hbm>>
    %dma_start3A_142 = arith.constant 0 : i32
    %dma_start3A_143 = arith.constant 0 : i32
    %dma_start3A_144 = arith.constant 0 : i32
    %dma_start3A_145 = tpu.memref_slice %arg11[%dma_start3A_132, %dma_start3A_133, %dma_start3A_142, %dma_start3A_143, %dma_start3A_144] : memref<2x16x2x8x128xf32, #tpu.memory_space<vmem>> -> memref<1x1x2x8x128xf32, #tpu.memory_space<vmem>>
    %dma_start3A_146 = tpu.memref_squeeze %dma_start3A_145 : memref<1x1x2x8x128xf32, #tpu.memory_space<vmem>> -> memref<2x8x128xf32, #tpu.memory_space<vmem>>
    %dma_start3A_147 = arith.constant 0 : i32
    %dma_start3A_148 = arith.constant 0 : i32
    %dma_start3A_149 = tpu.memref_slice %arg4[%dma_start3A_147, %dma_start3A_148, %multiple_of3A_131] : memref<2x8x1000000xf32, #tpu.memory_space<hbm>> -> memref<2x8x128xf32, #tpu.memory_space<hbm>>
    tpu.enqueue_dma source(%dma_start3A_149 : memref<2x8x128xf32, #tpu.memory_space<hbm>>) target(%dma_start3A_146 : memref<2x8x128xf32, #tpu.memory_space<vmem>>) target_semaphore(%arg16 : memref<!tpu.dma_semaphore, #tpu.memory_space<semaphore_mem>>)
    %slice3A_150 = vector.extract_strided_slice %get3A_29 {offsets = [5], sizes = [1], strides = [1]} : vector<16xi32> to vector<1xi32>
    %squeeze3A_151 = vector.extract %slice3A_150[0] : i32 from vector<1xi32>
    %shift_right_arithmetic3A_152 = arith.constant 7 : i32
    %shift_right_arithmetic3A_153 = arith.shrsi %squeeze3A_151, %shift_right_arithmetic3A_152 : i32
    %mul3A_154 = arith.constant 128 : i32
    %mul3A_155 = arith.muli %shift_right_arithmetic3A_153, %mul3A_154 : i32
    %multiple_of3A_156 = tpu.assume_multiple %mul3A_155, 128 : i32
    %dma_start3A_157 = arith.constant 0 : i32
    %dma_start3A_158 = arith.constant 5 : i32
    %dma_start3A_159 = arith.constant 0 : i32
    %dma_start3A_160 = arith.constant 0 : i32
    %dma_start3A_161 = arith.constant 0 : i32
    %dma_start3A_162 = tpu.memref_slice %arg11[%dma_start3A_157, %dma_start3A_158, %dma_start3A_159, %dma_start3A_160, %dma_start3A_161] : memref<2x16x2x8x128xf32, #tpu.memory_space<vmem>> -> memref<1x1x2x8x128xf32, #tpu.memory_space<vmem>>
    %dma_start3A_163 = tpu.memref_squeeze %dma_start3A_162 : memref<1x1x2x8x128xf32, #tpu.memory_space<vmem>> -> memref<2x8x128xf32, #tpu.memory_space<vmem>>
    %dma_start3A_164 = arith.constant 0 : i32
    %dma_start3A_165 = arith.constant 0 : i32
    %dma_start3A_166 = tpu.memref_slice %arg4[%dma_start3A_164, %dma_start3A_165, %multiple_of3A_156] : memref<2x8x1000000xf32, #tpu.memory_space<hbm>> -> memref<2x8x128xf32, #tpu.memory_space<hbm>>
    %dma_start3A_167 = arith.constant 0 : i32
    %dma_start3A_168 = arith.constant 0 : i32
    %dma_start3A_169 = arith.constant 0 : i32
    %dma_start3A_170 = tpu.memref_slice %arg11[%dma_start3A_157, %dma_start3A_158, %dma_start3A_167, %dma_start3A_168, %dma_start3A_169] : memref<2x16x2x8x128xf32, #tpu.memory_space<vmem>> -> memref<1x1x2x8x128xf32, #tpu.memory_space<vmem>>
    %dma_start3A_171 = tpu.memref_squeeze %dma_start3A_170 : memref<1x1x2x8x128xf32, #tpu.memory_space<vmem>> -> memref<2x8x128xf32, #tpu.memory_space<vmem>>
    %dma_start3A_172 = arith.constant 0 : i32
    %dma_start3A_173 = arith.constant 0 : i32
    %dma_start3A_174 = tpu.memref_slice %arg4[%dma_start3A_172, %dma_start3A_173, %multiple_of3A_156] : memref<2x8x1000000xf32, #tpu.memory_space<hbm>> -> memref<2x8x128xf32, #tpu.memory_space<hbm>>
    tpu.enqueue_dma source(%dma_start3A_174 : memref<2x8x128xf32, #tpu.memory_space<hbm>>) target(%dma_start3A_171 : memref<2x8x128xf32, #tpu.memory_space<vmem>>) target_semaphore(%arg16 : memref<!tpu.dma_semaphore, #tpu.memory_space<semaphore_mem>>)
    %slice3A_175 = vector.extract_strided_slice %get3A_29 {offsets = [6], sizes = [1], strides = [1]} : vector<16xi32> to vector<1xi32>
    %squeeze3A_176 = vector.extract %slice3A_175[0] : i32 from vector<1xi32>
    %shift_right_arithmetic3A_177 = arith.constant 7 : i32
    %shift_right_arithmetic3A_178 = arith.shrsi %squeeze3A_176, %shift_right_arithmetic3A_177 : i32
    %mul3A_179 = arith.constant 128 : i32
    %mul3A_180 = arith.muli %shift_right_arithmetic3A_178, %mul3A_179 : i32
    %multiple_of3A_181 = tpu.assume_multiple %mul3A_180, 128 : i32
    %dma_start3A_182 = arith.constant 0 : i32
    %dma_start3A_183 = arith.constant 6 : i32
    %dma_start3A_184 = arith.constant 0 : i32
    %dma_start3A_185 = arith.constant 0 : i32
    %dma_start3A_186 = arith.constant 0 : i32
    %dma_start3A_187 = tpu.memref_slice %arg11[%dma_start3A_182, %dma_start3A_183, %dma_start3A_184, %dma_start3A_185, %dma_start3A_186] : memref<2x16x2x8x128xf32, #tpu.memory_space<vmem>> -> memref<1x1x2x8x128xf32, #tpu.memory_space<vmem>>
    %dma_start3A_188 = tpu.memref_squeeze %dma_start3A_187 : memref<1x1x2x8x128xf32, #tpu.memory_space<vmem>> -> memref<2x8x128xf32, #tpu.memory_space<vmem>>
    %dma_start3A_189 = arith.constant 0 : i32
    %dma_start3A_190 = arith.constant 0 : i32
    %dma_start3A_191 = tpu.memref_slice %arg4[%dma_start3A_189, %dma_start3A_190, %multiple_of3A_181] : memref<2x8x1000000xf32, #tpu.memory_space<hbm>> -> memref<2x8x128xf32, #tpu.memory_space<hbm>>
    %dma_start3A_192 = arith.constant 0 : i32
    %dma_start3A_193 = arith.constant 0 : i32
    %dma_start3A_194 = arith.constant 0 : i32
    %dma_start3A_195 = tpu.memref_slice %arg11[%dma_start3A_182, %dma_start3A_183, %dma_start3A_192, %dma_start3A_193, %dma_start3A_194] : memref<2x16x2x8x128xf32, #tpu.memory_space<vmem>> -> memref<1x1x2x8x128xf32, #tpu.memory_space<vmem>>
    %dma_start3A_196 = tpu.memref_squeeze %dma_start3A_195 : memref<1x1x2x8x128xf32, #tpu.memory_space<vmem>> -> memref<2x8x128xf32, #tpu.memory_space<vmem>>
    %dma_start3A_197 = arith.constant 0 : i32
    %dma_start3A_198 = arith.constant 0 : i32
    %dma_start3A_199 = tpu.memref_slice %arg4[%dma_start3A_197, %dma_start3A_198, %multiple_of3A_181] : memref<2x8x1000000xf32, #tpu.memory_space<hbm>> -> memref<2x8x128xf32, #tpu.memory_space<hbm>>
    tpu.enqueue_dma source(%dma_start3A_199 : memref<2x8x128xf32, #tpu.memory_space<hbm>>) target(%dma_start3A_196 : memref<2x8x128xf32, #tpu.memory_space<vmem>>) target_semaphore(%arg16 : memref<!tpu.dma_semaphore, #tpu.memory_space<semaphore_mem>>)
    %slice3A_200 = vector.extract_strided_slice %get3A_29 {offsets = [7], sizes = [1], strides = [1]} : vector<16xi32> to vector<1xi32>
    %squeeze3A_201 = vector.extract %slice3A_200[0] : i32 from vector<1xi32>
    %shift_right_arithmetic3A_202 = arith.constant 7 : i32
    %shift_right_arithmetic3A_203 = arith.shrsi %squeeze3A_201, %shift_right_arithmetic3A_202 : i32
    %mul3A_204 = arith.constant 128 : i32
    %mul3A_205 = arith.muli %shift_right_arithmetic3A_203, %mul3A_204 : i32
    %multiple_of3A_206 = tpu.assume_multiple %mul3A_205, 128 : i32
    %dma_start3A_207 = arith.constant 0 : i32
    %dma_start3A_208 = arith.constant 7 : i32
    %dma_start3A_209 = arith.constant 0 : i32
    %dma_start3A_210 = arith.constant 0 : i32
    %dma_start3A_211 = arith.constant 0 : i32
    %dma_start3A_212 = tpu.memref_slice %arg11[%dma_start3A_207, %dma_start3A_208, %dma_start3A_209, %dma_start3A_210, %dma_start3A_211] : memref<2x16x2x8x128xf32, #tpu.memory_space<vmem>> -> memref<1x1x2x8x128xf32, #tpu.memory_space<vmem>>
    %dma_start3A_213 = tpu.memref_squeeze %dma_start3A_212 : memref<1x1x2x8x128xf32, #tpu.memory_space<vmem>> -> memref<2x8x128xf32, #tpu.memory_space<vmem>>
    %dma_start3A_214 = arith.constant 0 : i32
    %dma_start3A_215 = arith.constant 0 : i32
    %dma_start3A_216 = tpu.memref_slice %arg4[%dma_start3A_214, %dma_start3A_215, %multiple_of3A_206] : memref<2x8x1000000xf32, #tpu.memory_space<hbm>> -> memref<2x8x128xf32, #tpu.memory_space<hbm>>
    %dma_start3A_217 = arith.constant 0 : i32
    %dma_start3A_218 = arith.constant 0 : i32
    %dma_start3A_219 = arith.constant 0 : i32
    %dma_start3A_220 = tpu.memref_slice %arg11[%dma_start3A_207, %dma_start3A_208, %dma_start3A_217, %dma_start3A_218, %dma_start3A_219] : memref<2x16x2x8x128xf32, #tpu.memory_space<vmem>> -> memref<1x1x2x8x128xf32, #tpu.memory_space<vmem>>
    %dma_start3A_221 = tpu.memref_squeeze %dma_start3A_220 : memref<1x1x2x8x128xf32, #tpu.memory_space<vmem>> -> memref<2x8x128xf32, #tpu.memory_space<vmem>>
    %dma_start3A_222 = arith.constant 0 : i32
    %dma_start3A_223 = arith.constant 0 : i32
    %dma_start3A_224 = tpu.memref_slice %arg4[%dma_start3A_222, %dma_start3A_223, %multiple_of3A_206] : memref<2x8x1000000xf32, #tpu.memory_space<hbm>> -> memref<2x8x128xf32, #tpu.memory_space<hbm>>
    tpu.enqueue_dma source(%dma_start3A_224 : memref<2x8x128xf32, #tpu.memory_space<hbm>>) target(%dma_start3A_221 : memref<2x8x128xf32, #tpu.memory_space<vmem>>) target_semaphore(%arg16 : memref<!tpu.dma_semaphore, #tpu.memory_space<semaphore_mem>>)
    %slice3A_225 = vector.extract_strided_slice %get3A_29 {offsets = [8], sizes = [1], strides = [1]} : vector<16xi32> to vector<1xi32>
    %squeeze3A_226 = vector.extract %slice3A_225[0] : i32 from vector<1xi32>
    %shift_right_arithmetic3A_227 = arith.constant 7 : i32
    %shift_right_arithmetic3A_228 = arith.shrsi %squeeze3A_226, %shift_right_arithmetic3A_227 : i32
    %mul3A_229 = arith.constant 128 : i32
    %mul3A_230 = arith.muli %shift_right_arithmetic3A_228, %mul3A_229 : i32
    %multiple_of3A_231 = tpu.assume_multiple %mul3A_230, 128 : i32
    %dma_start3A_232 = arith.constant 0 : i32
    %dma_start3A_233 = arith.constant 8 : i32
    %dma_start3A_234 = arith.constant 0 : i32
    %dma_start3A_235 = arith.constant 0 : i32
    %dma_start3A_236 = arith.constant 0 : i32
    %dma_start3A_237 = tpu.memref_slice %arg11[%dma_start3A_232, %dma_start3A_233, %dma_start3A_234, %dma_start3A_235, %dma_start3A_236] : memref<2x16x2x8x128xf32, #tpu.memory_space<vmem>> -> memref<1x1x2x8x128xf32, #tpu.memory_space<vmem>>
    %dma_start3A_238 = tpu.memref_squeeze %dma_start3A_237 : memref<1x1x2x8x128xf32, #tpu.memory_space<vmem>> -> memref<2x8x128xf32, #tpu.memory_space<vmem>>
    %dma_start3A_239 = arith.constant 0 : i32
    %dma_start3A_240 = arith.constant 0 : i32
    %dma_start3A_241 = tpu.memref_slice %arg4[%dma_start3A_239, %dma_start3A_240, %multiple_of3A_231] : memref<2x8x1000000xf32, #tpu.memory_space<hbm>> -> memref<2x8x128xf32, #tpu.memory_space<hbm>>
    %dma_start3A_242 = arith.constant 0 : i32
    %dma_start3A_243 = arith.constant 0 : i32
    %dma_start3A_244 = arith.constant 0 : i32
    %dma_start3A_245 = tpu.memref_slice %arg11[%dma_start3A_232, %dma_start3A_233, %dma_start3A_242, %dma_start3A_243, %dma_start3A_244] : memref<2x16x2x8x128xf32, #tpu.memory_space<vmem>> -> memref<1x1x2x8x128xf32, #tpu.memory_space<vmem>>
    %dma_start3A_246 = tpu.memref_squeeze %dma_start3A_245 : memref<1x1x2x8x128xf32, #tpu.memory_space<vmem>> -> memref<2x8x128xf32, #tpu.memory_space<vmem>>
    %dma_start3A_247 = arith.constant 0 : i32
    %dma_start3A_248 = arith.constant 0 : i32
    %dma_start3A_249 = tpu.memref_slice %arg4[%dma_start3A_247, %dma_start3A_248, %multiple_of3A_231] : memref<2x8x1000000xf32, #tpu.memory_space<hbm>> -> memref<2x8x128xf32, #tpu.memory_space<hbm>>
    tpu.enqueue_dma source(%dma_start3A_249 : memref<2x8x128xf32, #tpu.memory_space<hbm>>) target(%dma_start3A_246 : memref<2x8x128xf32, #tpu.memory_space<vmem>>) target_semaphore(%arg16 : memref<!tpu.dma_semaphore, #tpu.memory_space<semaphore_mem>>)
    %slice3A_250 = vector.extract_strided_slice %get3A_29 {offsets = [9], sizes = [1], strides = [1]} : vector<16xi32> to vector<1xi32>
    %squeeze3A_251 = vector.extract %slice3A_250[0] : i32 from vector<1xi32>
    %shift_right_arithmetic3A_252 = arith.constant 7 : i32
    %shift_right_arithmetic3A_253 = arith.shrsi %squeeze3A_251, %shift_right_arithmetic3A_252 : i32
    %mul3A_254 = arith.constant 128 : i32
    %mul3A_255 = arith.muli %shift_right_arithmetic3A_253, %mul3A_254 : i32
    %multiple_of3A_256 = tpu.assume_multiple %mul3A_255, 128 : i32
    %dma_start3A_257 = arith.constant 0 : i32
    %dma_start3A_258 = arith.constant 9 : i32
    %dma_start3A_259 = arith.constant 0 : i32
    %dma_start3A_260 = arith.constant 0 : i32
    %dma_start3A_261 = arith.constant 0 : i32
    %dma_start3A_262 = tpu.memref_slice %arg11[%dma_start3A_257, %dma_start3A_258, %dma_start3A_259, %dma_start3A_260, %dma_start3A_261] : memref<2x16x2x8x128xf32, #tpu.memory_space<vmem>> -> memref<1x1x2x8x128xf32, #tpu.memory_space<vmem>>
    %dma_start3A_263 = tpu.memref_squeeze %dma_start3A_262 : memref<1x1x2x8x128xf32, #tpu.memory_space<vmem>> -> memref<2x8x128xf32, #tpu.memory_space<vmem>>
    %dma_start3A_264 = arith.constant 0 : i32
    %dma_start3A_265 = arith.constant 0 : i32
    %dma_start3A_266 = tpu.memref_slice %arg4[%dma_start3A_264, %dma_start3A_265, %multiple_of3A_256] : memref<2x8x1000000xf32, #tpu.memory_space<hbm>> -> memref<2x8x128xf32, #tpu.memory_space<hbm>>
    %dma_start3A_267 = arith.constant 0 : i32
    %dma_start3A_268 = arith.constant 0 : i32
    %dma_start3A_269 = arith.constant 0 : i32
    %dma_start3A_270 = tpu.memref_slice %arg11[%dma_start3A_257, %dma_start3A_258, %dma_start3A_267, %dma_start3A_268, %dma_start3A_269] : memref<2x16x2x8x128xf32, #tpu.memory_space<vmem>> -> memref<1x1x2x8x128xf32, #tpu.memory_space<vmem>>
    %dma_start3A_271 = tpu.memref_squeeze %dma_start3A_270 : memref<1x1x2x8x128xf32, #tpu.memory_space<vmem>> -> memref<2x8x128xf32, #tpu.memory_space<vmem>>
    %dma_start3A_272 = arith.constant 0 : i32
    %dma_start3A_273 = arith.constant 0 : i32
    %dma_start3A_274 = tpu.memref_slice %arg4[%dma_start3A_272, %dma_start3A_273, %multiple_of3A_256] : memref<2x8x1000000xf32, #tpu.memory_space<hbm>> -> memref<2x8x128xf32, #tpu.memory_space<hbm>>
    tpu.enqueue_dma source(%dma_start3A_274 : memref<2x8x128xf32, #tpu.memory_space<hbm>>) target(%dma_start3A_271 : memref<2x8x128xf32, #tpu.memory_space<vmem>>) target_semaphore(%arg16 : memref<!tpu.dma_semaphore, #tpu.memory_space<semaphore_mem>>)
    %slice3A_275 = vector.extract_strided_slice %get3A_29 {offsets = [10], sizes = [1], strides = [1]} : vector<16xi32> to vector<1xi32>
    %squeeze3A_276 = vector.extract %slice3A_275[0] : i32 from vector<1xi32>
    %shift_right_arithmetic3A_277 = arith.constant 7 : i32
    %shift_right_arithmetic3A_278 = arith.shrsi %squeeze3A_276, %shift_right_arithmetic3A_277 : i32
    %mul3A_279 = arith.constant 128 : i32
    %mul3A_280 = arith.muli %shift_right_arithmetic3A_278, %mul3A_279 : i32
    %multiple_of3A_281 = tpu.assume_multiple %mul3A_280, 128 : i32
    %dma_start3A_282 = arith.constant 0 : i32
    %dma_start3A_283 = arith.constant 10 : i32
    %dma_start3A_284 = arith.constant 0 : i32
    %dma_start3A_285 = arith.constant 0 : i32
    %dma_start3A_286 = arith.constant 0 : i32
    %dma_start3A_287 = tpu.memref_slice %arg11[%dma_start3A_282, %dma_start3A_283, %dma_start3A_284, %dma_start3A_285, %dma_start3A_286] : memref<2x16x2x8x128xf32, #tpu.memory_space<vmem>> -> memref<1x1x2x8x128xf32, #tpu.memory_space<vmem>>
    %dma_start3A_288 = tpu.memref_squeeze %dma_start3A_287 : memref<1x1x2x8x128xf32, #tpu.memory_space<vmem>> -> memref<2x8x128xf32, #tpu.memory_space<vmem>>
    %dma_start3A_289 = arith.constant 0 : i32
    %dma_start3A_290 = arith.constant 0 : i32
    %dma_start3A_291 = tpu.memref_slice %arg4[%dma_start3A_289, %dma_start3A_290, %multiple_of3A_281] : memref<2x8x1000000xf32, #tpu.memory_space<hbm>> -> memref<2x8x128xf32, #tpu.memory_space<hbm>>
    %dma_start3A_292 = arith.constant 0 : i32
    %dma_start3A_293 = arith.constant 0 : i32
    %dma_start3A_294 = arith.constant 0 : i32
    %dma_start3A_295 = tpu.memref_slice %arg11[%dma_start3A_282, %dma_start3A_283, %dma_start3A_292, %dma_start3A_293, %dma_start3A_294] : memref<2x16x2x8x128xf32, #tpu.memory_space<vmem>> -> memref<1x1x2x8x128xf32, #tpu.memory_space<vmem>>
    %dma_start3A_296 = tpu.memref_squeeze %dma_start3A_295 : memref<1x1x2x8x128xf32, #tpu.memory_space<vmem>> -> memref<2x8x128xf32, #tpu.memory_space<vmem>>
    %dma_start3A_297 = arith.constant 0 : i32
    %dma_start3A_298 = arith.constant 0 : i32
    %dma_start3A_299 = tpu.memref_slice %arg4[%dma_start3A_297, %dma_start3A_298, %multiple_of3A_281] : memref<2x8x1000000xf32, #tpu.memory_space<hbm>> -> memref<2x8x128xf32, #tpu.memory_space<hbm>>
    tpu.enqueue_dma source(%dma_start3A_299 : memref<2x8x128xf32, #tpu.memory_space<hbm>>) target(%dma_start3A_296 : memref<2x8x128xf32, #tpu.memory_space<vmem>>) target_semaphore(%arg16 : memref<!tpu.dma_semaphore, #tpu.memory_space<semaphore_mem>>)
    %slice3A_300 = vector.extract_strided_slice %get3A_29 {offsets = [11], sizes = [1], strides = [1]} : vector<16xi32> to vector<1xi32>
    %squeeze3A_301 = vector.extract %slice3A_300[0] : i32 from vector<1xi32>
    %shift_right_arithmetic3A_302 = arith.constant 7 : i32
    %shift_right_arithmetic3A_303 = arith.shrsi %squeeze3A_301, %shift_right_arithmetic3A_302 : i32
    %mul3A_304 = arith.constant 128 : i32
    %mul3A_305 = arith.muli %shift_right_arithmetic3A_303, %mul3A_304 : i32
    %multiple_of3A_306 = tpu.assume_multiple %mul3A_305, 128 : i32
    %dma_start3A_307 = arith.constant 0 : i32
    %dma_start3A_308 = arith.constant 11 : i32
    %dma_start3A_309 = arith.constant 0 : i32
    %dma_start3A_310 = arith.constant 0 : i32
    %dma_start3A_311 = arith.constant 0 : i32
    %dma_start3A_312 = tpu.memref_slice %arg11[%dma_start3A_307, %dma_start3A_308, %dma_start3A_309, %dma_start3A_310, %dma_start3A_311] : memref<2x16x2x8x128xf32, #tpu.memory_space<vmem>> -> memref<1x1x2x8x128xf32, #tpu.memory_space<vmem>>
    %dma_start3A_313 = tpu.memref_squeeze %dma_start3A_312 : memref<1x1x2x8x128xf32, #tpu.memory_space<vmem>> -> memref<2x8x128xf32, #tpu.memory_space<vmem>>
    %dma_start3A_314 = arith.constant 0 : i32
    %dma_start3A_315 = arith.constant 0 : i32
    %dma_start3A_316 = tpu.memref_slice %arg4[%dma_start3A_314, %dma_start3A_315, %multiple_of3A_306] : memref<2x8x1000000xf32, #tpu.memory_space<hbm>> -> memref<2x8x128xf32, #tpu.memory_space<hbm>>
    %dma_start3A_317 = arith.constant 0 : i32
    %dma_start3A_318 = arith.constant 0 : i32
    %dma_start3A_319 = arith.constant 0 : i32
    %dma_start3A_320 = tpu.memref_slice %arg11[%dma_start3A_307, %dma_start3A_308, %dma_start3A_317, %dma_start3A_318, %dma_start3A_319] : memref<2x16x2x8x128xf32, #tpu.memory_space<vmem>> -> memref<1x1x2x8x128xf32, #tpu.memory_space<vmem>>
    %dma_start3A_321 = tpu.memref_squeeze %dma_start3A_320 : memref<1x1x2x8x128xf32, #tpu.memory_space<vmem>> -> memref<2x8x128xf32, #tpu.memory_space<vmem>>
    %dma_start3A_322 = arith.constant 0 : i32
    %dma_start3A_323 = arith.constant 0 : i32
    %dma_start3A_324 = tpu.memref_slice %arg4[%dma_start3A_322, %dma_start3A_323, %multiple_of3A_306] : memref<2x8x1000000xf32, #tpu.memory_space<hbm>> -> memref<2x8x128xf32, #tpu.memory_space<hbm>>
    tpu.enqueue_dma source(%dma_start3A_324 : memref<2x8x128xf32, #tpu.memory_space<hbm>>) target(%dma_start3A_321 : memref<2x8x128xf32, #tpu.memory_space<vmem>>) target_semaphore(%arg16 : memref<!tpu.dma_semaphore, #tpu.memory_space<semaphore_mem>>)
    %slice3A_325 = vector.extract_strided_slice %get3A_29 {offsets = [12], sizes = [1], strides = [1]} : vector<16xi32> to vector<1xi32>
    %squeeze3A_326 = vector.extract %slice3A_325[0] : i32 from vector<1xi32>
    %shift_right_arithmetic3A_327 = arith.constant 7 : i32
    %shift_right_arithmetic3A_328 = arith.shrsi %squeeze3A_326, %shift_right_arithmetic3A_327 : i32
    %mul3A_329 = arith.constant 128 : i32
    %mul3A_330 = arith.muli %shift_right_arithmetic3A_328, %mul3A_329 : i32
    %multiple_of3A_331 = tpu.assume_multiple %mul3A_330, 128 : i32
    %dma_start3A_332 = arith.constant 0 : i32
    %dma_start3A_333 = arith.constant 12 : i32
    %dma_start3A_334 = arith.constant 0 : i32
    %dma_start3A_335 = arith.constant 0 : i32
    %dma_start3A_336 = arith.constant 0 : i32
    %dma_start3A_337 = tpu.memref_slice %arg11[%dma_start3A_332, %dma_start3A_333, %dma_start3A_334, %dma_start3A_335, %dma_start3A_336] : memref<2x16x2x8x128xf32, #tpu.memory_space<vmem>> -> memref<1x1x2x8x128xf32, #tpu.memory_space<vmem>>
    %dma_start3A_338 = tpu.memref_squeeze %dma_start3A_337 : memref<1x1x2x8x128xf32, #tpu.memory_space<vmem>> -> memref<2x8x128xf32, #tpu.memory_space<vmem>>
    %dma_start3A_339 = arith.constant 0 : i32
    %dma_start3A_340 = arith.constant 0 : i32
    %dma_start3A_341 = tpu.memref_slice %arg4[%dma_start3A_339, %dma_start3A_340, %multiple_of3A_331] : memref<2x8x1000000xf32, #tpu.memory_space<hbm>> -> memref<2x8x128xf32, #tpu.memory_space<hbm>>
    %dma_start3A_342 = arith.constant 0 : i32
    %dma_start3A_343 = arith.constant 0 : i32
    %dma_start3A_344 = arith.constant 0 : i32
    %dma_start3A_345 = tpu.memref_slice %arg11[%dma_start3A_332, %dma_start3A_333, %dma_start3A_342, %dma_start3A_343, %dma_start3A_344] : memref<2x16x2x8x128xf32, #tpu.memory_space<vmem>> -> memref<1x1x2x8x128xf32, #tpu.memory_space<vmem>>
    %dma_start3A_346 = tpu.memref_squeeze %dma_start3A_345 : memref<1x1x2x8x128xf32, #tpu.memory_space<vmem>> -> memref<2x8x128xf32, #tpu.memory_space<vmem>>
    %dma_start3A_347 = arith.constant 0 : i32
    %dma_start3A_348 = arith.constant 0 : i32
    %dma_start3A_349 = tpu.memref_slice %arg4[%dma_start3A_347, %dma_start3A_348, %multiple_of3A_331] : memref<2x8x1000000xf32, #tpu.memory_space<hbm>> -> memref<2x8x128xf32, #tpu.memory_space<hbm>>
    tpu.enqueue_dma source(%dma_start3A_349 : memref<2x8x128xf32, #tpu.memory_space<hbm>>) target(%dma_start3A_346 : memref<2x8x128xf32, #tpu.memory_space<vmem>>) target_semaphore(%arg16 : memref<!tpu.dma_semaphore, #tpu.memory_space<semaphore_mem>>)
    %slice3A_350 = vector.extract_strided_slice %get3A_29 {offsets = [13], sizes = [1], strides = [1]} : vector<16xi32> to vector<1xi32>
    %squeeze3A_351 = vector.extract %slice3A_350[0] : i32 from vector<1xi32>
    %shift_right_arithmetic3A_352 = arith.constant 7 : i32
    %shift_right_arithmetic3A_353 = arith.shrsi %squeeze3A_351, %shift_right_arithmetic3A_352 : i32
    %mul3A_354 = arith.constant 128 : i32
    %mul3A_355 = arith.muli %shift_right_arithmetic3A_353, %mul3A_354 : i32
    %multiple_of3A_356 = tpu.assume_multiple %mul3A_355, 128 : i32
    %dma_start3A_357 = arith.constant 0 : i32
    %dma_start3A_358 = arith.constant 13 : i32
    %dma_start3A_359 = arith.constant 0 : i32
    %dma_start3A_360 = arith.constant 0 : i32
    %dma_start3A_361 = arith.constant 0 : i32
    %dma_start3A_362 = tpu.memref_slice %arg11[%dma_start3A_357, %dma_start3A_358, %dma_start3A_359, %dma_start3A_360, %dma_start3A_361] : memref<2x16x2x8x128xf32, #tpu.memory_space<vmem>> -> memref<1x1x2x8x128xf32, #tpu.memory_space<vmem>>
    %dma_start3A_363 = tpu.memref_squeeze %dma_start3A_362 : memref<1x1x2x8x128xf32, #tpu.memory_space<vmem>> -> memref<2x8x128xf32, #tpu.memory_space<vmem>>
    %dma_start3A_364 = arith.constant 0 : i32
    %dma_start3A_365 = arith.constant 0 : i32
    %dma_start3A_366 = tpu.memref_slice %arg4[%dma_start3A_364, %dma_start3A_365, %multiple_of3A_356] : memref<2x8x1000000xf32, #tpu.memory_space<hbm>> -> memref<2x8x128xf32, #tpu.memory_space<hbm>>
    %dma_start3A_367 = arith.constant 0 : i32
    %dma_start3A_368 = arith.constant 0 : i32
    %dma_start3A_369 = arith.constant 0 : i32
    %dma_start3A_370 = tpu.memref_slice %arg11[%dma_start3A_357, %dma_start3A_358, %dma_start3A_367, %dma_start3A_368, %dma_start3A_369] : memref<2x16x2x8x128xf32, #tpu.memory_space<vmem>> -> memref<1x1x2x8x128xf32, #tpu.memory_space<vmem>>
    %dma_start3A_371 = tpu.memref_squeeze %dma_start3A_370 : memref<1x1x2x8x128xf32, #tpu.memory_space<vmem>> -> memref<2x8x128xf32, #tpu.memory_space<vmem>>
    %dma_start3A_372 = arith.constant 0 : i32
    %dma_start3A_373 = arith.constant 0 : i32
    %dma_start3A_374 = tpu.memref_slice %arg4[%dma_start3A_372, %dma_start3A_373, %multiple_of3A_356] : memref<2x8x1000000xf32, #tpu.memory_space<hbm>> -> memref<2x8x128xf32, #tpu.memory_space<hbm>>
    tpu.enqueue_dma source(%dma_start3A_374 : memref<2x8x128xf32, #tpu.memory_space<hbm>>) target(%dma_start3A_371 : memref<2x8x128xf32, #tpu.memory_space<vmem>>) target_semaphore(%arg16 : memref<!tpu.dma_semaphore, #tpu.memory_space<semaphore_mem>>)
    %slice3A_375 = vector.extract_strided_slice %get3A_29 {offsets = [14], sizes = [1], strides = [1]} : vector<16xi32> to vector<1xi32>
    %squeeze3A_376 = vector.extract %slice3A_375[0] : i32 from vector<1xi32>
    %shift_right_arithmetic3A_377 = arith.constant 7 : i32
    %shift_right_arithmetic3A_378 = arith.shrsi %squeeze3A_376, %shift_right_arithmetic3A_377 : i32
    %mul3A_379 = arith.constant 128 : i32
    %mul3A_380 = arith.muli %shift_right_arithmetic3A_378, %mul3A_379 : i32
    %multiple_of3A_381 = tpu.assume_multiple %mul3A_380, 128 : i32
    %dma_start3A_382 = arith.constant 0 : i32
    %dma_start3A_383 = arith.constant 14 : i32
    %dma_start3A_384 = arith.constant 0 : i32
    %dma_start3A_385 = arith.constant 0 : i32
    %dma_start3A_386 = arith.constant 0 : i32
    %dma_start3A_387 = tpu.memref_slice %arg11[%dma_start3A_382, %dma_start3A_383, %dma_start3A_384, %dma_start3A_385, %dma_start3A_386] : memref<2x16x2x8x128xf32, #tpu.memory_space<vmem>> -> memref<1x1x2x8x128xf32, #tpu.memory_space<vmem>>
    %dma_start3A_388 = tpu.memref_squeeze %dma_start3A_387 : memref<1x1x2x8x128xf32, #tpu.memory_space<vmem>> -> memref<2x8x128xf32, #tpu.memory_space<vmem>>
    %dma_start3A_389 = arith.constant 0 : i32
    %dma_start3A_390 = arith.constant 0 : i32
    %dma_start3A_391 = tpu.memref_slice %arg4[%dma_start3A_389, %dma_start3A_390, %multiple_of3A_381] : memref<2x8x1000000xf32, #tpu.memory_space<hbm>> -> memref<2x8x128xf32, #tpu.memory_space<hbm>>
    %dma_start3A_392 = arith.constant 0 : i32
    %dma_start3A_393 = arith.constant 0 : i32
    %dma_start3A_394 = arith.constant 0 : i32
    %dma_start3A_395 = tpu.memref_slice %arg11[%dma_start3A_382, %dma_start3A_383, %dma_start3A_392, %dma_start3A_393, %dma_start3A_394] : memref<2x16x2x8x128xf32, #tpu.memory_space<vmem>> -> memref<1x1x2x8x128xf32, #tpu.memory_space<vmem>>
    %dma_start3A_396 = tpu.memref_squeeze %dma_start3A_395 : memref<1x1x2x8x128xf32, #tpu.memory_space<vmem>> -> memref<2x8x128xf32, #tpu.memory_space<vmem>>
    %dma_start3A_397 = arith.constant 0 : i32
    %dma_start3A_398 = arith.constant 0 : i32
    %dma_start3A_399 = tpu.memref_slice %arg4[%dma_start3A_397, %dma_start3A_398, %multiple_of3A_381] : memref<2x8x1000000xf32, #tpu.memory_space<hbm>> -> memref<2x8x128xf32, #tpu.memory_space<hbm>>
    tpu.enqueue_dma source(%dma_start3A_399 : memref<2x8x128xf32, #tpu.memory_space<hbm>>) target(%dma_start3A_396 : memref<2x8x128xf32, #tpu.memory_space<vmem>>) target_semaphore(%arg16 : memref<!tpu.dma_semaphore, #tpu.memory_space<semaphore_mem>>)
    %slice3A_400 = vector.extract_strided_slice %get3A_29 {offsets = [15], sizes = [1], strides = [1]} : vector<16xi32> to vector<1xi32>
    %squeeze3A_401 = vector.extract %slice3A_400[0] : i32 from vector<1xi32>
    %shift_right_arithmetic3A_402 = arith.constant 7 : i32
    %shift_right_arithmetic3A_403 = arith.shrsi %squeeze3A_401, %shift_right_arithmetic3A_402 : i32
    %mul3A_404 = arith.constant 128 : i32
    %mul3A_405 = arith.muli %shift_right_arithmetic3A_403, %mul3A_404 : i32
    %multiple_of3A_406 = tpu.assume_multiple %mul3A_405, 128 : i32
    %dma_start3A_407 = arith.constant 0 : i32
    %dma_start3A_408 = arith.constant 15 : i32
    %dma_start3A_409 = arith.constant 0 : i32
    %dma_start3A_410 = arith.constant 0 : i32
    %dma_start3A_411 = arith.constant 0 : i32
    %dma_start3A_412 = tpu.memref_slice %arg11[%dma_start3A_407, %dma_start3A_408, %dma_start3A_409, %dma_start3A_410, %dma_start3A_411] : memref<2x16x2x8x128xf32, #tpu.memory_space<vmem>> -> memref<1x1x2x8x128xf32, #tpu.memory_space<vmem>>
    %dma_start3A_413 = tpu.memref_squeeze %dma_start3A_412 : memref<1x1x2x8x128xf32, #tpu.memory_space<vmem>> -> memref<2x8x128xf32, #tpu.memory_space<vmem>>
    %dma_start3A_414 = arith.constant 0 : i32
    %dma_start3A_415 = arith.constant 0 : i32
    %dma_start3A_416 = tpu.memref_slice %arg4[%dma_start3A_414, %dma_start3A_415, %multiple_of3A_406] : memref<2x8x1000000xf32, #tpu.memory_space<hbm>> -> memref<2x8x128xf32, #tpu.memory_space<hbm>>
    %dma_start3A_417 = arith.constant 0 : i32
    %dma_start3A_418 = arith.constant 0 : i32
    %dma_start3A_419 = arith.constant 0 : i32
    %dma_start3A_420 = tpu.memref_slice %arg11[%dma_start3A_407, %dma_start3A_408, %dma_start3A_417, %dma_start3A_418, %dma_start3A_419] : memref<2x16x2x8x128xf32, #tpu.memory_space<vmem>> -> memref<1x1x2x8x128xf32, #tpu.memory_space<vmem>>
    %dma_start3A_421 = tpu.memref_squeeze %dma_start3A_420 : memref<1x1x2x8x128xf32, #tpu.memory_space<vmem>> -> memref<2x8x128xf32, #tpu.memory_space<vmem>>
    %dma_start3A_422 = arith.constant 0 : i32
    %dma_start3A_423 = arith.constant 0 : i32
    %dma_start3A_424 = tpu.memref_slice %arg4[%dma_start3A_422, %dma_start3A_423, %multiple_of3A_406] : memref<2x8x1000000xf32, #tpu.memory_space<hbm>> -> memref<2x8x128xf32, #tpu.memory_space<hbm>>
    tpu.enqueue_dma source(%dma_start3A_424 : memref<2x8x128xf32, #tpu.memory_space<hbm>>) target(%dma_start3A_421 : memref<2x8x128xf32, #tpu.memory_space<vmem>>) target_semaphore(%arg16 : memref<!tpu.dma_semaphore, #tpu.memory_space<semaphore_mem>>)
    %dma_start3A_425 = arith.constant 0 : i32
    %dma_start3A_426 = arith.constant 0 : i32
    %dma_start3A_427 = arith.constant 0 : i32
    %dma_start3A_428 = tpu.memref_slice %arg12[%dma_start3A_425, %dma_start3A_426, %dma_start3A_427] : memref<2x16x128xf32, #tpu.memory_space<vmem>> -> memref<1x16x128xf32, #tpu.memory_space<vmem>>
    %dma_start3A_429 = tpu.memref_squeeze %dma_start3A_428 : memref<1x16x128xf32, #tpu.memory_space<vmem>> -> memref<16x128xf32, #tpu.memory_space<vmem>>
    %dma_start3A_430 = arith.constant 0 : i32
    %dma_start3A_431 = tpu.memref_slice %arg10[%dma_start3A_430] : memref<512xi32, #tpu.memory_space<vmem>> -> memref<16xi32, #tpu.memory_space<vmem>>
    %dma_start3A_432 = arith.constant 0 : i32
    %dma_start3A_433 = arith.constant 0 : i32
    %dma_start3A_434 = tpu.memref_slice %arg7[%dma_start3A_432, %dma_start3A_433] : memref<12512x128xf32, #tpu.memory_space<hbm>> -> memref<12512x128xf32, #tpu.memory_space<hbm>>
    tpu.enqueue_indirect_dma source(%dma_start3A_434 : memref<12512x128xf32, #tpu.memory_space<hbm>>) target(%dma_start3A_429 : memref<16x128xf32, #tpu.memory_space<vmem>>) offsets(%dma_start3A_431 : memref<16xi32, #tpu.memory_space<vmem>>) semaphore(%arg17 : memref<!tpu.dma_semaphore, #tpu.memory_space<semaphore_mem>>)
    %scan3A_435 = arith.constant 0 : i32
    %scan3A_436 = arith.constant 0 : i32
    %scan3A_437 = arith.constant 16 : i32
    %scan3A_438 = arith.addi %scan3A_436, %scan3A_437 : i32
    %scan3A_439 = arith.constant 1 : i32
    scf.for %scan3A_441 = %scan3A_436 to %scan3A_438 step %scan3A_439  : i32 {
      %mul3A_442 = arith.constant 2 : i32
      %mul3A_443 = arith.muli %scan3A_441, %mul3A_442 : i32
      %add3A_444 = arith.constant 1 : i32
      %add3A_445 = arith.addi %mul3A_443, %add3A_444 : i32
      %mul3A_446 = arith.constant 16 : i32
      %mul3A_447 = arith.muli %add3A_445, %mul3A_446 : i32
      %get3A_448 = arith.index_cast %mul3A_447 : i32 to index
      %get3A_449 = tpu.vector_load %arg8[%get3A_448] {strides = array<i32>} : memref<512xi32, #tpu.memory_space<vmem>>, vector<16xi32>,
      %slice3A_450 = vector.extract_strided_slice %get3A_449 {offsets = [0], sizes = [1], strides = [1]} : vector<16xi32> to vector<1xi32>
      %squeeze3A_451 = vector.extract %slice3A_450[0] : i32 from vector<1xi32>
      %shift_right_arithmetic3A_452 = arith.constant 7 : i32
      %shift_right_arithmetic3A_453 = arith.shrsi %squeeze3A_451, %shift_right_arithmetic3A_452 : i32
      %mul3A_454 = arith.constant 128 : i32
      %mul3A_455 = arith.muli %shift_right_arithmetic3A_453, %mul3A_454 : i32
      %multiple_of3A_456 = tpu.assume_multiple %mul3A_455, 128 : i32
      %dma_start3A_457 = arith.constant 1 : i32
      %dma_start3A_458 = arith.constant 0 : i32
      %dma_start3A_459 = arith.constant 0 : i32
      %dma_start3A_460 = arith.constant 0 : i32
      %dma_start3A_461 = arith.constant 0 : i32
      %dma_start3A_462 = tpu.memref_slice %arg11[%dma_start3A_457, %dma_start3A_458, %dma_start3A_459, %dma_start3A_460, %dma_start3A_461] : memref<2x16x2x8x128xf32, #tpu.memory_space<vmem>> -> memref<1x1x2x8x128xf32, #tpu.memory_space<vmem>>
      %dma_start3A_463 = tpu.memref_squeeze %dma_start3A_462 : memref<1x1x2x8x128xf32, #tpu.memory_space<vmem>> -> memref<2x8x128xf32, #tpu.memory_space<vmem>>
      %dma_start3A_464 = arith.constant 0 : i32
      %dma_start3A_465 = arith.constant 0 : i32
      %dma_start3A_466 = tpu.memref_slice %arg4[%dma_start3A_464, %dma_start3A_465, %multiple_of3A_456] : memref<2x8x1000000xf32, #tpu.memory_space<hbm>> -> memref<2x8x128xf32, #tpu.memory_space<hbm>>
      %dma_start3A_467 = arith.constant 0 : i32
      %dma_start3A_468 = arith.constant 0 : i32
      %dma_start3A_469 = arith.constant 0 : i32
      %dma_start3A_470 = tpu.memref_slice %arg11[%dma_start3A_457, %dma_start3A_458, %dma_start3A_467, %dma_start3A_468, %dma_start3A_469] : memref<2x16x2x8x128xf32, #tpu.memory_space<vmem>> -> memref<1x1x2x8x128xf32, #tpu.memory_space<vmem>>
      %dma_start3A_471 = tpu.memref_squeeze %dma_start3A_470 : memref<1x1x2x8x128xf32, #tpu.memory_space<vmem>> -> memref<2x8x128xf32, #tpu.memory_space<vmem>>
      %dma_start3A_472 = arith.constant 0 : i32
      %dma_start3A_473 = arith.constant 0 : i32
      %dma_start3A_474 = tpu.memref_slice %arg4[%dma_start3A_472, %dma_start3A_473, %multiple_of3A_456] : memref<2x8x1000000xf32, #tpu.memory_space<hbm>> -> memref<2x8x128xf32, #tpu.memory_space<hbm>>
      tpu.enqueue_dma source(%dma_start3A_474 : memref<2x8x128xf32, #tpu.memory_space<hbm>>) target(%dma_start3A_471 : memref<2x8x128xf32, #tpu.memory_space<vmem>>) target_semaphore(%arg18 : memref<!tpu.dma_semaphore, #tpu.memory_space<semaphore_mem>>)
      %slice3A_475 = vector.extract_strided_slice %get3A_449 {offsets = [1], sizes = [1], strides = [1]} : vector<16xi32> to vector<1xi32>
      %squeeze3A_476 = vector.extract %slice3A_475[0] : i32 from vector<1xi32>
      %shift_right_arithmetic3A_477 = arith.constant 7 : i32
      %shift_right_arithmetic3A_478 = arith.shrsi %squeeze3A_476, %shift_right_arithmetic3A_477 : i32
      %mul3A_479 = arith.constant 128 : i32
      %mul3A_480 = arith.muli %shift_right_arithmetic3A_478, %mul3A_479 : i32
      %multiple_of3A_481 = tpu.assume_multiple %mul3A_480, 128 : i32
      %dma_start3A_482 = arith.constant 1 : i32
      %dma_start3A_483 = arith.constant 1 : i32
      %dma_start3A_484 = arith.constant 0 : i32
      %dma_start3A_485 = arith.constant 0 : i32
      %dma_start3A_486 = arith.constant 0 : i32
      %dma_start3A_487 = tpu.memref_slice %arg11[%dma_start3A_482, %dma_start3A_483, %dma_start3A_484, %dma_start3A_485, %dma_start3A_486] : memref<2x16x2x8x128xf32, #tpu.memory_space<vmem>> -> memref<1x1x2x8x128xf32, #tpu.memory_space<vmem>>
      %dma_start3A_488 = tpu.memref_squeeze %dma_start3A_487 : memref<1x1x2x8x128xf32, #tpu.memory_space<vmem>> -> memref<2x8x128xf32, #tpu.memory_space<vmem>>
      %dma_start3A_489 = arith.constant 0 : i32
      %dma_start3A_490 = arith.constant 0 : i32
      %dma_start3A_491 = tpu.memref_slice %arg4[%dma_start3A_489, %dma_start3A_490, %multiple_of3A_481] : memref<2x8x1000000xf32, #tpu.memory_space<hbm>> -> memref<2x8x128xf32, #tpu.memory_space<hbm>>
      %dma_start3A_492 = arith.constant 0 : i32
      %dma_start3A_493 = arith.constant 0 : i32
      %dma_start3A_494 = arith.constant 0 : i32
      %dma_start3A_495 = tpu.memref_slice %arg11[%dma_start3A_482, %dma_start3A_483, %dma_start3A_492, %dma_start3A_493, %dma_start3A_494] : memref<2x16x2x8x128xf32, #tpu.memory_space<vmem>> -> memref<1x1x2x8x128xf32, #tpu.memory_space<vmem>>
      %dma_start3A_496 = tpu.memref_squeeze %dma_start3A_495 : memref<1x1x2x8x128xf32, #tpu.memory_space<vmem>> -> memref<2x8x128xf32, #tpu.memory_space<vmem>>
      %dma_start3A_497 = arith.constant 0 : i32
      %dma_start3A_498 = arith.constant 0 : i32
      %dma_start3A_499 = tpu.memref_slice %arg4[%dma_start3A_497, %dma_start3A_498, %multiple_of3A_481] : memref<2x8x1000000xf32, #tpu.memory_space<hbm>> -> memref<2x8x128xf32, #tpu.memory_space<hbm>>
      tpu.enqueue_dma source(%dma_start3A_499 : memref<2x8x128xf32, #tpu.memory_space<hbm>>) target(%dma_start3A_496 : memref<2x8x128xf32, #tpu.memory_space<vmem>>) target_semaphore(%arg18 : memref<!tpu.dma_semaphore, #tpu.memory_space<semaphore_mem>>)
      %slice3A_500 = vector.extract_strided_slice %get3A_449 {offsets = [2], sizes = [1], strides = [1]} : vector<16xi32> to vector<1xi32>
      %squeeze3A_501 = vector.extract %slice3A_500[0] : i32 from vector<1xi32>
      %shift_right_arithmetic3A_502 = arith.constant 7 : i32
      %shift_right_arithmetic3A_503 = arith.shrsi %squeeze3A_501, %shift_right_arithmetic3A_502 : i32
      %mul3A_504 = arith.constant 128 : i32
      %mul3A_505 = arith.muli %shift_right_arithmetic3A_503, %mul3A_504 : i32
      %multiple_of3A_506 = tpu.assume_multiple %mul3A_505, 128 : i32
      %dma_start3A_507 = arith.constant 1 : i32
      %dma_start3A_508 = arith.constant 2 : i32
      %dma_start3A_509 = arith.constant 0 : i32
      %dma_start3A_510 = arith.constant 0 : i32
      %dma_start3A_511 = arith.constant 0 : i32
      %dma_start3A_512 = tpu.memref_slice %arg11[%dma_start3A_507, %dma_start3A_508, %dma_start3A_509, %dma_start3A_510, %dma_start3A_511] : memref<2x16x2x8x128xf32, #tpu.memory_space<vmem>> -> memref<1x1x2x8x128xf32, #tpu.memory_space<vmem>>
      %dma_start3A_513 = tpu.memref_squeeze %dma_start3A_512 : memref<1x1x2x8x128xf32, #tpu.memory_space<vmem>> -> memref<2x8x128xf32, #tpu.memory_space<vmem>>
      %dma_start3A_514 = arith.constant 0 : i32
      %dma_start3A_515 = arith.constant 0 : i32
      %dma_start3A_516 = tpu.memref_slice %arg4[%dma_start3A_514, %dma_start3A_515, %multiple_of3A_506] : memref<2x8x1000000xf32, #tpu.memory_space<hbm>> -> memref<2x8x128xf32, #tpu.memory_space<hbm>>
      %dma_start3A_517 = arith.constant 0 : i32
      %dma_start3A_518 = arith.constant 0 : i32
      %dma_start3A_519 = arith.constant 0 : i32
      %dma_start3A_520 = tpu.memref_slice %arg11[%dma_start3A_507, %dma_start3A_508, %dma_start3A_517, %dma_start3A_518, %dma_start3A_519] : memref<2x16x2x8x128xf32, #tpu.memory_space<vmem>> -> memref<1x1x2x8x128xf32, #tpu.memory_space<vmem>>
      %dma_start3A_521 = tpu.memref_squeeze %dma_start3A_520 : memref<1x1x2x8x128xf32, #tpu.memory_space<vmem>> -> memref<2x8x128xf32, #tpu.memory_space<vmem>>
      %dma_start3A_522 = arith.constant 0 : i32
      %dma_start3A_523 = arith.constant 0 : i32
      %dma_start3A_524 = tpu.memref_slice %arg4[%dma_start3A_522, %dma_start3A_523, %multiple_of3A_506] : memref<2x8x1000000xf32, #tpu.memory_space<hbm>> -> memref<2x8x128xf32, #tpu.memory_space<hbm>>
      tpu.enqueue_dma source(%dma_start3A_524 : memref<2x8x128xf32, #tpu.memory_space<hbm>>) target(%dma_start3A_521 : memref<2x8x128xf32, #tpu.memory_space<vmem>>) target_semaphore(%arg18 : memref<!tpu.dma_semaphore, #tpu.memory_space<semaphore_mem>>)
      %slice3A_525 = vector.extract_strided_slice %get3A_449 {offsets = [3], sizes = [1], strides = [1]} : vector<16xi32> to vector<1xi32>
      %squeeze3A_526 = vector.extract %slice3A_525[0] : i32 from vector<1xi32>
      %shift_right_arithmetic3A_527 = arith.constant 7 : i32
      %shift_right_arithmetic3A_528 = arith.shrsi %squeeze3A_526, %shift_right_arithmetic3A_527 : i32
      %mul3A_529 = arith.constant 128 : i32
      %mul3A_530 = arith.muli %shift_right_arithmetic3A_528, %mul3A_529 : i32
      %multiple_of3A_531 = tpu.assume_multiple %mul3A_530, 128 : i32
      %dma_start3A_532 = arith.constant 1 : i32
      %dma_start3A_533 = arith.constant 3 : i32
      %dma_start3A_534 = arith.constant 0 : i32
      %dma_start3A_535 = arith.constant 0 : i32
      %dma_start3A_536 = arith.constant 0 : i32
      %dma_start3A_537 = tpu.memref_slice %arg11[%dma_start3A_532, %dma_start3A_533, %dma_start3A_534, %dma_start3A_535, %dma_start3A_536] : memref<2x16x2x8x128xf32, #tpu.memory_space<vmem>> -> memref<1x1x2x8x128xf32, #tpu.memory_space<vmem>>
      %dma_start3A_538 = tpu.memref_squeeze %dma_start3A_537 : memref<1x1x2x8x128xf32, #tpu.memory_space<vmem>> -> memref<2x8x128xf32, #tpu.memory_space<vmem>>
      %dma_start3A_539 = arith.constant 0 : i32
      %dma_start3A_540 = arith.constant 0 : i32
      %dma_start3A_541 = tpu.memref_slice %arg4[%dma_start3A_539, %dma_start3A_540, %multiple_of3A_531] : memref<2x8x1000000xf32, #tpu.memory_space<hbm>> -> memref<2x8x128xf32, #tpu.memory_space<hbm>>
      %dma_start3A_542 = arith.constant 0 : i32
      %dma_start3A_543 = arith.constant 0 : i32
      %dma_start3A_544 = arith.constant 0 : i32
      %dma_start3A_545 = tpu.memref_slice %arg11[%dma_start3A_532, %dma_start3A_533, %dma_start3A_542, %dma_start3A_543, %dma_start3A_544] : memref<2x16x2x8x128xf32, #tpu.memory_space<vmem>> -> memref<1x1x2x8x128xf32, #tpu.memory_space<vmem>>
      %dma_start3A_546 = tpu.memref_squeeze %dma_start3A_545 : memref<1x1x2x8x128xf32, #tpu.memory_space<vmem>> -> memref<2x8x128xf32, #tpu.memory_space<vmem>>
      %dma_start3A_547 = arith.constant 0 : i32
      %dma_start3A_548 = arith.constant 0 : i32
      %dma_start3A_549 = tpu.memref_slice %arg4[%dma_start3A_547, %dma_start3A_548, %multiple_of3A_531] : memref<2x8x1000000xf32, #tpu.memory_space<hbm>> -> memref<2x8x128xf32, #tpu.memory_space<hbm>>
      tpu.enqueue_dma source(%dma_start3A_549 : memref<2x8x128xf32, #tpu.memory_space<hbm>>) target(%dma_start3A_546 : memref<2x8x128xf32, #tpu.memory_space<vmem>>) target_semaphore(%arg18 : memref<!tpu.dma_semaphore, #tpu.memory_space<semaphore_mem>>)
      %slice3A_550 = vector.extract_strided_slice %get3A_449 {offsets = [4], sizes = [1], strides = [1]} : vector<16xi32> to vector<1xi32>
      %squeeze3A_551 = vector.extract %slice3A_550[0] : i32 from vector<1xi32>
      %shift_right_arithmetic3A_552 = arith.constant 7 : i32
      %shift_right_arithmetic3A_553 = arith.shrsi %squeeze3A_551, %shift_right_arithmetic3A_552 : i32
      %mul3A_554 = arith.constant 128 : i32
      %mul3A_555 = arith.muli %shift_right_arithmetic3A_553, %mul3A_554 : i32
      %multiple_of3A_556 = tpu.assume_multiple %mul3A_555, 128 : i32
      %dma_start3A_557 = arith.constant 1 : i32
      %dma_start3A_558 = arith.constant 4 : i32
      %dma_start3A_559 = arith.constant 0 : i32
      %dma_start3A_560 = arith.constant 0 : i32
      %dma_start3A_561 = arith.constant 0 : i32
      %dma_start3A_562 = tpu.memref_slice %arg11[%dma_start3A_557, %dma_start3A_558, %dma_start3A_559, %dma_start3A_560, %dma_start3A_561] : memref<2x16x2x8x128xf32, #tpu.memory_space<vmem>> -> memref<1x1x2x8x128xf32, #tpu.memory_space<vmem>>
      %dma_start3A_563 = tpu.memref_squeeze %dma_start3A_562 : memref<1x1x2x8x128xf32, #tpu.memory_space<vmem>> -> memref<2x8x128xf32, #tpu.memory_space<vmem>>
      %dma_start3A_564 = arith.constant 0 : i32
      %dma_start3A_565 = arith.constant 0 : i32
      %dma_start3A_566 = tpu.memref_slice %arg4[%dma_start3A_564, %dma_start3A_565, %multiple_of3A_556] : memref<2x8x1000000xf32, #tpu.memory_space<hbm>> -> memref<2x8x128xf32, #tpu.memory_space<hbm>>
      %dma_start3A_567 = arith.constant 0 : i32
      %dma_start3A_568 = arith.constant 0 : i32
      %dma_start3A_569 = arith.constant 0 : i32
      %dma_start3A_570 = tpu.memref_slice %arg11[%dma_start3A_557, %dma_start3A_558, %dma_start3A_567, %dma_start3A_568, %dma_start3A_569] : memref<2x16x2x8x128xf32, #tpu.memory_space<vmem>> -> memref<1x1x2x8x128xf32, #tpu.memory_space<vmem>>
      %dma_start3A_571 = tpu.memref_squeeze %dma_start3A_570 : memref<1x1x2x8x128xf32, #tpu.memory_space<vmem>> -> memref<2x8x128xf32, #tpu.memory_space<vmem>>
      %dma_start3A_572 = arith.constant 0 : i32
      %dma_start3A_573 = arith.constant 0 : i32
      %dma_start3A_574 = tpu.memref_slice %arg4[%dma_start3A_572, %dma_start3A_573, %multiple_of3A_556] : memref<2x8x1000000xf32, #tpu.memory_space<hbm>> -> memref<2x8x128xf32, #tpu.memory_space<hbm>>
      tpu.enqueue_dma source(%dma_start3A_574 : memref<2x8x128xf32, #tpu.memory_space<hbm>>) target(%dma_start3A_571 : memref<2x8x128xf32, #tpu.memory_space<vmem>>) target_semaphore(%arg18 : memref<!tpu.dma_semaphore, #tpu.memory_space<semaphore_mem>>)
      %slice3A_575 = vector.extract_strided_slice %get3A_449 {offsets = [5], sizes = [1], strides = [1]} : vector<16xi32> to vector<1xi32>
      %squeeze3A_576 = vector.extract %slice3A_575[0] : i32 from vector<1xi32>
      %shift_right_arithmetic3A_577 = arith.constant 7 : i32
      %shift_right_arithmetic3A_578 = arith.shrsi %squeeze3A_576, %shift_right_arithmetic3A_577 : i32
      %mul3A_579 = arith.constant 128 : i32
      %mul3A_580 = arith.muli %shift_right_arithmetic3A_578, %mul3A_579 : i32
      %multiple_of3A_581 = tpu.assume_multiple %mul3A_580, 128 : i32
      %dma_start3A_582 = arith.constant 1 : i32
      %dma_start3A_583 = arith.constant 5 : i32
      %dma_start3A_584 = arith.constant 0 : i32
      %dma_start3A_585 = arith.constant 0 : i32
      %dma_start3A_586 = arith.constant 0 : i32
      %dma_start3A_587 = tpu.memref_slice %arg11[%dma_start3A_582, %dma_start3A_583, %dma_start3A_584, %dma_start3A_585, %dma_start3A_586] : memref<2x16x2x8x128xf32, #tpu.memory_space<vmem>> -> memref<1x1x2x8x128xf32, #tpu.memory_space<vmem>>
      %dma_start3A_588 = tpu.memref_squeeze %dma_start3A_587 : memref<1x1x2x8x128xf32, #tpu.memory_space<vmem>> -> memref<2x8x128xf32, #tpu.memory_space<vmem>>
      %dma_start3A_589 = arith.constant 0 : i32
      %dma_start3A_590 = arith.constant 0 : i32
      %dma_start3A_591 = tpu.memref_slice %arg4[%dma_start3A_589, %dma_start3A_590, %multiple_of3A_581] : memref<2x8x1000000xf32, #tpu.memory_space<hbm>> -> memref<2x8x128xf32, #tpu.memory_space<hbm>>
      %dma_start3A_592 = arith.constant 0 : i32
      %dma_start3A_593 = arith.constant 0 : i32
      %dma_start3A_594 = arith.constant 0 : i32
      %dma_start3A_595 = tpu.memref_slice %arg11[%dma_start3A_582, %dma_start3A_583, %dma_start3A_592, %dma_start3A_593, %dma_start3A_594] : memref<2x16x2x8x128xf32, #tpu.memory_space<vmem>> -> memref<1x1x2x8x128xf32, #tpu.memory_space<vmem>>
      %dma_start3A_596 = tpu.memref_squeeze %dma_start3A_595 : memref<1x1x2x8x128xf32, #tpu.memory_space<vmem>> -> memref<2x8x128xf32, #tpu.memory_space<vmem>>
      %dma_start3A_597 = arith.constant 0 : i32
      %dma_start3A_598 = arith.constant 0 : i32
      %dma_start3A_599 = tpu.memref_slice %arg4[%dma_start3A_597, %dma_start3A_598, %multiple_of3A_581] : memref<2x8x1000000xf32, #tpu.memory_space<hbm>> -> memref<2x8x128xf32, #tpu.memory_space<hbm>>
      tpu.enqueue_dma source(%dma_start3A_599 : memref<2x8x128xf32, #tpu.memory_space<hbm>>) target(%dma_start3A_596 : memref<2x8x128xf32, #tpu.memory_space<vmem>>) target_semaphore(%arg18 : memref<!tpu.dma_semaphore, #tpu.memory_space<semaphore_mem>>)
      %slice3A_600 = vector.extract_strided_slice %get3A_449 {offsets = [6], sizes = [1], strides = [1]} : vector<16xi32> to vector<1xi32>
      %squeeze3A_601 = vector.extract %slice3A_600[0] : i32 from vector<1xi32>
      %shift_right_arithmetic3A_602 = arith.constant 7 : i32
      %shift_right_arithmetic3A_603 = arith.shrsi %squeeze3A_601, %shift_right_arithmetic3A_602 : i32
      %mul3A_604 = arith.constant 128 : i32
      %mul3A_605 = arith.muli %shift_right_arithmetic3A_603, %mul3A_604 : i32
      %multiple_of3A_606 = tpu.assume_multiple %mul3A_605, 128 : i32
      %dma_start3A_607 = arith.constant 1 : i32
      %dma_start3A_608 = arith.constant 6 : i32
      %dma_start3A_609 = arith.constant 0 : i32
      %dma_start3A_610 = arith.constant 0 : i32
      %dma_start3A_611 = arith.constant 0 : i32
      %dma_start3A_612 = tpu.memref_slice %arg11[%dma_start3A_607, %dma_start3A_608, %dma_start3A_609, %dma_start3A_610, %dma_start3A_611] : memref<2x16x2x8x128xf32, #tpu.memory_space<vmem>> -> memref<1x1x2x8x128xf32, #tpu.memory_space<vmem>>
      %dma_start3A_613 = tpu.memref_squeeze %dma_start3A_612 : memref<1x1x2x8x128xf32, #tpu.memory_space<vmem>> -> memref<2x8x128xf32, #tpu.memory_space<vmem>>
      %dma_start3A_614 = arith.constant 0 : i32
      %dma_start3A_615 = arith.constant 0 : i32
      %dma_start3A_616 = tpu.memref_slice %arg4[%dma_start3A_614, %dma_start3A_615, %multiple_of3A_606] : memref<2x8x1000000xf32, #tpu.memory_space<hbm>> -> memref<2x8x128xf32, #tpu.memory_space<hbm>>
      %dma_start3A_617 = arith.constant 0 : i32
      %dma_start3A_618 = arith.constant 0 : i32
      %dma_start3A_619 = arith.constant 0 : i32
      %dma_start3A_620 = tpu.memref_slice %arg11[%dma_start3A_607, %dma_start3A_608, %dma_start3A_617, %dma_start3A_618, %dma_start3A_619] : memref<2x16x2x8x128xf32, #tpu.memory_space<vmem>> -> memref<1x1x2x8x128xf32, #tpu.memory_space<vmem>>
      %dma_start3A_621 = tpu.memref_squeeze %dma_start3A_620 : memref<1x1x2x8x128xf32, #tpu.memory_space<vmem>> -> memref<2x8x128xf32, #tpu.memory_space<vmem>>
      %dma_start3A_622 = arith.constant 0 : i32
      %dma_start3A_623 = arith.constant 0 : i32
      %dma_start3A_624 = tpu.memref_slice %arg4[%dma_start3A_622, %dma_start3A_623, %multiple_of3A_606] : memref<2x8x1000000xf32, #tpu.memory_space<hbm>> -> memref<2x8x128xf32, #tpu.memory_space<hbm>>
      tpu.enqueue_dma source(%dma_start3A_624 : memref<2x8x128xf32, #tpu.memory_space<hbm>>) target(%dma_start3A_621 : memref<2x8x128xf32, #tpu.memory_space<vmem>>) target_semaphore(%arg18 : memref<!tpu.dma_semaphore, #tpu.memory_space<semaphore_mem>>)
      %slice3A_625 = vector.extract_strided_slice %get3A_449 {offsets = [7], sizes = [1], strides = [1]} : vector<16xi32> to vector<1xi32>
      %squeeze3A_626 = vector.extract %slice3A_625[0] : i32 from vector<1xi32>
      %shift_right_arithmetic3A_627 = arith.constant 7 : i32
      %shift_right_arithmetic3A_628 = arith.shrsi %squeeze3A_626, %shift_right_arithmetic3A_627 : i32
      %mul3A_629 = arith.constant 128 : i32
      %mul3A_630 = arith.muli %shift_right_arithmetic3A_628, %mul3A_629 : i32
      %multiple_of3A_631 = tpu.assume_multiple %mul3A_630, 128 : i32
      %dma_start3A_632 = arith.constant 1 : i32
      %dma_start3A_633 = arith.constant 7 : i32
      %dma_start3A_634 = arith.constant 0 : i32
      %dma_start3A_635 = arith.constant 0 : i32
      %dma_start3A_636 = arith.constant 0 : i32
      %dma_start3A_637 = tpu.memref_slice %arg11[%dma_start3A_632, %dma_start3A_633, %dma_start3A_634, %dma_start3A_635, %dma_start3A_636] : memref<2x16x2x8x128xf32, #tpu.memory_space<vmem>> -> memref<1x1x2x8x128xf32, #tpu.memory_space<vmem>>
      %dma_start3A_638 = tpu.memref_squeeze %dma_start3A_637 : memref<1x1x2x8x128xf32, #tpu.memory_space<vmem>> -> memref<2x8x128xf32, #tpu.memory_space<vmem>>
      %dma_start3A_639 = arith.constant 0 : i32
      %dma_start3A_640 = arith.constant 0 : i32
      %dma_start3A_641 = tpu.memref_slice %arg4[%dma_start3A_639, %dma_start3A_640, %multiple_of3A_631] : memref<2x8x1000000xf32, #tpu.memory_space<hbm>> -> memref<2x8x128xf32, #tpu.memory_space<hbm>>
      %dma_start3A_642 = arith.constant 0 : i32
      %dma_start3A_643 = arith.constant 0 : i32
      %dma_start3A_644 = arith.constant 0 : i32
      %dma_start3A_645 = tpu.memref_slice %arg11[%dma_start3A_632, %dma_start3A_633, %dma_start3A_642, %dma_start3A_643, %dma_start3A_644] : memref<2x16x2x8x128xf32, #tpu.memory_space<vmem>> -> memref<1x1x2x8x128xf32, #tpu.memory_space<vmem>>
      %dma_start3A_646 = tpu.memref_squeeze %dma_start3A_645 : memref<1x1x2x8x128xf32, #tpu.memory_space<vmem>> -> memref<2x8x128xf32, #tpu.memory_space<vmem>>
      %dma_start3A_647 = arith.constant 0 : i32
      %dma_start3A_648 = arith.constant 0 : i32
      %dma_start3A_649 = tpu.memref_slice %arg4[%dma_start3A_647, %dma_start3A_648, %multiple_of3A_631] : memref<2x8x1000000xf32, #tpu.memory_space<hbm>> -> memref<2x8x128xf32, #tpu.memory_space<hbm>>
      tpu.enqueue_dma source(%dma_start3A_649 : memref<2x8x128xf32, #tpu.memory_space<hbm>>) target(%dma_start3A_646 : memref<2x8x128xf32, #tpu.memory_space<vmem>>) target_semaphore(%arg18 : memref<!tpu.dma_semaphore, #tpu.memory_space<semaphore_mem>>)
      %slice3A_650 = vector.extract_strided_slice %get3A_449 {offsets = [8], sizes = [1], strides = [1]} : vector<16xi32> to vector<1xi32>
      %squeeze3A_651 = vector.extract %slice3A_650[0] : i32 from vector<1xi32>
      %shift_right_arithmetic3A_652 = arith.constant 7 : i32
      %shift_right_arithmetic3A_653 = arith.shrsi %squeeze3A_651, %shift_right_arithmetic3A_652 : i32
      %mul3A_654 = arith.constant 128 : i32
      %mul3A_655 = arith.muli %shift_right_arithmetic3A_653, %mul3A_654 : i32
      %multiple_of3A_656 = tpu.assume_multiple %mul3A_655, 128 : i32
      %dma_start3A_657 = arith.constant 1 : i32
      %dma_start3A_658 = arith.constant 8 : i32
      %dma_start3A_659 = arith.constant 0 : i32
      %dma_start3A_660 = arith.constant 0 : i32
      %dma_start3A_661 = arith.constant 0 : i32
      %dma_start3A_662 = tpu.memref_slice %arg11[%dma_start3A_657, %dma_start3A_658, %dma_start3A_659, %dma_start3A_660, %dma_start3A_661] : memref<2x16x2x8x128xf32, #tpu.memory_space<vmem>> -> memref<1x1x2x8x128xf32, #tpu.memory_space<vmem>>
      %dma_start3A_663 = tpu.memref_squeeze %dma_start3A_662 : memref<1x1x2x8x128xf32, #tpu.memory_space<vmem>> -> memref<2x8x128xf32, #tpu.memory_space<vmem>>
      %dma_start3A_664 = arith.constant 0 : i32
      %dma_start3A_665 = arith.constant 0 : i32
      %dma_start3A_666 = tpu.memref_slice %arg4[%dma_start3A_664, %dma_start3A_665, %multiple_of3A_656] : memref<2x8x1000000xf32, #tpu.memory_space<hbm>> -> memref<2x8x128xf32, #tpu.memory_space<hbm>>
      %dma_start3A_667 = arith.constant 0 : i32
      %dma_start3A_668 = arith.constant 0 : i32
      %dma_start3A_669 = arith.constant 0 : i32
      %dma_start3A_670 = tpu.memref_slice %arg11[%dma_start3A_657, %dma_start3A_658, %dma_start3A_667, %dma_start3A_668, %dma_start3A_669] : memref<2x16x2x8x128xf32, #tpu.memory_space<vmem>> -> memref<1x1x2x8x128xf32, #tpu.memory_space<vmem>>
      %dma_start3A_671 = tpu.memref_squeeze %dma_start3A_670 : memref<1x1x2x8x128xf32, #tpu.memory_space<vmem>> -> memref<2x8x128xf32, #tpu.memory_space<vmem>>
      %dma_start3A_672 = arith.constant 0 : i32
      %dma_start3A_673 = arith.constant 0 : i32
      %dma_start3A_674 = tpu.memref_slice %arg4[%dma_start3A_672, %dma_start3A_673, %multiple_of3A_656] : memref<2x8x1000000xf32, #tpu.memory_space<hbm>> -> memref<2x8x128xf32, #tpu.memory_space<hbm>>
      tpu.enqueue_dma source(%dma_start3A_674 : memref<2x8x128xf32, #tpu.memory_space<hbm>>) target(%dma_start3A_671 : memref<2x8x128xf32, #tpu.memory_space<vmem>>) target_semaphore(%arg18 : memref<!tpu.dma_semaphore, #tpu.memory_space<semaphore_mem>>)
      %slice3A_675 = vector.extract_strided_slice %get3A_449 {offsets = [9], sizes = [1], strides = [1]} : vector<16xi32> to vector<1xi32>
      %squeeze3A_676 = vector.extract %slice3A_675[0] : i32 from vector<1xi32>
      %shift_right_arithmetic3A_677 = arith.constant 7 : i32
      %shift_right_arithmetic3A_678 = arith.shrsi %squeeze3A_676, %shift_right_arithmetic3A_677 : i32
      %mul3A_679 = arith.constant 128 : i32
      %mul3A_680 = arith.muli %shift_right_arithmetic3A_678, %mul3A_679 : i32
      %multiple_of3A_681 = tpu.assume_multiple %mul3A_680, 128 : i32
      %dma_start3A_682 = arith.constant 1 : i32
      %dma_start3A_683 = arith.constant 9 : i32
      %dma_start3A_684 = arith.constant 0 : i32
      %dma_start3A_685 = arith.constant 0 : i32
      %dma_start3A_686 = arith.constant 0 : i32
      %dma_start3A_687 = tpu.memref_slice %arg11[%dma_start3A_682, %dma_start3A_683, %dma_start3A_684, %dma_start3A_685, %dma_start3A_686] : memref<2x16x2x8x128xf32, #tpu.memory_space<vmem>> -> memref<1x1x2x8x128xf32, #tpu.memory_space<vmem>>
      %dma_start3A_688 = tpu.memref_squeeze %dma_start3A_687 : memref<1x1x2x8x128xf32, #tpu.memory_space<vmem>> -> memref<2x8x128xf32, #tpu.memory_space<vmem>>
      %dma_start3A_689 = arith.constant 0 : i32
      %dma_start3A_690 = arith.constant 0 : i32
      %dma_start3A_691 = tpu.memref_slice %arg4[%dma_start3A_689, %dma_start3A_690, %multiple_of3A_681] : memref<2x8x1000000xf32, #tpu.memory_space<hbm>> -> memref<2x8x128xf32, #tpu.memory_space<hbm>>
      %dma_start3A_692 = arith.constant 0 : i32
      %dma_start3A_693 = arith.constant 0 : i32
      %dma_start3A_694 = arith.constant 0 : i32
      %dma_start3A_695 = tpu.memref_slice %arg11[%dma_start3A_682, %dma_start3A_683, %dma_start3A_692, %dma_start3A_693, %dma_start3A_694] : memref<2x16x2x8x128xf32, #tpu.memory_space<vmem>> -> memref<1x1x2x8x128xf32, #tpu.memory_space<vmem>>
      %dma_start3A_696 = tpu.memref_squeeze %dma_start3A_695 : memref<1x1x2x8x128xf32, #tpu.memory_space<vmem>> -> memref<2x8x128xf32, #tpu.memory_space<vmem>>
      %dma_start3A_697 = arith.constant 0 : i32
      %dma_start3A_698 = arith.constant 0 : i32
      %dma_start3A_699 = tpu.memref_slice %arg4[%dma_start3A_697, %dma_start3A_698, %multiple_of3A_681] : memref<2x8x1000000xf32, #tpu.memory_space<hbm>> -> memref<2x8x128xf32, #tpu.memory_space<hbm>>
      tpu.enqueue_dma source(%dma_start3A_699 : memref<2x8x128xf32, #tpu.memory_space<hbm>>) target(%dma_start3A_696 : memref<2x8x128xf32, #tpu.memory_space<vmem>>) target_semaphore(%arg18 : memref<!tpu.dma_semaphore, #tpu.memory_space<semaphore_mem>>)
      %slice3A_700 = vector.extract_strided_slice %get3A_449 {offsets = [10], sizes = [1], strides = [1]} : vector<16xi32> to vector<1xi32>
      %squeeze3A_701 = vector.extract %slice3A_700[0] : i32 from vector<1xi32>
      %shift_right_arithmetic3A_702 = arith.constant 7 : i32
      %shift_right_arithmetic3A_703 = arith.shrsi %squeeze3A_701, %shift_right_arithmetic3A_702 : i32
      %mul3A_704 = arith.constant 128 : i32
      %mul3A_705 = arith.muli %shift_right_arithmetic3A_703, %mul3A_704 : i32
      %multiple_of3A_706 = tpu.assume_multiple %mul3A_705, 128 : i32
      %dma_start3A_707 = arith.constant 1 : i32
      %dma_start3A_708 = arith.constant 10 : i32
      %dma_start3A_709 = arith.constant 0 : i32
      %dma_start3A_710 = arith.constant 0 : i32
      %dma_start3A_711 = arith.constant 0 : i32
      %dma_start3A_712 = tpu.memref_slice %arg11[%dma_start3A_707, %dma_start3A_708, %dma_start3A_709, %dma_start3A_710, %dma_start3A_711] : memref<2x16x2x8x128xf32, #tpu.memory_space<vmem>> -> memref<1x1x2x8x128xf32, #tpu.memory_space<vmem>>
      %dma_start3A_713 = tpu.memref_squeeze %dma_start3A_712 : memref<1x1x2x8x128xf32, #tpu.memory_space<vmem>> -> memref<2x8x128xf32, #tpu.memory_space<vmem>>
      %dma_start3A_714 = arith.constant 0 : i32
      %dma_start3A_715 = arith.constant 0 : i32
      %dma_start3A_716 = tpu.memref_slice %arg4[%dma_start3A_714, %dma_start3A_715, %multiple_of3A_706] : memref<2x8x1000000xf32, #tpu.memory_space<hbm>> -> memref<2x8x128xf32, #tpu.memory_space<hbm>>
      %dma_start3A_717 = arith.constant 0 : i32
      %dma_start3A_718 = arith.constant 0 : i32
      %dma_start3A_719 = arith.constant 0 : i32
      %dma_start3A_720 = tpu.memref_slice %arg11[%dma_start3A_707, %dma_start3A_708, %dma_start3A_717, %dma_start3A_718, %dma_start3A_719] : memref<2x16x2x8x128xf32, #tpu.memory_space<vmem>> -> memref<1x1x2x8x128xf32, #tpu.memory_space<vmem>>
      %dma_start3A_721 = tpu.memref_squeeze %dma_start3A_720 : memref<1x1x2x8x128xf32, #tpu.memory_space<vmem>> -> memref<2x8x128xf32, #tpu.memory_space<vmem>>
      %dma_start3A_722 = arith.constant 0 : i32
      %dma_start3A_723 = arith.constant 0 : i32
      %dma_start3A_724 = tpu.memref_slice %arg4[%dma_start3A_722, %dma_start3A_723, %multiple_of3A_706] : memref<2x8x1000000xf32, #tpu.memory_space<hbm>> -> memref<2x8x128xf32, #tpu.memory_space<hbm>>
      tpu.enqueue_dma source(%dma_start3A_724 : memref<2x8x128xf32, #tpu.memory_space<hbm>>) target(%dma_start3A_721 : memref<2x8x128xf32, #tpu.memory_space<vmem>>) target_semaphore(%arg18 : memref<!tpu.dma_semaphore, #tpu.memory_space<semaphore_mem>>)
      %slice3A_725 = vector.extract_strided_slice %get3A_449 {offsets = [11], sizes = [1], strides = [1]} : vector<16xi32> to vector<1xi32>
      %squeeze3A_726 = vector.extract %slice3A_725[0] : i32 from vector<1xi32>
      %shift_right_arithmetic3A_727 = arith.constant 7 : i32
      %shift_right_arithmetic3A_728 = arith.shrsi %squeeze3A_726, %shift_right_arithmetic3A_727 : i32
      %mul3A_729 = arith.constant 128 : i32
      %mul3A_730 = arith.muli %shift_right_arithmetic3A_728, %mul3A_729 : i32
      %multiple_of3A_731 = tpu.assume_multiple %mul3A_730, 128 : i32
      %dma_start3A_732 = arith.constant 1 : i32
      %dma_start3A_733 = arith.constant 11 : i32
      %dma_start3A_734 = arith.constant 0 : i32
      %dma_start3A_735 = arith.constant 0 : i32
      %dma_start3A_736 = arith.constant 0 : i32
      %dma_start3A_737 = tpu.memref_slice %arg11[%dma_start3A_732, %dma_start3A_733, %dma_start3A_734, %dma_start3A_735, %dma_start3A_736] : memref<2x16x2x8x128xf32, #tpu.memory_space<vmem>> -> memref<1x1x2x8x128xf32, #tpu.memory_space<vmem>>
      %dma_start3A_738 = tpu.memref_squeeze %dma_start3A_737 : memref<1x1x2x8x128xf32, #tpu.memory_space<vmem>> -> memref<2x8x128xf32, #tpu.memory_space<vmem>>
      %dma_start3A_739 = arith.constant 0 : i32
      %dma_start3A_740 = arith.constant 0 : i32
      %dma_start3A_741 = tpu.memref_slice %arg4[%dma_start3A_739, %dma_start3A_740, %multiple_of3A_731] : memref<2x8x1000000xf32, #tpu.memory_space<hbm>> -> memref<2x8x128xf32, #tpu.memory_space<hbm>>
      %dma_start3A_742 = arith.constant 0 : i32
      %dma_start3A_743 = arith.constant 0 : i32
      %dma_start3A_744 = arith.constant 0 : i32
      %dma_start3A_745 = tpu.memref_slice %arg11[%dma_start3A_732, %dma_start3A_733, %dma_start3A_742, %dma_start3A_743, %dma_start3A_744] : memref<2x16x2x8x128xf32, #tpu.memory_space<vmem>> -> memref<1x1x2x8x128xf32, #tpu.memory_space<vmem>>
      %dma_start3A_746 = tpu.memref_squeeze %dma_start3A_745 : memref<1x1x2x8x128xf32, #tpu.memory_space<vmem>> -> memref<2x8x128xf32, #tpu.memory_space<vmem>>
      %dma_start3A_747 = arith.constant 0 : i32
      %dma_start3A_748 = arith.constant 0 : i32
      %dma_start3A_749 = tpu.memref_slice %arg4[%dma_start3A_747, %dma_start3A_748, %multiple_of3A_731] : memref<2x8x1000000xf32, #tpu.memory_space<hbm>> -> memref<2x8x128xf32, #tpu.memory_space<hbm>>
      tpu.enqueue_dma source(%dma_start3A_749 : memref<2x8x128xf32, #tpu.memory_space<hbm>>) target(%dma_start3A_746 : memref<2x8x128xf32, #tpu.memory_space<vmem>>) target_semaphore(%arg18 : memref<!tpu.dma_semaphore, #tpu.memory_space<semaphore_mem>>)
      %slice3A_750 = vector.extract_strided_slice %get3A_449 {offsets = [12], sizes = [1], strides = [1]} : vector<16xi32> to vector<1xi32>
      %squeeze3A_751 = vector.extract %slice3A_750[0] : i32 from vector<1xi32>
      %shift_right_arithmetic3A_752 = arith.constant 7 : i32
      %shift_right_arithmetic3A_753 = arith.shrsi %squeeze3A_751, %shift_right_arithmetic3A_752 : i32
      %mul3A_754 = arith.constant 128 : i32
      %mul3A_755 = arith.muli %shift_right_arithmetic3A_753, %mul3A_754 : i32
      %multiple_of3A_756 = tpu.assume_multiple %mul3A_755, 128 : i32
      %dma_start3A_757 = arith.constant 1 : i32
      %dma_start3A_758 = arith.constant 12 : i32
      %dma_start3A_759 = arith.constant 0 : i32
      %dma_start3A_760 = arith.constant 0 : i32
      %dma_start3A_761 = arith.constant 0 : i32
      %dma_start3A_762 = tpu.memref_slice %arg11[%dma_start3A_757, %dma_start3A_758, %dma_start3A_759, %dma_start3A_760, %dma_start3A_761] : memref<2x16x2x8x128xf32, #tpu.memory_space<vmem>> -> memref<1x1x2x8x128xf32, #tpu.memory_space<vmem>>
      %dma_start3A_763 = tpu.memref_squeeze %dma_start3A_762 : memref<1x1x2x8x128xf32, #tpu.memory_space<vmem>> -> memref<2x8x128xf32, #tpu.memory_space<vmem>>
      %dma_start3A_764 = arith.constant 0 : i32
      %dma_start3A_765 = arith.constant 0 : i32
      %dma_start3A_766 = tpu.memref_slice %arg4[%dma_start3A_764, %dma_start3A_765, %multiple_of3A_756] : memref<2x8x1000000xf32, #tpu.memory_space<hbm>> -> memref<2x8x128xf32, #tpu.memory_space<hbm>>
      %dma_start3A_767 = arith.constant 0 : i32
      %dma_start3A_768 = arith.constant 0 : i32
      %dma_start3A_769 = arith.constant 0 : i32
      %dma_start3A_770 = tpu.memref_slice %arg11[%dma_start3A_757, %dma_start3A_758, %dma_start3A_767, %dma_start3A_768, %dma_start3A_769] : memref<2x16x2x8x128xf32, #tpu.memory_space<vmem>> -> memref<1x1x2x8x128xf32, #tpu.memory_space<vmem>>
      %dma_start3A_771 = tpu.memref_squeeze %dma_start3A_770 : memref<1x1x2x8x128xf32, #tpu.memory_space<vmem>> -> memref<2x8x128xf32, #tpu.memory_space<vmem>>
      %dma_start3A_772 = arith.constant 0 : i32
      %dma_start3A_773 = arith.constant 0 : i32
      %dma_start3A_774 = tpu.memref_slice %arg4[%dma_start3A_772, %dma_start3A_773, %multiple_of3A_756] : memref<2x8x1000000xf32, #tpu.memory_space<hbm>> -> memref<2x8x128xf32, #tpu.memory_space<hbm>>
      tpu.enqueue_dma source(%dma_start3A_774 : memref<2x8x128xf32, #tpu.memory_space<hbm>>) target(%dma_start3A_771 : memref<2x8x128xf32, #tpu.memory_space<vmem>>) target_semaphore(%arg18 : memref<!tpu.dma_semaphore, #tpu.memory_space<semaphore_mem>>)
      %slice3A_775 = vector.extract_strided_slice %get3A_449 {offsets = [13], sizes = [1], strides = [1]} : vector<16xi32> to vector<1xi32>
      %squeeze3A_776 = vector.extract %slice3A_775[0] : i32 from vector<1xi32>
      %shift_right_arithmetic3A_777 = arith.constant 7 : i32
      %shift_right_arithmetic3A_778 = arith.shrsi %squeeze3A_776, %shift_right_arithmetic3A_777 : i32
      %mul3A_779 = arith.constant 128 : i32
      %mul3A_780 = arith.muli %shift_right_arithmetic3A_778, %mul3A_779 : i32
      %multiple_of3A_781 = tpu.assume_multiple %mul3A_780, 128 : i32
      %dma_start3A_782 = arith.constant 1 : i32
      %dma_start3A_783 = arith.constant 13 : i32
      %dma_start3A_784 = arith.constant 0 : i32
      %dma_start3A_785 = arith.constant 0 : i32
      %dma_start3A_786 = arith.constant 0 : i32
      %dma_start3A_787 = tpu.memref_slice %arg11[%dma_start3A_782, %dma_start3A_783, %dma_start3A_784, %dma_start3A_785, %dma_start3A_786] : memref<2x16x2x8x128xf32, #tpu.memory_space<vmem>> -> memref<1x1x2x8x128xf32, #tpu.memory_space<vmem>>
      %dma_start3A_788 = tpu.memref_squeeze %dma_start3A_787 : memref<1x1x2x8x128xf32, #tpu.memory_space<vmem>> -> memref<2x8x128xf32, #tpu.memory_space<vmem>>
      %dma_start3A_789 = arith.constant 0 : i32
      %dma_start3A_790 = arith.constant 0 : i32
      %dma_start3A_791 = tpu.memref_slice %arg4[%dma_start3A_789, %dma_start3A_790, %multiple_of3A_781] : memref<2x8x1000000xf32, #tpu.memory_space<hbm>> -> memref<2x8x128xf32, #tpu.memory_space<hbm>>
      %dma_start3A_792 = arith.constant 0 : i32
      %dma_start3A_793 = arith.constant 0 : i32
      %dma_start3A_794 = arith.constant 0 : i32
      %dma_start3A_795 = tpu.memref_slice %arg11[%dma_start3A_782, %dma_start3A_783, %dma_start3A_792, %dma_start3A_793, %dma_start3A_794] : memref<2x16x2x8x128xf32, #tpu.memory_space<vmem>> -> memref<1x1x2x8x128xf32, #tpu.memory_space<vmem>>
      %dma_start3A_796 = tpu.memref_squeeze %dma_start3A_795 : memref<1x1x2x8x128xf32, #tpu.memory_space<vmem>> -> memref<2x8x128xf32, #tpu.memory_space<vmem>>
      %dma_start3A_797 = arith.constant 0 : i32
      %dma_start3A_798 = arith.constant 0 : i32
      %dma_start3A_799 = tpu.memref_slice %arg4[%dma_start3A_797, %dma_start3A_798, %multiple_of3A_781] : memref<2x8x1000000xf32, #tpu.memory_space<hbm>> -> memref<2x8x128xf32, #tpu.memory_space<hbm>>
      tpu.enqueue_dma source(%dma_start3A_799 : memref<2x8x128xf32, #tpu.memory_space<hbm>>) target(%dma_start3A_796 : memref<2x8x128xf32, #tpu.memory_space<vmem>>) target_semaphore(%arg18 : memref<!tpu.dma_semaphore, #tpu.memory_space<semaphore_mem>>)
      %slice3A_800 = vector.extract_strided_slice %get3A_449 {offsets = [14], sizes = [1], strides = [1]} : vector<16xi32> to vector<1xi32>
      %squeeze3A_801 = vector.extract %slice3A_800[0] : i32 from vector<1xi32>
      %shift_right_arithmetic3A_802 = arith.constant 7 : i32
      %shift_right_arithmetic3A_803 = arith.shrsi %squeeze3A_801, %shift_right_arithmetic3A_802 : i32
      %mul3A_804 = arith.constant 128 : i32
      %mul3A_805 = arith.muli %shift_right_arithmetic3A_803, %mul3A_804 : i32
      %multiple_of3A_806 = tpu.assume_multiple %mul3A_805, 128 : i32
      %dma_start3A_807 = arith.constant 1 : i32
      %dma_start3A_808 = arith.constant 14 : i32
      %dma_start3A_809 = arith.constant 0 : i32
      %dma_start3A_810 = arith.constant 0 : i32
      %dma_start3A_811 = arith.constant 0 : i32
      %dma_start3A_812 = tpu.memref_slice %arg11[%dma_start3A_807, %dma_start3A_808, %dma_start3A_809, %dma_start3A_810, %dma_start3A_811] : memref<2x16x2x8x128xf32, #tpu.memory_space<vmem>> -> memref<1x1x2x8x128xf32, #tpu.memory_space<vmem>>
      %dma_start3A_813 = tpu.memref_squeeze %dma_start3A_812 : memref<1x1x2x8x128xf32, #tpu.memory_space<vmem>> -> memref<2x8x128xf32, #tpu.memory_space<vmem>>
      %dma_start3A_814 = arith.constant 0 : i32
      %dma_start3A_815 = arith.constant 0 : i32
      %dma_start3A_816 = tpu.memref_slice %arg4[%dma_start3A_814, %dma_start3A_815, %multiple_of3A_806] : memref<2x8x1000000xf32, #tpu.memory_space<hbm>> -> memref<2x8x128xf32, #tpu.memory_space<hbm>>
      %dma_start3A_817 = arith.constant 0 : i32
      %dma_start3A_818 = arith.constant 0 : i32
      %dma_start3A_819 = arith.constant 0 : i32
      %dma_start3A_820 = tpu.memref_slice %arg11[%dma_start3A_807, %dma_start3A_808, %dma_start3A_817, %dma_start3A_818, %dma_start3A_819] : memref<2x16x2x8x128xf32, #tpu.memory_space<vmem>> -> memref<1x1x2x8x128xf32, #tpu.memory_space<vmem>>
      %dma_start3A_821 = tpu.memref_squeeze %dma_start3A_820 : memref<1x1x2x8x128xf32, #tpu.memory_space<vmem>> -> memref<2x8x128xf32, #tpu.memory_space<vmem>>
      %dma_start3A_822 = arith.constant 0 : i32
      %dma_start3A_823 = arith.constant 0 : i32
      %dma_start3A_824 = tpu.memref_slice %arg4[%dma_start3A_822, %dma_start3A_823, %multiple_of3A_806] : memref<2x8x1000000xf32, #tpu.memory_space<hbm>> -> memref<2x8x128xf32, #tpu.memory_space<hbm>>
      tpu.enqueue_dma source(%dma_start3A_824 : memref<2x8x128xf32, #tpu.memory_space<hbm>>) target(%dma_start3A_821 : memref<2x8x128xf32, #tpu.memory_space<vmem>>) target_semaphore(%arg18 : memref<!tpu.dma_semaphore, #tpu.memory_space<semaphore_mem>>)
      %slice3A_825 = vector.extract_strided_slice %get3A_449 {offsets = [15], sizes = [1], strides = [1]} : vector<16xi32> to vector<1xi32>
      %squeeze3A_826 = vector.extract %slice3A_825[0] : i32 from vector<1xi32>
      %shift_right_arithmetic3A_827 = arith.constant 7 : i32
      %shift_right_arithmetic3A_828 = arith.shrsi %squeeze3A_826, %shift_right_arithmetic3A_827 : i32
      %mul3A_829 = arith.constant 128 : i32
      %mul3A_830 = arith.muli %shift_right_arithmetic3A_828, %mul3A_829 : i32
      %multiple_of3A_831 = tpu.assume_multiple %mul3A_830, 128 : i32
      %dma_start3A_832 = arith.constant 1 : i32
      %dma_start3A_833 = arith.constant 15 : i32
      %dma_start3A_834 = arith.constant 0 : i32
      %dma_start3A_835 = arith.constant 0 : i32
      %dma_start3A_836 = arith.constant 0 : i32
      %dma_start3A_837 = tpu.memref_slice %arg11[%dma_start3A_832, %dma_start3A_833, %dma_start3A_834, %dma_start3A_835, %dma_start3A_836] : memref<2x16x2x8x128xf32, #tpu.memory_space<vmem>> -> memref<1x1x2x8x128xf32, #tpu.memory_space<vmem>>
      %dma_start3A_838 = tpu.memref_squeeze %dma_start3A_837 : memref<1x1x2x8x128xf32, #tpu.memory_space<vmem>> -> memref<2x8x128xf32, #tpu.memory_space<vmem>>
      %dma_start3A_839 = arith.constant 0 : i32
      %dma_start3A_840 = arith.constant 0 : i32
      %dma_start3A_841 = tpu.memref_slice %arg4[%dma_start3A_839, %dma_start3A_840, %multiple_of3A_831] : memref<2x8x1000000xf32, #tpu.memory_space<hbm>> -> memref<2x8x128xf32, #tpu.memory_space<hbm>>
      %dma_start3A_842 = arith.constant 0 : i32
      %dma_start3A_843 = arith.constant 0 : i32
      %dma_start3A_844 = arith.constant 0 : i32
      %dma_start3A_845 = tpu.memref_slice %arg11[%dma_start3A_832, %dma_start3A_833, %dma_start3A_842, %dma_start3A_843, %dma_start3A_844] : memref<2x16x2x8x128xf32, #tpu.memory_space<vmem>> -> memref<1x1x2x8x128xf32, #tpu.memory_space<vmem>>
      %dma_start3A_846 = tpu.memref_squeeze %dma_start3A_845 : memref<1x1x2x8x128xf32, #tpu.memory_space<vmem>> -> memref<2x8x128xf32, #tpu.memory_space<vmem>>
      %dma_start3A_847 = arith.constant 0 : i32
      %dma_start3A_848 = arith.constant 0 : i32
      %dma_start3A_849 = tpu.memref_slice %arg4[%dma_start3A_847, %dma_start3A_848, %multiple_of3A_831] : memref<2x8x1000000xf32, #tpu.memory_space<hbm>> -> memref<2x8x128xf32, #tpu.memory_space<hbm>>
      tpu.enqueue_dma source(%dma_start3A_849 : memref<2x8x128xf32, #tpu.memory_space<hbm>>) target(%dma_start3A_846 : memref<2x8x128xf32, #tpu.memory_space<vmem>>) target_semaphore(%arg18 : memref<!tpu.dma_semaphore, #tpu.memory_space<semaphore_mem>>)
      %dma_start3A_850 = arith.constant 1 : i32
      %dma_start3A_851 = arith.constant 0 : i32
      %dma_start3A_852 = arith.constant 0 : i32
      %dma_start3A_853 = tpu.memref_slice %arg12[%dma_start3A_850, %dma_start3A_851, %dma_start3A_852] : memref<2x16x128xf32, #tpu.memory_space<vmem>> -> memref<1x16x128xf32, #tpu.memory_space<vmem>>
      %dma_start3A_854 = tpu.memref_squeeze %dma_start3A_853 : memref<1x16x128xf32, #tpu.memory_space<vmem>> -> memref<16x128xf32, #tpu.memory_space<vmem>>
      %dma_start3A_855 = tpu.memref_slice %arg10[%mul3A_447] : memref<512xi32, #tpu.memory_space<vmem>> -> memref<16xi32, #tpu.memory_space<vmem>>
      %dma_start3A_856 = arith.constant 0 : i32
      %dma_start3A_857 = arith.constant 0 : i32
      %dma_start3A_858 = tpu.memref_slice %arg7[%dma_start3A_856, %dma_start3A_857] : memref<12512x128xf32, #tpu.memory_space<hbm>> -> memref<12512x128xf32, #tpu.memory_space<hbm>>
      tpu.enqueue_indirect_dma source(%dma_start3A_858 : memref<12512x128xf32, #tpu.memory_space<hbm>>) target(%dma_start3A_854 : memref<16x128xf32, #tpu.memory_space<vmem>>) offsets(%dma_start3A_855 : memref<16xi32, #tpu.memory_space<vmem>>) semaphore(%arg19 : memref<!tpu.dma_semaphore, #tpu.memory_space<semaphore_mem>>)
      %dma_wait3A = arith.constant 0 : i32
      %dma_wait3A_859 = arith.constant 0 : i32
      %dma_wait3A_860 = arith.constant 0 : i32
      %dma_wait3A_861 = arith.constant 0 : i32
      %dma_wait3A_862 = arith.constant 0 : i32
      %dma_wait3A_863 = tpu.memref_slice %arg11[%dma_wait3A, %dma_wait3A_859, %dma_wait3A_860, %dma_wait3A_861, %dma_wait3A_862] : memref<2x16x2x8x128xf32, #tpu.memory_space<vmem>> -> memref<1x1x2x8x128xf32, #tpu.memory_space<vmem>>
      %dma_wait3A_864 = tpu.memref_squeeze %dma_wait3A_863 : memref<1x1x2x8x128xf32, #tpu.memory_space<vmem>> -> memref<2x8x128xf32, #tpu.memory_space<vmem>>
      %dma_wait3A_865 = arith.constant 0 : i32
      %dma_wait3A_866 = arith.constant 0 : i32
      %dma_wait3A_867 = arith.constant 0 : i32
      %dma_wait3A_868 = tpu.memref_slice %arg4[%dma_wait3A_865, %dma_wait3A_866, %dma_wait3A_867] : memref<2x8x1000000xf32, #tpu.memory_space<hbm>> -> memref<2x8x128xf32, #tpu.memory_space<hbm>>
      %dma_wait3A_869 = arith.constant 0 : i32
      %dma_wait3A_870 = arith.constant 0 : i32
      %dma_wait3A_871 = arith.constant 0 : i32
      %dma_wait3A_872 = tpu.memref_slice %arg11[%dma_wait3A, %dma_wait3A_859, %dma_wait3A_869, %dma_wait3A_870, %dma_wait3A_871] : memref<2x16x2x8x128xf32, #tpu.memory_space<vmem>> -> memref<1x1x2x8x128xf32, #tpu.memory_space<vmem>>
      %dma_wait3A_873 = tpu.memref_squeeze %dma_wait3A_872 : memref<1x1x2x8x128xf32, #tpu.memory_space<vmem>> -> memref<2x8x128xf32, #tpu.memory_space<vmem>>
      %dma_wait3A_874 = arith.constant 0 : i32
      %dma_wait3A_875 = arith.constant 0 : i32
      %dma_wait3A_876 = arith.constant 0 : i32
      %dma_wait3A_877 = tpu.memref_slice %arg4[%dma_wait3A_874, %dma_wait3A_875, %dma_wait3A_876] : memref<2x8x1000000xf32, #tpu.memory_space<hbm>> -> memref<2x8x128xf32, #tpu.memory_space<hbm>>
      tpu.wait_dma2 semaphore(%arg16 : memref<!tpu.dma_semaphore, #tpu.memory_space<semaphore_mem>>) src(%dma_wait3A_877 : memref<2x8x128xf32, #tpu.memory_space<hbm>>) dst(%dma_wait3A_873 : memref<2x8x128xf32, #tpu.memory_space<vmem>>)
      %dma_wait3A_878 = arith.constant 0 : i32
      %dma_wait3A_879 = arith.constant 0 : i32
      %dma_wait3A_880 = arith.constant 0 : i32
      %dma_wait3A_881 = arith.constant 0 : i32
      %dma_wait3A_882 = arith.constant 0 : i32
      %dma_wait3A_883 = tpu.memref_slice %arg11[%dma_wait3A_878, %dma_wait3A_879, %dma_wait3A_880, %dma_wait3A_881, %dma_wait3A_882] : memref<2x16x2x8x128xf32, #tpu.memory_space<vmem>> -> memref<1x1x2x8x128xf32, #tpu.memory_space<vmem>>
      %dma_wait3A_884 = tpu.memref_squeeze %dma_wait3A_883 : memref<1x1x2x8x128xf32, #tpu.memory_space<vmem>> -> memref<2x8x128xf32, #tpu.memory_space<vmem>>
      %dma_wait3A_885 = arith.constant 0 : i32
      %dma_wait3A_886 = arith.constant 0 : i32
      %dma_wait3A_887 = arith.constant 0 : i32
      %dma_wait3A_888 = tpu.memref_slice %arg4[%dma_wait3A_885, %dma_wait3A_886, %dma_wait3A_887] : memref<2x8x1000000xf32, #tpu.memory_space<hbm>> -> memref<2x8x128xf32, #tpu.memory_space<hbm>>
      %dma_wait3A_889 = arith.constant 0 : i32
      %dma_wait3A_890 = arith.constant 0 : i32
      %dma_wait3A_891 = arith.constant 0 : i32
      %dma_wait3A_892 = tpu.memref_slice %arg11[%dma_wait3A_878, %dma_wait3A_879, %dma_wait3A_889, %dma_wait3A_890, %dma_wait3A_891] : memref<2x16x2x8x128xf32, #tpu.memory_space<vmem>> -> memref<1x1x2x8x128xf32, #tpu.memory_space<vmem>>
      %dma_wait3A_893 = tpu.memref_squeeze %dma_wait3A_892 : memref<1x1x2x8x128xf32, #tpu.memory_space<vmem>> -> memref<2x8x128xf32, #tpu.memory_space<vmem>>
      %dma_wait3A_894 = arith.constant 0 : i32
      %dma_wait3A_895 = arith.constant 0 : i32
      %dma_wait3A_896 = arith.constant 0 : i32
      %dma_wait3A_897 = tpu.memref_slice %arg4[%dma_wait3A_894, %dma_wait3A_895, %dma_wait3A_896] : memref<2x8x1000000xf32, #tpu.memory_space<hbm>> -> memref<2x8x128xf32, #tpu.memory_space<hbm>>
      tpu.wait_dma2 semaphore(%arg16 : memref<!tpu.dma_semaphore, #tpu.memory_space<semaphore_mem>>) src(%dma_wait3A_897 : memref<2x8x128xf32, #tpu.memory_space<hbm>>) dst(%dma_wait3A_893 : memref<2x8x128xf32, #tpu.memory_space<vmem>>)
      %dma_wait3A_898 = arith.constant 0 : i32
      %dma_wait3A_899 = arith.constant 0 : i32
      %dma_wait3A_900 = arith.constant 0 : i32
      %dma_wait3A_901 = arith.constant 0 : i32
      %dma_wait3A_902 = arith.constant 0 : i32
      %dma_wait3A_903 = tpu.memref_slice %arg11[%dma_wait3A_898, %dma_wait3A_899, %dma_wait3A_900, %dma_wait3A_901, %dma_wait3A_902] : memref<2x16x2x8x128xf32, #tpu.memory_space<vmem>> -> memref<1x1x2x8x128xf32, #tpu.memory_space<vmem>>
      %dma_wait3A_904 = tpu.memref_squeeze %dma_wait3A_903 : memref<1x1x2x8x128xf32, #tpu.memory_space<vmem>> -> memref<2x8x128xf32, #tpu.memory_space<vmem>>
      %dma_wait3A_905 = arith.constant 0 : i32
      %dma_wait3A_906 = arith.constant 0 : i32
      %dma_wait3A_907 = arith.constant 0 : i32
      %dma_wait3A_908 = tpu.memref_slice %arg4[%dma_wait3A_905, %dma_wait3A_906, %dma_wait3A_907] : memref<2x8x1000000xf32, #tpu.memory_space<hbm>> -> memref<2x8x128xf32, #tpu.memory_space<hbm>>
      %dma_wait3A_909 = arith.constant 0 : i32
      %dma_wait3A_910 = arith.constant 0 : i32
      %dma_wait3A_911 = arith.constant 0 : i32
      %dma_wait3A_912 = tpu.memref_slice %arg11[%dma_wait3A_898, %dma_wait3A_899, %dma_wait3A_909, %dma_wait3A_910, %dma_wait3A_911] : memref<2x16x2x8x128xf32, #tpu.memory_space<vmem>> -> memref<1x1x2x8x128xf32, #tpu.memory_space<vmem>>
      %dma_wait3A_913 = tpu.memref_squeeze %dma_wait3A_912 : memref<1x1x2x8x128xf32, #tpu.memory_space<vmem>> -> memref<2x8x128xf32, #tpu.memory_space<vmem>>
      %dma_wait3A_914 = arith.constant 0 : i32
      %dma_wait3A_915 = arith.constant 0 : i32
      %dma_wait3A_916 = arith.constant 0 : i32
      %dma_wait3A_917 = tpu.memref_slice %arg4[%dma_wait3A_914, %dma_wait3A_915, %dma_wait3A_916] : memref<2x8x1000000xf32, #tpu.memory_space<hbm>> -> memref<2x8x128xf32, #tpu.memory_space<hbm>>
      tpu.wait_dma2 semaphore(%arg16 : memref<!tpu.dma_semaphore, #tpu.memory_space<semaphore_mem>>) src(%dma_wait3A_917 : memref<2x8x128xf32, #tpu.memory_space<hbm>>) dst(%dma_wait3A_913 : memref<2x8x128xf32, #tpu.memory_space<vmem>>)
      %dma_wait3A_918 = arith.constant 0 : i32
      %dma_wait3A_919 = arith.constant 0 : i32
      %dma_wait3A_920 = arith.constant 0 : i32
      %dma_wait3A_921 = arith.constant 0 : i32
      %dma_wait3A_922 = arith.constant 0 : i32
      %dma_wait3A_923 = tpu.memref_slice %arg11[%dma_wait3A_918, %dma_wait3A_919, %dma_wait3A_920, %dma_wait3A_921, %dma_wait3A_922] : memref<2x16x2x8x128xf32, #tpu.memory_space<vmem>> -> memref<1x1x2x8x128xf32, #tpu.memory_space<vmem>>
      %dma_wait3A_924 = tpu.memref_squeeze %dma_wait3A_923 : memref<1x1x2x8x128xf32, #tpu.memory_space<vmem>> -> memref<2x8x128xf32, #tpu.memory_space<vmem>>
      %dma_wait3A_925 = arith.constant 0 : i32
      %dma_wait3A_926 = arith.constant 0 : i32
      %dma_wait3A_927 = arith.constant 0 : i32
      %dma_wait3A_928 = tpu.memref_slice %arg4[%dma_wait3A_925, %dma_wait3A_926, %dma_wait3A_927] : memref<2x8x1000000xf32, #tpu.memory_space<hbm>> -> memref<2x8x128xf32, #tpu.memory_space<hbm>>
      %dma_wait3A_929 = arith.constant 0 : i32
      %dma_wait3A_930 = arith.constant 0 : i32
      %dma_wait3A_931 = arith.constant 0 : i32
      %dma_wait3A_932 = tpu.memref_slice %arg11[%dma_wait3A_918, %dma_wait3A_919, %dma_wait3A_929, %dma_wait3A_930, %dma_wait3A_931] : memref<2x16x2x8x128xf32, #tpu.memory_space<vmem>> -> memref<1x1x2x8x128xf32, #tpu.memory_space<vmem>>
      %dma_wait3A_933 = tpu.memref_squeeze %dma_wait3A_932 : memref<1x1x2x8x128xf32, #tpu.memory_space<vmem>> -> memref<2x8x128xf32, #tpu.memory_space<vmem>>
      %dma_wait3A_934 = arith.constant 0 : i32
      %dma_wait3A_935 = arith.constant 0 : i32
      %dma_wait3A_936 = arith.constant 0 : i32
      %dma_wait3A_937 = tpu.memref_slice %arg4[%dma_wait3A_934, %dma_wait3A_935, %dma_wait3A_936] : memref<2x8x1000000xf32, #tpu.memory_space<hbm>> -> memref<2x8x128xf32, #tpu.memory_space<hbm>>
      tpu.wait_dma2 semaphore(%arg16 : memref<!tpu.dma_semaphore, #tpu.memory_space<semaphore_mem>>) src(%dma_wait3A_937 : memref<2x8x128xf32, #tpu.memory_space<hbm>>) dst(%dma_wait3A_933 : memref<2x8x128xf32, #tpu.memory_space<vmem>>)
      %dma_wait3A_938 = arith.constant 0 : i32
      %dma_wait3A_939 = arith.constant 0 : i32
      %dma_wait3A_940 = arith.constant 0 : i32
      %dma_wait3A_941 = arith.constant 0 : i32
      %dma_wait3A_942 = arith.constant 0 : i32
      %dma_wait3A_943 = tpu.memref_slice %arg11[%dma_wait3A_938, %dma_wait3A_939, %dma_wait3A_940, %dma_wait3A_941, %dma_wait3A_942] : memref<2x16x2x8x128xf32, #tpu.memory_space<vmem>> -> memref<1x1x2x8x128xf32, #tpu.memory_space<vmem>>
      %dma_wait3A_944 = tpu.memref_squeeze %dma_wait3A_943 : memref<1x1x2x8x128xf32, #tpu.memory_space<vmem>> -> memref<2x8x128xf32, #tpu.memory_space<vmem>>
      %dma_wait3A_945 = arith.constant 0 : i32
      %dma_wait3A_946 = arith.constant 0 : i32
      %dma_wait3A_947 = arith.constant 0 : i32
      %dma_wait3A_948 = tpu.memref_slice %arg4[%dma_wait3A_945, %dma_wait3A_946, %dma_wait3A_947] : memref<2x8x1000000xf32, #tpu.memory_space<hbm>> -> memref<2x8x128xf32, #tpu.memory_space<hbm>>
      %dma_wait3A_949 = arith.constant 0 : i32
      %dma_wait3A_950 = arith.constant 0 : i32
      %dma_wait3A_951 = arith.constant 0 : i32
      %dma_wait3A_952 = tpu.memref_slice %arg11[%dma_wait3A_938, %dma_wait3A_939, %dma_wait3A_949, %dma_wait3A_950, %dma_wait3A_951] : memref<2x16x2x8x128xf32, #tpu.memory_space<vmem>> -> memref<1x1x2x8x128xf32, #tpu.memory_space<vmem>>
      %dma_wait3A_953 = tpu.memref_squeeze %dma_wait3A_952 : memref<1x1x2x8x128xf32, #tpu.memory_space<vmem>> -> memref<2x8x128xf32, #tpu.memory_space<vmem>>
      %dma_wait3A_954 = arith.constant 0 : i32
      %dma_wait3A_955 = arith.constant 0 : i32
      %dma_wait3A_956 = arith.constant 0 : i32
      %dma_wait3A_957 = tpu.memref_slice %arg4[%dma_wait3A_954, %dma_wait3A_955, %dma_wait3A_956] : memref<2x8x1000000xf32, #tpu.memory_space<hbm>> -> memref<2x8x128xf32, #tpu.memory_space<hbm>>
      tpu.wait_dma2 semaphore(%arg16 : memref<!tpu.dma_semaphore, #tpu.memory_space<semaphore_mem>>) src(%dma_wait3A_957 : memref<2x8x128xf32, #tpu.memory_space<hbm>>) dst(%dma_wait3A_953 : memref<2x8x128xf32, #tpu.memory_space<vmem>>)
      %dma_wait3A_958 = arith.constant 0 : i32
      %dma_wait3A_959 = arith.constant 0 : i32
      %dma_wait3A_960 = arith.constant 0 : i32
      %dma_wait3A_961 = arith.constant 0 : i32
      %dma_wait3A_962 = arith.constant 0 : i32
      %dma_wait3A_963 = tpu.memref_slice %arg11[%dma_wait3A_958, %dma_wait3A_959, %dma_wait3A_960, %dma_wait3A_961, %dma_wait3A_962] : memref<2x16x2x8x128xf32, #tpu.memory_space<vmem>> -> memref<1x1x2x8x128xf32, #tpu.memory_space<vmem>>
      %dma_wait3A_964 = tpu.memref_squeeze %dma_wait3A_963 : memref<1x1x2x8x128xf32, #tpu.memory_space<vmem>> -> memref<2x8x128xf32, #tpu.memory_space<vmem>>
      %dma_wait3A_965 = arith.constant 0 : i32
      %dma_wait3A_966 = arith.constant 0 : i32
      %dma_wait3A_967 = arith.constant 0 : i32
      %dma_wait3A_968 = tpu.memref_slice %arg4[%dma_wait3A_965, %dma_wait3A_966, %dma_wait3A_967] : memref<2x8x1000000xf32, #tpu.memory_space<hbm>> -> memref<2x8x128xf32, #tpu.memory_space<hbm>>
      %dma_wait3A_969 = arith.constant 0 : i32
      %dma_wait3A_970 = arith.constant 0 : i32
      %dma_wait3A_971 = arith.constant 0 : i32
      %dma_wait3A_972 = tpu.memref_slice %arg11[%dma_wait3A_958, %dma_wait3A_959, %dma_wait3A_969, %dma_wait3A_970, %dma_wait3A_971] : memref<2x16x2x8x128xf32, #tpu.memory_space<vmem>> -> memref<1x1x2x8x128xf32, #tpu.memory_space<vmem>>
      %dma_wait3A_973 = tpu.memref_squeeze %dma_wait3A_972 : memref<1x1x2x8x128xf32, #tpu.memory_space<vmem>> -> memref<2x8x128xf32, #tpu.memory_space<vmem>>
      %dma_wait3A_974 = arith.constant 0 : i32
      %dma_wait3A_975 = arith.constant 0 : i32
      %dma_wait3A_976 = arith.constant 0 : i32
      %dma_wait3A_977 = tpu.memref_slice %arg4[%dma_wait3A_974, %dma_wait3A_975, %dma_wait3A_976] : memref<2x8x1000000xf32, #tpu.memory_space<hbm>> -> memref<2x8x128xf32, #tpu.memory_space<hbm>>
      tpu.wait_dma2 semaphore(%arg16 : memref<!tpu.dma_semaphore, #tpu.memory_space<semaphore_mem>>) src(%dma_wait3A_977 : memref<2x8x128xf32, #tpu.memory_space<hbm>>) dst(%dma_wait3A_973 : memref<2x8x128xf32, #tpu.memory_space<vmem>>)
      %dma_wait3A_978 = arith.constant 0 : i32
      %dma_wait3A_979 = arith.constant 0 : i32
      %dma_wait3A_980 = arith.constant 0 : i32
      %dma_wait3A_981 = arith.constant 0 : i32
      %dma_wait3A_982 = arith.constant 0 : i32
      %dma_wait3A_983 = tpu.memref_slice %arg11[%dma_wait3A_978, %dma_wait3A_979, %dma_wait3A_980, %dma_wait3A_981, %dma_wait3A_982] : memref<2x16x2x8x128xf32, #tpu.memory_space<vmem>> -> memref<1x1x2x8x128xf32, #tpu.memory_space<vmem>>
      %dma_wait3A_984 = tpu.memref_squeeze %dma_wait3A_983 : memref<1x1x2x8x128xf32, #tpu.memory_space<vmem>> -> memref<2x8x128xf32, #tpu.memory_space<vmem>>
      %dma_wait3A_985 = arith.constant 0 : i32
      %dma_wait3A_986 = arith.constant 0 : i32
      %dma_wait3A_987 = arith.constant 0 : i32
      %dma_wait3A_988 = tpu.memref_slice %arg4[%dma_wait3A_985, %dma_wait3A_986, %dma_wait3A_987] : memref<2x8x1000000xf32, #tpu.memory_space<hbm>> -> memref<2x8x128xf32, #tpu.memory_space<hbm>>
      %dma_wait3A_989 = arith.constant 0 : i32
      %dma_wait3A_990 = arith.constant 0 : i32
      %dma_wait3A_991 = arith.constant 0 : i32
      %dma_wait3A_992 = tpu.memref_slice %arg11[%dma_wait3A_978, %dma_wait3A_979, %dma_wait3A_989, %dma_wait3A_990, %dma_wait3A_991] : memref<2x16x2x8x128xf32, #tpu.memory_space<vmem>> -> memref<1x1x2x8x128xf32, #tpu.memory_space<vmem>>
      %dma_wait3A_993 = tpu.memref_squeeze %dma_wait3A_992 : memref<1x1x2x8x128xf32, #tpu.memory_space<vmem>> -> memref<2x8x128xf32, #tpu.memory_space<vmem>>
      %dma_wait3A_994 = arith.constant 0 : i32
      %dma_wait3A_995 = arith.constant 0 : i32
      %dma_wait3A_996 = arith.constant 0 : i32
      %dma_wait3A_997 = tpu.memref_slice %arg4[%dma_wait3A_994, %dma_wait3A_995, %dma_wait3A_996] : memref<2x8x1000000xf32, #tpu.memory_space<hbm>> -> memref<2x8x128xf32, #tpu.memory_space<hbm>>
      tpu.wait_dma2 semaphore(%arg16 : memref<!tpu.dma_semaphore, #tpu.memory_space<semaphore_mem>>) src(%dma_wait3A_997 : memref<2x8x128xf32, #tpu.memory_space<hbm>>) dst(%dma_wait3A_993 : memref<2x8x128xf32, #tpu.memory_space<vmem>>)
      %dma_wait3A_998 = arith.constant 0 : i32
      %dma_wait3A_999 = arith.constant 0 : i32
      %dma_wait3A_1000 = arith.constant 0 : i32
      %dma_wait3A_1001 = arith.constant 0 : i32
      %dma_wait3A_1002 = arith.constant 0 : i32
      %dma_wait3A_1003 = tpu.memref_slice %arg11[%dma_wait3A_998, %dma_wait3A_999, %dma_wait3A_1000, %dma_wait3A_1001, %dma_wait3A_1002] : memref<2x16x2x8x128xf32, #tpu.memory_space<vmem>> -> memref<1x1x2x8x128xf32, #tpu.memory_space<vmem>>
      %dma_wait3A_1004 = tpu.memref_squeeze %dma_wait3A_1003 : memref<1x1x2x8x128xf32, #tpu.memory_space<vmem>> -> memref<2x8x128xf32, #tpu.memory_space<vmem>>
      %dma_wait3A_1005 = arith.constant 0 : i32
      %dma_wait3A_1006 = arith.constant 0 : i32
      %dma_wait3A_1007 = arith.constant 0 : i32
      %dma_wait3A_1008 = tpu.memref_slice %arg4[%dma_wait3A_1005, %dma_wait3A_1006, %dma_wait3A_1007] : memref<2x8x1000000xf32, #tpu.memory_space<hbm>> -> memref<2x8x128xf32, #tpu.memory_space<hbm>>
      %dma_wait3A_1009 = arith.constant 0 : i32
      %dma_wait3A_1010 = arith.constant 0 : i32
      %dma_wait3A_1011 = arith.constant 0 : i32
      %dma_wait3A_1012 = tpu.memref_slice %arg11[%dma_wait3A_998, %dma_wait3A_999, %dma_wait3A_1009, %dma_wait3A_1010, %dma_wait3A_1011] : memref<2x16x2x8x128xf32, #tpu.memory_space<vmem>> -> memref<1x1x2x8x128xf32, #tpu.memory_space<vmem>>
      %dma_wait3A_1013 = tpu.memref_squeeze %dma_wait3A_1012 : memref<1x1x2x8x128xf32, #tpu.memory_space<vmem>> -> memref<2x8x128xf32, #tpu.memory_space<vmem>>
      %dma_wait3A_1014 = arith.constant 0 : i32
      %dma_wait3A_1015 = arith.constant 0 : i32
      %dma_wait3A_1016 = arith.constant 0 : i32
      %dma_wait3A_1017 = tpu.memref_slice %arg4[%dma_wait3A_1014, %dma_wait3A_1015, %dma_wait3A_1016] : memref<2x8x1000000xf32, #tpu.memory_space<hbm>> -> memref<2x8x128xf32, #tpu.memory_space<hbm>>
      tpu.wait_dma2 semaphore(%arg16 : memref<!tpu.dma_semaphore, #tpu.memory_space<semaphore_mem>>) src(%dma_wait3A_1017 : memref<2x8x128xf32, #tpu.memory_space<hbm>>) dst(%dma_wait3A_1013 : memref<2x8x128xf32, #tpu.memory_space<vmem>>)
      %dma_wait3A_1018 = arith.constant 0 : i32
      %dma_wait3A_1019 = arith.constant 0 : i32
      %dma_wait3A_1020 = arith.constant 0 : i32
      %dma_wait3A_1021 = arith.constant 0 : i32
      %dma_wait3A_1022 = arith.constant 0 : i32
      %dma_wait3A_1023 = tpu.memref_slice %arg11[%dma_wait3A_1018, %dma_wait3A_1019, %dma_wait3A_1020, %dma_wait3A_1021, %dma_wait3A_1022] : memref<2x16x2x8x128xf32, #tpu.memory_space<vmem>> -> memref<1x1x2x8x128xf32, #tpu.memory_space<vmem>>
      %dma_wait3A_1024 = tpu.memref_squeeze %dma_wait3A_1023 : memref<1x1x2x8x128xf32, #tpu.memory_space<vmem>> -> memref<2x8x128xf32, #tpu.memory_space<vmem>>
      %dma_wait3A_1025 = arith.constant 0 : i32
      %dma_wait3A_1026 = arith.constant 0 : i32
      %dma_wait3A_1027 = arith.constant 0 : i32
      %dma_wait3A_1028 = tpu.memref_slice %arg4[%dma_wait3A_1025, %dma_wait3A_1026, %dma_wait3A_1027] : memref<2x8x1000000xf32, #tpu.memory_space<hbm>> -> memref<2x8x128xf32, #tpu.memory_space<hbm>>
      %dma_wait3A_1029 = arith.constant 0 : i32
      %dma_wait3A_1030 = arith.constant 0 : i32
      %dma_wait3A_1031 = arith.constant 0 : i32
      %dma_wait3A_1032 = tpu.memref_slice %arg11[%dma_wait3A_1018, %dma_wait3A_1019, %dma_wait3A_1029, %dma_wait3A_1030, %dma_wait3A_1031] : memref<2x16x2x8x128xf32, #tpu.memory_space<vmem>> -> memref<1x1x2x8x128xf32, #tpu.memory_space<vmem>>
      %dma_wait3A_1033 = tpu.memref_squeeze %dma_wait3A_1032 : memref<1x1x2x8x128xf32, #tpu.memory_space<vmem>> -> memref<2x8x128xf32, #tpu.memory_space<vmem>>
      %dma_wait3A_1034 = arith.constant 0 : i32
      %dma_wait3A_1035 = arith.constant 0 : i32
      %dma_wait3A_1036 = arith.constant 0 : i32
      %dma_wait3A_1037 = tpu.memref_slice %arg4[%dma_wait3A_1034, %dma_wait3A_1035, %dma_wait3A_1036] : memref<2x8x1000000xf32, #tpu.memory_space<hbm>> -> memref<2x8x128xf32, #tpu.memory_space<hbm>>
      tpu.wait_dma2 semaphore(%arg16 : memref<!tpu.dma_semaphore, #tpu.memory_space<semaphore_mem>>) src(%dma_wait3A_1037 : memref<2x8x128xf32, #tpu.memory_space<hbm>>) dst(%dma_wait3A_1033 : memref<2x8x128xf32, #tpu.memory_space<vmem>>)
      %dma_wait3A_1038 = arith.constant 0 : i32
      %dma_wait3A_1039 = arith.constant 0 : i32
      %dma_wait3A_1040 = arith.constant 0 : i32
      %dma_wait3A_1041 = arith.constant 0 : i32
      %dma_wait3A_1042 = arith.constant 0 : i32
      %dma_wait3A_1043 = tpu.memref_slice %arg11[%dma_wait3A_1038, %dma_wait3A_1039, %dma_wait3A_1040, %dma_wait3A_1041, %dma_wait3A_1042] : memref<2x16x2x8x128xf32, #tpu.memory_space<vmem>> -> memref<1x1x2x8x128xf32, #tpu.memory_space<vmem>>
      %dma_wait3A_1044 = tpu.memref_squeeze %dma_wait3A_1043 : memref<1x1x2x8x128xf32, #tpu.memory_space<vmem>> -> memref<2x8x128xf32, #tpu.memory_space<vmem>>
      %dma_wait3A_1045 = arith.constant 0 : i32
      %dma_wait3A_1046 = arith.constant 0 : i32
      %dma_wait3A_1047 = arith.constant 0 : i32
      %dma_wait3A_1048 = tpu.memref_slice %arg4[%dma_wait3A_1045, %dma_wait3A_1046, %dma_wait3A_1047] : memref<2x8x1000000xf32, #tpu.memory_space<hbm>> -> memref<2x8x128xf32, #tpu.memory_space<hbm>>
      %dma_wait3A_1049 = arith.constant 0 : i32
      %dma_wait3A_1050 = arith.constant 0 : i32
      %dma_wait3A_1051 = arith.constant 0 : i32
      %dma_wait3A_1052 = tpu.memref_slice %arg11[%dma_wait3A_1038, %dma_wait3A_1039, %dma_wait3A_1049, %dma_wait3A_1050, %dma_wait3A_1051] : memref<2x16x2x8x128xf32, #tpu.memory_space<vmem>> -> memref<1x1x2x8x128xf32, #tpu.memory_space<vmem>>
      %dma_wait3A_1053 = tpu.memref_squeeze %dma_wait3A_1052 : memref<1x1x2x8x128xf32, #tpu.memory_space<vmem>> -> memref<2x8x128xf32, #tpu.memory_space<vmem>>
      %dma_wait3A_1054 = arith.constant 0 : i32
      %dma_wait3A_1055 = arith.constant 0 : i32
      %dma_wait3A_1056 = arith.constant 0 : i32
      %dma_wait3A_1057 = tpu.memref_slice %arg4[%dma_wait3A_1054, %dma_wait3A_1055, %dma_wait3A_1056] : memref<2x8x1000000xf32, #tpu.memory_space<hbm>> -> memref<2x8x128xf32, #tpu.memory_space<hbm>>
      tpu.wait_dma2 semaphore(%arg16 : memref<!tpu.dma_semaphore, #tpu.memory_space<semaphore_mem>>) src(%dma_wait3A_1057 : memref<2x8x128xf32, #tpu.memory_space<hbm>>) dst(%dma_wait3A_1053 : memref<2x8x128xf32, #tpu.memory_space<vmem>>)
      %dma_wait3A_1058 = arith.constant 0 : i32
      %dma_wait3A_1059 = arith.constant 0 : i32
      %dma_wait3A_1060 = arith.constant 0 : i32
      %dma_wait3A_1061 = arith.constant 0 : i32
      %dma_wait3A_1062 = arith.constant 0 : i32
      %dma_wait3A_1063 = tpu.memref_slice %arg11[%dma_wait3A_1058, %dma_wait3A_1059, %dma_wait3A_1060, %dma_wait3A_1061, %dma_wait3A_1062] : memref<2x16x2x8x128xf32, #tpu.memory_space<vmem>> -> memref<1x1x2x8x128xf32, #tpu.memory_space<vmem>>
      %dma_wait3A_1064 = tpu.memref_squeeze %dma_wait3A_1063 : memref<1x1x2x8x128xf32, #tpu.memory_space<vmem>> -> memref<2x8x128xf32, #tpu.memory_space<vmem>>
      %dma_wait3A_1065 = arith.constant 0 : i32
      %dma_wait3A_1066 = arith.constant 0 : i32
      %dma_wait3A_1067 = arith.constant 0 : i32
      %dma_wait3A_1068 = tpu.memref_slice %arg4[%dma_wait3A_1065, %dma_wait3A_1066, %dma_wait3A_1067] : memref<2x8x1000000xf32, #tpu.memory_space<hbm>> -> memref<2x8x128xf32, #tpu.memory_space<hbm>>
      %dma_wait3A_1069 = arith.constant 0 : i32
      %dma_wait3A_1070 = arith.constant 0 : i32
      %dma_wait3A_1071 = arith.constant 0 : i32
      %dma_wait3A_1072 = tpu.memref_slice %arg11[%dma_wait3A_1058, %dma_wait3A_1059, %dma_wait3A_1069, %dma_wait3A_1070, %dma_wait3A_1071] : memref<2x16x2x8x128xf32, #tpu.memory_space<vmem>> -> memref<1x1x2x8x128xf32, #tpu.memory_space<vmem>>
      %dma_wait3A_1073 = tpu.memref_squeeze %dma_wait3A_1072 : memref<1x1x2x8x128xf32, #tpu.memory_space<vmem>> -> memref<2x8x128xf32, #tpu.memory_space<vmem>>
      %dma_wait3A_1074 = arith.constant 0 : i32
      %dma_wait3A_1075 = arith.constant 0 : i32
      %dma_wait3A_1076 = arith.constant 0 : i32
      %dma_wait3A_1077 = tpu.memref_slice %arg4[%dma_wait3A_1074, %dma_wait3A_1075, %dma_wait3A_1076] : memref<2x8x1000000xf32, #tpu.memory_space<hbm>> -> memref<2x8x128xf32, #tpu.memory_space<hbm>>
      tpu.wait_dma2 semaphore(%arg16 : memref<!tpu.dma_semaphore, #tpu.memory_space<semaphore_mem>>) src(%dma_wait3A_1077 : memref<2x8x128xf32, #tpu.memory_space<hbm>>) dst(%dma_wait3A_1073 : memref<2x8x128xf32, #tpu.memory_space<vmem>>)
      %dma_wait3A_1078 = arith.constant 0 : i32
      %dma_wait3A_1079 = arith.constant 0 : i32
      %dma_wait3A_1080 = arith.constant 0 : i32
      %dma_wait3A_1081 = arith.constant 0 : i32
      %dma_wait3A_1082 = arith.constant 0 : i32
      %dma_wait3A_1083 = tpu.memref_slice %arg11[%dma_wait3A_1078, %dma_wait3A_1079, %dma_wait3A_1080, %dma_wait3A_1081, %dma_wait3A_1082] : memref<2x16x2x8x128xf32, #tpu.memory_space<vmem>> -> memref<1x1x2x8x128xf32, #tpu.memory_space<vmem>>
      %dma_wait3A_1084 = tpu.memref_squeeze %dma_wait3A_1083 : memref<1x1x2x8x128xf32, #tpu.memory_space<vmem>> -> memref<2x8x128xf32, #tpu.memory_space<vmem>>
      %dma_wait3A_1085 = arith.constant 0 : i32
      %dma_wait3A_1086 = arith.constant 0 : i32
      %dma_wait3A_1087 = arith.constant 0 : i32
      %dma_wait3A_1088 = tpu.memref_slice %arg4[%dma_wait3A_1085, %dma_wait3A_1086, %dma_wait3A_1087] : memref<2x8x1000000xf32, #tpu.memory_space<hbm>> -> memref<2x8x128xf32, #tpu.memory_space<hbm>>
      %dma_wait3A_1089 = arith.constant 0 : i32
      %dma_wait3A_1090 = arith.constant 0 : i32
      %dma_wait3A_1091 = arith.constant 0 : i32
      %dma_wait3A_1092 = tpu.memref_slice %arg11[%dma_wait3A_1078, %dma_wait3A_1079, %dma_wait3A_1089, %dma_wait3A_1090, %dma_wait3A_1091] : memref<2x16x2x8x128xf32, #tpu.memory_space<vmem>> -> memref<1x1x2x8x128xf32, #tpu.memory_space<vmem>>
      %dma_wait3A_1093 = tpu.memref_squeeze %dma_wait3A_1092 : memref<1x1x2x8x128xf32, #tpu.memory_space<vmem>> -> memref<2x8x128xf32, #tpu.memory_space<vmem>>
      %dma_wait3A_1094 = arith.constant 0 : i32
      %dma_wait3A_1095 = arith.constant 0 : i32
      %dma_wait3A_1096 = arith.constant 0 : i32
      %dma_wait3A_1097 = tpu.memref_slice %arg4[%dma_wait3A_1094, %dma_wait3A_1095, %dma_wait3A_1096] : memref<2x8x1000000xf32, #tpu.memory_space<hbm>> -> memref<2x8x128xf32, #tpu.memory_space<hbm>>
      tpu.wait_dma2 semaphore(%arg16 : memref<!tpu.dma_semaphore, #tpu.memory_space<semaphore_mem>>) src(%dma_wait3A_1097 : memref<2x8x128xf32, #tpu.memory_space<hbm>>) dst(%dma_wait3A_1093 : memref<2x8x128xf32, #tpu.memory_space<vmem>>)
      %dma_wait3A_1098 = arith.constant 0 : i32
      %dma_wait3A_1099 = arith.constant 0 : i32
      %dma_wait3A_1100 = arith.constant 0 : i32
      %dma_wait3A_1101 = arith.constant 0 : i32
      %dma_wait3A_1102 = arith.constant 0 : i32
      %dma_wait3A_1103 = tpu.memref_slice %arg11[%dma_wait3A_1098, %dma_wait3A_1099, %dma_wait3A_1100, %dma_wait3A_1101, %dma_wait3A_1102] : memref<2x16x2x8x128xf32, #tpu.memory_space<vmem>> -> memref<1x1x2x8x128xf32, #tpu.memory_space<vmem>>
      %dma_wait3A_1104 = tpu.memref_squeeze %dma_wait3A_1103 : memref<1x1x2x8x128xf32, #tpu.memory_space<vmem>> -> memref<2x8x128xf32, #tpu.memory_space<vmem>>
      %dma_wait3A_1105 = arith.constant 0 : i32
      %dma_wait3A_1106 = arith.constant 0 : i32
      %dma_wait3A_1107 = arith.constant 0 : i32
      %dma_wait3A_1108 = tpu.memref_slice %arg4[%dma_wait3A_1105, %dma_wait3A_1106, %dma_wait3A_1107] : memref<2x8x1000000xf32, #tpu.memory_space<hbm>> -> memref<2x8x128xf32, #tpu.memory_space<hbm>>
      %dma_wait3A_1109 = arith.constant 0 : i32
      %dma_wait3A_1110 = arith.constant 0 : i32
      %dma_wait3A_1111 = arith.constant 0 : i32
      %dma_wait3A_1112 = tpu.memref_slice %arg11[%dma_wait3A_1098, %dma_wait3A_1099, %dma_wait3A_1109, %dma_wait3A_1110, %dma_wait3A_1111] : memref<2x16x2x8x128xf32, #tpu.memory_space<vmem>> -> memref<1x1x2x8x128xf32, #tpu.memory_space<vmem>>
      %dma_wait3A_1113 = tpu.memref_squeeze %dma_wait3A_1112 : memref<1x1x2x8x128xf32, #tpu.memory_space<vmem>> -> memref<2x8x128xf32, #tpu.memory_space<vmem>>
      %dma_wait3A_1114 = arith.constant 0 : i32
      %dma_wait3A_1115 = arith.constant 0 : i32
      %dma_wait3A_1116 = arith.constant 0 : i32
      %dma_wait3A_1117 = tpu.memref_slice %arg4[%dma_wait3A_1114, %dma_wait3A_1115, %dma_wait3A_1116] : memref<2x8x1000000xf32, #tpu.memory_space<hbm>> -> memref<2x8x128xf32, #tpu.memory_space<hbm>>
      tpu.wait_dma2 semaphore(%arg16 : memref<!tpu.dma_semaphore, #tpu.memory_space<semaphore_mem>>) src(%dma_wait3A_1117 : memref<2x8x128xf32, #tpu.memory_space<hbm>>) dst(%dma_wait3A_1113 : memref<2x8x128xf32, #tpu.memory_space<vmem>>)
      %dma_wait3A_1118 = arith.constant 0 : i32
      %dma_wait3A_1119 = arith.constant 0 : i32
      %dma_wait3A_1120 = arith.constant 0 : i32
      %dma_wait3A_1121 = arith.constant 0 : i32
      %dma_wait3A_1122 = arith.constant 0 : i32
      %dma_wait3A_1123 = tpu.memref_slice %arg11[%dma_wait3A_1118, %dma_wait3A_1119, %dma_wait3A_1120, %dma_wait3A_1121, %dma_wait3A_1122] : memref<2x16x2x8x128xf32, #tpu.memory_space<vmem>> -> memref<1x1x2x8x128xf32, #tpu.memory_space<vmem>>
      %dma_wait3A_1124 = tpu.memref_squeeze %dma_wait3A_1123 : memref<1x1x2x8x128xf32, #tpu.memory_space<vmem>> -> memref<2x8x128xf32, #tpu.memory_space<vmem>>
      %dma_wait3A_1125 = arith.constant 0 : i32
      %dma_wait3A_1126 = arith.constant 0 : i32
      %dma_wait3A_1127 = arith.constant 0 : i32
      %dma_wait3A_1128 = tpu.memref_slice %arg4[%dma_wait3A_1125, %dma_wait3A_1126, %dma_wait3A_1127] : memref<2x8x1000000xf32, #tpu.memory_space<hbm>> -> memref<2x8x128xf32, #tpu.memory_space<hbm>>
      %dma_wait3A_1129 = arith.constant 0 : i32
      %dma_wait3A_1130 = arith.constant 0 : i32
      %dma_wait3A_1131 = arith.constant 0 : i32
      %dma_wait3A_1132 = tpu.memref_slice %arg11[%dma_wait3A_1118, %dma_wait3A_1119, %dma_wait3A_1129, %dma_wait3A_1130, %dma_wait3A_1131] : memref<2x16x2x8x128xf32, #tpu.memory_space<vmem>> -> memref<1x1x2x8x128xf32, #tpu.memory_space<vmem>>
      %dma_wait3A_1133 = tpu.memref_squeeze %dma_wait3A_1132 : memref<1x1x2x8x128xf32, #tpu.memory_space<vmem>> -> memref<2x8x128xf32, #tpu.memory_space<vmem>>
      %dma_wait3A_1134 = arith.constant 0 : i32
      %dma_wait3A_1135 = arith.constant 0 : i32
      %dma_wait3A_1136 = arith.constant 0 : i32
      %dma_wait3A_1137 = tpu.memref_slice %arg4[%dma_wait3A_1134, %dma_wait3A_1135, %dma_wait3A_1136] : memref<2x8x1000000xf32, #tpu.memory_space<hbm>> -> memref<2x8x128xf32, #tpu.memory_space<hbm>>
      tpu.wait_dma2 semaphore(%arg16 : memref<!tpu.dma_semaphore, #tpu.memory_space<semaphore_mem>>) src(%dma_wait3A_1137 : memref<2x8x128xf32, #tpu.memory_space<hbm>>) dst(%dma_wait3A_1133 : memref<2x8x128xf32, #tpu.memory_space<vmem>>)
      %dma_wait3A_1138 = arith.constant 0 : i32
      %dma_wait3A_1139 = arith.constant 0 : i32
      %dma_wait3A_1140 = arith.constant 0 : i32
      %dma_wait3A_1141 = arith.constant 0 : i32
      %dma_wait3A_1142 = arith.constant 0 : i32
      %dma_wait3A_1143 = tpu.memref_slice %arg11[%dma_wait3A_1138, %dma_wait3A_1139, %dma_wait3A_1140, %dma_wait3A_1141, %dma_wait3A_1142] : memref<2x16x2x8x128xf32, #tpu.memory_space<vmem>> -> memref<1x1x2x8x128xf32, #tpu.memory_space<vmem>>
      %dma_wait3A_1144 = tpu.memref_squeeze %dma_wait3A_1143 : memref<1x1x2x8x128xf32, #tpu.memory_space<vmem>> -> memref<2x8x128xf32, #tpu.memory_space<vmem>>
      %dma_wait3A_1145 = arith.constant 0 : i32
      %dma_wait3A_1146 = arith.constant 0 : i32
      %dma_wait3A_1147 = arith.constant 0 : i32
      %dma_wait3A_1148 = tpu.memref_slice %arg4[%dma_wait3A_1145, %dma_wait3A_1146, %dma_wait3A_1147] : memref<2x8x1000000xf32, #tpu.memory_space<hbm>> -> memref<2x8x128xf32, #tpu.memory_space<hbm>>
      %dma_wait3A_1149 = arith.constant 0 : i32
      %dma_wait3A_1150 = arith.constant 0 : i32
      %dma_wait3A_1151 = arith.constant 0 : i32
      %dma_wait3A_1152 = tpu.memref_slice %arg11[%dma_wait3A_1138, %dma_wait3A_1139, %dma_wait3A_1149, %dma_wait3A_1150, %dma_wait3A_1151] : memref<2x16x2x8x128xf32, #tpu.memory_space<vmem>> -> memref<1x1x2x8x128xf32, #tpu.memory_space<vmem>>
      %dma_wait3A_1153 = tpu.memref_squeeze %dma_wait3A_1152 : memref<1x1x2x8x128xf32, #tpu.memory_space<vmem>> -> memref<2x8x128xf32, #tpu.memory_space<vmem>>
      %dma_wait3A_1154 = arith.constant 0 : i32
      %dma_wait3A_1155 = arith.constant 0 : i32
      %dma_wait3A_1156 = arith.constant 0 : i32
      %dma_wait3A_1157 = tpu.memref_slice %arg4[%dma_wait3A_1154, %dma_wait3A_1155, %dma_wait3A_1156] : memref<2x8x1000000xf32, #tpu.memory_space<hbm>> -> memref<2x8x128xf32, #tpu.memory_space<hbm>>
      tpu.wait_dma2 semaphore(%arg16 : memref<!tpu.dma_semaphore, #tpu.memory_space<semaphore_mem>>) src(%dma_wait3A_1157 : memref<2x8x128xf32, #tpu.memory_space<hbm>>) dst(%dma_wait3A_1153 : memref<2x8x128xf32, #tpu.memory_space<vmem>>)
      %dma_wait3A_1158 = arith.constant 0 : i32
      %dma_wait3A_1159 = arith.constant 0 : i32
      %dma_wait3A_1160 = arith.constant 0 : i32
      %dma_wait3A_1161 = arith.constant 0 : i32
      %dma_wait3A_1162 = arith.constant 0 : i32
      %dma_wait3A_1163 = tpu.memref_slice %arg11[%dma_wait3A_1158, %dma_wait3A_1159, %dma_wait3A_1160, %dma_wait3A_1161, %dma_wait3A_1162] : memref<2x16x2x8x128xf32, #tpu.memory_space<vmem>> -> memref<1x1x2x8x128xf32, #tpu.memory_space<vmem>>
      %dma_wait3A_1164 = tpu.memref_squeeze %dma_wait3A_1163 : memref<1x1x2x8x128xf32, #tpu.memory_space<vmem>> -> memref<2x8x128xf32, #tpu.memory_space<vmem>>
      %dma_wait3A_1165 = arith.constant 0 : i32
      %dma_wait3A_1166 = arith.constant 0 : i32
      %dma_wait3A_1167 = arith.constant 0 : i32
      %dma_wait3A_1168 = tpu.memref_slice %arg4[%dma_wait3A_1165, %dma_wait3A_1166, %dma_wait3A_1167] : memref<2x8x1000000xf32, #tpu.memory_space<hbm>> -> memref<2x8x128xf32, #tpu.memory_space<hbm>>
      %dma_wait3A_1169 = arith.constant 0 : i32
      %dma_wait3A_1170 = arith.constant 0 : i32
      %dma_wait3A_1171 = arith.constant 0 : i32
      %dma_wait3A_1172 = tpu.memref_slice %arg11[%dma_wait3A_1158, %dma_wait3A_1159, %dma_wait3A_1169, %dma_wait3A_1170, %dma_wait3A_1171] : memref<2x16x2x8x128xf32, #tpu.memory_space<vmem>> -> memref<1x1x2x8x128xf32, #tpu.memory_space<vmem>>
      %dma_wait3A_1173 = tpu.memref_squeeze %dma_wait3A_1172 : memref<1x1x2x8x128xf32, #tpu.memory_space<vmem>> -> memref<2x8x128xf32, #tpu.memory_space<vmem>>
      %dma_wait3A_1174 = arith.constant 0 : i32
      %dma_wait3A_1175 = arith.constant 0 : i32
      %dma_wait3A_1176 = arith.constant 0 : i32
      %dma_wait3A_1177 = tpu.memref_slice %arg4[%dma_wait3A_1174, %dma_wait3A_1175, %dma_wait3A_1176] : memref<2x8x1000000xf32, #tpu.memory_space<hbm>> -> memref<2x8x128xf32, #tpu.memory_space<hbm>>
      tpu.wait_dma2 semaphore(%arg16 : memref<!tpu.dma_semaphore, #tpu.memory_space<semaphore_mem>>) src(%dma_wait3A_1177 : memref<2x8x128xf32, #tpu.memory_space<hbm>>) dst(%dma_wait3A_1173 : memref<2x8x128xf32, #tpu.memory_space<vmem>>)
      %dma_wait3A_1178 = arith.constant 0 : i32
      %dma_wait3A_1179 = arith.constant 0 : i32
      %dma_wait3A_1180 = arith.constant 0 : i32
      %dma_wait3A_1181 = tpu.memref_slice %arg12[%dma_wait3A_1178, %dma_wait3A_1179, %dma_wait3A_1180] : memref<2x16x128xf32, #tpu.memory_space<vmem>> -> memref<1x16x128xf32, #tpu.memory_space<vmem>>
      %dma_wait3A_1182 = tpu.memref_squeeze %dma_wait3A_1181 : memref<1x16x128xf32, #tpu.memory_space<vmem>> -> memref<16x128xf32, #tpu.memory_space<vmem>>
      %dma_wait3A_1183 = arith.constant 0 : i32
      %dma_wait3A_1184 = tpu.memref_slice %arg10[%dma_wait3A_1183] : memref<512xi32, #tpu.memory_space<vmem>> -> memref<16xi32, #tpu.memory_space<vmem>>
      %dma_wait3A_1185 = arith.constant 0 : i32
      %dma_wait3A_1186 = arith.constant 0 : i32
      %dma_wait3A_1187 = tpu.memref_slice %arg7[%dma_wait3A_1185, %dma_wait3A_1186] : memref<12512x128xf32, #tpu.memory_space<hbm>> -> memref<12512x128xf32, #tpu.memory_space<hbm>>
      tpu.wait_indirect_dma semaphore(%arg17 : memref<!tpu.dma_semaphore, #tpu.memory_space<semaphore_mem>>) src(%dma_wait3A_1187 : memref<12512x128xf32, #tpu.memory_space<hbm>>) dst(%dma_wait3A_1182 : memref<16x128xf32, #tpu.memory_space<vmem>>)
      %mul3A_1188 = arith.constant 16 : i32
      %mul3A_1189 = arith.muli %mul3A_443, %mul3A_1188 : i32
      %get3A_1190 = arith.index_cast %mul3A_1189 : i32 to index
      %get3A_1191 = tpu.vector_load %arg8[%get3A_1190] {strides = array<i32>} : memref<512xi32, #tpu.memory_space<vmem>>, vector<16xi32>,
      %get3A_1192 = arith.index_cast %mul3A_1189 : i32 to index
      %get3A_1193 = tpu.vector_load %arg9[%get3A_1192] {strides = array<i32>} : memref<512xi32, #tpu.memory_space<vmem>>, vector<16xi32>,
      %and3A = arith.constant 127 : i32
      %and3A_1194 = vector.broadcast %and3A : i32 to vector<16xi32>
      %and3A_1195 = arith.andi %get3A_1191, %and3A_1194 : vector<16xi32>
      %and3A_1196 = arith.constant 7 : i32
      %and3A_1197 = vector.broadcast %and3A_1196 : i32 to vector<16xi32>
      %and3A_1198 = arith.andi %get3A_1193, %and3A_1197 : vector<16xi32>
      %mul3A_1199 = arith.constant 16 : i32
      %mul3A_1200 = vector.broadcast %mul3A_1199 : i32 to vector<16xi32>
      %mul3A_1201 = arith.muli %and3A_1198, %mul3A_1200 : vector<16xi32>
      %broadcast_in_dim3A = arith.constant 0 : i32
      %broadcast_in_dim3A_1202 = vector.broadcast %broadcast_in_dim3A : i32 to vector<16xi32>
      %add3A_1203 = arith.constant 0 : i32
      %add3A_1204 = vector.broadcast %add3A_1203 : i32 to vector<16xi32>
      %add3A_1205 = arith.addi %broadcast_in_dim3A_1202, %add3A_1204 : vector<16xi32>
      %broadcast_in_dim3A_1206 = arith.constant 0.000000e+00 : f32
      %broadcast_in_dim3A_1207 = vector.broadcast %broadcast_in_dim3A_1206 : f32 to vector<16xf32>
      %broadcast_in_dim3A_1208 = arith.constant 0 : i32
      %broadcast_in_dim3A_1209 = vector.broadcast %broadcast_in_dim3A_1208 : i32 to vector<16xi32>
      %broadcast_in_dim3A_1210 = arith.constant 0 : i32
      %broadcast_in_dim3A_1211 = vector.broadcast %broadcast_in_dim3A_1210 : i32 to vector<16xi32>
      %gather3A = tpu.vector_load_idx %arg11[%add3A_1205, %iota3A, %broadcast_in_dim3A_1209, %broadcast_in_dim3A_1211, %and3A_1195] : memref<2x16x2x8x128xf32, #tpu.memory_space<vmem>>[vector<16xi32>, vector<16xi32>, vector<16xi32>, vector<16xi32>, vector<16xi32>], vector<16xf32>,
      %add3A_1212 = arith.constant 0 : i32
      %add3A_1213 = vector.broadcast %add3A_1212 : i32 to vector<16xi32>
      %add3A_1214 = arith.addi %mul3A_1201, %add3A_1213 : vector<16xi32>
      %gather3A_1215 = tpu.vector_load_idx %arg12[%add3A_1205, %iota3A, %add3A_1214] : memref<2x16x128xf32, #tpu.memory_space<vmem>>[vector<16xi32>, vector<16xi32>, vector<16xi32>], vector<16xf32>,
      %mul3A_1216 = arith.mulf %gather3A, %gather3A_1215 : vector<16xf32>
      %add3A_1217 = arith.addf %broadcast_in_dim3A_1207, %mul3A_1216 : vector<16xf32>
      %broadcast_in_dim3A_1218 = arith.constant 0 : i32
      %broadcast_in_dim3A_1219 = vector.broadcast %broadcast_in_dim3A_1218 : i32 to vector<16xi32>
      %broadcast_in_dim3A_1220 = arith.constant 1 : i32
      %broadcast_in_dim3A_1221 = vector.broadcast %broadcast_in_dim3A_1220 : i32 to vector<16xi32>
      %gather3A_1222 = tpu.vector_load_idx %arg11[%add3A_1205, %iota3A, %broadcast_in_dim3A_1219, %broadcast_in_dim3A_1221, %and3A_1195] : memref<2x16x2x8x128xf32, #tpu.memory_space<vmem>>[vector<16xi32>, vector<16xi32>, vector<16xi32>, vector<16xi32>, vector<16xi32>], vector<16xf32>,
      %add3A_1223 = arith.constant 1 : i32
      %add3A_1224 = vector.broadcast %add3A_1223 : i32 to vector<16xi32>
      %add3A_1225 = arith.addi %mul3A_1201, %add3A_1224 : vector<16xi32>
      %gather3A_1226 = tpu.vector_load_idx %arg12[%add3A_1205, %iota3A, %add3A_1225] : memref<2x16x128xf32, #tpu.memory_space<vmem>>[vector<16xi32>, vector<16xi32>, vector<16xi32>], vector<16xf32>,
      %mul3A_1227 = arith.mulf %gather3A_1222, %gather3A_1226 : vector<16xf32>
      %add3A_1228 = arith.addf %add3A_1217, %mul3A_1227 : vector<16xf32>
      %broadcast_in_dim3A_1229 = arith.constant 0 : i32
      %broadcast_in_dim3A_1230 = vector.broadcast %broadcast_in_dim3A_1229 : i32 to vector<16xi32>
      %broadcast_in_dim3A_1231 = arith.constant 2 : i32
      %broadcast_in_dim3A_1232 = vector.broadcast %broadcast_in_dim3A_1231 : i32 to vector<16xi32>
      %gather3A_1233 = tpu.vector_load_idx %arg11[%add3A_1205, %iota3A, %broadcast_in_dim3A_1230, %broadcast_in_dim3A_1232, %and3A_1195] : memref<2x16x2x8x128xf32, #tpu.memory_space<vmem>>[vector<16xi32>, vector<16xi32>, vector<16xi32>, vector<16xi32>, vector<16xi32>], vector<16xf32>,
      %add3A_1234 = arith.constant 2 : i32
      %add3A_1235 = vector.broadcast %add3A_1234 : i32 to vector<16xi32>
      %add3A_1236 = arith.addi %mul3A_1201, %add3A_1235 : vector<16xi32>
      %gather3A_1237 = tpu.vector_load_idx %arg12[%add3A_1205, %iota3A, %add3A_1236] : memref<2x16x128xf32, #tpu.memory_space<vmem>>[vector<16xi32>, vector<16xi32>, vector<16xi32>], vector<16xf32>,
      %mul3A_1238 = arith.mulf %gather3A_1233, %gather3A_1237 : vector<16xf32>
      %add3A_1239 = arith.addf %add3A_1228, %mul3A_1238 : vector<16xf32>
      %broadcast_in_dim3A_1240 = arith.constant 0 : i32
      %broadcast_in_dim3A_1241 = vector.broadcast %broadcast_in_dim3A_1240 : i32 to vector<16xi32>
      %broadcast_in_dim3A_1242 = arith.constant 3 : i32
      %broadcast_in_dim3A_1243 = vector.broadcast %broadcast_in_dim3A_1242 : i32 to vector<16xi32>
      %gather3A_1244 = tpu.vector_load_idx %arg11[%add3A_1205, %iota3A, %broadcast_in_dim3A_1241, %broadcast_in_dim3A_1243, %and3A_1195] : memref<2x16x2x8x128xf32, #tpu.memory_space<vmem>>[vector<16xi32>, vector<16xi32>, vector<16xi32>, vector<16xi32>, vector<16xi32>], vector<16xf32>,
      %add3A_1245 = arith.constant 3 : i32
      %add3A_1246 = vector.broadcast %add3A_1245 : i32 to vector<16xi32>
      %add3A_1247 = arith.addi %mul3A_1201, %add3A_1246 : vector<16xi32>
      %gather3A_1248 = tpu.vector_load_idx %arg12[%add3A_1205, %iota3A, %add3A_1247] : memref<2x16x128xf32, #tpu.memory_space<vmem>>[vector<16xi32>, vector<16xi32>, vector<16xi32>], vector<16xf32>,
      %mul3A_1249 = arith.mulf %gather3A_1244, %gather3A_1248 : vector<16xf32>
      %add3A_1250 = arith.addf %add3A_1239, %mul3A_1249 : vector<16xf32>
      %broadcast_in_dim3A_1251 = arith.constant 0 : i32
      %broadcast_in_dim3A_1252 = vector.broadcast %broadcast_in_dim3A_1251 : i32 to vector<16xi32>
      %broadcast_in_dim3A_1253 = arith.constant 4 : i32
      %broadcast_in_dim3A_1254 = vector.broadcast %broadcast_in_dim3A_1253 : i32 to vector<16xi32>
      %gather3A_1255 = tpu.vector_load_idx %arg11[%add3A_1205, %iota3A, %broadcast_in_dim3A_1252, %broadcast_in_dim3A_1254, %and3A_1195] : memref<2x16x2x8x128xf32, #tpu.memory_space<vmem>>[vector<16xi32>, vector<16xi32>, vector<16xi32>, vector<16xi32>, vector<16xi32>], vector<16xf32>,
      %add3A_1256 = arith.constant 4 : i32
      %add3A_1257 = vector.broadcast %add3A_1256 : i32 to vector<16xi32>
      %add3A_1258 = arith.addi %mul3A_1201, %add3A_1257 : vector<16xi32>
      %gather3A_1259 = tpu.vector_load_idx %arg12[%add3A_1205, %iota3A, %add3A_1258] : memref<2x16x128xf32, #tpu.memory_space<vmem>>[vector<16xi32>, vector<16xi32>, vector<16xi32>], vector<16xf32>,
      %mul3A_1260 = arith.mulf %gather3A_1255, %gather3A_1259 : vector<16xf32>
      %add3A_1261 = arith.addf %add3A_1250, %mul3A_1260 : vector<16xf32>
      %broadcast_in_dim3A_1262 = arith.constant 0 : i32
      %broadcast_in_dim3A_1263 = vector.broadcast %broadcast_in_dim3A_1262 : i32 to vector<16xi32>
      %broadcast_in_dim3A_1264 = arith.constant 5 : i32
      %broadcast_in_dim3A_1265 = vector.broadcast %broadcast_in_dim3A_1264 : i32 to vector<16xi32>
      %gather3A_1266 = tpu.vector_load_idx %arg11[%add3A_1205, %iota3A, %broadcast_in_dim3A_1263, %broadcast_in_dim3A_1265, %and3A_1195] : memref<2x16x2x8x128xf32, #tpu.memory_space<vmem>>[vector<16xi32>, vector<16xi32>, vector<16xi32>, vector<16xi32>, vector<16xi32>], vector<16xf32>,
      %add3A_1267 = arith.constant 5 : i32
      %add3A_1268 = vector.broadcast %add3A_1267 : i32 to vector<16xi32>
      %add3A_1269 = arith.addi %mul3A_1201, %add3A_1268 : vector<16xi32>
      %gather3A_1270 = tpu.vector_load_idx %arg12[%add3A_1205, %iota3A, %add3A_1269] : memref<2x16x128xf32, #tpu.memory_space<vmem>>[vector<16xi32>, vector<16xi32>, vector<16xi32>], vector<16xf32>,
      %mul3A_1271 = arith.mulf %gather3A_1266, %gather3A_1270 : vector<16xf32>
      %add3A_1272 = arith.addf %add3A_1261, %mul3A_1271 : vector<16xf32>
      %broadcast_in_dim3A_1273 = arith.constant 0 : i32
      %broadcast_in_dim3A_1274 = vector.broadcast %broadcast_in_dim3A_1273 : i32 to vector<16xi32>
      %broadcast_in_dim3A_1275 = arith.constant 6 : i32
      %broadcast_in_dim3A_1276 = vector.broadcast %broadcast_in_dim3A_1275 : i32 to vector<16xi32>
      %gather3A_1277 = tpu.vector_load_idx %arg11[%add3A_1205, %iota3A, %broadcast_in_dim3A_1274, %broadcast_in_dim3A_1276, %and3A_1195] : memref<2x16x2x8x128xf32, #tpu.memory_space<vmem>>[vector<16xi32>, vector<16xi32>, vector<16xi32>, vector<16xi32>, vector<16xi32>], vector<16xf32>,
      %add3A_1278 = arith.constant 6 : i32
      %add3A_1279 = vector.broadcast %add3A_1278 : i32 to vector<16xi32>
      %add3A_1280 = arith.addi %mul3A_1201, %add3A_1279 : vector<16xi32>
      %gather3A_1281 = tpu.vector_load_idx %arg12[%add3A_1205, %iota3A, %add3A_1280] : memref<2x16x128xf32, #tpu.memory_space<vmem>>[vector<16xi32>, vector<16xi32>, vector<16xi32>], vector<16xf32>,
      %mul3A_1282 = arith.mulf %gather3A_1277, %gather3A_1281 : vector<16xf32>
      %add3A_1283 = arith.addf %add3A_1272, %mul3A_1282 : vector<16xf32>
      %broadcast_in_dim3A_1284 = arith.constant 0 : i32
      %broadcast_in_dim3A_1285 = vector.broadcast %broadcast_in_dim3A_1284 : i32 to vector<16xi32>
      %broadcast_in_dim3A_1286 = arith.constant 7 : i32
      %broadcast_in_dim3A_1287 = vector.broadcast %broadcast_in_dim3A_1286 : i32 to vector<16xi32>
      %gather3A_1288 = tpu.vector_load_idx %arg11[%add3A_1205, %iota3A, %broadcast_in_dim3A_1285, %broadcast_in_dim3A_1287, %and3A_1195] : memref<2x16x2x8x128xf32, #tpu.memory_space<vmem>>[vector<16xi32>, vector<16xi32>, vector<16xi32>, vector<16xi32>, vector<16xi32>], vector<16xf32>,
      %add3A_1289 = arith.constant 7 : i32
      %add3A_1290 = vector.broadcast %add3A_1289 : i32 to vector<16xi32>
      %add3A_1291 = arith.addi %mul3A_1201, %add3A_1290 : vector<16xi32>
      %gather3A_1292 = tpu.vector_load_idx %arg12[%add3A_1205, %iota3A, %add3A_1291] : memref<2x16x128xf32, #tpu.memory_space<vmem>>[vector<16xi32>, vector<16xi32>, vector<16xi32>], vector<16xf32>,
      %mul3A_1293 = arith.mulf %gather3A_1288, %gather3A_1292 : vector<16xf32>
      %add3A_1294 = arith.addf %add3A_1283, %mul3A_1293 : vector<16xf32>
      %broadcast_in_dim3A_1295 = arith.constant 1 : i32
      %broadcast_in_dim3A_1296 = vector.broadcast %broadcast_in_dim3A_1295 : i32 to vector<16xi32>
      %broadcast_in_dim3A_1297 = arith.constant 0 : i32
      %broadcast_in_dim3A_1298 = vector.broadcast %broadcast_in_dim3A_1297 : i32 to vector<16xi32>
      %gather3A_1299 = tpu.vector_load_idx %arg11[%add3A_1205, %iota3A, %broadcast_in_dim3A_1296, %broadcast_in_dim3A_1298, %and3A_1195] : memref<2x16x2x8x128xf32, #tpu.memory_space<vmem>>[vector<16xi32>, vector<16xi32>, vector<16xi32>, vector<16xi32>, vector<16xi32>], vector<16xf32>,
      %add3A_1300 = arith.constant 8 : i32
      %add3A_1301 = vector.broadcast %add3A_1300 : i32 to vector<16xi32>
      %add3A_1302 = arith.addi %mul3A_1201, %add3A_1301 : vector<16xi32>
      %gather3A_1303 = tpu.vector_load_idx %arg12[%add3A_1205, %iota3A, %add3A_1302] : memref<2x16x128xf32, #tpu.memory_space<vmem>>[vector<16xi32>, vector<16xi32>, vector<16xi32>], vector<16xf32>,
      %mul3A_1304 = arith.mulf %gather3A_1299, %gather3A_1303 : vector<16xf32>
      %add3A_1305 = arith.addf %add3A_1294, %mul3A_1304 : vector<16xf32>
      %broadcast_in_dim3A_1306 = arith.constant 1 : i32
      %broadcast_in_dim3A_1307 = vector.broadcast %broadcast_in_dim3A_1306 : i32 to vector<16xi32>
      %broadcast_in_dim3A_1308 = arith.constant 1 : i32
      %broadcast_in_dim3A_1309 = vector.broadcast %broadcast_in_dim3A_1308 : i32 to vector<16xi32>
      %gather3A_1310 = tpu.vector_load_idx %arg11[%add3A_1205, %iota3A, %broadcast_in_dim3A_1307, %broadcast_in_dim3A_1309, %and3A_1195] : memref<2x16x2x8x128xf32, #tpu.memory_space<vmem>>[vector<16xi32>, vector<16xi32>, vector<16xi32>, vector<16xi32>, vector<16xi32>], vector<16xf32>,
      %add3A_1311 = arith.constant 9 : i32
      %add3A_1312 = vector.broadcast %add3A_1311 : i32 to vector<16xi32>
      %add3A_1313 = arith.addi %mul3A_1201, %add3A_1312 : vector<16xi32>
      %gather3A_1314 = tpu.vector_load_idx %arg12[%add3A_1205, %iota3A, %add3A_1313] : memref<2x16x128xf32, #tpu.memory_space<vmem>>[vector<16xi32>, vector<16xi32>, vector<16xi32>], vector<16xf32>,
      %mul3A_1315 = arith.mulf %gather3A_1310, %gather3A_1314 : vector<16xf32>
      %add3A_1316 = arith.addf %add3A_1305, %mul3A_1315 : vector<16xf32>
      %broadcast_in_dim3A_1317 = arith.constant 1 : i32
      %broadcast_in_dim3A_1318 = vector.broadcast %broadcast_in_dim3A_1317 : i32 to vector<16xi32>
      %broadcast_in_dim3A_1319 = arith.constant 2 : i32
      %broadcast_in_dim3A_1320 = vector.broadcast %broadcast_in_dim3A_1319 : i32 to vector<16xi32>
      %gather3A_1321 = tpu.vector_load_idx %arg11[%add3A_1205, %iota3A, %broadcast_in_dim3A_1318, %broadcast_in_dim3A_1320, %and3A_1195] : memref<2x16x2x8x128xf32, #tpu.memory_space<vmem>>[vector<16xi32>, vector<16xi32>, vector<16xi32>, vector<16xi32>, vector<16xi32>], vector<16xf32>,
      %add3A_1322 = arith.constant 10 : i32
      %add3A_1323 = vector.broadcast %add3A_1322 : i32 to vector<16xi32>
      %add3A_1324 = arith.addi %mul3A_1201, %add3A_1323 : vector<16xi32>
      %gather3A_1325 = tpu.vector_load_idx %arg12[%add3A_1205, %iota3A, %add3A_1324] : memref<2x16x128xf32, #tpu.memory_space<vmem>>[vector<16xi32>, vector<16xi32>, vector<16xi32>], vector<16xf32>,
      %mul3A_1326 = arith.mulf %gather3A_1321, %gather3A_1325 : vector<16xf32>
      %add3A_1327 = arith.addf %add3A_1316, %mul3A_1326 : vector<16xf32>
      %broadcast_in_dim3A_1328 = arith.constant 1 : i32
      %broadcast_in_dim3A_1329 = vector.broadcast %broadcast_in_dim3A_1328 : i32 to vector<16xi32>
      %broadcast_in_dim3A_1330 = arith.constant 3 : i32
      %broadcast_in_dim3A_1331 = vector.broadcast %broadcast_in_dim3A_1330 : i32 to vector<16xi32>
      %gather3A_1332 = tpu.vector_load_idx %arg11[%add3A_1205, %iota3A, %broadcast_in_dim3A_1329, %broadcast_in_dim3A_1331, %and3A_1195] : memref<2x16x2x8x128xf32, #tpu.memory_space<vmem>>[vector<16xi32>, vector<16xi32>, vector<16xi32>, vector<16xi32>, vector<16xi32>], vector<16xf32>,
      %add3A_1333 = arith.constant 11 : i32
      %add3A_1334 = vector.broadcast %add3A_1333 : i32 to vector<16xi32>
      %add3A_1335 = arith.addi %mul3A_1201, %add3A_1334 : vector<16xi32>
      %gather3A_1336 = tpu.vector_load_idx %arg12[%add3A_1205, %iota3A, %add3A_1335] : memref<2x16x128xf32, #tpu.memory_space<vmem>>[vector<16xi32>, vector<16xi32>, vector<16xi32>], vector<16xf32>,
      %mul3A_1337 = arith.mulf %gather3A_1332, %gather3A_1336 : vector<16xf32>
      %add3A_1338 = arith.addf %add3A_1327, %mul3A_1337 : vector<16xf32>
      %broadcast_in_dim3A_1339 = arith.constant 1 : i32
      %broadcast_in_dim3A_1340 = vector.broadcast %broadcast_in_dim3A_1339 : i32 to vector<16xi32>
      %broadcast_in_dim3A_1341 = arith.constant 4 : i32
      %broadcast_in_dim3A_1342 = vector.broadcast %broadcast_in_dim3A_1341 : i32 to vector<16xi32>
      %gather3A_1343 = tpu.vector_load_idx %arg11[%add3A_1205, %iota3A, %broadcast_in_dim3A_1340, %broadcast_in_dim3A_1342, %and3A_1195] : memref<2x16x2x8x128xf32, #tpu.memory_space<vmem>>[vector<16xi32>, vector<16xi32>, vector<16xi32>, vector<16xi32>, vector<16xi32>], vector<16xf32>,
      %add3A_1344 = arith.constant 12 : i32
      %add3A_1345 = vector.broadcast %add3A_1344 : i32 to vector<16xi32>
      %add3A_1346 = arith.addi %mul3A_1201, %add3A_1345 : vector<16xi32>
      %gather3A_1347 = tpu.vector_load_idx %arg12[%add3A_1205, %iota3A, %add3A_1346] : memref<2x16x128xf32, #tpu.memory_space<vmem>>[vector<16xi32>, vector<16xi32>, vector<16xi32>], vector<16xf32>,
      %mul3A_1348 = arith.mulf %gather3A_1343, %gather3A_1347 : vector<16xf32>
      %add3A_1349 = arith.addf %add3A_1338, %mul3A_1348 : vector<16xf32>
      %broadcast_in_dim3A_1350 = arith.constant 1 : i32
      %broadcast_in_dim3A_1351 = vector.broadcast %broadcast_in_dim3A_1350 : i32 to vector<16xi32>
      %broadcast_in_dim3A_1352 = arith.constant 5 : i32
      %broadcast_in_dim3A_1353 = vector.broadcast %broadcast_in_dim3A_1352 : i32 to vector<16xi32>
      %gather3A_1354 = tpu.vector_load_idx %arg11[%add3A_1205, %iota3A, %broadcast_in_dim3A_1351, %broadcast_in_dim3A_1353, %and3A_1195] : memref<2x16x2x8x128xf32, #tpu.memory_space<vmem>>[vector<16xi32>, vector<16xi32>, vector<16xi32>, vector<16xi32>, vector<16xi32>], vector<16xf32>,
      %add3A_1355 = arith.constant 13 : i32
      %add3A_1356 = vector.broadcast %add3A_1355 : i32 to vector<16xi32>
      %add3A_1357 = arith.addi %mul3A_1201, %add3A_1356 : vector<16xi32>
      %gather3A_1358 = tpu.vector_load_idx %arg12[%add3A_1205, %iota3A, %add3A_1357] : memref<2x16x128xf32, #tpu.memory_space<vmem>>[vector<16xi32>, vector<16xi32>, vector<16xi32>], vector<16xf32>,
      %mul3A_1359 = arith.mulf %gather3A_1354, %gather3A_1358 : vector<16xf32>
      %add3A_1360 = arith.addf %add3A_1349, %mul3A_1359 : vector<16xf32>
      %broadcast_in_dim3A_1361 = arith.constant 1 : i32
      %broadcast_in_dim3A_1362 = vector.broadcast %broadcast_in_dim3A_1361 : i32 to vector<16xi32>
      %broadcast_in_dim3A_1363 = arith.constant 6 : i32
      %broadcast_in_dim3A_1364 = vector.broadcast %broadcast_in_dim3A_1363 : i32 to vector<16xi32>
      %gather3A_1365 = tpu.vector_load_idx %arg11[%add3A_1205, %iota3A, %broadcast_in_dim3A_1362, %broadcast_in_dim3A_1364, %and3A_1195] : memref<2x16x2x8x128xf32, #tpu.memory_space<vmem>>[vector<16xi32>, vector<16xi32>, vector<16xi32>, vector<16xi32>, vector<16xi32>], vector<16xf32>,
      %add3A_1366 = arith.constant 14 : i32
      %add3A_1367 = vector.broadcast %add3A_1366 : i32 to vector<16xi32>
      %add3A_1368 = arith.addi %mul3A_1201, %add3A_1367 : vector<16xi32>
      %gather3A_1369 = tpu.vector_load_idx %arg12[%add3A_1205, %iota3A, %add3A_1368] : memref<2x16x128xf32, #tpu.memory_space<vmem>>[vector<16xi32>, vector<16xi32>, vector<16xi32>], vector<16xf32>,
      %mul3A_1370 = arith.mulf %gather3A_1365, %gather3A_1369 : vector<16xf32>
      %add3A_1371 = arith.addf %add3A_1360, %mul3A_1370 : vector<16xf32>
      %broadcast_in_dim3A_1372 = arith.constant 1 : i32
      %broadcast_in_dim3A_1373 = vector.broadcast %broadcast_in_dim3A_1372 : i32 to vector<16xi32>
      %broadcast_in_dim3A_1374 = arith.constant 7 : i32
      %broadcast_in_dim3A_1375 = vector.broadcast %broadcast_in_dim3A_1374 : i32 to vector<16xi32>
      %gather3A_1376 = tpu.vector_load_idx %arg11[%add3A_1205, %iota3A, %broadcast_in_dim3A_1373, %broadcast_in_dim3A_1375, %and3A_1195] : memref<2x16x2x8x128xf32, #tpu.memory_space<vmem>>[vector<16xi32>, vector<16xi32>, vector<16xi32>, vector<16xi32>, vector<16xi32>], vector<16xf32>,
      %add3A_1377 = arith.constant 15 : i32
      %add3A_1378 = vector.broadcast %add3A_1377 : i32 to vector<16xi32>
      %add3A_1379 = arith.addi %mul3A_1201, %add3A_1378 : vector<16xi32>
      %gather3A_1380 = tpu.vector_load_idx %arg12[%add3A_1205, %iota3A, %add3A_1379] : memref<2x16x128xf32, #tpu.memory_space<vmem>>[vector<16xi32>, vector<16xi32>, vector<16xi32>], vector<16xf32>,
      %mul3A_1381 = arith.mulf %gather3A_1376, %gather3A_1380 : vector<16xf32>
      %add3A_1382 = arith.addf %add3A_1371, %mul3A_1381 : vector<16xf32>
      %swap3A = arith.index_cast %mul3A_1189 : i32 to index
      %swap3A_1383 = tpu.vector_load %arg15[%swap3A] {strides = array<i32>} : memref<512xf32, #tpu.memory_space<vmem>>, vector<16xf32>,
      tpu.vector_store %arg15[%swap3A], %add3A_1382 {strides = array<i32>} : memref<512xf32, #tpu.memory_space<vmem>>, vector<16xf32>,
      %lt3A_1384 = arith.constant 15 : i32
      %lt3A_1385 = arith.cmpi slt, %scan3A_441, %lt3A_1384 : i32
      %convert_element_type3A_1386 = arith.extui %lt3A_1385 : i1 to i32
      %cond3A_1387 = arith.constant 0 : i32
      %cond3A_1388 = arith.cmpi ne, %convert_element_type3A_1386, %cond3A_1387 : i32
      scf.if %cond3A_1388 {
        %add3A_1921 = arith.constant 2 : i32
        %add3A_1922 = arith.addi %mul3A_443, %add3A_1921 : i32
        %mul3A_1923 = arith.constant 16 : i32
        %mul3A_1924 = arith.muli %add3A_1922, %mul3A_1923 : i32
        %get3A_1925 = arith.index_cast %mul3A_1924 : i32 to index
        %get3A_1926 = tpu.vector_load %arg8[%get3A_1925] {strides = array<i32>} : memref<512xi32, #tpu.memory_space<vmem>>, vector<16xi32>,
        %slice3A_1927 = vector.extract_strided_slice %get3A_1926 {offsets = [0], sizes = [1], strides = [1]} : vector<16xi32> to vector<1xi32>
        %squeeze3A_1928 = vector.extract %slice3A_1927[0] : i32 from vector<1xi32>
        %shift_right_arithmetic3A_1929 = arith.constant 7 : i32
        %shift_right_arithmetic3A_1930 = arith.shrsi %squeeze3A_1928, %shift_right_arithmetic3A_1929 : i32
        %mul3A_1931 = arith.constant 128 : i32
        %mul3A_1932 = arith.muli %shift_right_arithmetic3A_1930, %mul3A_1931 : i32
        %multiple_of3A_1933 = tpu.assume_multiple %mul3A_1932, 128 : i32
        %dma_start3A_1934 = arith.constant 0 : i32
        %dma_start3A_1935 = arith.constant 0 : i32
        %dma_start3A_1936 = arith.constant 0 : i32
        %dma_start3A_1937 = arith.constant 0 : i32
        %dma_start3A_1938 = arith.constant 0 : i32
        %dma_start3A_1939 = tpu.memref_slice %arg11[%dma_start3A_1934, %dma_start3A_1935, %dma_start3A_1936, %dma_start3A_1937, %dma_start3A_1938] : memref<2x16x2x8x128xf32, #tpu.memory_space<vmem>> -> memref<1x1x2x8x128xf32, #tpu.memory_space<vmem>>
        %dma_start3A_1940 = tpu.memref_squeeze %dma_start3A_1939 : memref<1x1x2x8x128xf32, #tpu.memory_space<vmem>> -> memref<2x8x128xf32, #tpu.memory_space<vmem>>
        %dma_start3A_1941 = arith.constant 0 : i32
        %dma_start3A_1942 = arith.constant 0 : i32
        %dma_start3A_1943 = tpu.memref_slice %arg4[%dma_start3A_1941, %dma_start3A_1942, %multiple_of3A_1933] : memref<2x8x1000000xf32, #tpu.memory_space<hbm>> -> memref<2x8x128xf32, #tpu.memory_space<hbm>>
        %dma_start3A_1944 = arith.constant 0 : i32
        %dma_start3A_1945 = arith.constant 0 : i32
        %dma_start3A_1946 = arith.constant 0 : i32
        %dma_start3A_1947 = tpu.memref_slice %arg11[%dma_start3A_1934, %dma_start3A_1935, %dma_start3A_1944, %dma_start3A_1945, %dma_start3A_1946] : memref<2x16x2x8x128xf32, #tpu.memory_space<vmem>> -> memref<1x1x2x8x128xf32, #tpu.memory_space<vmem>>
        %dma_start3A_1948 = tpu.memref_squeeze %dma_start3A_1947 : memref<1x1x2x8x128xf32, #tpu.memory_space<vmem>> -> memref<2x8x128xf32, #tpu.memory_space<vmem>>
        %dma_start3A_1949 = arith.constant 0 : i32
        %dma_start3A_1950 = arith.constant 0 : i32
        %dma_start3A_1951 = tpu.memref_slice %arg4[%dma_start3A_1949, %dma_start3A_1950, %multiple_of3A_1933] : memref<2x8x1000000xf32, #tpu.memory_space<hbm>> -> memref<2x8x128xf32, #tpu.memory_space<hbm>>
        tpu.enqueue_dma source(%dma_start3A_1951 : memref<2x8x128xf32, #tpu.memory_space<hbm>>) target(%dma_start3A_1948 : memref<2x8x128xf32, #tpu.memory_space<vmem>>) target_semaphore(%arg16 : memref<!tpu.dma_semaphore, #tpu.memory_space<semaphore_mem>>)
        %slice3A_1952 = vector.extract_strided_slice %get3A_1926 {offsets = [1], sizes = [1], strides = [1]} : vector<16xi32> to vector<1xi32>
        %squeeze3A_1953 = vector.extract %slice3A_1952[0] : i32 from vector<1xi32>
        %shift_right_arithmetic3A_1954 = arith.constant 7 : i32
        %shift_right_arithmetic3A_1955 = arith.shrsi %squeeze3A_1953, %shift_right_arithmetic3A_1954 : i32
        %mul3A_1956 = arith.constant 128 : i32
        %mul3A_1957 = arith.muli %shift_right_arithmetic3A_1955, %mul3A_1956 : i32
        %multiple_of3A_1958 = tpu.assume_multiple %mul3A_1957, 128 : i32
        %dma_start3A_1959 = arith.constant 0 : i32
        %dma_start3A_1960 = arith.constant 1 : i32
        %dma_start3A_1961 = arith.constant 0 : i32
        %dma_start3A_1962 = arith.constant 0 : i32
        %dma_start3A_1963 = arith.constant 0 : i32
        %dma_start3A_1964 = tpu.memref_slice %arg11[%dma_start3A_1959, %dma_start3A_1960, %dma_start3A_1961, %dma_start3A_1962, %dma_start3A_1963] : memref<2x16x2x8x128xf32, #tpu.memory_space<vmem>> -> memref<1x1x2x8x128xf32, #tpu.memory_space<vmem>>
        %dma_start3A_1965 = tpu.memref_squeeze %dma_start3A_1964 : memref<1x1x2x8x128xf32, #tpu.memory_space<vmem>> -> memref<2x8x128xf32, #tpu.memory_space<vmem>>
        %dma_start3A_1966 = arith.constant 0 : i32
        %dma_start3A_1967 = arith.constant 0 : i32
        %dma_start3A_1968 = tpu.memref_slice %arg4[%dma_start3A_1966, %dma_start3A_1967, %multiple_of3A_1958] : memref<2x8x1000000xf32, #tpu.memory_space<hbm>> -> memref<2x8x128xf32, #tpu.memory_space<hbm>>
        %dma_start3A_1969 = arith.constant 0 : i32
        %dma_start3A_1970 = arith.constant 0 : i32
        %dma_start3A_1971 = arith.constant 0 : i32
        %dma_start3A_1972 = tpu.memref_slice %arg11[%dma_start3A_1959, %dma_start3A_1960, %dma_start3A_1969, %dma_start3A_1970, %dma_start3A_1971] : memref<2x16x2x8x128xf32, #tpu.memory_space<vmem>> -> memref<1x1x2x8x128xf32, #tpu.memory_space<vmem>>
        %dma_start3A_1973 = tpu.memref_squeeze %dma_start3A_1972 : memref<1x1x2x8x128xf32, #tpu.memory_space<vmem>> -> memref<2x8x128xf32, #tpu.memory_space<vmem>>
        %dma_start3A_1974 = arith.constant 0 : i32
        %dma_start3A_1975 = arith.constant 0 : i32
        %dma_start3A_1976 = tpu.memref_slice %arg4[%dma_start3A_1974, %dma_start3A_1975, %multiple_of3A_1958] : memref<2x8x1000000xf32, #tpu.memory_space<hbm>> -> memref<2x8x128xf32, #tpu.memory_space<hbm>>
        tpu.enqueue_dma source(%dma_start3A_1976 : memref<2x8x128xf32, #tpu.memory_space<hbm>>) target(%dma_start3A_1973 : memref<2x8x128xf32, #tpu.memory_space<vmem>>) target_semaphore(%arg16 : memref<!tpu.dma_semaphore, #tpu.memory_space<semaphore_mem>>)
        %slice3A_1977 = vector.extract_strided_slice %get3A_1926 {offsets = [2], sizes = [1], strides = [1]} : vector<16xi32> to vector<1xi32>
        %squeeze3A_1978 = vector.extract %slice3A_1977[0] : i32 from vector<1xi32>
        %shift_right_arithmetic3A_1979 = arith.constant 7 : i32
        %shift_right_arithmetic3A_1980 = arith.shrsi %squeeze3A_1978, %shift_right_arithmetic3A_1979 : i32
        %mul3A_1981 = arith.constant 128 : i32
        %mul3A_1982 = arith.muli %shift_right_arithmetic3A_1980, %mul3A_1981 : i32
        %multiple_of3A_1983 = tpu.assume_multiple %mul3A_1982, 128 : i32
        %dma_start3A_1984 = arith.constant 0 : i32
        %dma_start3A_1985 = arith.constant 2 : i32
        %dma_start3A_1986 = arith.constant 0 : i32
        %dma_start3A_1987 = arith.constant 0 : i32
        %dma_start3A_1988 = arith.constant 0 : i32
        %dma_start3A_1989 = tpu.memref_slice %arg11[%dma_start3A_1984, %dma_start3A_1985, %dma_start3A_1986, %dma_start3A_1987, %dma_start3A_1988] : memref<2x16x2x8x128xf32, #tpu.memory_space<vmem>> -> memref<1x1x2x8x128xf32, #tpu.memory_space<vmem>>
        %dma_start3A_1990 = tpu.memref_squeeze %dma_start3A_1989 : memref<1x1x2x8x128xf32, #tpu.memory_space<vmem>> -> memref<2x8x128xf32, #tpu.memory_space<vmem>>
        %dma_start3A_1991 = arith.constant 0 : i32
        %dma_start3A_1992 = arith.constant 0 : i32
        %dma_start3A_1993 = tpu.memref_slice %arg4[%dma_start3A_1991, %dma_start3A_1992, %multiple_of3A_1983] : memref<2x8x1000000xf32, #tpu.memory_space<hbm>> -> memref<2x8x128xf32, #tpu.memory_space<hbm>>
        %dma_start3A_1994 = arith.constant 0 : i32
        %dma_start3A_1995 = arith.constant 0 : i32
        %dma_start3A_1996 = arith.constant 0 : i32
        %dma_start3A_1997 = tpu.memref_slice %arg11[%dma_start3A_1984, %dma_start3A_1985, %dma_start3A_1994, %dma_start3A_1995, %dma_start3A_1996] : memref<2x16x2x8x128xf32, #tpu.memory_space<vmem>> -> memref<1x1x2x8x128xf32, #tpu.memory_space<vmem>>
        %dma_start3A_1998 = tpu.memref_squeeze %dma_start3A_1997 : memref<1x1x2x8x128xf32, #tpu.memory_space<vmem>> -> memref<2x8x128xf32, #tpu.memory_space<vmem>>
        %dma_start3A_1999 = arith.constant 0 : i32
        %dma_start3A_2000 = arith.constant 0 : i32
        %dma_start3A_2001 = tpu.memref_slice %arg4[%dma_start3A_1999, %dma_start3A_2000, %multiple_of3A_1983] : memref<2x8x1000000xf32, #tpu.memory_space<hbm>> -> memref<2x8x128xf32, #tpu.memory_space<hbm>>
        tpu.enqueue_dma source(%dma_start3A_2001 : memref<2x8x128xf32, #tpu.memory_space<hbm>>) target(%dma_start3A_1998 : memref<2x8x128xf32, #tpu.memory_space<vmem>>) target_semaphore(%arg16 : memref<!tpu.dma_semaphore, #tpu.memory_space<semaphore_mem>>)
        %slice3A_2002 = vector.extract_strided_slice %get3A_1926 {offsets = [3], sizes = [1], strides = [1]} : vector<16xi32> to vector<1xi32>
        %squeeze3A_2003 = vector.extract %slice3A_2002[0] : i32 from vector<1xi32>
        %shift_right_arithmetic3A_2004 = arith.constant 7 : i32
        %shift_right_arithmetic3A_2005 = arith.shrsi %squeeze3A_2003, %shift_right_arithmetic3A_2004 : i32
        %mul3A_2006 = arith.constant 128 : i32
        %mul3A_2007 = arith.muli %shift_right_arithmetic3A_2005, %mul3A_2006 : i32
        %multiple_of3A_2008 = tpu.assume_multiple %mul3A_2007, 128 : i32
        %dma_start3A_2009 = arith.constant 0 : i32
        %dma_start3A_2010 = arith.constant 3 : i32
        %dma_start3A_2011 = arith.constant 0 : i32
        %dma_start3A_2012 = arith.constant 0 : i32
        %dma_start3A_2013 = arith.constant 0 : i32
        %dma_start3A_2014 = tpu.memref_slice %arg11[%dma_start3A_2009, %dma_start3A_2010, %dma_start3A_2011, %dma_start3A_2012, %dma_start3A_2013] : memref<2x16x2x8x128xf32, #tpu.memory_space<vmem>> -> memref<1x1x2x8x128xf32, #tpu.memory_space<vmem>>
        %dma_start3A_2015 = tpu.memref_squeeze %dma_start3A_2014 : memref<1x1x2x8x128xf32, #tpu.memory_space<vmem>> -> memref<2x8x128xf32, #tpu.memory_space<vmem>>
        %dma_start3A_2016 = arith.constant 0 : i32
        %dma_start3A_2017 = arith.constant 0 : i32
        %dma_start3A_2018 = tpu.memref_slice %arg4[%dma_start3A_2016, %dma_start3A_2017, %multiple_of3A_2008] : memref<2x8x1000000xf32, #tpu.memory_space<hbm>> -> memref<2x8x128xf32, #tpu.memory_space<hbm>>
        %dma_start3A_2019 = arith.constant 0 : i32
        %dma_start3A_2020 = arith.constant 0 : i32
        %dma_start3A_2021 = arith.constant 0 : i32
        %dma_start3A_2022 = tpu.memref_slice %arg11[%dma_start3A_2009, %dma_start3A_2010, %dma_start3A_2019, %dma_start3A_2020, %dma_start3A_2021] : memref<2x16x2x8x128xf32, #tpu.memory_space<vmem>> -> memref<1x1x2x8x128xf32, #tpu.memory_space<vmem>>
        %dma_start3A_2023 = tpu.memref_squeeze %dma_start3A_2022 : memref<1x1x2x8x128xf32, #tpu.memory_space<vmem>> -> memref<2x8x128xf32, #tpu.memory_space<vmem>>
        %dma_start3A_2024 = arith.constant 0 : i32
        %dma_start3A_2025 = arith.constant 0 : i32
        %dma_start3A_2026 = tpu.memref_slice %arg4[%dma_start3A_2024, %dma_start3A_2025, %multiple_of3A_2008] : memref<2x8x1000000xf32, #tpu.memory_space<hbm>> -> memref<2x8x128xf32, #tpu.memory_space<hbm>>
        tpu.enqueue_dma source(%dma_start3A_2026 : memref<2x8x128xf32, #tpu.memory_space<hbm>>) target(%dma_start3A_2023 : memref<2x8x128xf32, #tpu.memory_space<vmem>>) target_semaphore(%arg16 : memref<!tpu.dma_semaphore, #tpu.memory_space<semaphore_mem>>)
        %slice3A_2027 = vector.extract_strided_slice %get3A_1926 {offsets = [4], sizes = [1], strides = [1]} : vector<16xi32> to vector<1xi32>
        %squeeze3A_2028 = vector.extract %slice3A_2027[0] : i32 from vector<1xi32>
        %shift_right_arithmetic3A_2029 = arith.constant 7 : i32
        %shift_right_arithmetic3A_2030 = arith.shrsi %squeeze3A_2028, %shift_right_arithmetic3A_2029 : i32
        %mul3A_2031 = arith.constant 128 : i32
        %mul3A_2032 = arith.muli %shift_right_arithmetic3A_2030, %mul3A_2031 : i32
        %multiple_of3A_2033 = tpu.assume_multiple %mul3A_2032, 128 : i32
        %dma_start3A_2034 = arith.constant 0 : i32
        %dma_start3A_2035 = arith.constant 4 : i32
        %dma_start3A_2036 = arith.constant 0 : i32
        %dma_start3A_2037 = arith.constant 0 : i32
        %dma_start3A_2038 = arith.constant 0 : i32
        %dma_start3A_2039 = tpu.memref_slice %arg11[%dma_start3A_2034, %dma_start3A_2035, %dma_start3A_2036, %dma_start3A_2037, %dma_start3A_2038] : memref<2x16x2x8x128xf32, #tpu.memory_space<vmem>> -> memref<1x1x2x8x128xf32, #tpu.memory_space<vmem>>
        %dma_start3A_2040 = tpu.memref_squeeze %dma_start3A_2039 : memref<1x1x2x8x128xf32, #tpu.memory_space<vmem>> -> memref<2x8x128xf32, #tpu.memory_space<vmem>>
        %dma_start3A_2041 = arith.constant 0 : i32
        %dma_start3A_2042 = arith.constant 0 : i32
        %dma_start3A_2043 = tpu.memref_slice %arg4[%dma_start3A_2041, %dma_start3A_2042, %multiple_of3A_2033] : memref<2x8x1000000xf32, #tpu.memory_space<hbm>> -> memref<2x8x128xf32, #tpu.memory_space<hbm>>
        %dma_start3A_2044 = arith.constant 0 : i32
        %dma_start3A_2045 = arith.constant 0 : i32
        %dma_start3A_2046 = arith.constant 0 : i32
        %dma_start3A_2047 = tpu.memref_slice %arg11[%dma_start3A_2034, %dma_start3A_2035, %dma_start3A_2044, %dma_start3A_2045, %dma_start3A_2046] : memref<2x16x2x8x128xf32, #tpu.memory_space<vmem>> -> memref<1x1x2x8x128xf32, #tpu.memory_space<vmem>>
        %dma_start3A_2048 = tpu.memref_squeeze %dma_start3A_2047 : memref<1x1x2x8x128xf32, #tpu.memory_space<vmem>> -> memref<2x8x128xf32, #tpu.memory_space<vmem>>
        %dma_start3A_2049 = arith.constant 0 : i32
        %dma_start3A_2050 = arith.constant 0 : i32
        %dma_start3A_2051 = tpu.memref_slice %arg4[%dma_start3A_2049, %dma_start3A_2050, %multiple_of3A_2033] : memref<2x8x1000000xf32, #tpu.memory_space<hbm>> -> memref<2x8x128xf32, #tpu.memory_space<hbm>>
        tpu.enqueue_dma source(%dma_start3A_2051 : memref<2x8x128xf32, #tpu.memory_space<hbm>>) target(%dma_start3A_2048 : memref<2x8x128xf32, #tpu.memory_space<vmem>>) target_semaphore(%arg16 : memref<!tpu.dma_semaphore, #tpu.memory_space<semaphore_mem>>)
        %slice3A_2052 = vector.extract_strided_slice %get3A_1926 {offsets = [5], sizes = [1], strides = [1]} : vector<16xi32> to vector<1xi32>
        %squeeze3A_2053 = vector.extract %slice3A_2052[0] : i32 from vector<1xi32>
        %shift_right_arithmetic3A_2054 = arith.constant 7 : i32
        %shift_right_arithmetic3A_2055 = arith.shrsi %squeeze3A_2053, %shift_right_arithmetic3A_2054 : i32
        %mul3A_2056 = arith.constant 128 : i32
        %mul3A_2057 = arith.muli %shift_right_arithmetic3A_2055, %mul3A_2056 : i32
        %multiple_of3A_2058 = tpu.assume_multiple %mul3A_2057, 128 : i32
        %dma_start3A_2059 = arith.constant 0 : i32
        %dma_start3A_2060 = arith.constant 5 : i32
        %dma_start3A_2061 = arith.constant 0 : i32
        %dma_start3A_2062 = arith.constant 0 : i32
        %dma_start3A_2063 = arith.constant 0 : i32
        %dma_start3A_2064 = tpu.memref_slice %arg11[%dma_start3A_2059, %dma_start3A_2060, %dma_start3A_2061, %dma_start3A_2062, %dma_start3A_2063] : memref<2x16x2x8x128xf32, #tpu.memory_space<vmem>> -> memref<1x1x2x8x128xf32, #tpu.memory_space<vmem>>
        %dma_start3A_2065 = tpu.memref_squeeze %dma_start3A_2064 : memref<1x1x2x8x128xf32, #tpu.memory_space<vmem>> -> memref<2x8x128xf32, #tpu.memory_space<vmem>>
        %dma_start3A_2066 = arith.constant 0 : i32
        %dma_start3A_2067 = arith.constant 0 : i32
        %dma_start3A_2068 = tpu.memref_slice %arg4[%dma_start3A_2066, %dma_start3A_2067, %multiple_of3A_2058] : memref<2x8x1000000xf32, #tpu.memory_space<hbm>> -> memref<2x8x128xf32, #tpu.memory_space<hbm>>
        %dma_start3A_2069 = arith.constant 0 : i32
        %dma_start3A_2070 = arith.constant 0 : i32
        %dma_start3A_2071 = arith.constant 0 : i32
        %dma_start3A_2072 = tpu.memref_slice %arg11[%dma_start3A_2059, %dma_start3A_2060, %dma_start3A_2069, %dma_start3A_2070, %dma_start3A_2071] : memref<2x16x2x8x128xf32, #tpu.memory_space<vmem>> -> memref<1x1x2x8x128xf32, #tpu.memory_space<vmem>>
        %dma_start3A_2073 = tpu.memref_squeeze %dma_start3A_2072 : memref<1x1x2x8x128xf32, #tpu.memory_space<vmem>> -> memref<2x8x128xf32, #tpu.memory_space<vmem>>
        %dma_start3A_2074 = arith.constant 0 : i32
        %dma_start3A_2075 = arith.constant 0 : i32
        %dma_start3A_2076 = tpu.memref_slice %arg4[%dma_start3A_2074, %dma_start3A_2075, %multiple_of3A_2058] : memref<2x8x1000000xf32, #tpu.memory_space<hbm>> -> memref<2x8x128xf32, #tpu.memory_space<hbm>>
        tpu.enqueue_dma source(%dma_start3A_2076 : memref<2x8x128xf32, #tpu.memory_space<hbm>>) target(%dma_start3A_2073 : memref<2x8x128xf32, #tpu.memory_space<vmem>>) target_semaphore(%arg16 : memref<!tpu.dma_semaphore, #tpu.memory_space<semaphore_mem>>)
        %slice3A_2077 = vector.extract_strided_slice %get3A_1926 {offsets = [6], sizes = [1], strides = [1]} : vector<16xi32> to vector<1xi32>
        %squeeze3A_2078 = vector.extract %slice3A_2077[0] : i32 from vector<1xi32>
        %shift_right_arithmetic3A_2079 = arith.constant 7 : i32
        %shift_right_arithmetic3A_2080 = arith.shrsi %squeeze3A_2078, %shift_right_arithmetic3A_2079 : i32
        %mul3A_2081 = arith.constant 128 : i32
        %mul3A_2082 = arith.muli %shift_right_arithmetic3A_2080, %mul3A_2081 : i32
        %multiple_of3A_2083 = tpu.assume_multiple %mul3A_2082, 128 : i32
        %dma_start3A_2084 = arith.constant 0 : i32
        %dma_start3A_2085 = arith.constant 6 : i32
        %dma_start3A_2086 = arith.constant 0 : i32
        %dma_start3A_2087 = arith.constant 0 : i32
        %dma_start3A_2088 = arith.constant 0 : i32
        %dma_start3A_2089 = tpu.memref_slice %arg11[%dma_start3A_2084, %dma_start3A_2085, %dma_start3A_2086, %dma_start3A_2087, %dma_start3A_2088] : memref<2x16x2x8x128xf32, #tpu.memory_space<vmem>> -> memref<1x1x2x8x128xf32, #tpu.memory_space<vmem>>
        %dma_start3A_2090 = tpu.memref_squeeze %dma_start3A_2089 : memref<1x1x2x8x128xf32, #tpu.memory_space<vmem>> -> memref<2x8x128xf32, #tpu.memory_space<vmem>>
        %dma_start3A_2091 = arith.constant 0 : i32
        %dma_start3A_2092 = arith.constant 0 : i32
        %dma_start3A_2093 = tpu.memref_slice %arg4[%dma_start3A_2091, %dma_start3A_2092, %multiple_of3A_2083] : memref<2x8x1000000xf32, #tpu.memory_space<hbm>> -> memref<2x8x128xf32, #tpu.memory_space<hbm>>
        %dma_start3A_2094 = arith.constant 0 : i32
        %dma_start3A_2095 = arith.constant 0 : i32
        %dma_start3A_2096 = arith.constant 0 : i32
        %dma_start3A_2097 = tpu.memref_slice %arg11[%dma_start3A_2084, %dma_start3A_2085, %dma_start3A_2094, %dma_start3A_2095, %dma_start3A_2096] : memref<2x16x2x8x128xf32, #tpu.memory_space<vmem>> -> memref<1x1x2x8x128xf32, #tpu.memory_space<vmem>>
        %dma_start3A_2098 = tpu.memref_squeeze %dma_start3A_2097 : memref<1x1x2x8x128xf32, #tpu.memory_space<vmem>> -> memref<2x8x128xf32, #tpu.memory_space<vmem>>
        %dma_start3A_2099 = arith.constant 0 : i32
        %dma_start3A_2100 = arith.constant 0 : i32
        %dma_start3A_2101 = tpu.memref_slice %arg4[%dma_start3A_2099, %dma_start3A_2100, %multiple_of3A_2083] : memref<2x8x1000000xf32, #tpu.memory_space<hbm>> -> memref<2x8x128xf32, #tpu.memory_space<hbm>>
        tpu.enqueue_dma source(%dma_start3A_2101 : memref<2x8x128xf32, #tpu.memory_space<hbm>>) target(%dma_start3A_2098 : memref<2x8x128xf32, #tpu.memory_space<vmem>>) target_semaphore(%arg16 : memref<!tpu.dma_semaphore, #tpu.memory_space<semaphore_mem>>)
        %slice3A_2102 = vector.extract_strided_slice %get3A_1926 {offsets = [7], sizes = [1], strides = [1]} : vector<16xi32> to vector<1xi32>
        %squeeze3A_2103 = vector.extract %slice3A_2102[0] : i32 from vector<1xi32>
        %shift_right_arithmetic3A_2104 = arith.constant 7 : i32
        %shift_right_arithmetic3A_2105 = arith.shrsi %squeeze3A_2103, %shift_right_arithmetic3A_2104 : i32
        %mul3A_2106 = arith.constant 128 : i32
        %mul3A_2107 = arith.muli %shift_right_arithmetic3A_2105, %mul3A_2106 : i32
        %multiple_of3A_2108 = tpu.assume_multiple %mul3A_2107, 128 : i32
        %dma_start3A_2109 = arith.constant 0 : i32
        %dma_start3A_2110 = arith.constant 7 : i32
        %dma_start3A_2111 = arith.constant 0 : i32
        %dma_start3A_2112 = arith.constant 0 : i32
        %dma_start3A_2113 = arith.constant 0 : i32
        %dma_start3A_2114 = tpu.memref_slice %arg11[%dma_start3A_2109, %dma_start3A_2110, %dma_start3A_2111, %dma_start3A_2112, %dma_start3A_2113] : memref<2x16x2x8x128xf32, #tpu.memory_space<vmem>> -> memref<1x1x2x8x128xf32, #tpu.memory_space<vmem>>
        %dma_start3A_2115 = tpu.memref_squeeze %dma_start3A_2114 : memref<1x1x2x8x128xf32, #tpu.memory_space<vmem>> -> memref<2x8x128xf32, #tpu.memory_space<vmem>>
        %dma_start3A_2116 = arith.constant 0 : i32
        %dma_start3A_2117 = arith.constant 0 : i32
        %dma_start3A_2118 = tpu.memref_slice %arg4[%dma_start3A_2116, %dma_start3A_2117, %multiple_of3A_2108] : memref<2x8x1000000xf32, #tpu.memory_space<hbm>> -> memref<2x8x128xf32, #tpu.memory_space<hbm>>
        %dma_start3A_2119 = arith.constant 0 : i32
        %dma_start3A_2120 = arith.constant 0 : i32
        %dma_start3A_2121 = arith.constant 0 : i32
        %dma_start3A_2122 = tpu.memref_slice %arg11[%dma_start3A_2109, %dma_start3A_2110, %dma_start3A_2119, %dma_start3A_2120, %dma_start3A_2121] : memref<2x16x2x8x128xf32, #tpu.memory_space<vmem>> -> memref<1x1x2x8x128xf32, #tpu.memory_space<vmem>>
        %dma_start3A_2123 = tpu.memref_squeeze %dma_start3A_2122 : memref<1x1x2x8x128xf32, #tpu.memory_space<vmem>> -> memref<2x8x128xf32, #tpu.memory_space<vmem>>
        %dma_start3A_2124 = arith.constant 0 : i32
        %dma_start3A_2125 = arith.constant 0 : i32
        %dma_start3A_2126 = tpu.memref_slice %arg4[%dma_start3A_2124, %dma_start3A_2125, %multiple_of3A_2108] : memref<2x8x1000000xf32, #tpu.memory_space<hbm>> -> memref<2x8x128xf32, #tpu.memory_space<hbm>>
        tpu.enqueue_dma source(%dma_start3A_2126 : memref<2x8x128xf32, #tpu.memory_space<hbm>>) target(%dma_start3A_2123 : memref<2x8x128xf32, #tpu.memory_space<vmem>>) target_semaphore(%arg16 : memref<!tpu.dma_semaphore, #tpu.memory_space<semaphore_mem>>)
        %slice3A_2127 = vector.extract_strided_slice %get3A_1926 {offsets = [8], sizes = [1], strides = [1]} : vector<16xi32> to vector<1xi32>
        %squeeze3A_2128 = vector.extract %slice3A_2127[0] : i32 from vector<1xi32>
        %shift_right_arithmetic3A_2129 = arith.constant 7 : i32
        %shift_right_arithmetic3A_2130 = arith.shrsi %squeeze3A_2128, %shift_right_arithmetic3A_2129 : i32
        %mul3A_2131 = arith.constant 128 : i32
        %mul3A_2132 = arith.muli %shift_right_arithmetic3A_2130, %mul3A_2131 : i32
        %multiple_of3A_2133 = tpu.assume_multiple %mul3A_2132, 128 : i32
        %dma_start3A_2134 = arith.constant 0 : i32
        %dma_start3A_2135 = arith.constant 8 : i32
        %dma_start3A_2136 = arith.constant 0 : i32
        %dma_start3A_2137 = arith.constant 0 : i32
        %dma_start3A_2138 = arith.constant 0 : i32
        %dma_start3A_2139 = tpu.memref_slice %arg11[%dma_start3A_2134, %dma_start3A_2135, %dma_start3A_2136, %dma_start3A_2137, %dma_start3A_2138] : memref<2x16x2x8x128xf32, #tpu.memory_space<vmem>> -> memref<1x1x2x8x128xf32, #tpu.memory_space<vmem>>
        %dma_start3A_2140 = tpu.memref_squeeze %dma_start3A_2139 : memref<1x1x2x8x128xf32, #tpu.memory_space<vmem>> -> memref<2x8x128xf32, #tpu.memory_space<vmem>>
        %dma_start3A_2141 = arith.constant 0 : i32
        %dma_start3A_2142 = arith.constant 0 : i32
        %dma_start3A_2143 = tpu.memref_slice %arg4[%dma_start3A_2141, %dma_start3A_2142, %multiple_of3A_2133] : memref<2x8x1000000xf32, #tpu.memory_space<hbm>> -> memref<2x8x128xf32, #tpu.memory_space<hbm>>
        %dma_start3A_2144 = arith.constant 0 : i32
        %dma_start3A_2145 = arith.constant 0 : i32
        %dma_start3A_2146 = arith.constant 0 : i32
        %dma_start3A_2147 = tpu.memref_slice %arg11[%dma_start3A_2134, %dma_start3A_2135, %dma_start3A_2144, %dma_start3A_2145, %dma_start3A_2146] : memref<2x16x2x8x128xf32, #tpu.memory_space<vmem>> -> memref<1x1x2x8x128xf32, #tpu.memory_space<vmem>>
        %dma_start3A_2148 = tpu.memref_squeeze %dma_start3A_2147 : memref<1x1x2x8x128xf32, #tpu.memory_space<vmem>> -> memref<2x8x128xf32, #tpu.memory_space<vmem>>
        %dma_start3A_2149 = arith.constant 0 : i32
        %dma_start3A_2150 = arith.constant 0 : i32
        %dma_start3A_2151 = tpu.memref_slice %arg4[%dma_start3A_2149, %dma_start3A_2150, %multiple_of3A_2133] : memref<2x8x1000000xf32, #tpu.memory_space<hbm>> -> memref<2x8x128xf32, #tpu.memory_space<hbm>>
        tpu.enqueue_dma source(%dma_start3A_2151 : memref<2x8x128xf32, #tpu.memory_space<hbm>>) target(%dma_start3A_2148 : memref<2x8x128xf32, #tpu.memory_space<vmem>>) target_semaphore(%arg16 : memref<!tpu.dma_semaphore, #tpu.memory_space<semaphore_mem>>)
        %slice3A_2152 = vector.extract_strided_slice %get3A_1926 {offsets = [9], sizes = [1], strides = [1]} : vector<16xi32> to vector<1xi32>
        %squeeze3A_2153 = vector.extract %slice3A_2152[0] : i32 from vector<1xi32>
        %shift_right_arithmetic3A_2154 = arith.constant 7 : i32
        %shift_right_arithmetic3A_2155 = arith.shrsi %squeeze3A_2153, %shift_right_arithmetic3A_2154 : i32
        %mul3A_2156 = arith.constant 128 : i32
        %mul3A_2157 = arith.muli %shift_right_arithmetic3A_2155, %mul3A_2156 : i32
        %multiple_of3A_2158 = tpu.assume_multiple %mul3A_2157, 128 : i32
        %dma_start3A_2159 = arith.constant 0 : i32
        %dma_start3A_2160 = arith.constant 9 : i32
        %dma_start3A_2161 = arith.constant 0 : i32
        %dma_start3A_2162 = arith.constant 0 : i32
        %dma_start3A_2163 = arith.constant 0 : i32
        %dma_start3A_2164 = tpu.memref_slice %arg11[%dma_start3A_2159, %dma_start3A_2160, %dma_start3A_2161, %dma_start3A_2162, %dma_start3A_2163] : memref<2x16x2x8x128xf32, #tpu.memory_space<vmem>> -> memref<1x1x2x8x128xf32, #tpu.memory_space<vmem>>
        %dma_start3A_2165 = tpu.memref_squeeze %dma_start3A_2164 : memref<1x1x2x8x128xf32, #tpu.memory_space<vmem>> -> memref<2x8x128xf32, #tpu.memory_space<vmem>>
        %dma_start3A_2166 = arith.constant 0 : i32
        %dma_start3A_2167 = arith.constant 0 : i32
        %dma_start3A_2168 = tpu.memref_slice %arg4[%dma_start3A_2166, %dma_start3A_2167, %multiple_of3A_2158] : memref<2x8x1000000xf32, #tpu.memory_space<hbm>> -> memref<2x8x128xf32, #tpu.memory_space<hbm>>
        %dma_start3A_2169 = arith.constant 0 : i32
        %dma_start3A_2170 = arith.constant 0 : i32
        %dma_start3A_2171 = arith.constant 0 : i32
        %dma_start3A_2172 = tpu.memref_slice %arg11[%dma_start3A_2159, %dma_start3A_2160, %dma_start3A_2169, %dma_start3A_2170, %dma_start3A_2171] : memref<2x16x2x8x128xf32, #tpu.memory_space<vmem>> -> memref<1x1x2x8x128xf32, #tpu.memory_space<vmem>>
        %dma_start3A_2173 = tpu.memref_squeeze %dma_start3A_2172 : memref<1x1x2x8x128xf32, #tpu.memory_space<vmem>> -> memref<2x8x128xf32, #tpu.memory_space<vmem>>
        %dma_start3A_2174 = arith.constant 0 : i32
        %dma_start3A_2175 = arith.constant 0 : i32
        %dma_start3A_2176 = tpu.memref_slice %arg4[%dma_start3A_2174, %dma_start3A_2175, %multiple_of3A_2158] : memref<2x8x1000000xf32, #tpu.memory_space<hbm>> -> memref<2x8x128xf32, #tpu.memory_space<hbm>>
        tpu.enqueue_dma source(%dma_start3A_2176 : memref<2x8x128xf32, #tpu.memory_space<hbm>>) target(%dma_start3A_2173 : memref<2x8x128xf32, #tpu.memory_space<vmem>>) target_semaphore(%arg16 : memref<!tpu.dma_semaphore, #tpu.memory_space<semaphore_mem>>)
        %slice3A_2177 = vector.extract_strided_slice %get3A_1926 {offsets = [10], sizes = [1], strides = [1]} : vector<16xi32> to vector<1xi32>
        %squeeze3A_2178 = vector.extract %slice3A_2177[0] : i32 from vector<1xi32>
        %shift_right_arithmetic3A_2179 = arith.constant 7 : i32
        %shift_right_arithmetic3A_2180 = arith.shrsi %squeeze3A_2178, %shift_right_arithmetic3A_2179 : i32
        %mul3A_2181 = arith.constant 128 : i32
        %mul3A_2182 = arith.muli %shift_right_arithmetic3A_2180, %mul3A_2181 : i32
        %multiple_of3A_2183 = tpu.assume_multiple %mul3A_2182, 128 : i32
        %dma_start3A_2184 = arith.constant 0 : i32
        %dma_start3A_2185 = arith.constant 10 : i32
        %dma_start3A_2186 = arith.constant 0 : i32
        %dma_start3A_2187 = arith.constant 0 : i32
        %dma_start3A_2188 = arith.constant 0 : i32
        %dma_start3A_2189 = tpu.memref_slice %arg11[%dma_start3A_2184, %dma_start3A_2185, %dma_start3A_2186, %dma_start3A_2187, %dma_start3A_2188] : memref<2x16x2x8x128xf32, #tpu.memory_space<vmem>> -> memref<1x1x2x8x128xf32, #tpu.memory_space<vmem>>
        %dma_start3A_2190 = tpu.memref_squeeze %dma_start3A_2189 : memref<1x1x2x8x128xf32, #tpu.memory_space<vmem>> -> memref<2x8x128xf32, #tpu.memory_space<vmem>>
        %dma_start3A_2191 = arith.constant 0 : i32
        %dma_start3A_2192 = arith.constant 0 : i32
        %dma_start3A_2193 = tpu.memref_slice %arg4[%dma_start3A_2191, %dma_start3A_2192, %multiple_of3A_2183] : memref<2x8x1000000xf32, #tpu.memory_space<hbm>> -> memref<2x8x128xf32, #tpu.memory_space<hbm>>
        %dma_start3A_2194 = arith.constant 0 : i32
        %dma_start3A_2195 = arith.constant 0 : i32
        %dma_start3A_2196 = arith.constant 0 : i32
        %dma_start3A_2197 = tpu.memref_slice %arg11[%dma_start3A_2184, %dma_start3A_2185, %dma_start3A_2194, %dma_start3A_2195, %dma_start3A_2196] : memref<2x16x2x8x128xf32, #tpu.memory_space<vmem>> -> memref<1x1x2x8x128xf32, #tpu.memory_space<vmem>>
        %dma_start3A_2198 = tpu.memref_squeeze %dma_start3A_2197 : memref<1x1x2x8x128xf32, #tpu.memory_space<vmem>> -> memref<2x8x128xf32, #tpu.memory_space<vmem>>
        %dma_start3A_2199 = arith.constant 0 : i32
        %dma_start3A_2200 = arith.constant 0 : i32
        %dma_start3A_2201 = tpu.memref_slice %arg4[%dma_start3A_2199, %dma_start3A_2200, %multiple_of3A_2183] : memref<2x8x1000000xf32, #tpu.memory_space<hbm>> -> memref<2x8x128xf32, #tpu.memory_space<hbm>>
        tpu.enqueue_dma source(%dma_start3A_2201 : memref<2x8x128xf32, #tpu.memory_space<hbm>>) target(%dma_start3A_2198 : memref<2x8x128xf32, #tpu.memory_space<vmem>>) target_semaphore(%arg16 : memref<!tpu.dma_semaphore, #tpu.memory_space<semaphore_mem>>)
        %slice3A_2202 = vector.extract_strided_slice %get3A_1926 {offsets = [11], sizes = [1], strides = [1]} : vector<16xi32> to vector<1xi32>
        %squeeze3A_2203 = vector.extract %slice3A_2202[0] : i32 from vector<1xi32>
        %shift_right_arithmetic3A_2204 = arith.constant 7 : i32
        %shift_right_arithmetic3A_2205 = arith.shrsi %squeeze3A_2203, %shift_right_arithmetic3A_2204 : i32
        %mul3A_2206 = arith.constant 128 : i32
        %mul3A_2207 = arith.muli %shift_right_arithmetic3A_2205, %mul3A_2206 : i32
        %multiple_of3A_2208 = tpu.assume_multiple %mul3A_2207, 128 : i32
        %dma_start3A_2209 = arith.constant 0 : i32
        %dma_start3A_2210 = arith.constant 11 : i32
        %dma_start3A_2211 = arith.constant 0 : i32
        %dma_start3A_2212 = arith.constant 0 : i32
        %dma_start3A_2213 = arith.constant 0 : i32
        %dma_start3A_2214 = tpu.memref_slice %arg11[%dma_start3A_2209, %dma_start3A_2210, %dma_start3A_2211, %dma_start3A_2212, %dma_start3A_2213] : memref<2x16x2x8x128xf32, #tpu.memory_space<vmem>> -> memref<1x1x2x8x128xf32, #tpu.memory_space<vmem>>
        %dma_start3A_2215 = tpu.memref_squeeze %dma_start3A_2214 : memref<1x1x2x8x128xf32, #tpu.memory_space<vmem>> -> memref<2x8x128xf32, #tpu.memory_space<vmem>>
        %dma_start3A_2216 = arith.constant 0 : i32
        %dma_start3A_2217 = arith.constant 0 : i32
        %dma_start3A_2218 = tpu.memref_slice %arg4[%dma_start3A_2216, %dma_start3A_2217, %multiple_of3A_2208] : memref<2x8x1000000xf32, #tpu.memory_space<hbm>> -> memref<2x8x128xf32, #tpu.memory_space<hbm>>
        %dma_start3A_2219 = arith.constant 0 : i32
        %dma_start3A_2220 = arith.constant 0 : i32
        %dma_start3A_2221 = arith.constant 0 : i32
        %dma_start3A_2222 = tpu.memref_slice %arg11[%dma_start3A_2209, %dma_start3A_2210, %dma_start3A_2219, %dma_start3A_2220, %dma_start3A_2221] : memref<2x16x2x8x128xf32, #tpu.memory_space<vmem>> -> memref<1x1x2x8x128xf32, #tpu.memory_space<vmem>>
        %dma_start3A_2223 = tpu.memref_squeeze %dma_start3A_2222 : memref<1x1x2x8x128xf32, #tpu.memory_space<vmem>> -> memref<2x8x128xf32, #tpu.memory_space<vmem>>
        %dma_start3A_2224 = arith.constant 0 : i32
        %dma_start3A_2225 = arith.constant 0 : i32
        %dma_start3A_2226 = tpu.memref_slice %arg4[%dma_start3A_2224, %dma_start3A_2225, %multiple_of3A_2208] : memref<2x8x1000000xf32, #tpu.memory_space<hbm>> -> memref<2x8x128xf32, #tpu.memory_space<hbm>>
        tpu.enqueue_dma source(%dma_start3A_2226 : memref<2x8x128xf32, #tpu.memory_space<hbm>>) target(%dma_start3A_2223 : memref<2x8x128xf32, #tpu.memory_space<vmem>>) target_semaphore(%arg16 : memref<!tpu.dma_semaphore, #tpu.memory_space<semaphore_mem>>)
        %slice3A_2227 = vector.extract_strided_slice %get3A_1926 {offsets = [12], sizes = [1], strides = [1]} : vector<16xi32> to vector<1xi32>
        %squeeze3A_2228 = vector.extract %slice3A_2227[0] : i32 from vector<1xi32>
        %shift_right_arithmetic3A_2229 = arith.constant 7 : i32
        %shift_right_arithmetic3A_2230 = arith.shrsi %squeeze3A_2228, %shift_right_arithmetic3A_2229 : i32
        %mul3A_2231 = arith.constant 128 : i32
        %mul3A_2232 = arith.muli %shift_right_arithmetic3A_2230, %mul3A_2231 : i32
        %multiple_of3A_2233 = tpu.assume_multiple %mul3A_2232, 128 : i32
        %dma_start3A_2234 = arith.constant 0 : i32
        %dma_start3A_2235 = arith.constant 12 : i32
        %dma_start3A_2236 = arith.constant 0 : i32
        %dma_start3A_2237 = arith.constant 0 : i32
        %dma_start3A_2238 = arith.constant 0 : i32
        %dma_start3A_2239 = tpu.memref_slice %arg11[%dma_start3A_2234, %dma_start3A_2235, %dma_start3A_2236, %dma_start3A_2237, %dma_start3A_2238] : memref<2x16x2x8x128xf32, #tpu.memory_space<vmem>> -> memref<1x1x2x8x128xf32, #tpu.memory_space<vmem>>
        %dma_start3A_2240 = tpu.memref_squeeze %dma_start3A_2239 : memref<1x1x2x8x128xf32, #tpu.memory_space<vmem>> -> memref<2x8x128xf32, #tpu.memory_space<vmem>>
        %dma_start3A_2241 = arith.constant 0 : i32
        %dma_start3A_2242 = arith.constant 0 : i32
        %dma_start3A_2243 = tpu.memref_slice %arg4[%dma_start3A_2241, %dma_start3A_2242, %multiple_of3A_2233] : memref<2x8x1000000xf32, #tpu.memory_space<hbm>> -> memref<2x8x128xf32, #tpu.memory_space<hbm>>
        %dma_start3A_2244 = arith.constant 0 : i32
        %dma_start3A_2245 = arith.constant 0 : i32
        %dma_start3A_2246 = arith.constant 0 : i32
        %dma_start3A_2247 = tpu.memref_slice %arg11[%dma_start3A_2234, %dma_start3A_2235, %dma_start3A_2244, %dma_start3A_2245, %dma_start3A_2246] : memref<2x16x2x8x128xf32, #tpu.memory_space<vmem>> -> memref<1x1x2x8x128xf32, #tpu.memory_space<vmem>>
        %dma_start3A_2248 = tpu.memref_squeeze %dma_start3A_2247 : memref<1x1x2x8x128xf32, #tpu.memory_space<vmem>> -> memref<2x8x128xf32, #tpu.memory_space<vmem>>
        %dma_start3A_2249 = arith.constant 0 : i32
        %dma_start3A_2250 = arith.constant 0 : i32
        %dma_start3A_2251 = tpu.memref_slice %arg4[%dma_start3A_2249, %dma_start3A_2250, %multiple_of3A_2233] : memref<2x8x1000000xf32, #tpu.memory_space<hbm>> -> memref<2x8x128xf32, #tpu.memory_space<hbm>>
        tpu.enqueue_dma source(%dma_start3A_2251 : memref<2x8x128xf32, #tpu.memory_space<hbm>>) target(%dma_start3A_2248 : memref<2x8x128xf32, #tpu.memory_space<vmem>>) target_semaphore(%arg16 : memref<!tpu.dma_semaphore, #tpu.memory_space<semaphore_mem>>)
        %slice3A_2252 = vector.extract_strided_slice %get3A_1926 {offsets = [13], sizes = [1], strides = [1]} : vector<16xi32> to vector<1xi32>
        %squeeze3A_2253 = vector.extract %slice3A_2252[0] : i32 from vector<1xi32>
        %shift_right_arithmetic3A_2254 = arith.constant 7 : i32
        %shift_right_arithmetic3A_2255 = arith.shrsi %squeeze3A_2253, %shift_right_arithmetic3A_2254 : i32
        %mul3A_2256 = arith.constant 128 : i32
        %mul3A_2257 = arith.muli %shift_right_arithmetic3A_2255, %mul3A_2256 : i32
        %multiple_of3A_2258 = tpu.assume_multiple %mul3A_2257, 128 : i32
        %dma_start3A_2259 = arith.constant 0 : i32
        %dma_start3A_2260 = arith.constant 13 : i32
        %dma_start3A_2261 = arith.constant 0 : i32
        %dma_start3A_2262 = arith.constant 0 : i32
        %dma_start3A_2263 = arith.constant 0 : i32
        %dma_start3A_2264 = tpu.memref_slice %arg11[%dma_start3A_2259, %dma_start3A_2260, %dma_start3A_2261, %dma_start3A_2262, %dma_start3A_2263] : memref<2x16x2x8x128xf32, #tpu.memory_space<vmem>> -> memref<1x1x2x8x128xf32, #tpu.memory_space<vmem>>
        %dma_start3A_2265 = tpu.memref_squeeze %dma_start3A_2264 : memref<1x1x2x8x128xf32, #tpu.memory_space<vmem>> -> memref<2x8x128xf32, #tpu.memory_space<vmem>>
        %dma_start3A_2266 = arith.constant 0 : i32
        %dma_start3A_2267 = arith.constant 0 : i32
        %dma_start3A_2268 = tpu.memref_slice %arg4[%dma_start3A_2266, %dma_start3A_2267, %multiple_of3A_2258] : memref<2x8x1000000xf32, #tpu.memory_space<hbm>> -> memref<2x8x128xf32, #tpu.memory_space<hbm>>
        %dma_start3A_2269 = arith.constant 0 : i32
        %dma_start3A_2270 = arith.constant 0 : i32
        %dma_start3A_2271 = arith.constant 0 : i32
        %dma_start3A_2272 = tpu.memref_slice %arg11[%dma_start3A_2259, %dma_start3A_2260, %dma_start3A_2269, %dma_start3A_2270, %dma_start3A_2271] : memref<2x16x2x8x128xf32, #tpu.memory_space<vmem>> -> memref<1x1x2x8x128xf32, #tpu.memory_space<vmem>>
        %dma_start3A_2273 = tpu.memref_squeeze %dma_start3A_2272 : memref<1x1x2x8x128xf32, #tpu.memory_space<vmem>> -> memref<2x8x128xf32, #tpu.memory_space<vmem>>
        %dma_start3A_2274 = arith.constant 0 : i32
        %dma_start3A_2275 = arith.constant 0 : i32
        %dma_start3A_2276 = tpu.memref_slice %arg4[%dma_start3A_2274, %dma_start3A_2275, %multiple_of3A_2258] : memref<2x8x1000000xf32, #tpu.memory_space<hbm>> -> memref<2x8x128xf32, #tpu.memory_space<hbm>>
        tpu.enqueue_dma source(%dma_start3A_2276 : memref<2x8x128xf32, #tpu.memory_space<hbm>>) target(%dma_start3A_2273 : memref<2x8x128xf32, #tpu.memory_space<vmem>>) target_semaphore(%arg16 : memref<!tpu.dma_semaphore, #tpu.memory_space<semaphore_mem>>)
        %slice3A_2277 = vector.extract_strided_slice %get3A_1926 {offsets = [14], sizes = [1], strides = [1]} : vector<16xi32> to vector<1xi32>
        %squeeze3A_2278 = vector.extract %slice3A_2277[0] : i32 from vector<1xi32>
        %shift_right_arithmetic3A_2279 = arith.constant 7 : i32
        %shift_right_arithmetic3A_2280 = arith.shrsi %squeeze3A_2278, %shift_right_arithmetic3A_2279 : i32
        %mul3A_2281 = arith.constant 128 : i32
        %mul3A_2282 = arith.muli %shift_right_arithmetic3A_2280, %mul3A_2281 : i32
        %multiple_of3A_2283 = tpu.assume_multiple %mul3A_2282, 128 : i32
        %dma_start3A_2284 = arith.constant 0 : i32
        %dma_start3A_2285 = arith.constant 14 : i32
        %dma_start3A_2286 = arith.constant 0 : i32
        %dma_start3A_2287 = arith.constant 0 : i32
        %dma_start3A_2288 = arith.constant 0 : i32
        %dma_start3A_2289 = tpu.memref_slice %arg11[%dma_start3A_2284, %dma_start3A_2285, %dma_start3A_2286, %dma_start3A_2287, %dma_start3A_2288] : memref<2x16x2x8x128xf32, #tpu.memory_space<vmem>> -> memref<1x1x2x8x128xf32, #tpu.memory_space<vmem>>
        %dma_start3A_2290 = tpu.memref_squeeze %dma_start3A_2289 : memref<1x1x2x8x128xf32, #tpu.memory_space<vmem>> -> memref<2x8x128xf32, #tpu.memory_space<vmem>>
        %dma_start3A_2291 = arith.constant 0 : i32
        %dma_start3A_2292 = arith.constant 0 : i32
        %dma_start3A_2293 = tpu.memref_slice %arg4[%dma_start3A_2291, %dma_start3A_2292, %multiple_of3A_2283] : memref<2x8x1000000xf32, #tpu.memory_space<hbm>> -> memref<2x8x128xf32, #tpu.memory_space<hbm>>
        %dma_start3A_2294 = arith.constant 0 : i32
        %dma_start3A_2295 = arith.constant 0 : i32
        %dma_start3A_2296 = arith.constant 0 : i32
        %dma_start3A_2297 = tpu.memref_slice %arg11[%dma_start3A_2284, %dma_start3A_2285, %dma_start3A_2294, %dma_start3A_2295, %dma_start3A_2296] : memref<2x16x2x8x128xf32, #tpu.memory_space<vmem>> -> memref<1x1x2x8x128xf32, #tpu.memory_space<vmem>>
        %dma_start3A_2298 = tpu.memref_squeeze %dma_start3A_2297 : memref<1x1x2x8x128xf32, #tpu.memory_space<vmem>> -> memref<2x8x128xf32, #tpu.memory_space<vmem>>
        %dma_start3A_2299 = arith.constant 0 : i32
        %dma_start3A_2300 = arith.constant 0 : i32
        %dma_start3A_2301 = tpu.memref_slice %arg4[%dma_start3A_2299, %dma_start3A_2300, %multiple_of3A_2283] : memref<2x8x1000000xf32, #tpu.memory_space<hbm>> -> memref<2x8x128xf32, #tpu.memory_space<hbm>>
        tpu.enqueue_dma source(%dma_start3A_2301 : memref<2x8x128xf32, #tpu.memory_space<hbm>>) target(%dma_start3A_2298 : memref<2x8x128xf32, #tpu.memory_space<vmem>>) target_semaphore(%arg16 : memref<!tpu.dma_semaphore, #tpu.memory_space<semaphore_mem>>)
        %slice3A_2302 = vector.extract_strided_slice %get3A_1926 {offsets = [15], sizes = [1], strides = [1]} : vector<16xi32> to vector<1xi32>
        %squeeze3A_2303 = vector.extract %slice3A_2302[0] : i32 from vector<1xi32>
        %shift_right_arithmetic3A_2304 = arith.constant 7 : i32
        %shift_right_arithmetic3A_2305 = arith.shrsi %squeeze3A_2303, %shift_right_arithmetic3A_2304 : i32
        %mul3A_2306 = arith.constant 128 : i32
        %mul3A_2307 = arith.muli %shift_right_arithmetic3A_2305, %mul3A_2306 : i32
        %multiple_of3A_2308 = tpu.assume_multiple %mul3A_2307, 128 : i32
        %dma_start3A_2309 = arith.constant 0 : i32
        %dma_start3A_2310 = arith.constant 15 : i32
        %dma_start3A_2311 = arith.constant 0 : i32
        %dma_start3A_2312 = arith.constant 0 : i32
        %dma_start3A_2313 = arith.constant 0 : i32
        %dma_start3A_2314 = tpu.memref_slice %arg11[%dma_start3A_2309, %dma_start3A_2310, %dma_start3A_2311, %dma_start3A_2312, %dma_start3A_2313] : memref<2x16x2x8x128xf32, #tpu.memory_space<vmem>> -> memref<1x1x2x8x128xf32, #tpu.memory_space<vmem>>
        %dma_start3A_2315 = tpu.memref_squeeze %dma_start3A_2314 : memref<1x1x2x8x128xf32, #tpu.memory_space<vmem>> -> memref<2x8x128xf32, #tpu.memory_space<vmem>>
        %dma_start3A_2316 = arith.constant 0 : i32
        %dma_start3A_2317 = arith.constant 0 : i32
        %dma_start3A_2318 = tpu.memref_slice %arg4[%dma_start3A_2316, %dma_start3A_2317, %multiple_of3A_2308] : memref<2x8x1000000xf32, #tpu.memory_space<hbm>> -> memref<2x8x128xf32, #tpu.memory_space<hbm>>
        %dma_start3A_2319 = arith.constant 0 : i32
        %dma_start3A_2320 = arith.constant 0 : i32
        %dma_start3A_2321 = arith.constant 0 : i32
        %dma_start3A_2322 = tpu.memref_slice %arg11[%dma_start3A_2309, %dma_start3A_2310, %dma_start3A_2319, %dma_start3A_2320, %dma_start3A_2321] : memref<2x16x2x8x128xf32, #tpu.memory_space<vmem>> -> memref<1x1x2x8x128xf32, #tpu.memory_space<vmem>>
        %dma_start3A_2323 = tpu.memref_squeeze %dma_start3A_2322 : memref<1x1x2x8x128xf32, #tpu.memory_space<vmem>> -> memref<2x8x128xf32, #tpu.memory_space<vmem>>
        %dma_start3A_2324 = arith.constant 0 : i32
        %dma_start3A_2325 = arith.constant 0 : i32
        %dma_start3A_2326 = tpu.memref_slice %arg4[%dma_start3A_2324, %dma_start3A_2325, %multiple_of3A_2308] : memref<2x8x1000000xf32, #tpu.memory_space<hbm>> -> memref<2x8x128xf32, #tpu.memory_space<hbm>>
        tpu.enqueue_dma source(%dma_start3A_2326 : memref<2x8x128xf32, #tpu.memory_space<hbm>>) target(%dma_start3A_2323 : memref<2x8x128xf32, #tpu.memory_space<vmem>>) target_semaphore(%arg16 : memref<!tpu.dma_semaphore, #tpu.memory_space<semaphore_mem>>)
        %dma_start3A_2327 = arith.constant 0 : i32
        %dma_start3A_2328 = arith.constant 0 : i32
        %dma_start3A_2329 = arith.constant 0 : i32
        %dma_start3A_2330 = tpu.memref_slice %arg12[%dma_start3A_2327, %dma_start3A_2328, %dma_start3A_2329] : memref<2x16x128xf32, #tpu.memory_space<vmem>> -> memref<1x16x128xf32, #tpu.memory_space<vmem>>
        %dma_start3A_2331 = tpu.memref_squeeze %dma_start3A_2330 : memref<1x16x128xf32, #tpu.memory_space<vmem>> -> memref<16x128xf32, #tpu.memory_space<vmem>>
        %dma_start3A_2332 = tpu.memref_slice %arg10[%mul3A_1924] : memref<512xi32, #tpu.memory_space<vmem>> -> memref<16xi32, #tpu.memory_space<vmem>>
        %dma_start3A_2333 = arith.constant 0 : i32
        %dma_start3A_2334 = arith.constant 0 : i32
        %dma_start3A_2335 = tpu.memref_slice %arg7[%dma_start3A_2333, %dma_start3A_2334] : memref<12512x128xf32, #tpu.memory_space<hbm>> -> memref<12512x128xf32, #tpu.memory_space<hbm>>
        tpu.enqueue_indirect_dma source(%dma_start3A_2335 : memref<12512x128xf32, #tpu.memory_space<hbm>>) target(%dma_start3A_2331 : memref<16x128xf32, #tpu.memory_space<vmem>>) offsets(%dma_start3A_2332 : memref<16xi32, #tpu.memory_space<vmem>>) semaphore(%arg17 : memref<!tpu.dma_semaphore, #tpu.memory_space<semaphore_mem>>)
      } else {
      }
      %dma_wait3A_1389 = arith.constant 0 : i32
      %dma_wait3A_1390 = arith.constant 0 : i32
      %dma_wait3A_1391 = arith.constant 0 : i32
      %dma_wait3A_1392 = arith.constant 0 : i32
      %dma_wait3A_1393 = arith.constant 0 : i32
      %dma_wait3A_1394 = tpu.memref_slice %arg11[%dma_wait3A_1389, %dma_wait3A_1390, %dma_wait3A_1391, %dma_wait3A_1392, %dma_wait3A_1393] : memref<2x16x2x8x128xf32, #tpu.memory_space<vmem>> -> memref<1x1x2x8x128xf32, #tpu.memory_space<vmem>>
      %dma_wait3A_1395 = tpu.memref_squeeze %dma_wait3A_1394 : memref<1x1x2x8x128xf32, #tpu.memory_space<vmem>> -> memref<2x8x128xf32, #tpu.memory_space<vmem>>
      %dma_wait3A_1396 = arith.constant 0 : i32
      %dma_wait3A_1397 = arith.constant 0 : i32
      %dma_wait3A_1398 = arith.constant 0 : i32
      %dma_wait3A_1399 = tpu.memref_slice %arg4[%dma_wait3A_1396, %dma_wait3A_1397, %dma_wait3A_1398] : memref<2x8x1000000xf32, #tpu.memory_space<hbm>> -> memref<2x8x128xf32, #tpu.memory_space<hbm>>
      %dma_wait3A_1400 = arith.constant 0 : i32
      %dma_wait3A_1401 = arith.constant 0 : i32
      %dma_wait3A_1402 = arith.constant 0 : i32
      %dma_wait3A_1403 = tpu.memref_slice %arg11[%dma_wait3A_1389, %dma_wait3A_1390, %dma_wait3A_1400, %dma_wait3A_1401, %dma_wait3A_1402] : memref<2x16x2x8x128xf32, #tpu.memory_space<vmem>> -> memref<1x1x2x8x128xf32, #tpu.memory_space<vmem>>
      %dma_wait3A_1404 = tpu.memref_squeeze %dma_wait3A_1403 : memref<1x1x2x8x128xf32, #tpu.memory_space<vmem>> -> memref<2x8x128xf32, #tpu.memory_space<vmem>>
      %dma_wait3A_1405 = arith.constant 0 : i32
      %dma_wait3A_1406 = arith.constant 0 : i32
      %dma_wait3A_1407 = arith.constant 0 : i32
      %dma_wait3A_1408 = tpu.memref_slice %arg4[%dma_wait3A_1405, %dma_wait3A_1406, %dma_wait3A_1407] : memref<2x8x1000000xf32, #tpu.memory_space<hbm>> -> memref<2x8x128xf32, #tpu.memory_space<hbm>>
      tpu.wait_dma2 semaphore(%arg18 : memref<!tpu.dma_semaphore, #tpu.memory_space<semaphore_mem>>) src(%dma_wait3A_1408 : memref<2x8x128xf32, #tpu.memory_space<hbm>>) dst(%dma_wait3A_1404 : memref<2x8x128xf32, #tpu.memory_space<vmem>>)
      %dma_wait3A_1409 = arith.constant 0 : i32
      %dma_wait3A_1410 = arith.constant 0 : i32
      %dma_wait3A_1411 = arith.constant 0 : i32
      %dma_wait3A_1412 = arith.constant 0 : i32
      %dma_wait3A_1413 = arith.constant 0 : i32
      %dma_wait3A_1414 = tpu.memref_slice %arg11[%dma_wait3A_1409, %dma_wait3A_1410, %dma_wait3A_1411, %dma_wait3A_1412, %dma_wait3A_1413] : memref<2x16x2x8x128xf32, #tpu.memory_space<vmem>> -> memref<1x1x2x8x128xf32, #tpu.memory_space<vmem>>
      %dma_wait3A_1415 = tpu.memref_squeeze %dma_wait3A_1414 : memref<1x1x2x8x128xf32, #tpu.memory_space<vmem>> -> memref<2x8x128xf32, #tpu.memory_space<vmem>>
      %dma_wait3A_1416 = arith.constant 0 : i32
      %dma_wait3A_1417 = arith.constant 0 : i32
      %dma_wait3A_1418 = arith.constant 0 : i32
      %dma_wait3A_1419 = tpu.memref_slice %arg4[%dma_wait3A_1416, %dma_wait3A_1417, %dma_wait3A_1418] : memref<2x8x1000000xf32, #tpu.memory_space<hbm>> -> memref<2x8x128xf32, #tpu.memory_space<hbm>>
      %dma_wait3A_1420 = arith.constant 0 : i32
      %dma_wait3A_1421 = arith.constant 0 : i32
      %dma_wait3A_1422 = arith.constant 0 : i32
      %dma_wait3A_1423 = tpu.memref_slice %arg11[%dma_wait3A_1409, %dma_wait3A_1410, %dma_wait3A_1420, %dma_wait3A_1421, %dma_wait3A_1422] : memref<2x16x2x8x128xf32, #tpu.memory_space<vmem>> -> memref<1x1x2x8x128xf32, #tpu.memory_space<vmem>>
      %dma_wait3A_1424 = tpu.memref_squeeze %dma_wait3A_1423 : memref<1x1x2x8x128xf32, #tpu.memory_space<vmem>> -> memref<2x8x128xf32, #tpu.memory_space<vmem>>
      %dma_wait3A_1425 = arith.constant 0 : i32
      %dma_wait3A_1426 = arith.constant 0 : i32
      %dma_wait3A_1427 = arith.constant 0 : i32
      %dma_wait3A_1428 = tpu.memref_slice %arg4[%dma_wait3A_1425, %dma_wait3A_1426, %dma_wait3A_1427] : memref<2x8x1000000xf32, #tpu.memory_space<hbm>> -> memref<2x8x128xf32, #tpu.memory_space<hbm>>
      tpu.wait_dma2 semaphore(%arg18 : memref<!tpu.dma_semaphore, #tpu.memory_space<semaphore_mem>>) src(%dma_wait3A_1428 : memref<2x8x128xf32, #tpu.memory_space<hbm>>) dst(%dma_wait3A_1424 : memref<2x8x128xf32, #tpu.memory_space<vmem>>)
      %dma_wait3A_1429 = arith.constant 0 : i32
      %dma_wait3A_1430 = arith.constant 0 : i32
      %dma_wait3A_1431 = arith.constant 0 : i32
      %dma_wait3A_1432 = arith.constant 0 : i32
      %dma_wait3A_1433 = arith.constant 0 : i32
      %dma_wait3A_1434 = tpu.memref_slice %arg11[%dma_wait3A_1429, %dma_wait3A_1430, %dma_wait3A_1431, %dma_wait3A_1432, %dma_wait3A_1433] : memref<2x16x2x8x128xf32, #tpu.memory_space<vmem>> -> memref<1x1x2x8x128xf32, #tpu.memory_space<vmem>>
      %dma_wait3A_1435 = tpu.memref_squeeze %dma_wait3A_1434 : memref<1x1x2x8x128xf32, #tpu.memory_space<vmem>> -> memref<2x8x128xf32, #tpu.memory_space<vmem>>
      %dma_wait3A_1436 = arith.constant 0 : i32
      %dma_wait3A_1437 = arith.constant 0 : i32
      %dma_wait3A_1438 = arith.constant 0 : i32
      %dma_wait3A_1439 = tpu.memref_slice %arg4[%dma_wait3A_1436, %dma_wait3A_1437, %dma_wait3A_1438] : memref<2x8x1000000xf32, #tpu.memory_space<hbm>> -> memref<2x8x128xf32, #tpu.memory_space<hbm>>
      %dma_wait3A_1440 = arith.constant 0 : i32
      %dma_wait3A_1441 = arith.constant 0 : i32
      %dma_wait3A_1442 = arith.constant 0 : i32
      %dma_wait3A_1443 = tpu.memref_slice %arg11[%dma_wait3A_1429, %dma_wait3A_1430, %dma_wait3A_1440, %dma_wait3A_1441, %dma_wait3A_1442] : memref<2x16x2x8x128xf32, #tpu.memory_space<vmem>> -> memref<1x1x2x8x128xf32, #tpu.memory_space<vmem>>
      %dma_wait3A_1444 = tpu.memref_squeeze %dma_wait3A_1443 : memref<1x1x2x8x128xf32, #tpu.memory_space<vmem>> -> memref<2x8x128xf32, #tpu.memory_space<vmem>>
      %dma_wait3A_1445 = arith.constant 0 : i32
      %dma_wait3A_1446 = arith.constant 0 : i32
      %dma_wait3A_1447 = arith.constant 0 : i32
      %dma_wait3A_1448 = tpu.memref_slice %arg4[%dma_wait3A_1445, %dma_wait3A_1446, %dma_wait3A_1447] : memref<2x8x1000000xf32, #tpu.memory_space<hbm>> -> memref<2x8x128xf32, #tpu.memory_space<hbm>>
      tpu.wait_dma2 semaphore(%arg18 : memref<!tpu.dma_semaphore, #tpu.memory_space<semaphore_mem>>) src(%dma_wait3A_1448 : memref<2x8x128xf32, #tpu.memory_space<hbm>>) dst(%dma_wait3A_1444 : memref<2x8x128xf32, #tpu.memory_space<vmem>>)
      %dma_wait3A_1449 = arith.constant 0 : i32
      %dma_wait3A_1450 = arith.constant 0 : i32
      %dma_wait3A_1451 = arith.constant 0 : i32
      %dma_wait3A_1452 = arith.constant 0 : i32
      %dma_wait3A_1453 = arith.constant 0 : i32
      %dma_wait3A_1454 = tpu.memref_slice %arg11[%dma_wait3A_1449, %dma_wait3A_1450, %dma_wait3A_1451, %dma_wait3A_1452, %dma_wait3A_1453] : memref<2x16x2x8x128xf32, #tpu.memory_space<vmem>> -> memref<1x1x2x8x128xf32, #tpu.memory_space<vmem>>
      %dma_wait3A_1455 = tpu.memref_squeeze %dma_wait3A_1454 : memref<1x1x2x8x128xf32, #tpu.memory_space<vmem>> -> memref<2x8x128xf32, #tpu.memory_space<vmem>>
      %dma_wait3A_1456 = arith.constant 0 : i32
      %dma_wait3A_1457 = arith.constant 0 : i32
      %dma_wait3A_1458 = arith.constant 0 : i32
      %dma_wait3A_1459 = tpu.memref_slice %arg4[%dma_wait3A_1456, %dma_wait3A_1457, %dma_wait3A_1458] : memref<2x8x1000000xf32, #tpu.memory_space<hbm>> -> memref<2x8x128xf32, #tpu.memory_space<hbm>>
      %dma_wait3A_1460 = arith.constant 0 : i32
      %dma_wait3A_1461 = arith.constant 0 : i32
      %dma_wait3A_1462 = arith.constant 0 : i32
      %dma_wait3A_1463 = tpu.memref_slice %arg11[%dma_wait3A_1449, %dma_wait3A_1450, %dma_wait3A_1460, %dma_wait3A_1461, %dma_wait3A_1462] : memref<2x16x2x8x128xf32, #tpu.memory_space<vmem>> -> memref<1x1x2x8x128xf32, #tpu.memory_space<vmem>>
      %dma_wait3A_1464 = tpu.memref_squeeze %dma_wait3A_1463 : memref<1x1x2x8x128xf32, #tpu.memory_space<vmem>> -> memref<2x8x128xf32, #tpu.memory_space<vmem>>
      %dma_wait3A_1465 = arith.constant 0 : i32
      %dma_wait3A_1466 = arith.constant 0 : i32
      %dma_wait3A_1467 = arith.constant 0 : i32
      %dma_wait3A_1468 = tpu.memref_slice %arg4[%dma_wait3A_1465, %dma_wait3A_1466, %dma_wait3A_1467] : memref<2x8x1000000xf32, #tpu.memory_space<hbm>> -> memref<2x8x128xf32, #tpu.memory_space<hbm>>
      tpu.wait_dma2 semaphore(%arg18 : memref<!tpu.dma_semaphore, #tpu.memory_space<semaphore_mem>>) src(%dma_wait3A_1468 : memref<2x8x128xf32, #tpu.memory_space<hbm>>) dst(%dma_wait3A_1464 : memref<2x8x128xf32, #tpu.memory_space<vmem>>)
      %dma_wait3A_1469 = arith.constant 0 : i32
      %dma_wait3A_1470 = arith.constant 0 : i32
      %dma_wait3A_1471 = arith.constant 0 : i32
      %dma_wait3A_1472 = arith.constant 0 : i32
      %dma_wait3A_1473 = arith.constant 0 : i32
      %dma_wait3A_1474 = tpu.memref_slice %arg11[%dma_wait3A_1469, %dma_wait3A_1470, %dma_wait3A_1471, %dma_wait3A_1472, %dma_wait3A_1473] : memref<2x16x2x8x128xf32, #tpu.memory_space<vmem>> -> memref<1x1x2x8x128xf32, #tpu.memory_space<vmem>>
      %dma_wait3A_1475 = tpu.memref_squeeze %dma_wait3A_1474 : memref<1x1x2x8x128xf32, #tpu.memory_space<vmem>> -> memref<2x8x128xf32, #tpu.memory_space<vmem>>
      %dma_wait3A_1476 = arith.constant 0 : i32
      %dma_wait3A_1477 = arith.constant 0 : i32
      %dma_wait3A_1478 = arith.constant 0 : i32
      %dma_wait3A_1479 = tpu.memref_slice %arg4[%dma_wait3A_1476, %dma_wait3A_1477, %dma_wait3A_1478] : memref<2x8x1000000xf32, #tpu.memory_space<hbm>> -> memref<2x8x128xf32, #tpu.memory_space<hbm>>
      %dma_wait3A_1480 = arith.constant 0 : i32
      %dma_wait3A_1481 = arith.constant 0 : i32
      %dma_wait3A_1482 = arith.constant 0 : i32
      %dma_wait3A_1483 = tpu.memref_slice %arg11[%dma_wait3A_1469, %dma_wait3A_1470, %dma_wait3A_1480, %dma_wait3A_1481, %dma_wait3A_1482] : memref<2x16x2x8x128xf32, #tpu.memory_space<vmem>> -> memref<1x1x2x8x128xf32, #tpu.memory_space<vmem>>
      %dma_wait3A_1484 = tpu.memref_squeeze %dma_wait3A_1483 : memref<1x1x2x8x128xf32, #tpu.memory_space<vmem>> -> memref<2x8x128xf32, #tpu.memory_space<vmem>>
      %dma_wait3A_1485 = arith.constant 0 : i32
      %dma_wait3A_1486 = arith.constant 0 : i32
      %dma_wait3A_1487 = arith.constant 0 : i32
      %dma_wait3A_1488 = tpu.memref_slice %arg4[%dma_wait3A_1485, %dma_wait3A_1486, %dma_wait3A_1487] : memref<2x8x1000000xf32, #tpu.memory_space<hbm>> -> memref<2x8x128xf32, #tpu.memory_space<hbm>>
      tpu.wait_dma2 semaphore(%arg18 : memref<!tpu.dma_semaphore, #tpu.memory_space<semaphore_mem>>) src(%dma_wait3A_1488 : memref<2x8x128xf32, #tpu.memory_space<hbm>>) dst(%dma_wait3A_1484 : memref<2x8x128xf32, #tpu.memory_space<vmem>>)
      %dma_wait3A_1489 = arith.constant 0 : i32
      %dma_wait3A_1490 = arith.constant 0 : i32
      %dma_wait3A_1491 = arith.constant 0 : i32
      %dma_wait3A_1492 = arith.constant 0 : i32
      %dma_wait3A_1493 = arith.constant 0 : i32
      %dma_wait3A_1494 = tpu.memref_slice %arg11[%dma_wait3A_1489, %dma_wait3A_1490, %dma_wait3A_1491, %dma_wait3A_1492, %dma_wait3A_1493] : memref<2x16x2x8x128xf32, #tpu.memory_space<vmem>> -> memref<1x1x2x8x128xf32, #tpu.memory_space<vmem>>
      %dma_wait3A_1495 = tpu.memref_squeeze %dma_wait3A_1494 : memref<1x1x2x8x128xf32, #tpu.memory_space<vmem>> -> memref<2x8x128xf32, #tpu.memory_space<vmem>>
      %dma_wait3A_1496 = arith.constant 0 : i32
      %dma_wait3A_1497 = arith.constant 0 : i32
      %dma_wait3A_1498 = arith.constant 0 : i32
      %dma_wait3A_1499 = tpu.memref_slice %arg4[%dma_wait3A_1496, %dma_wait3A_1497, %dma_wait3A_1498] : memref<2x8x1000000xf32, #tpu.memory_space<hbm>> -> memref<2x8x128xf32, #tpu.memory_space<hbm>>
      %dma_wait3A_1500 = arith.constant 0 : i32
      %dma_wait3A_1501 = arith.constant 0 : i32
      %dma_wait3A_1502 = arith.constant 0 : i32
      %dma_wait3A_1503 = tpu.memref_slice %arg11[%dma_wait3A_1489, %dma_wait3A_1490, %dma_wait3A_1500, %dma_wait3A_1501, %dma_wait3A_1502] : memref<2x16x2x8x128xf32, #tpu.memory_space<vmem>> -> memref<1x1x2x8x128xf32, #tpu.memory_space<vmem>>
      %dma_wait3A_1504 = tpu.memref_squeeze %dma_wait3A_1503 : memref<1x1x2x8x128xf32, #tpu.memory_space<vmem>> -> memref<2x8x128xf32, #tpu.memory_space<vmem>>
      %dma_wait3A_1505 = arith.constant 0 : i32
      %dma_wait3A_1506 = arith.constant 0 : i32
      %dma_wait3A_1507 = arith.constant 0 : i32
      %dma_wait3A_1508 = tpu.memref_slice %arg4[%dma_wait3A_1505, %dma_wait3A_1506, %dma_wait3A_1507] : memref<2x8x1000000xf32, #tpu.memory_space<hbm>> -> memref<2x8x128xf32, #tpu.memory_space<hbm>>
      tpu.wait_dma2 semaphore(%arg18 : memref<!tpu.dma_semaphore, #tpu.memory_space<semaphore_mem>>) src(%dma_wait3A_1508 : memref<2x8x128xf32, #tpu.memory_space<hbm>>) dst(%dma_wait3A_1504 : memref<2x8x128xf32, #tpu.memory_space<vmem>>)
      %dma_wait3A_1509 = arith.constant 0 : i32
      %dma_wait3A_1510 = arith.constant 0 : i32
      %dma_wait3A_1511 = arith.constant 0 : i32
      %dma_wait3A_1512 = arith.constant 0 : i32
      %dma_wait3A_1513 = arith.constant 0 : i32
      %dma_wait3A_1514 = tpu.memref_slice %arg11[%dma_wait3A_1509, %dma_wait3A_1510, %dma_wait3A_1511, %dma_wait3A_1512, %dma_wait3A_1513] : memref<2x16x2x8x128xf32, #tpu.memory_space<vmem>> -> memref<1x1x2x8x128xf32, #tpu.memory_space<vmem>>
      %dma_wait3A_1515 = tpu.memref_squeeze %dma_wait3A_1514 : memref<1x1x2x8x128xf32, #tpu.memory_space<vmem>> -> memref<2x8x128xf32, #tpu.memory_space<vmem>>
      %dma_wait3A_1516 = arith.constant 0 : i32
      %dma_wait3A_1517 = arith.constant 0 : i32
      %dma_wait3A_1518 = arith.constant 0 : i32
      %dma_wait3A_1519 = tpu.memref_slice %arg4[%dma_wait3A_1516, %dma_wait3A_1517, %dma_wait3A_1518] : memref<2x8x1000000xf32, #tpu.memory_space<hbm>> -> memref<2x8x128xf32, #tpu.memory_space<hbm>>
      %dma_wait3A_1520 = arith.constant 0 : i32
      %dma_wait3A_1521 = arith.constant 0 : i32
      %dma_wait3A_1522 = arith.constant 0 : i32
      %dma_wait3A_1523 = tpu.memref_slice %arg11[%dma_wait3A_1509, %dma_wait3A_1510, %dma_wait3A_1520, %dma_wait3A_1521, %dma_wait3A_1522] : memref<2x16x2x8x128xf32, #tpu.memory_space<vmem>> -> memref<1x1x2x8x128xf32, #tpu.memory_space<vmem>>
      %dma_wait3A_1524 = tpu.memref_squeeze %dma_wait3A_1523 : memref<1x1x2x8x128xf32, #tpu.memory_space<vmem>> -> memref<2x8x128xf32, #tpu.memory_space<vmem>>
      %dma_wait3A_1525 = arith.constant 0 : i32
      %dma_wait3A_1526 = arith.constant 0 : i32
      %dma_wait3A_1527 = arith.constant 0 : i32
      %dma_wait3A_1528 = tpu.memref_slice %arg4[%dma_wait3A_1525, %dma_wait3A_1526, %dma_wait3A_1527] : memref<2x8x1000000xf32, #tpu.memory_space<hbm>> -> memref<2x8x128xf32, #tpu.memory_space<hbm>>
      tpu.wait_dma2 semaphore(%arg18 : memref<!tpu.dma_semaphore, #tpu.memory_space<semaphore_mem>>) src(%dma_wait3A_1528 : memref<2x8x128xf32, #tpu.memory_space<hbm>>) dst(%dma_wait3A_1524 : memref<2x8x128xf32, #tpu.memory_space<vmem>>)
      %dma_wait3A_1529 = arith.constant 0 : i32
      %dma_wait3A_1530 = arith.constant 0 : i32
      %dma_wait3A_1531 = arith.constant 0 : i32
      %dma_wait3A_1532 = arith.constant 0 : i32
      %dma_wait3A_1533 = arith.constant 0 : i32
      %dma_wait3A_1534 = tpu.memref_slice %arg11[%dma_wait3A_1529, %dma_wait3A_1530, %dma_wait3A_1531, %dma_wait3A_1532, %dma_wait3A_1533] : memref<2x16x2x8x128xf32, #tpu.memory_space<vmem>> -> memref<1x1x2x8x128xf32, #tpu.memory_space<vmem>>
      %dma_wait3A_1535 = tpu.memref_squeeze %dma_wait3A_1534 : memref<1x1x2x8x128xf32, #tpu.memory_space<vmem>> -> memref<2x8x128xf32, #tpu.memory_space<vmem>>
      %dma_wait3A_1536 = arith.constant 0 : i32
      %dma_wait3A_1537 = arith.constant 0 : i32
      %dma_wait3A_1538 = arith.constant 0 : i32
      %dma_wait3A_1539 = tpu.memref_slice %arg4[%dma_wait3A_1536, %dma_wait3A_1537, %dma_wait3A_1538] : memref<2x8x1000000xf32, #tpu.memory_space<hbm>> -> memref<2x8x128xf32, #tpu.memory_space<hbm>>
      %dma_wait3A_1540 = arith.constant 0 : i32
      %dma_wait3A_1541 = arith.constant 0 : i32
      %dma_wait3A_1542 = arith.constant 0 : i32
      %dma_wait3A_1543 = tpu.memref_slice %arg11[%dma_wait3A_1529, %dma_wait3A_1530, %dma_wait3A_1540, %dma_wait3A_1541, %dma_wait3A_1542] : memref<2x16x2x8x128xf32, #tpu.memory_space<vmem>> -> memref<1x1x2x8x128xf32, #tpu.memory_space<vmem>>
      %dma_wait3A_1544 = tpu.memref_squeeze %dma_wait3A_1543 : memref<1x1x2x8x128xf32, #tpu.memory_space<vmem>> -> memref<2x8x128xf32, #tpu.memory_space<vmem>>
      %dma_wait3A_1545 = arith.constant 0 : i32
      %dma_wait3A_1546 = arith.constant 0 : i32
      %dma_wait3A_1547 = arith.constant 0 : i32
      %dma_wait3A_1548 = tpu.memref_slice %arg4[%dma_wait3A_1545, %dma_wait3A_1546, %dma_wait3A_1547] : memref<2x8x1000000xf32, #tpu.memory_space<hbm>> -> memref<2x8x128xf32, #tpu.memory_space<hbm>>
      tpu.wait_dma2 semaphore(%arg18 : memref<!tpu.dma_semaphore, #tpu.memory_space<semaphore_mem>>) src(%dma_wait3A_1548 : memref<2x8x128xf32, #tpu.memory_space<hbm>>) dst(%dma_wait3A_1544 : memref<2x8x128xf32, #tpu.memory_space<vmem>>)
      %dma_wait3A_1549 = arith.constant 0 : i32
      %dma_wait3A_1550 = arith.constant 0 : i32
      %dma_wait3A_1551 = arith.constant 0 : i32
      %dma_wait3A_1552 = arith.constant 0 : i32
      %dma_wait3A_1553 = arith.constant 0 : i32
      %dma_wait3A_1554 = tpu.memref_slice %arg11[%dma_wait3A_1549, %dma_wait3A_1550, %dma_wait3A_1551, %dma_wait3A_1552, %dma_wait3A_1553] : memref<2x16x2x8x128xf32, #tpu.memory_space<vmem>> -> memref<1x1x2x8x128xf32, #tpu.memory_space<vmem>>
      %dma_wait3A_1555 = tpu.memref_squeeze %dma_wait3A_1554 : memref<1x1x2x8x128xf32, #tpu.memory_space<vmem>> -> memref<2x8x128xf32, #tpu.memory_space<vmem>>
      %dma_wait3A_1556 = arith.constant 0 : i32
      %dma_wait3A_1557 = arith.constant 0 : i32
      %dma_wait3A_1558 = arith.constant 0 : i32
      %dma_wait3A_1559 = tpu.memref_slice %arg4[%dma_wait3A_1556, %dma_wait3A_1557, %dma_wait3A_1558] : memref<2x8x1000000xf32, #tpu.memory_space<hbm>> -> memref<2x8x128xf32, #tpu.memory_space<hbm>>
      %dma_wait3A_1560 = arith.constant 0 : i32
      %dma_wait3A_1561 = arith.constant 0 : i32
      %dma_wait3A_1562 = arith.constant 0 : i32
      %dma_wait3A_1563 = tpu.memref_slice %arg11[%dma_wait3A_1549, %dma_wait3A_1550, %dma_wait3A_1560, %dma_wait3A_1561, %dma_wait3A_1562] : memref<2x16x2x8x128xf32, #tpu.memory_space<vmem>> -> memref<1x1x2x8x128xf32, #tpu.memory_space<vmem>>
      %dma_wait3A_1564 = tpu.memref_squeeze %dma_wait3A_1563 : memref<1x1x2x8x128xf32, #tpu.memory_space<vmem>> -> memref<2x8x128xf32, #tpu.memory_space<vmem>>
      %dma_wait3A_1565 = arith.constant 0 : i32
      %dma_wait3A_1566 = arith.constant 0 : i32
      %dma_wait3A_1567 = arith.constant 0 : i32
      %dma_wait3A_1568 = tpu.memref_slice %arg4[%dma_wait3A_1565, %dma_wait3A_1566, %dma_wait3A_1567] : memref<2x8x1000000xf32, #tpu.memory_space<hbm>> -> memref<2x8x128xf32, #tpu.memory_space<hbm>>
      tpu.wait_dma2 semaphore(%arg18 : memref<!tpu.dma_semaphore, #tpu.memory_space<semaphore_mem>>) src(%dma_wait3A_1568 : memref<2x8x128xf32, #tpu.memory_space<hbm>>) dst(%dma_wait3A_1564 : memref<2x8x128xf32, #tpu.memory_space<vmem>>)
      %dma_wait3A_1569 = arith.constant 0 : i32
      %dma_wait3A_1570 = arith.constant 0 : i32
      %dma_wait3A_1571 = arith.constant 0 : i32
      %dma_wait3A_1572 = arith.constant 0 : i32
      %dma_wait3A_1573 = arith.constant 0 : i32
      %dma_wait3A_1574 = tpu.memref_slice %arg11[%dma_wait3A_1569, %dma_wait3A_1570, %dma_wait3A_1571, %dma_wait3A_1572, %dma_wait3A_1573] : memref<2x16x2x8x128xf32, #tpu.memory_space<vmem>> -> memref<1x1x2x8x128xf32, #tpu.memory_space<vmem>>
      %dma_wait3A_1575 = tpu.memref_squeeze %dma_wait3A_1574 : memref<1x1x2x8x128xf32, #tpu.memory_space<vmem>> -> memref<2x8x128xf32, #tpu.memory_space<vmem>>
      %dma_wait3A_1576 = arith.constant 0 : i32
      %dma_wait3A_1577 = arith.constant 0 : i32
      %dma_wait3A_1578 = arith.constant 0 : i32
      %dma_wait3A_1579 = tpu.memref_slice %arg4[%dma_wait3A_1576, %dma_wait3A_1577, %dma_wait3A_1578] : memref<2x8x1000000xf32, #tpu.memory_space<hbm>> -> memref<2x8x128xf32, #tpu.memory_space<hbm>>
      %dma_wait3A_1580 = arith.constant 0 : i32
      %dma_wait3A_1581 = arith.constant 0 : i32
      %dma_wait3A_1582 = arith.constant 0 : i32
      %dma_wait3A_1583 = tpu.memref_slice %arg11[%dma_wait3A_1569, %dma_wait3A_1570, %dma_wait3A_1580, %dma_wait3A_1581, %dma_wait3A_1582] : memref<2x16x2x8x128xf32, #tpu.memory_space<vmem>> -> memref<1x1x2x8x128xf32, #tpu.memory_space<vmem>>
      %dma_wait3A_1584 = tpu.memref_squeeze %dma_wait3A_1583 : memref<1x1x2x8x128xf32, #tpu.memory_space<vmem>> -> memref<2x8x128xf32, #tpu.memory_space<vmem>>
      %dma_wait3A_1585 = arith.constant 0 : i32
      %dma_wait3A_1586 = arith.constant 0 : i32
      %dma_wait3A_1587 = arith.constant 0 : i32
      %dma_wait3A_1588 = tpu.memref_slice %arg4[%dma_wait3A_1585, %dma_wait3A_1586, %dma_wait3A_1587] : memref<2x8x1000000xf32, #tpu.memory_space<hbm>> -> memref<2x8x128xf32, #tpu.memory_space<hbm>>
      tpu.wait_dma2 semaphore(%arg18 : memref<!tpu.dma_semaphore, #tpu.memory_space<semaphore_mem>>) src(%dma_wait3A_1588 : memref<2x8x128xf32, #tpu.memory_space<hbm>>) dst(%dma_wait3A_1584 : memref<2x8x128xf32, #tpu.memory_space<vmem>>)
      %dma_wait3A_1589 = arith.constant 0 : i32
      %dma_wait3A_1590 = arith.constant 0 : i32
      %dma_wait3A_1591 = arith.constant 0 : i32
      %dma_wait3A_1592 = arith.constant 0 : i32
      %dma_wait3A_1593 = arith.constant 0 : i32
      %dma_wait3A_1594 = tpu.memref_slice %arg11[%dma_wait3A_1589, %dma_wait3A_1590, %dma_wait3A_1591, %dma_wait3A_1592, %dma_wait3A_1593] : memref<2x16x2x8x128xf32, #tpu.memory_space<vmem>> -> memref<1x1x2x8x128xf32, #tpu.memory_space<vmem>>
      %dma_wait3A_1595 = tpu.memref_squeeze %dma_wait3A_1594 : memref<1x1x2x8x128xf32, #tpu.memory_space<vmem>> -> memref<2x8x128xf32, #tpu.memory_space<vmem>>
      %dma_wait3A_1596 = arith.constant 0 : i32
      %dma_wait3A_1597 = arith.constant 0 : i32
      %dma_wait3A_1598 = arith.constant 0 : i32
      %dma_wait3A_1599 = tpu.memref_slice %arg4[%dma_wait3A_1596, %dma_wait3A_1597, %dma_wait3A_1598] : memref<2x8x1000000xf32, #tpu.memory_space<hbm>> -> memref<2x8x128xf32, #tpu.memory_space<hbm>>
      %dma_wait3A_1600 = arith.constant 0 : i32
      %dma_wait3A_1601 = arith.constant 0 : i32
      %dma_wait3A_1602 = arith.constant 0 : i32
      %dma_wait3A_1603 = tpu.memref_slice %arg11[%dma_wait3A_1589, %dma_wait3A_1590, %dma_wait3A_1600, %dma_wait3A_1601, %dma_wait3A_1602] : memref<2x16x2x8x128xf32, #tpu.memory_space<vmem>> -> memref<1x1x2x8x128xf32, #tpu.memory_space<vmem>>
      %dma_wait3A_1604 = tpu.memref_squeeze %dma_wait3A_1603 : memref<1x1x2x8x128xf32, #tpu.memory_space<vmem>> -> memref<2x8x128xf32, #tpu.memory_space<vmem>>
      %dma_wait3A_1605 = arith.constant 0 : i32
      %dma_wait3A_1606 = arith.constant 0 : i32
      %dma_wait3A_1607 = arith.constant 0 : i32
      %dma_wait3A_1608 = tpu.memref_slice %arg4[%dma_wait3A_1605, %dma_wait3A_1606, %dma_wait3A_1607] : memref<2x8x1000000xf32, #tpu.memory_space<hbm>> -> memref<2x8x128xf32, #tpu.memory_space<hbm>>
      tpu.wait_dma2 semaphore(%arg18 : memref<!tpu.dma_semaphore, #tpu.memory_space<semaphore_mem>>) src(%dma_wait3A_1608 : memref<2x8x128xf32, #tpu.memory_space<hbm>>) dst(%dma_wait3A_1604 : memref<2x8x128xf32, #tpu.memory_space<vmem>>)
      %dma_wait3A_1609 = arith.constant 0 : i32
      %dma_wait3A_1610 = arith.constant 0 : i32
      %dma_wait3A_1611 = arith.constant 0 : i32
      %dma_wait3A_1612 = arith.constant 0 : i32
      %dma_wait3A_1613 = arith.constant 0 : i32
      %dma_wait3A_1614 = tpu.memref_slice %arg11[%dma_wait3A_1609, %dma_wait3A_1610, %dma_wait3A_1611, %dma_wait3A_1612, %dma_wait3A_1613] : memref<2x16x2x8x128xf32, #tpu.memory_space<vmem>> -> memref<1x1x2x8x128xf32, #tpu.memory_space<vmem>>
      %dma_wait3A_1615 = tpu.memref_squeeze %dma_wait3A_1614 : memref<1x1x2x8x128xf32, #tpu.memory_space<vmem>> -> memref<2x8x128xf32, #tpu.memory_space<vmem>>
      %dma_wait3A_1616 = arith.constant 0 : i32
      %dma_wait3A_1617 = arith.constant 0 : i32
      %dma_wait3A_1618 = arith.constant 0 : i32
      %dma_wait3A_1619 = tpu.memref_slice %arg4[%dma_wait3A_1616, %dma_wait3A_1617, %dma_wait3A_1618] : memref<2x8x1000000xf32, #tpu.memory_space<hbm>> -> memref<2x8x128xf32, #tpu.memory_space<hbm>>
      %dma_wait3A_1620 = arith.constant 0 : i32
      %dma_wait3A_1621 = arith.constant 0 : i32
      %dma_wait3A_1622 = arith.constant 0 : i32
      %dma_wait3A_1623 = tpu.memref_slice %arg11[%dma_wait3A_1609, %dma_wait3A_1610, %dma_wait3A_1620, %dma_wait3A_1621, %dma_wait3A_1622] : memref<2x16x2x8x128xf32, #tpu.memory_space<vmem>> -> memref<1x1x2x8x128xf32, #tpu.memory_space<vmem>>
      %dma_wait3A_1624 = tpu.memref_squeeze %dma_wait3A_1623 : memref<1x1x2x8x128xf32, #tpu.memory_space<vmem>> -> memref<2x8x128xf32, #tpu.memory_space<vmem>>
      %dma_wait3A_1625 = arith.constant 0 : i32
      %dma_wait3A_1626 = arith.constant 0 : i32
      %dma_wait3A_1627 = arith.constant 0 : i32
      %dma_wait3A_1628 = tpu.memref_slice %arg4[%dma_wait3A_1625, %dma_wait3A_1626, %dma_wait3A_1627] : memref<2x8x1000000xf32, #tpu.memory_space<hbm>> -> memref<2x8x128xf32, #tpu.memory_space<hbm>>
      tpu.wait_dma2 semaphore(%arg18 : memref<!tpu.dma_semaphore, #tpu.memory_space<semaphore_mem>>) src(%dma_wait3A_1628 : memref<2x8x128xf32, #tpu.memory_space<hbm>>) dst(%dma_wait3A_1624 : memref<2x8x128xf32, #tpu.memory_space<vmem>>)
      %dma_wait3A_1629 = arith.constant 0 : i32
      %dma_wait3A_1630 = arith.constant 0 : i32
      %dma_wait3A_1631 = arith.constant 0 : i32
      %dma_wait3A_1632 = arith.constant 0 : i32
      %dma_wait3A_1633 = arith.constant 0 : i32
      %dma_wait3A_1634 = tpu.memref_slice %arg11[%dma_wait3A_1629, %dma_wait3A_1630, %dma_wait3A_1631, %dma_wait3A_1632, %dma_wait3A_1633] : memref<2x16x2x8x128xf32, #tpu.memory_space<vmem>> -> memref<1x1x2x8x128xf32, #tpu.memory_space<vmem>>
      %dma_wait3A_1635 = tpu.memref_squeeze %dma_wait3A_1634 : memref<1x1x2x8x128xf32, #tpu.memory_space<vmem>> -> memref<2x8x128xf32, #tpu.memory_space<vmem>>
      %dma_wait3A_1636 = arith.constant 0 : i32
      %dma_wait3A_1637 = arith.constant 0 : i32
      %dma_wait3A_1638 = arith.constant 0 : i32
      %dma_wait3A_1639 = tpu.memref_slice %arg4[%dma_wait3A_1636, %dma_wait3A_1637, %dma_wait3A_1638] : memref<2x8x1000000xf32, #tpu.memory_space<hbm>> -> memref<2x8x128xf32, #tpu.memory_space<hbm>>
      %dma_wait3A_1640 = arith.constant 0 : i32
      %dma_wait3A_1641 = arith.constant 0 : i32
      %dma_wait3A_1642 = arith.constant 0 : i32
      %dma_wait3A_1643 = tpu.memref_slice %arg11[%dma_wait3A_1629, %dma_wait3A_1630, %dma_wait3A_1640, %dma_wait3A_1641, %dma_wait3A_1642] : memref<2x16x2x8x128xf32, #tpu.memory_space<vmem>> -> memref<1x1x2x8x128xf32, #tpu.memory_space<vmem>>
      %dma_wait3A_1644 = tpu.memref_squeeze %dma_wait3A_1643 : memref<1x1x2x8x128xf32, #tpu.memory_space<vmem>> -> memref<2x8x128xf32, #tpu.memory_space<vmem>>
      %dma_wait3A_1645 = arith.constant 0 : i32
      %dma_wait3A_1646 = arith.constant 0 : i32
      %dma_wait3A_1647 = arith.constant 0 : i32
      %dma_wait3A_1648 = tpu.memref_slice %arg4[%dma_wait3A_1645, %dma_wait3A_1646, %dma_wait3A_1647] : memref<2x8x1000000xf32, #tpu.memory_space<hbm>> -> memref<2x8x128xf32, #tpu.memory_space<hbm>>
      tpu.wait_dma2 semaphore(%arg18 : memref<!tpu.dma_semaphore, #tpu.memory_space<semaphore_mem>>) src(%dma_wait3A_1648 : memref<2x8x128xf32, #tpu.memory_space<hbm>>) dst(%dma_wait3A_1644 : memref<2x8x128xf32, #tpu.memory_space<vmem>>)
      %dma_wait3A_1649 = arith.constant 0 : i32
      %dma_wait3A_1650 = arith.constant 0 : i32
      %dma_wait3A_1651 = arith.constant 0 : i32
      %dma_wait3A_1652 = arith.constant 0 : i32
      %dma_wait3A_1653 = arith.constant 0 : i32
      %dma_wait3A_1654 = tpu.memref_slice %arg11[%dma_wait3A_1649, %dma_wait3A_1650, %dma_wait3A_1651, %dma_wait3A_1652, %dma_wait3A_1653] : memref<2x16x2x8x128xf32, #tpu.memory_space<vmem>> -> memref<1x1x2x8x128xf32, #tpu.memory_space<vmem>>
      %dma_wait3A_1655 = tpu.memref_squeeze %dma_wait3A_1654 : memref<1x1x2x8x128xf32, #tpu.memory_space<vmem>> -> memref<2x8x128xf32, #tpu.memory_space<vmem>>
      %dma_wait3A_1656 = arith.constant 0 : i32
      %dma_wait3A_1657 = arith.constant 0 : i32
      %dma_wait3A_1658 = arith.constant 0 : i32
      %dma_wait3A_1659 = tpu.memref_slice %arg4[%dma_wait3A_1656, %dma_wait3A_1657, %dma_wait3A_1658] : memref<2x8x1000000xf32, #tpu.memory_space<hbm>> -> memref<2x8x128xf32, #tpu.memory_space<hbm>>
      %dma_wait3A_1660 = arith.constant 0 : i32
      %dma_wait3A_1661 = arith.constant 0 : i32
      %dma_wait3A_1662 = arith.constant 0 : i32
      %dma_wait3A_1663 = tpu.memref_slice %arg11[%dma_wait3A_1649, %dma_wait3A_1650, %dma_wait3A_1660, %dma_wait3A_1661, %dma_wait3A_1662] : memref<2x16x2x8x128xf32, #tpu.memory_space<vmem>> -> memref<1x1x2x8x128xf32, #tpu.memory_space<vmem>>
      %dma_wait3A_1664 = tpu.memref_squeeze %dma_wait3A_1663 : memref<1x1x2x8x128xf32, #tpu.memory_space<vmem>> -> memref<2x8x128xf32, #tpu.memory_space<vmem>>
      %dma_wait3A_1665 = arith.constant 0 : i32
      %dma_wait3A_1666 = arith.constant 0 : i32
      %dma_wait3A_1667 = arith.constant 0 : i32
      %dma_wait3A_1668 = tpu.memref_slice %arg4[%dma_wait3A_1665, %dma_wait3A_1666, %dma_wait3A_1667] : memref<2x8x1000000xf32, #tpu.memory_space<hbm>> -> memref<2x8x128xf32, #tpu.memory_space<hbm>>
      tpu.wait_dma2 semaphore(%arg18 : memref<!tpu.dma_semaphore, #tpu.memory_space<semaphore_mem>>) src(%dma_wait3A_1668 : memref<2x8x128xf32, #tpu.memory_space<hbm>>) dst(%dma_wait3A_1664 : memref<2x8x128xf32, #tpu.memory_space<vmem>>)
      %dma_wait3A_1669 = arith.constant 0 : i32
      %dma_wait3A_1670 = arith.constant 0 : i32
      %dma_wait3A_1671 = arith.constant 0 : i32
      %dma_wait3A_1672 = arith.constant 0 : i32
      %dma_wait3A_1673 = arith.constant 0 : i32
      %dma_wait3A_1674 = tpu.memref_slice %arg11[%dma_wait3A_1669, %dma_wait3A_1670, %dma_wait3A_1671, %dma_wait3A_1672, %dma_wait3A_1673] : memref<2x16x2x8x128xf32, #tpu.memory_space<vmem>> -> memref<1x1x2x8x128xf32, #tpu.memory_space<vmem>>
      %dma_wait3A_1675 = tpu.memref_squeeze %dma_wait3A_1674 : memref<1x1x2x8x128xf32, #tpu.memory_space<vmem>> -> memref<2x8x128xf32, #tpu.memory_space<vmem>>
      %dma_wait3A_1676 = arith.constant 0 : i32
      %dma_wait3A_1677 = arith.constant 0 : i32
      %dma_wait3A_1678 = arith.constant 0 : i32
      %dma_wait3A_1679 = tpu.memref_slice %arg4[%dma_wait3A_1676, %dma_wait3A_1677, %dma_wait3A_1678] : memref<2x8x1000000xf32, #tpu.memory_space<hbm>> -> memref<2x8x128xf32, #tpu.memory_space<hbm>>
      %dma_wait3A_1680 = arith.constant 0 : i32
      %dma_wait3A_1681 = arith.constant 0 : i32
      %dma_wait3A_1682 = arith.constant 0 : i32
      %dma_wait3A_1683 = tpu.memref_slice %arg11[%dma_wait3A_1669, %dma_wait3A_1670, %dma_wait3A_1680, %dma_wait3A_1681, %dma_wait3A_1682] : memref<2x16x2x8x128xf32, #tpu.memory_space<vmem>> -> memref<1x1x2x8x128xf32, #tpu.memory_space<vmem>>
      %dma_wait3A_1684 = tpu.memref_squeeze %dma_wait3A_1683 : memref<1x1x2x8x128xf32, #tpu.memory_space<vmem>> -> memref<2x8x128xf32, #tpu.memory_space<vmem>>
      %dma_wait3A_1685 = arith.constant 0 : i32
      %dma_wait3A_1686 = arith.constant 0 : i32
      %dma_wait3A_1687 = arith.constant 0 : i32
      %dma_wait3A_1688 = tpu.memref_slice %arg4[%dma_wait3A_1685, %dma_wait3A_1686, %dma_wait3A_1687] : memref<2x8x1000000xf32, #tpu.memory_space<hbm>> -> memref<2x8x128xf32, #tpu.memory_space<hbm>>
      tpu.wait_dma2 semaphore(%arg18 : memref<!tpu.dma_semaphore, #tpu.memory_space<semaphore_mem>>) src(%dma_wait3A_1688 : memref<2x8x128xf32, #tpu.memory_space<hbm>>) dst(%dma_wait3A_1684 : memref<2x8x128xf32, #tpu.memory_space<vmem>>)
      %dma_wait3A_1689 = arith.constant 0 : i32
      %dma_wait3A_1690 = arith.constant 0 : i32
      %dma_wait3A_1691 = arith.constant 0 : i32
      %dma_wait3A_1692 = arith.constant 0 : i32
      %dma_wait3A_1693 = arith.constant 0 : i32
      %dma_wait3A_1694 = tpu.memref_slice %arg11[%dma_wait3A_1689, %dma_wait3A_1690, %dma_wait3A_1691, %dma_wait3A_1692, %dma_wait3A_1693] : memref<2x16x2x8x128xf32, #tpu.memory_space<vmem>> -> memref<1x1x2x8x128xf32, #tpu.memory_space<vmem>>
      %dma_wait3A_1695 = tpu.memref_squeeze %dma_wait3A_1694 : memref<1x1x2x8x128xf32, #tpu.memory_space<vmem>> -> memref<2x8x128xf32, #tpu.memory_space<vmem>>
      %dma_wait3A_1696 = arith.constant 0 : i32
      %dma_wait3A_1697 = arith.constant 0 : i32
      %dma_wait3A_1698 = arith.constant 0 : i32
      %dma_wait3A_1699 = tpu.memref_slice %arg4[%dma_wait3A_1696, %dma_wait3A_1697, %dma_wait3A_1698] : memref<2x8x1000000xf32, #tpu.memory_space<hbm>> -> memref<2x8x128xf32, #tpu.memory_space<hbm>>
      %dma_wait3A_1700 = arith.constant 0 : i32
      %dma_wait3A_1701 = arith.constant 0 : i32
      %dma_wait3A_1702 = arith.constant 0 : i32
      %dma_wait3A_1703 = tpu.memref_slice %arg11[%dma_wait3A_1689, %dma_wait3A_1690, %dma_wait3A_1700, %dma_wait3A_1701, %dma_wait3A_1702] : memref<2x16x2x8x128xf32, #tpu.memory_space<vmem>> -> memref<1x1x2x8x128xf32, #tpu.memory_space<vmem>>
      %dma_wait3A_1704 = tpu.memref_squeeze %dma_wait3A_1703 : memref<1x1x2x8x128xf32, #tpu.memory_space<vmem>> -> memref<2x8x128xf32, #tpu.memory_space<vmem>>
      %dma_wait3A_1705 = arith.constant 0 : i32
      %dma_wait3A_1706 = arith.constant 0 : i32
      %dma_wait3A_1707 = arith.constant 0 : i32
      %dma_wait3A_1708 = tpu.memref_slice %arg4[%dma_wait3A_1705, %dma_wait3A_1706, %dma_wait3A_1707] : memref<2x8x1000000xf32, #tpu.memory_space<hbm>> -> memref<2x8x128xf32, #tpu.memory_space<hbm>>
      tpu.wait_dma2 semaphore(%arg18 : memref<!tpu.dma_semaphore, #tpu.memory_space<semaphore_mem>>) src(%dma_wait3A_1708 : memref<2x8x128xf32, #tpu.memory_space<hbm>>) dst(%dma_wait3A_1704 : memref<2x8x128xf32, #tpu.memory_space<vmem>>)
      %dma_wait3A_1709 = arith.constant 0 : i32
      %dma_wait3A_1710 = arith.constant 0 : i32
      %dma_wait3A_1711 = arith.constant 0 : i32
      %dma_wait3A_1712 = tpu.memref_slice %arg12[%dma_wait3A_1709, %dma_wait3A_1710, %dma_wait3A_1711] : memref<2x16x128xf32, #tpu.memory_space<vmem>> -> memref<1x16x128xf32, #tpu.memory_space<vmem>>
      %dma_wait3A_1713 = tpu.memref_squeeze %dma_wait3A_1712 : memref<1x16x128xf32, #tpu.memory_space<vmem>> -> memref<16x128xf32, #tpu.memory_space<vmem>>
      %dma_wait3A_1714 = arith.constant 0 : i32
      %dma_wait3A_1715 = tpu.memref_slice %arg10[%dma_wait3A_1714] : memref<512xi32, #tpu.memory_space<vmem>> -> memref<16xi32, #tpu.memory_space<vmem>>
      %dma_wait3A_1716 = arith.constant 0 : i32
      %dma_wait3A_1717 = arith.constant 0 : i32
      %dma_wait3A_1718 = tpu.memref_slice %arg7[%dma_wait3A_1716, %dma_wait3A_1717] : memref<12512x128xf32, #tpu.memory_space<hbm>> -> memref<12512x128xf32, #tpu.memory_space<hbm>>
      tpu.wait_indirect_dma semaphore(%arg19 : memref<!tpu.dma_semaphore, #tpu.memory_space<semaphore_mem>>) src(%dma_wait3A_1718 : memref<12512x128xf32, #tpu.memory_space<hbm>>) dst(%dma_wait3A_1713 : memref<16x128xf32, #tpu.memory_space<vmem>>)
      %add3A_1719 = arith.constant 1 : i32
      %add3A_1720 = arith.addi %mul3A_443, %add3A_1719 : i32
      %mul3A_1721 = arith.constant 16 : i32
      %mul3A_1722 = arith.muli %add3A_1720, %mul3A_1721 : i32
      %get3A_1723 = arith.index_cast %mul3A_1722 : i32 to index
      %get3A_1724 = tpu.vector_load %arg8[%get3A_1723] {strides = array<i32>} : memref<512xi32, #tpu.memory_space<vmem>>, vector<16xi32>,
      %get3A_1725 = arith.index_cast %mul3A_1722 : i32 to index
      %get3A_1726 = tpu.vector_load %arg9[%get3A_1725] {strides = array<i32>} : memref<512xi32, #tpu.memory_space<vmem>>, vector<16xi32>,
      %and3A_1727 = arith.constant 127 : i32
      %and3A_1728 = vector.broadcast %and3A_1727 : i32 to vector<16xi32>
      %and3A_1729 = arith.andi %get3A_1724, %and3A_1728 : vector<16xi32>
      %and3A_1730 = arith.constant 7 : i32
      %and3A_1731 = vector.broadcast %and3A_1730 : i32 to vector<16xi32>
      %and3A_1732 = arith.andi %get3A_1726, %and3A_1731 : vector<16xi32>
      %mul3A_1733 = arith.constant 16 : i32
      %mul3A_1734 = vector.broadcast %mul3A_1733 : i32 to vector<16xi32>
      %mul3A_1735 = arith.muli %and3A_1732, %mul3A_1734 : vector<16xi32>
      %broadcast_in_dim3A_1736 = arith.constant 0 : i32
      %broadcast_in_dim3A_1737 = vector.broadcast %broadcast_in_dim3A_1736 : i32 to vector<16xi32>
      %add3A_1738 = arith.constant 1 : i32
      %add3A_1739 = vector.broadcast %add3A_1738 : i32 to vector<16xi32>
      %add3A_1740 = arith.addi %broadcast_in_dim3A_1737, %add3A_1739 : vector<16xi32>
      %broadcast_in_dim3A_1741 = arith.constant 0.000000e+00 : f32
      %broadcast_in_dim3A_1742 = vector.broadcast %broadcast_in_dim3A_1741 : f32 to vector<16xf32>
      %broadcast_in_dim3A_1743 = arith.constant 0 : i32
      %broadcast_in_dim3A_1744 = vector.broadcast %broadcast_in_dim3A_1743 : i32 to vector<16xi32>
      %broadcast_in_dim3A_1745 = arith.constant 0 : i32
      %broadcast_in_dim3A_1746 = vector.broadcast %broadcast_in_dim3A_1745 : i32 to vector<16xi32>
      %gather3A_1747 = tpu.vector_load_idx %arg11[%add3A_1740, %iota3A, %broadcast_in_dim3A_1744, %broadcast_in_dim3A_1746, %and3A_1729] : memref<2x16x2x8x128xf32, #tpu.memory_space<vmem>>[vector<16xi32>, vector<16xi32>, vector<16xi32>, vector<16xi32>, vector<16xi32>], vector<16xf32>,
      %add3A_1748 = arith.constant 0 : i32
      %add3A_1749 = vector.broadcast %add3A_1748 : i32 to vector<16xi32>
      %add3A_1750 = arith.addi %mul3A_1735, %add3A_1749 : vector<16xi32>
      %gather3A_1751 = tpu.vector_load_idx %arg12[%add3A_1740, %iota3A, %add3A_1750] : memref<2x16x128xf32, #tpu.memory_space<vmem>>[vector<16xi32>, vector<16xi32>, vector<16xi32>], vector<16xf32>,
      %mul3A_1752 = arith.mulf %gather3A_1747, %gather3A_1751 : vector<16xf32>
      %add3A_1753 = arith.addf %broadcast_in_dim3A_1742, %mul3A_1752 : vector<16xf32>
      %broadcast_in_dim3A_1754 = arith.constant 0 : i32
      %broadcast_in_dim3A_1755 = vector.broadcast %broadcast_in_dim3A_1754 : i32 to vector<16xi32>
      %broadcast_in_dim3A_1756 = arith.constant 1 : i32
      %broadcast_in_dim3A_1757 = vector.broadcast %broadcast_in_dim3A_1756 : i32 to vector<16xi32>
      %gather3A_1758 = tpu.vector_load_idx %arg11[%add3A_1740, %iota3A, %broadcast_in_dim3A_1755, %broadcast_in_dim3A_1757, %and3A_1729] : memref<2x16x2x8x128xf32, #tpu.memory_space<vmem>>[vector<16xi32>, vector<16xi32>, vector<16xi32>, vector<16xi32>, vector<16xi32>], vector<16xf32>,
      %add3A_1759 = arith.constant 1 : i32
      %add3A_1760 = vector.broadcast %add3A_1759 : i32 to vector<16xi32>
      %add3A_1761 = arith.addi %mul3A_1735, %add3A_1760 : vector<16xi32>
      %gather3A_1762 = tpu.vector_load_idx %arg12[%add3A_1740, %iota3A, %add3A_1761] : memref<2x16x128xf32, #tpu.memory_space<vmem>>[vector<16xi32>, vector<16xi32>, vector<16xi32>], vector<16xf32>,
      %mul3A_1763 = arith.mulf %gather3A_1758, %gather3A_1762 : vector<16xf32>
      %add3A_1764 = arith.addf %add3A_1753, %mul3A_1763 : vector<16xf32>
      %broadcast_in_dim3A_1765 = arith.constant 0 : i32
      %broadcast_in_dim3A_1766 = vector.broadcast %broadcast_in_dim3A_1765 : i32 to vector<16xi32>
      %broadcast_in_dim3A_1767 = arith.constant 2 : i32
      %broadcast_in_dim3A_1768 = vector.broadcast %broadcast_in_dim3A_1767 : i32 to vector<16xi32>
      %gather3A_1769 = tpu.vector_load_idx %arg11[%add3A_1740, %iota3A, %broadcast_in_dim3A_1766, %broadcast_in_dim3A_1768, %and3A_1729] : memref<2x16x2x8x128xf32, #tpu.memory_space<vmem>>[vector<16xi32>, vector<16xi32>, vector<16xi32>, vector<16xi32>, vector<16xi32>], vector<16xf32>,
      %add3A_1770 = arith.constant 2 : i32
      %add3A_1771 = vector.broadcast %add3A_1770 : i32 to vector<16xi32>
      %add3A_1772 = arith.addi %mul3A_1735, %add3A_1771 : vector<16xi32>
      %gather3A_1773 = tpu.vector_load_idx %arg12[%add3A_1740, %iota3A, %add3A_1772] : memref<2x16x128xf32, #tpu.memory_space<vmem>>[vector<16xi32>, vector<16xi32>, vector<16xi32>], vector<16xf32>,
      %mul3A_1774 = arith.mulf %gather3A_1769, %gather3A_1773 : vector<16xf32>
      %add3A_1775 = arith.addf %add3A_1764, %mul3A_1774 : vector<16xf32>
      %broadcast_in_dim3A_1776 = arith.constant 0 : i32
      %broadcast_in_dim3A_1777 = vector.broadcast %broadcast_in_dim3A_1776 : i32 to vector<16xi32>
      %broadcast_in_dim3A_1778 = arith.constant 3 : i32
      %broadcast_in_dim3A_1779 = vector.broadcast %broadcast_in_dim3A_1778 : i32 to vector<16xi32>
      %gather3A_1780 = tpu.vector_load_idx %arg11[%add3A_1740, %iota3A, %broadcast_in_dim3A_1777, %broadcast_in_dim3A_1779, %and3A_1729] : memref<2x16x2x8x128xf32, #tpu.memory_space<vmem>>[vector<16xi32>, vector<16xi32>, vector<16xi32>, vector<16xi32>, vector<16xi32>], vector<16xf32>,
      %add3A_1781 = arith.constant 3 : i32
      %add3A_1782 = vector.broadcast %add3A_1781 : i32 to vector<16xi32>
      %add3A_1783 = arith.addi %mul3A_1735, %add3A_1782 : vector<16xi32>
      %gather3A_1784 = tpu.vector_load_idx %arg12[%add3A_1740, %iota3A, %add3A_1783] : memref<2x16x128xf32, #tpu.memory_space<vmem>>[vector<16xi32>, vector<16xi32>, vector<16xi32>], vector<16xf32>,
      %mul3A_1785 = arith.mulf %gather3A_1780, %gather3A_1784 : vector<16xf32>
      %add3A_1786 = arith.addf %add3A_1775, %mul3A_1785 : vector<16xf32>
      %broadcast_in_dim3A_1787 = arith.constant 0 : i32
      %broadcast_in_dim3A_1788 = vector.broadcast %broadcast_in_dim3A_1787 : i32 to vector<16xi32>
      %broadcast_in_dim3A_1789 = arith.constant 4 : i32
      %broadcast_in_dim3A_1790 = vector.broadcast %broadcast_in_dim3A_1789 : i32 to vector<16xi32>
      %gather3A_1791 = tpu.vector_load_idx %arg11[%add3A_1740, %iota3A, %broadcast_in_dim3A_1788, %broadcast_in_dim3A_1790, %and3A_1729] : memref<2x16x2x8x128xf32, #tpu.memory_space<vmem>>[vector<16xi32>, vector<16xi32>, vector<16xi32>, vector<16xi32>, vector<16xi32>], vector<16xf32>,
      %add3A_1792 = arith.constant 4 : i32
      %add3A_1793 = vector.broadcast %add3A_1792 : i32 to vector<16xi32>
      %add3A_1794 = arith.addi %mul3A_1735, %add3A_1793 : vector<16xi32>
      %gather3A_1795 = tpu.vector_load_idx %arg12[%add3A_1740, %iota3A, %add3A_1794] : memref<2x16x128xf32, #tpu.memory_space<vmem>>[vector<16xi32>, vector<16xi32>, vector<16xi32>], vector<16xf32>,
      %mul3A_1796 = arith.mulf %gather3A_1791, %gather3A_1795 : vector<16xf32>
      %add3A_1797 = arith.addf %add3A_1786, %mul3A_1796 : vector<16xf32>
      %broadcast_in_dim3A_1798 = arith.constant 0 : i32
      %broadcast_in_dim3A_1799 = vector.broadcast %broadcast_in_dim3A_1798 : i32 to vector<16xi32>
      %broadcast_in_dim3A_1800 = arith.constant 5 : i32
      %broadcast_in_dim3A_1801 = vector.broadcast %broadcast_in_dim3A_1800 : i32 to vector<16xi32>
      %gather3A_1802 = tpu.vector_load_idx %arg11[%add3A_1740, %iota3A, %broadcast_in_dim3A_1799, %broadcast_in_dim3A_1801, %and3A_1729] : memref<2x16x2x8x128xf32, #tpu.memory_space<vmem>>[vector<16xi32>, vector<16xi32>, vector<16xi32>, vector<16xi32>, vector<16xi32>], vector<16xf32>,
      %add3A_1803 = arith.constant 5 : i32
      %add3A_1804 = vector.broadcast %add3A_1803 : i32 to vector<16xi32>
      %add3A_1805 = arith.addi %mul3A_1735, %add3A_1804 : vector<16xi32>
      %gather3A_1806 = tpu.vector_load_idx %arg12[%add3A_1740, %iota3A, %add3A_1805] : memref<2x16x128xf32, #tpu.memory_space<vmem>>[vector<16xi32>, vector<16xi32>, vector<16xi32>], vector<16xf32>,
      %mul3A_1807 = arith.mulf %gather3A_1802, %gather3A_1806 : vector<16xf32>
      %add3A_1808 = arith.addf %add3A_1797, %mul3A_1807 : vector<16xf32>
      %broadcast_in_dim3A_1809 = arith.constant 0 : i32
      %broadcast_in_dim3A_1810 = vector.broadcast %broadcast_in_dim3A_1809 : i32 to vector<16xi32>
      %broadcast_in_dim3A_1811 = arith.constant 6 : i32
      %broadcast_in_dim3A_1812 = vector.broadcast %broadcast_in_dim3A_1811 : i32 to vector<16xi32>
      %gather3A_1813 = tpu.vector_load_idx %arg11[%add3A_1740, %iota3A, %broadcast_in_dim3A_1810, %broadcast_in_dim3A_1812, %and3A_1729] : memref<2x16x2x8x128xf32, #tpu.memory_space<vmem>>[vector<16xi32>, vector<16xi32>, vector<16xi32>, vector<16xi32>, vector<16xi32>], vector<16xf32>,
      %add3A_1814 = arith.constant 6 : i32
      %add3A_1815 = vector.broadcast %add3A_1814 : i32 to vector<16xi32>
      %add3A_1816 = arith.addi %mul3A_1735, %add3A_1815 : vector<16xi32>
      %gather3A_1817 = tpu.vector_load_idx %arg12[%add3A_1740, %iota3A, %add3A_1816] : memref<2x16x128xf32, #tpu.memory_space<vmem>>[vector<16xi32>, vector<16xi32>, vector<16xi32>], vector<16xf32>,
      %mul3A_1818 = arith.mulf %gather3A_1813, %gather3A_1817 : vector<16xf32>
      %add3A_1819 = arith.addf %add3A_1808, %mul3A_1818 : vector<16xf32>
      %broadcast_in_dim3A_1820 = arith.constant 0 : i32
      %broadcast_in_dim3A_1821 = vector.broadcast %broadcast_in_dim3A_1820 : i32 to vector<16xi32>
      %broadcast_in_dim3A_1822 = arith.constant 7 : i32
      %broadcast_in_dim3A_1823 = vector.broadcast %broadcast_in_dim3A_1822 : i32 to vector<16xi32>
      %gather3A_1824 = tpu.vector_load_idx %arg11[%add3A_1740, %iota3A, %broadcast_in_dim3A_1821, %broadcast_in_dim3A_1823, %and3A_1729] : memref<2x16x2x8x128xf32, #tpu.memory_space<vmem>>[vector<16xi32>, vector<16xi32>, vector<16xi32>, vector<16xi32>, vector<16xi32>], vector<16xf32>,
      %add3A_1825 = arith.constant 7 : i32
      %add3A_1826 = vector.broadcast %add3A_1825 : i32 to vector<16xi32>
      %add3A_1827 = arith.addi %mul3A_1735, %add3A_1826 : vector<16xi32>
      %gather3A_1828 = tpu.vector_load_idx %arg12[%add3A_1740, %iota3A, %add3A_1827] : memref<2x16x128xf32, #tpu.memory_space<vmem>>[vector<16xi32>, vector<16xi32>, vector<16xi32>], vector<16xf32>,
      %mul3A_1829 = arith.mulf %gather3A_1824, %gather3A_1828 : vector<16xf32>
      %add3A_1830 = arith.addf %add3A_1819, %mul3A_1829 : vector<16xf32>
      %broadcast_in_dim3A_1831 = arith.constant 1 : i32
      %broadcast_in_dim3A_1832 = vector.broadcast %broadcast_in_dim3A_1831 : i32 to vector<16xi32>
      %broadcast_in_dim3A_1833 = arith.constant 0 : i32
      %broadcast_in_dim3A_1834 = vector.broadcast %broadcast_in_dim3A_1833 : i32 to vector<16xi32>
      %gather3A_1835 = tpu.vector_load_idx %arg11[%add3A_1740, %iota3A, %broadcast_in_dim3A_1832, %broadcast_in_dim3A_1834, %and3A_1729] : memref<2x16x2x8x128xf32, #tpu.memory_space<vmem>>[vector<16xi32>, vector<16xi32>, vector<16xi32>, vector<16xi32>, vector<16xi32>], vector<16xf32>,
      %add3A_1836 = arith.constant 8 : i32
      %add3A_1837 = vector.broadcast %add3A_1836 : i32 to vector<16xi32>
      %add3A_1838 = arith.addi %mul3A_1735, %add3A_1837 : vector<16xi32>
      %gather3A_1839 = tpu.vector_load_idx %arg12[%add3A_1740, %iota3A, %add3A_1838] : memref<2x16x128xf32, #tpu.memory_space<vmem>>[vector<16xi32>, vector<16xi32>, vector<16xi32>], vector<16xf32>,
      %mul3A_1840 = arith.mulf %gather3A_1835, %gather3A_1839 : vector<16xf32>
      %add3A_1841 = arith.addf %add3A_1830, %mul3A_1840 : vector<16xf32>
      %broadcast_in_dim3A_1842 = arith.constant 1 : i32
      %broadcast_in_dim3A_1843 = vector.broadcast %broadcast_in_dim3A_1842 : i32 to vector<16xi32>
      %broadcast_in_dim3A_1844 = arith.constant 1 : i32
      %broadcast_in_dim3A_1845 = vector.broadcast %broadcast_in_dim3A_1844 : i32 to vector<16xi32>
      %gather3A_1846 = tpu.vector_load_idx %arg11[%add3A_1740, %iota3A, %broadcast_in_dim3A_1843, %broadcast_in_dim3A_1845, %and3A_1729] : memref<2x16x2x8x128xf32, #tpu.memory_space<vmem>>[vector<16xi32>, vector<16xi32>, vector<16xi32>, vector<16xi32>, vector<16xi32>], vector<16xf32>,
      %add3A_1847 = arith.constant 9 : i32
      %add3A_1848 = vector.broadcast %add3A_1847 : i32 to vector<16xi32>
      %add3A_1849 = arith.addi %mul3A_1735, %add3A_1848 : vector<16xi32>
      %gather3A_1850 = tpu.vector_load_idx %arg12[%add3A_1740, %iota3A, %add3A_1849] : memref<2x16x128xf32, #tpu.memory_space<vmem>>[vector<16xi32>, vector<16xi32>, vector<16xi32>], vector<16xf32>,
      %mul3A_1851 = arith.mulf %gather3A_1846, %gather3A_1850 : vector<16xf32>
      %add3A_1852 = arith.addf %add3A_1841, %mul3A_1851 : vector<16xf32>
      %broadcast_in_dim3A_1853 = arith.constant 1 : i32
      %broadcast_in_dim3A_1854 = vector.broadcast %broadcast_in_dim3A_1853 : i32 to vector<16xi32>
      %broadcast_in_dim3A_1855 = arith.constant 2 : i32
      %broadcast_in_dim3A_1856 = vector.broadcast %broadcast_in_dim3A_1855 : i32 to vector<16xi32>
      %gather3A_1857 = tpu.vector_load_idx %arg11[%add3A_1740, %iota3A, %broadcast_in_dim3A_1854, %broadcast_in_dim3A_1856, %and3A_1729] : memref<2x16x2x8x128xf32, #tpu.memory_space<vmem>>[vector<16xi32>, vector<16xi32>, vector<16xi32>, vector<16xi32>, vector<16xi32>], vector<16xf32>,
      %add3A_1858 = arith.constant 10 : i32
      %add3A_1859 = vector.broadcast %add3A_1858 : i32 to vector<16xi32>
      %add3A_1860 = arith.addi %mul3A_1735, %add3A_1859 : vector<16xi32>
      %gather3A_1861 = tpu.vector_load_idx %arg12[%add3A_1740, %iota3A, %add3A_1860] : memref<2x16x128xf32, #tpu.memory_space<vmem>>[vector<16xi32>, vector<16xi32>, vector<16xi32>], vector<16xf32>,
      %mul3A_1862 = arith.mulf %gather3A_1857, %gather3A_1861 : vector<16xf32>
      %add3A_1863 = arith.addf %add3A_1852, %mul3A_1862 : vector<16xf32>
      %broadcast_in_dim3A_1864 = arith.constant 1 : i32
      %broadcast_in_dim3A_1865 = vector.broadcast %broadcast_in_dim3A_1864 : i32 to vector<16xi32>
      %broadcast_in_dim3A_1866 = arith.constant 3 : i32
      %broadcast_in_dim3A_1867 = vector.broadcast %broadcast_in_dim3A_1866 : i32 to vector<16xi32>
      %gather3A_1868 = tpu.vector_load_idx %arg11[%add3A_1740, %iota3A, %broadcast_in_dim3A_1865, %broadcast_in_dim3A_1867, %and3A_1729] : memref<2x16x2x8x128xf32, #tpu.memory_space<vmem>>[vector<16xi32>, vector<16xi32>, vector<16xi32>, vector<16xi32>, vector<16xi32>], vector<16xf32>,
      %add3A_1869 = arith.constant 11 : i32
      %add3A_1870 = vector.broadcast %add3A_1869 : i32 to vector<16xi32>
      %add3A_1871 = arith.addi %mul3A_1735, %add3A_1870 : vector<16xi32>
      %gather3A_1872 = tpu.vector_load_idx %arg12[%add3A_1740, %iota3A, %add3A_1871] : memref<2x16x128xf32, #tpu.memory_space<vmem>>[vector<16xi32>, vector<16xi32>, vector<16xi32>], vector<16xf32>,
      %mul3A_1873 = arith.mulf %gather3A_1868, %gather3A_1872 : vector<16xf32>
      %add3A_1874 = arith.addf %add3A_1863, %mul3A_1873 : vector<16xf32>
      %broadcast_in_dim3A_1875 = arith.constant 1 : i32
      %broadcast_in_dim3A_1876 = vector.broadcast %broadcast_in_dim3A_1875 : i32 to vector<16xi32>
      %broadcast_in_dim3A_1877 = arith.constant 4 : i32
      %broadcast_in_dim3A_1878 = vector.broadcast %broadcast_in_dim3A_1877 : i32 to vector<16xi32>
      %gather3A_1879 = tpu.vector_load_idx %arg11[%add3A_1740, %iota3A, %broadcast_in_dim3A_1876, %broadcast_in_dim3A_1878, %and3A_1729] : memref<2x16x2x8x128xf32, #tpu.memory_space<vmem>>[vector<16xi32>, vector<16xi32>, vector<16xi32>, vector<16xi32>, vector<16xi32>], vector<16xf32>,
      %add3A_1880 = arith.constant 12 : i32
      %add3A_1881 = vector.broadcast %add3A_1880 : i32 to vector<16xi32>
      %add3A_1882 = arith.addi %mul3A_1735, %add3A_1881 : vector<16xi32>
      %gather3A_1883 = tpu.vector_load_idx %arg12[%add3A_1740, %iota3A, %add3A_1882] : memref<2x16x128xf32, #tpu.memory_space<vmem>>[vector<16xi32>, vector<16xi32>, vector<16xi32>], vector<16xf32>,
      %mul3A_1884 = arith.mulf %gather3A_1879, %gather3A_1883 : vector<16xf32>
      %add3A_1885 = arith.addf %add3A_1874, %mul3A_1884 : vector<16xf32>
      %broadcast_in_dim3A_1886 = arith.constant 1 : i32
      %broadcast_in_dim3A_1887 = vector.broadcast %broadcast_in_dim3A_1886 : i32 to vector<16xi32>
      %broadcast_in_dim3A_1888 = arith.constant 5 : i32
      %broadcast_in_dim3A_1889 = vector.broadcast %broadcast_in_dim3A_1888 : i32 to vector<16xi32>
      %gather3A_1890 = tpu.vector_load_idx %arg11[%add3A_1740, %iota3A, %broadcast_in_dim3A_1887, %broadcast_in_dim3A_1889, %and3A_1729] : memref<2x16x2x8x128xf32, #tpu.memory_space<vmem>>[vector<16xi32>, vector<16xi32>, vector<16xi32>, vector<16xi32>, vector<16xi32>], vector<16xf32>,
      %add3A_1891 = arith.constant 13 : i32
      %add3A_1892 = vector.broadcast %add3A_1891 : i32 to vector<16xi32>
      %add3A_1893 = arith.addi %mul3A_1735, %add3A_1892 : vector<16xi32>
      %gather3A_1894 = tpu.vector_load_idx %arg12[%add3A_1740, %iota3A, %add3A_1893] : memref<2x16x128xf32, #tpu.memory_space<vmem>>[vector<16xi32>, vector<16xi32>, vector<16xi32>], vector<16xf32>,
      %mul3A_1895 = arith.mulf %gather3A_1890, %gather3A_1894 : vector<16xf32>
      %add3A_1896 = arith.addf %add3A_1885, %mul3A_1895 : vector<16xf32>
      %broadcast_in_dim3A_1897 = arith.constant 1 : i32
      %broadcast_in_dim3A_1898 = vector.broadcast %broadcast_in_dim3A_1897 : i32 to vector<16xi32>
      %broadcast_in_dim3A_1899 = arith.constant 6 : i32
      %broadcast_in_dim3A_1900 = vector.broadcast %broadcast_in_dim3A_1899 : i32 to vector<16xi32>
      %gather3A_1901 = tpu.vector_load_idx %arg11[%add3A_1740, %iota3A, %broadcast_in_dim3A_1898, %broadcast_in_dim3A_1900, %and3A_1729] : memref<2x16x2x8x128xf32, #tpu.memory_space<vmem>>[vector<16xi32>, vector<16xi32>, vector<16xi32>, vector<16xi32>, vector<16xi32>], vector<16xf32>,
      %add3A_1902 = arith.constant 14 : i32
      %add3A_1903 = vector.broadcast %add3A_1902 : i32 to vector<16xi32>
      %add3A_1904 = arith.addi %mul3A_1735, %add3A_1903 : vector<16xi32>
      %gather3A_1905 = tpu.vector_load_idx %arg12[%add3A_1740, %iota3A, %add3A_1904] : memref<2x16x128xf32, #tpu.memory_space<vmem>>[vector<16xi32>, vector<16xi32>, vector<16xi32>], vector<16xf32>,
      %mul3A_1906 = arith.mulf %gather3A_1901, %gather3A_1905 : vector<16xf32>
      %add3A_1907 = arith.addf %add3A_1896, %mul3A_1906 : vector<16xf32>
      %broadcast_in_dim3A_1908 = arith.constant 1 : i32
      %broadcast_in_dim3A_1909 = vector.broadcast %broadcast_in_dim3A_1908 : i32 to vector<16xi32>
      %broadcast_in_dim3A_1910 = arith.constant 7 : i32
      %broadcast_in_dim3A_1911 = vector.broadcast %broadcast_in_dim3A_1910 : i32 to vector<16xi32>
      %gather3A_1912 = tpu.vector_load_idx %arg11[%add3A_1740, %iota3A, %broadcast_in_dim3A_1909, %broadcast_in_dim3A_1911, %and3A_1729] : memref<2x16x2x8x128xf32, #tpu.memory_space<vmem>>[vector<16xi32>, vector<16xi32>, vector<16xi32>, vector<16xi32>, vector<16xi32>], vector<16xf32>,
      %add3A_1913 = arith.constant 15 : i32
      %add3A_1914 = vector.broadcast %add3A_1913 : i32 to vector<16xi32>
      %add3A_1915 = arith.addi %mul3A_1735, %add3A_1914 : vector<16xi32>
      %gather3A_1916 = tpu.vector_load_idx %arg12[%add3A_1740, %iota3A, %add3A_1915] : memref<2x16x128xf32, #tpu.memory_space<vmem>>[vector<16xi32>, vector<16xi32>, vector<16xi32>], vector<16xf32>,
      %mul3A_1917 = arith.mulf %gather3A_1912, %gather3A_1916 : vector<16xf32>
      %add3A_1918 = arith.addf %add3A_1907, %mul3A_1917 : vector<16xf32>
      %swap3A_1919 = arith.index_cast %mul3A_1722 : i32 to index
      %swap3A_1920 = tpu.vector_load %arg15[%swap3A_1919] {strides = array<i32>} : memref<512xf32, #tpu.memory_space<vmem>>, vector<16xf32>,
      tpu.vector_store %arg15[%swap3A_1919], %add3A_1918 {strides = array<i32>} : memref<512xf32, #tpu.memory_space<vmem>>, vector<16xf32>,
    }
    %scan3A_440 = arith.constant 16 : i32
    "tpu.region"() ({
      %run_scoped3A = tpu.sem_alloc : memref<!tpu.dma_semaphore, #tpu.memory_space<semaphore_mem>>
      %dma_start3A_441 = tpu.memref_slice %arg6[%mul3A_2] : memref<16384xf32, #tpu.memory_space<hbm>> -> memref<512xf32, #tpu.memory_space<hbm>>
      %dma_start3A_442 = tpu.memref_slice %arg6[%mul3A_2] : memref<16384xf32, #tpu.memory_space<hbm>> -> memref<512xf32, #tpu.memory_space<hbm>>
      tpu.enqueue_dma source(%arg15 : memref<512xf32, #tpu.memory_space<vmem>>) target(%dma_start3A_442 : memref<512xf32, #tpu.memory_space<hbm>>) target_semaphore(%run_scoped3A : memref<!tpu.dma_semaphore, #tpu.memory_space<semaphore_mem>>)
      %dma_wait3A = tpu.memref_slice %arg6[%mul3A_2] : memref<16384xf32, #tpu.memory_space<hbm>> -> memref<512xf32, #tpu.memory_space<hbm>>
      %dma_wait3A_443 = tpu.memref_slice %arg6[%mul3A_2] : memref<16384xf32, #tpu.memory_space<hbm>> -> memref<512xf32, #tpu.memory_space<hbm>>
      tpu.wait_dma2 semaphore(%run_scoped3A : memref<!tpu.dma_semaphore, #tpu.memory_space<semaphore_mem>>) src(%arg15 : memref<512xf32, #tpu.memory_space<vmem>>) dst(%dma_wait3A_443 : memref<512xf32, #tpu.memory_space<hbm>>)
      tpu.yield
    }) : () -> ()
    return
  }
}

</mosaic_0001>

<sc_bundles>
// kernel: kernel.3.cloned.1.call-start
scs
__scs_entry_jumppad:
0x0: {  	(pc) =	sbr.rel $0x88, $3  }
0x1: {  	(tag) =	ssettag $0x0;
	lr =	simm.s32 $0x1  }
0x2: {  	[smem:$0x3F9D] =	sst lr;
	_ =	strace $0xD0000000  }
0x3: {  	_ = 	snop  }
0x4: {  	_ = 	snop  }
0x5: {  	_ = 	snop  }
0x6: {  	_ = 	snop  }
0x7: {  	_ = 	snop  }
__scs_overlays_trampoline_lowered:
0x8: {  	[smem:$0x3FAC] =	sst s0  }
0x9: {  	[smem:$0x3FAD] =	sst s1  }
0xa: {  	[smem:$0x3FAE] =	sst s2  }
0xb: {  	[smem:$0x3FAF] =	sst s3  }
0xc: {  	[smem:$0x3FB0] =	sst s4  }
0xd: {  	[smem:$0x3FB1] =	sst s5  }
0xe: {  	[smem:$0x3FB2] =	sst s6  }
0xf: {  	[smem:$0x3FB3] =	sst s7  }
0x10: {  	[smem:$0x3FB4] =	sst s8  }
0x11: {  	[smem:$0x3FB5] =	sst s9;
	s0 =	simm.s32 @!p0 $0x0  }
0x12: {  	s1 =	sld [smem:$0x3F9B];
	s0 =	simm.s32 @p0 $0x1  }
0x13: {  	[smem:$0x3FB6] =	sst s0;
	s0 =	simm.s32 @!p1 $0x0  }
0x14: {  	s2 =	sld [smem:$0x3F9A];
	s0 =	simm.s32 @p1 $0x1  }
0x15: {  	[smem:$0x3FB7] =	sst s0;
	s0 =	simm.s32 @!p2 $0x0  }
0x16: {  	s3 =	sld [smem:$0x3FDB];
	s0 =	simm.s32 @p2 $0x1  }
0x17: {  	s4 =	simm.s32 $0x1BF5;
	[smem:$0x3FB9] =	sst s0  }
0x18: {  	s0 =	sld [smem:$0x3F9C];
	_ =	swait.ge [sflag:s4], $0x0  }
0x19: {  	s7 =	sld [smem:$0x3F9D]  }
0x1a: {  	s8 =	sadd.s32 $0xFFFFE003, lr  }
0x1b: {  	s9 =	sadd.s32 $0xFFFFFEF7, lr;
	s5 =	simm.s32 $0xFFFFFFFF;
	p2 =	slt.u32 s8, $0xFFFFF086  }
0x1c: {  	p1 =	slt.u32 s9, $0xF7A;
	s5 =	simm.s32 @!p2 $0x0  }
0x1d: {  	s5 =	simm.s32 @p1 $0x1;
	p0 =	seq.s32 s7, s2  }
0x1e: {  	s7 =	smul.u32 @!p0 $0xF7A, s2;
	p2 =	seq.s32 @!p0 s5, $0x0  }
0x1f: {  	s9 =	smul.u32 $0xF7A, s1;
	s8 =	simm.s32 @!p0 $0x1BF5;
	p2 =	por !p2, p0  }
0x20: {  	[sflag:s8] =	ssyncset.s32 @!p0 $0xFFFFF086;
	s6 =	sadd.s32 @!p0 s3, s7;
	s7 =	simm.s32 @!p0 $0x108  }
0x21: {  	s3 =	sadd.s32 s3, s9;
	s6 =	sadd.s32 @!p0 $0x88, s6;
	s7 =	simm.s32 @p2 $0x1082  }
0x22: {  	[simem:s7], [sflag:s8] =	dma.local @!p0 [hbm:s6], $0xF7A  }
0x23: {  	s9 =	sor.u32 $0xD0000000, s2;
	s6 =	simm.s32 $0x108;
	_ =	swait.ge @!p0 [sflag:s8], $0x0  }
0x24: {  	s3 =	sadd.s32 $0x88, s3;
	s6 =	simm.s32 @!p1 $0x1082;
	[sflag:s4] =	ssyncset.s32 $0xFFFFF086  }
0x25: {  	[simem:s6], [sflag:s4] =	dma.local [hbm:s3], $0xF7A  }
0x26: {  	[smem:$0x3F9D] =	sst s1;
	(tag) =	ssettag s2;
	_ =	strace s9  }
0x27: {  	s1 =	sld [smem:$0x3FAD]  }
0x28: {  	s2 =	sld [smem:$0x3FAE]  }
0x29: {  	s4 =	sld [smem:$0x3FB0]  }
0x2a: {  	p0 =	seq.s32 s5, $0x0;
	s5 =	sld [smem:$0x3FB1]  }
0x2b: {  	s6 =	sld [smem:$0x3FB2]  }
0x2c: {  	s7 =	sld [smem:$0x3FB3]  }
0x2d: {  	s3 =	simm.s32 $0x108;
	s8 =	sld [smem:$0x3FB4]  }
0x2e: {  	s3 =	simm.s32 @!p0 $0x1082;
	s9 =	sld [smem:$0x3FB5]  }
0x2f: {  	lr =	sadd.s32 s0, s3;
	s0 =	sld [smem:$0x3FAC]  }
0x30: {  	s3 =	sld [smem:$0x3FAF]  }
0x31: {  	[smem:$0x3FB8] =	sst s10  }
0x32: {  	s10 =	sld [smem:$0x3FB6];
	_ =	sdelay $0x3  }
0x33: {  	p0 =	seq.s32 s10, $0x1;
	s10 =	sld [smem:$0x3FB8];
	_ =	sdelay $0x3  }
0x34: {  	[smem:$0x3FB8] =	sst s10  }
0x35: {  	s10 =	sld [smem:$0x3FB7];
	_ =	sdelay $0x3  }
0x36: {  	p1 =	seq.s32 s10, $0x1;
	s10 =	sld [smem:$0x3FB8];
	_ =	sdelay $0x3  }
0x37: {  	[smem:$0x3FB8] =	sst s10  }
0x38: {  	s10 =	sld [smem:$0x3FB9]  }
0x39: {  	_ = 	snop;
	(pc) =	sbr.ind lr, $3  }
0x3a: {  	_ = 	snop  }
0x3b: {  	_ = 	snop  }
0x3c: {  	p2 =	seq.s32 s10, $0x1;
	s10 =	sld [smem:$0x3FB8]  }
0x3d: {  	_ =	shalt  }
0x3e: {  	_ =	shalt  }
0x3f: {  	_ =	shalt  }
0x40: {  	_ =	shalt  }
0x41: {  	_ =	shalt  }
0x42: {  	_ =	shalt  }
0x43: {  	_ =	shalt  }
0x44: {  	_ =	shalt  }
0x45: {  	_ =	shalt  }
0x46: {  	_ =	shalt  }
0x47: {  	_ =	shalt  }
0x48: {  	_ =	shalt  }
0x49: {  	_ =	shalt  }
0x4a: {  	_ =	shalt  }
0x4b: {  	_ =	shalt  }
0x4c: {  	_ =	shalt  }
0x4d: {  	_ =	shalt  }
0x4e: {  	_ =	shalt  }
0x4f: {  	_ =	shalt  }
0x50: {  	_ =	shalt  }
0x51: {  	_ =	shalt  }
0x52: {  	_ =	shalt  }
0x53: {  	_ =	shalt  }
0x54: {  	_ =	shalt  }
0x55: {  	_ =	shalt  }
0x56: {  	_ =	shalt  }
0x57: {  	_ =	shalt  }
0x58: {  	_ =	shalt  }
0x59: {  	_ =	shalt  }
0x5a: {  	_ =	shalt  }
0x5b: {  	_ =	shalt  }
0x5c: {  	_ =	shalt  }
0x5d: {  	_ =	shalt  }
0x5e: {  	_ =	shalt  }
0x5f: {  	_ =	shalt  }
0x60: {  	_ =	shalt  }
0x61: {  	_ =	shalt  }
0x62: {  	_ =	shalt  }
0x63: {  	_ =	shalt  }
0x64: {  	_ =	shalt  }
0x65: {  	_ =	shalt  }
0x66: {  	_ =	shalt  }
0x67: {  	_ =	shalt  }
0x68: {  	_ =	shalt  }
0x69: {  	_ =	shalt  }
0x6a: {  	_ =	shalt  }
0x6b: {  	_ =	shalt  }
0x6c: {  	_ =	shalt  }
0x6d: {  	_ =	shalt  }
0x6e: {  	_ =	shalt  }
0x6f: {  	_ =	shalt  }
0x70: {  	_ =	shalt  }
0x71: {  	_ =	shalt  }
0x72: {  	_ =	shalt  }
0x73: {  	_ =	shalt  }
0x74: {  	_ =	shalt  }
0x75: {  	_ =	shalt  }
0x76: {  	_ =	shalt  }
0x77: {  	_ =	shalt  }
0x78: {  	_ =	shalt  }
0x79: {  	_ =	shalt  }
0x7a: {  	_ =	shalt  }
0x7b: {  	_ =	shalt  }
0x7c: {  	_ =	shalt  }
0x7d: {  	_ =	shalt  }
0x7e: {  	_ =	shalt  }
0x7f: {  	_ =	shalt  }
0x80: {  	_ =	shalt  }
0x81: {  	_ =	shalt  }
0x82: {  	_ =	shalt  }
0x83: {  	_ =	shalt  }
0x84: {  	_ =	shalt  }
0x85: {  	_ =	shalt  }
0x86: {  	_ =	shalt  }
0x87: {  	_ =	shalt  }
.Lfunc_end0:
.L_simem_size_0:
called_computation_lowered:
.L_overlay_start_0:
0x88: {  	s2 =	sld [smem:$0x3FD9]  }
0x89: {  	s3 =	sld [smem:$0x3FFE];
	_ =	sdelay $0x1  }
0x8a: {  	s1 =	srdreg.scid  }
0x8b: {  	s0 =	sand.u32 $0x1, s1  }
0x8c: {  	s17 =	sshll.u32 s0, $0xA;
	s2 =	sadd.s32 s3, s2  }
0x8d: {  	s2 =	sadd.s32 s2, s17  }
0x8e: {  	[smem:$0x3FC4] =	sst s2  }
0x8f: {  	_ = 	snop  }
0x90: {  	s2 =	sld [smem:$0x3FC9]  }
0x91: {  	s18 =	sld [smem:$0x3FC8]  }
0x92: {  	s4 =	sld [smem:$0x3FC7]  }
0x93: {  	s5 =	sld [smem:$0x3FC6]  }
0x94: {  	s6 =	sld [smem:$0x3FD0];
	(tm) =	ssettm $0x1  }
0x95: {  	s7 =	sld [smem:$0x3FFB];
	_ =	sdelay $0x3  }
0x96: {  	_ =	strace s7  }
0x97: {  	s7 =	sld [smem:$0x3FFC];
	_ =	sdelay $0x3  }
0x98: {  	_ =	strace s7  }
0x99: {  	s7 =	sld [smem:$0x3FFD];
	_ =	sdelay $0x3  }
0x9a: {  	_ =	strace s7  }
0x9b: {  	_ =	strace $0x8FFFFFFF  }
0x9c: {  	s19 =	sld [smem:$0x3FDB];
	_ =	sdelay $0x1  }
0x9d: {  	s8 =	simm.s32 $_scs_section_size  }
0x9e: {  	s9 =	simm.s32 $_size__tile_overlayer_lowered;
	s10 =	simm.s32 $_tile_overlayer_lowered  }
0x9f: {  	s22 =	simm.s32 $0x1BFF;
	s21 =	sshll.u32 s10, $0x1;
	s7 =	sadd.s32 s8, s19  }
0xa0: {  	s11 =	simm.s32 $0x0;
	s20 =	sshll.u32 s9, $0x1;
	s9 =	sadd.s32 s21, s7  }
0xa1: {  	[timem:s11], [sflag:s22] =	dma.local [hbm:s9], s20  }
0xa2: {  	_ =	swait.ge [sflag:s22], s20  }
0xa3: {  	s8 =	ssub.s32 $0x0, s20;
	[sflag:s22] =	ssyncset.done $0x0  }
0xa4: {  	[sflag:s22] =	ssyncadd.s32 s8;
	_ =	sdelay $0x1  }
0xa5: {  	s23 =	simm.s32 $0x1B8B  }
0xa6: {  	_ =	swait.ge [sflag:s23], $0x1  }
0xa7: {  	[sflag:s23] =	ssyncset.done $0x0  }
0xa8: {  	s25 =	simm.s32 $0x1B8E;
	s24 =	sld [smem:$0x3FFE];
	[sflag:s23] =	ssyncadd.s32 $0xFFFFFFFF  }
0xa9: {  	s26 =	simm.s32 $execute0_lowered;
	[smem:$0x3FD2] =	sst s25  }
0xaa: {  	s9 =	sshll.u32 s26, $0x1;
	_ =	strace $0x80000046;
	[dreg:$0x1] =	wrdreg $0xFFFFFFFF  }
0xab: {  	s28 =	simm.s32 $_size_execute0_lowered;
	s7 =	sadd.s32 s7, s9;
	[dreg:$0x0] =	wrdreg $0x0  }
0xac: {  	s9 =	sshll.u32 s28, $0x1;
	[dreg:$0x2] =	wrdreg s7  }
0xad: {  	[dreg:$0x3] =	wrdreg s9  }
0xae: {  	[dreg:$0x4] =	wrdreg $0xC0  }
0xaf: {  	_ =	task [dreg:s11], $0x5FFFF  }
0xb0: {  	[dreg:$0x1] =	wrdreg $0xFFFFFFFF  }
0xb1: {  	[dreg:$0x0] =	wrdreg $0x60  }
0xb2: {  	[dreg:$0x2] =	wrdreg s2  }
0xb3: {  	[dreg:$0x3] =	wrdreg s18  }
0xb4: {  	[dreg:$0x4] =	wrdreg s4  }
0xb5: {  	[dreg:$0x5] =	wrdreg s5  }
0xb6: {  	[dreg:$0x6] =	wrdreg s6  }
0xb7: {  	[dreg:$0x7] =	wrdreg s24  }
0xb8: {  	[dreg:$0x8] =	wrdreg $0x9  }
0xb9: {  	_ =	task.clear_ibuf [dreg:s11], $0x9FFFF;
	_ =	strace $0x90000046  }
0xba: {  	s29 =	simm.s32 $0x9;
	_ =	strace $0x80000048  }
0xbb: {  	_ =	swait.ge [sflag:s29], $0x1  }
0xbc: {  	[sflag:s29] =	ssyncadd.s32 $0xFFFFFFFF  }
0xbd: {  	_ =	strace $0x90000048  }
0xbe: {  	_ =	sfence  }
0xbf: {  	s30 =	sld [smem:$0x0];
	_ =	sdelay $0x2  }
0xc0: {  	s31 =	sshll.u32 s1, $0xD;
	s1 =	sshrl.u32 s1, $0x2  }
0xc1: {  	s3 =	sand.u32 $0x4000, s31;
	s1 =	sadd.s32 s1, s30  }
0xc2: {  	s0 =	sor.u32 s3, s0;
	s1 =	sshll.u32 s1, $0x11  }
0xc3: {  	s0 =	sor.u32 s1, s0  }
0xc4: {  	s0 =	sadd.s32 $0x8F2B, s0  }
0xc5: {  	[sflag:s0] =	ssyncadd.remote.s32 $0x1  }
0xc6: {  	_ =	sfence.sel $0xFFFF  }
0xc7: {  	[dreg:$0x0] =	wrdreg $0xFFFFFFFF;
	(pc) =	sbr.abs _section_cstart, $3  }
0xc8: {  	[dreg:$0x1] =	wrdreg $0xFFFFFFFF  }
0xc9: {  	_ =	task.clear_ibuf [dreg:s11], $0x2FFFF;
	_ =	strace $0x9FFFFFFF  }
0xca: {  	(tm) =	ssettm $0x7FFFFFFF  }
0xcb: {  	_ =	shalt  }
tec
execute0_lowered:
.L_overlay_start_1:
0x0: {  	(tag) =	ssettag $0x1  }
0x1: {  	v1 =	vlaneseq.u32  }
0x2: {  	v0 =	vmul.u32 $0x800, v1  }
0x3: {  	s0 =	rddreg [dreg:$0x0];
	v1 =	vmul.u32 $0x80, v1  }
0x4: {  	s2 =	rddreg [dreg:$0x1];
	v2 =	vor.u32 $0x80, v0  }
0x5: {  	s1 =	rddreg [dreg:$0x2];
	v16 =	vor.u32 $0x400, v0;
	v17 =	vor.u32 $0x8, v1;
	v18 =	vor.u32 $0x480, v0  }
0x6: {  	s28 =	rddreg [dreg:$0x3];
	v19 =	vor.u32 $0x9, v1;
	v20 =	vor.u32 $0x500, v0;
	v21 =	vor.u32 $0xA, v1  }
0x7: {  	s3 =	rddreg [dreg:$0x4];
	v22 =	vor.u32 $0x580, v0;
	v23 =	vor.u32 $0xB, v1;
	v24 =	vor.u32 $0x600, v0  }
0x8: {  	s4 =	rddreg [dreg:$0x5];
	v25 =	vor.u32 $0xC, v1;
	v26 =	vor.u32 $0x680, v0;
	v27 =	vor.u32 $0xD, v1  }
0x9: {  	s13 =	simm.s32 $0x0;
	s6 =	srdreg.scid;
	s15 =	simm.s32 $0x400;
	v28 =	vor.u32 $0x700, v0;
	v29 =	vor.u32 $0xE, v1;
	v30 =	vor.u32 $0x780, v0  }
0xa: {  	s10 =	stileid.u32;
	s20 =	simm.s32 $0x7A1400;
	[smem:$0x7FF] =	sst s13;
	v31 =	vor.u32 $0xF, v1;
	v32 =	vor.u32 $0x8000, v0;
	v33 =	vor.u32 $0x800, v1  }
0xb: {  	s22 =	simm.s32 $0x7;
	s17 =	simm.s32 $0x11600;
	_ =	strace $0x80000047;
	v34 =	vor.u32 $0x8080, v0;
	v35 =	vor.u32 $0x801, v1;
	[tilespmem:$0x1FF20] =	vst v2;
	v2 =	vor.u32 $0x1, v1  }
0xc: {  	s18 =	simm.s32 $0x1;
	s19 =	simm.s32 $0x5;
	s21 =	simm.s32 $0x600;
	v36 =	vor.u32 $0x8100, v0;
	v37 =	vor.u32 $0x802, v1;
	[tilespmem:$0x1FF30] =	vst v2;
	v2 =	vor.u32 $0x100, v0  }
0xd: {  	s30 =	simm.s32 $0xD600;
	s31 =	simm.s32 $0xDE00;
	s14 =	simm.s32 $0xF600;
	v38 =	vor.u32 $0x8180, v0;
	v39 =	vor.u32 $0x803, v1;
	[tilespmem:$0x1FF40] =	vst v2;
	v2 =	vor.u32 $0x2, v1  }
0xe: {  	s16 =	simm.s32 $0xFE00;
	s11 =	simm.s32 $0x4;
	s5 =	sadd.s32 $0x800, s4;
	v40 =	vor.u32 $0x8200, v0;
	v41 =	vor.u32 $0x804, v1;
	[tilespmem:$0x1FF50] =	vst v2;
	v2 =	vor.u32 $0x180, v0  }
0xf: {  	s23 =	sand.u32 $0x1, s6;
	s7 =	sshll.u32 s10, $0x7;
	s9 =	smul.u32 $0x1880, s10;
	v42 =	vor.u32 $0x8280, v0;
	v43 =	vor.u32 $0x805, v1;
	[tilespmem:$0x1FF60] =	vst v2;
	v2 =	vor.u32 $0x3, v1  }
0x10: {  	p0 =	seq.s32 s10, $0xF;
	s6 =	ssub.s32 $0x2, s23;
	s4 =	sshll.u32 s23, $0x6;
	v44 =	vor.u32 $0x8300, v0;
	v45 =	vor.u32 $0x806, v1;
	[tilespmem:$0x1FF70] =	vst v2;
	v2 =	vor.u32 $0x200, v0  }
0x11: {  	s23 =	simm.s32 $0x0;
	s8 =	sshrl.u32 s6, $0x1;
	s4 =	sor.u32 s4, s7;
	v46 =	vor.u32 $0x8380, v0;
	v47 =	vor.u32 $0x807, v1;
	[tilespmem:$0x1FF80] =	vst v2;
	v2 =	vor.u32 $0x4, v1  }
0x12: {  	s7 =	smul.u32 $0x31, s10;
	s25 =	sadd.s32 s28, s9;
	s9 =	simm.s32 $0x10;
	v48 =	vor.u32 $0x8400, v0;
	v49 =	vor.u32 $0x808, v1;
	[tilespmem:$0x1FF90] =	vst v2;
	v2 =	vor.u32 $0x280, v0  }
0x13: {  	s10 =	simm.s32 $0x10600;
	v50 =	vor.u32 $0x8480, v0;
	v51 =	vor.u32 $0x809, v1;
	s6 =	ssub.s32 s6, s8;
	s0 =	sadd.s32 s0, s4;
	[tilespmem:$0x1FFA0] =	vst v2;
	v2 =	vor.u32 $0x5, v1  }
.Ltmp0:
0x14: {  	v52 =	vor.u32 $0x8500, v0;
	v53 =	vor.u32 $0x80A, v1;
	s24 =	sadd.s32 s2, s4;
	[dreg:$0x9] =	wrdreg s25;
	[tilespmem:$0x1FFB0] =	vst v2;
	v2 =	vor.u32 $0x300, v0;
	(pc) =	sbr.rel .LBB2_1-.Ltmp0, $4  }
0x15: {  	v54 =	vor.u32 $0x8580, v0;
	v55 =	vor.u32 $0x80B, v1;
	s26 =	sadd.s32 s3, s4;
	s4 =	simm.s32 $0xEE00;
	[dreg:$0x7] =	wrdreg s0;
	[tilespmem:$0x1FFC0] =	vst v2;
	v2 =	vor.u32 $0x6, v1  }
0x16: {  	v56 =	vor.u32 $0x8600, v0;
	v57 =	vor.u32 $0x80C, v1;
	s8 =	simm.s32 $0x2;
	s2 =	simm.s32 $0x3;
	[dreg:$0x8] =	wrdreg s24;
	[tilespmem:$0x1FFD0] =	vst v2;
	v2 =	vor.u32 $0x380, v0  }
0x17: {  	v58 =	vor.u32 $0x8680, v0;
	v59 =	vor.u32 $0x80D, v1;
	[dreg:$0xa] =	wrdreg s26;
	s29 =	smax.u32 s6, $0x1;
	s12 =	ssub.s32 $0x30F, s7;
	[tilespmem:$0x1FFE0] =	vst v2;
	v2 =	vor.u32 $0x7, v1  }
0x18: {  	v60 =	vor.u32 $0x8700, v0;
	v61 =	vor.u32 $0x80E, v1;
	v15 =	vmovc v0;
	v62 =	vor.u32 $0x8780, v0;
	s0 =	simm.s32 $0xE600;
	s6 =	simm.s32 $0x10E00;
	[dreg:$0xb] =	wrdreg s29;
	[tilespmem:$0x1FFF0] =	vst v2  }
.LBB2_13:
0x19: {  	s13 =	simm.s32 $0x0;
	s3 =	rddreg [dreg:$0xa];
	s22 =	simm.s32 $0x13600  }
0x1a: {  	[hbm4b:s3+s13] =	stream.linear.scatter [tilespmem:s22], [sflag:$0x7], $0x200, $0x38;
	[tilespmem:$0x13800] =	vst v63  }
0x1b: {  	s22 =	simm.s32 $0x7  }
0x1c: {  	_ =	swait.ge [sflag:s22], $0x200  }
0x1d: {  	s23 =	rddreg [dreg:$0xc]  }
0x1e: {  	s29 =	rddreg [dreg:$0xb];
	s23 =	sadd.s32 $0x1, s23  }
0x1f: {  	p1 =	sne.s32 s23, s29  }
.Ltmp1:
0x20: {  	_ = 	snop;
	(pc) =	sbr.rel @!p1 .LBB2_14-.Ltmp1, $3  }
0x21: {  	_ =	sdelay $0x1  }
0x22: {  	[sflag:s22] =	ssyncset.done $0x0  }
0x23: {  	[sflag:s22] =	ssyncadd.s32 $0xFFFFFE00  }
.LBB2_1:
0x24: {  	[dreg:$0xc] =	wrdreg s23  }
0x25: {  	s3 =	rddreg [dreg:$0x7]  }
0x26: {  	[tilespmem:s13], [sflag:$0x7] =	stream.linear.gather [hbm4b:s3+s13], $0x200, $0x38;
	[tilespmem:$0x13800] =	vst v63  }
0x27: {  	_ =	swait.ge [sflag:s22], $0x200  }
0x28: {  	[sflag:s22] =	ssyncset.done $0x0  }
0x29: {  	s29 =	simm.s32 $0x200;
	s26 =	rddreg [dreg:$0x8];
	[sflag:s22] =	ssyncadd.s32 $0xFFFFFE00  }
0x2a: {  	[tilespmem:s29], [sflag:$0x7] =	stream.linear.gather [hbm4b:s26+s13], $0x200, $0x38;
	[tilespmem:$0x13800] =	vst v63  }
0x2b: {  	_ =	swait.ge [sflag:s22], $0x200  }
0x2c: {  	[sflag:s22] =	ssyncset.done $0x0  }
0x2d: {  	s3 =	simm.s32 $0x0;
	[sflag:s22] =	ssyncadd.s32 $0xFFFFFE00  }
0x2e: {  	s13 =	simm.s32 $0x40;
	v2 =	vld [tilespmem:s3+$0x200]  }
.LBB2_2:
0x2f: {  	p1 =	sne.s32 s13, $0x7C0  }
.Ltmp2:
0x30: {  	_ = 	snop;
	(pc) =	sbr.rel @p1 .LBB2_2-.Ltmp2, $3  }
0x31: {  	_ =	sdelay $0x1  }
0x32: {  	s22 =	sshra.s32 s13, $0x2;
	s13 =	sadd.s32 $0x40, s13;
	v3 =	vshra.s32 v2, $0x3  }
0x33: {  	v2 =	vld [tilespmem:s22+$0x200];
	[tilespmem:s3+$0x400] =	vst v3;
	s3 =	smov.u32 s22  }
0x34: {  	_ =	sdelay $0x2  }
.Ltmp3:
0x35: {  	_ = 	snop;
	(pc) =	sbr.rel .LBB2_4-.Ltmp3, $4  }
0x36: {  	v2 =	vshra.s32 v2, $0x3  }
0x37: {  	s29 =	rddreg [dreg:$0x9];
	s13 =	simm.s32 $0xC3800;
	[tilespmem:s3+$0x400] =	vst v2  }
0x38: {  	[tilespmem:s17], [sflag:$0x5] =	stream.strided.gather [hbm4b:s29+s15], $0x800, s13, s15, $0x38;
	[tilespmem:$0x13800] =	vst v63  }
0x39: {  	p1 =	por $0x0, $0x0;
	s13 =	simm.s32 $0x0  }
.LBB2_8:
0x3a: {  	p3 =	seq.s32 s13, $0x0  }
0x3b: {  	p4 =	sge.s32 @!p3 s13, s12  }
0x3c: {  	p3 =	por p4, p3  }
0x3d: {  	s13 =	simm.s32 @!p3 $0x6  }
0x3e: {  	_ =	swait.ge @!p3 [sflag:s13], $0x800  }
0x3f: {  	[sflag:s13] =	ssyncset.done @!p3 $0x0  }
0x40: {  	[sflag:s13] =	ssyncadd.s32 @!p3 $0xFFFFF800;
	s13 =	sshll.u32 @!p2 s22, $0xB;
	s22 =	sshll.u32 @!p2 s23, $0x8  }
0x41: {  	s23 =	simm.s32 @!p2 $0x0;
	s13 =	sor.u32 @!p2 $0x12600, s13;
	s22 =	sadd.s32 @!p2 s5, s22  }
0x42: {  	[hbm4b:s22+s23] =	stream.linear.scatter @!p2 [tilespmem:s13], [sflag:$0x6], $0x800, $0x38;
	[tilespmem:$0x13800] =	vst v63  }
0x43: {  	p2 =	sne.s32 s3, $0x31  }
.Ltmp4:
0x44: {  	_ = 	snop;
	(pc) =	sbr.rel @!p2 .LBB2_9-.Ltmp4, $2  }
0x45: {  	_ =	sdelay $0x2  }
0x46: {  	p1 =	por !p1, !p1;
	s13 =	smov.u32 s3  }
.LBB2_4:
0x47: {  	s3 =	sadd.s32 $0x1, s13  }
0x48: {  	s23 =	sadd.s32 s7, s3  }
0x49: {  	s22 =	sand.u32 $0x1, s13;
	p2 =	sgt.u32 s23, $0x30D  }
0x4a: {  	s24 =	sshll.u32 @!p2 s22, $0xB  }
0x4b: {  	s23 =	sshll.u32 @!p2 s23, $0x7;
	s25 =	simm.s32 @!p2 $0x400;
	s24 =	sxor.u32 @!p2 $0x800, s24  }
0x4c: {  	s26 =	simm.s32 @!p2 $0xC3800;
	s23 =	sadd.s32 @!p2 s28, s23;
	s24 =	sor.u32 @!p2 $0x11600, s24  }
0x4d: {  	[tilespmem:s24], [sflag:$0x5] =	stream.strided.gather @!p2 [hbm4b:s23+s25], $0x800, s26, s25, $0x38;
	[tilespmem:$0x13800] =	vst v63  }
0x4e: {  	s23 =	sadd.s32 s7, s13  }
0x4f: {  	p2 =	sgt.u32 s23, $0x30D  }
.Ltmp5:
0x50: {  	_ = 	snop;
	(pc) =	sbr.rel @p2 .LBB2_8-.Ltmp5, $1  }
0x51: {  	_ =	sdelay $0x3  }
0x52: {  	s24 =	simm.s32 $0x0  }
0x53: {  	v2 =	vmov s24  }
0x54: {  	v2 =	vand.u32 $0x78, v2  }
0x55: {  	s26 =	sshll.u32 s22, $0xB;
	v2 =	vbroadcast v2, $0x0  }
0x56: {  	v63 =	vor.u32 s26, v1  }
0x57: {  	v2 =	vor.u32 v63, v2  }
0x58: {  	s25 =	simm.s32 $0x1  }
0x59: {  	_ =	swait.ge [sflag:s19], $0x800;
	v3 =	vmov s25  }
0x5a: {  	[sflag:s19] =	ssyncset.done $0x0;
	v3 =	vand.u32 $0x79, v3  }
0x5b: {  	[sflag:s19] =	ssyncadd.s32 $0xFFFFF800;
	v3 =	vbroadcast v3, $0x0  }
0x5c: {  	v2 =	vld.idx.msk [tilespmem:v2+s17+$0x0], $0xffff  }
0x5d: {  	s24 =	simm.s32 $0x1;
	v3 =	vor.u32 v63, v3  }
0x5e: {  	s25 =	simm.s32 $0x2;
	s24 =	simm.s32 @!p1 $0x0  }
0x5f: {  	v4 =	vmov s25;
	s24 =	sshll.u32 s24, $0xB  }
0x60: {  	v4 =	vand.u32 $0x7A, v4;
	s24 =	sor.u32 $0x12640, s24  }
0x61: {  	[tilespmem:s24+$0xFFFFFFC0] =	vst v2;
	v2 =	vbroadcast v4, $0x0  }
0x62: {  	v3 =	vld.idx.msk [tilespmem:v3+s17+$0x0], $0xffff  }
0x63: {  	v2 =	vor.u32 v63, v2  }
0x64: {  	s26 =	simm.s32 $0x3  }
0x65: {  	v4 =	vmov s26  }
0x66: {  	v4 =	vand.u32 $0x7B, v4  }
0x67: {  	[tilespmem:s24+$0xFFFFFFD0] =	vst v3;
	v3 =	vbroadcast v4, $0x0  }
0x68: {  	v2 =	vld.idx.msk [tilespmem:v2+s17+$0x0], $0xffff  }
0x69: {  	v3 =	vor.u32 v63, v3  }
0x6a: {  	s26 =	simm.s32 $0x4  }
0x6b: {  	v4 =	vmov s26  }
0x6c: {  	v4 =	vand.u32 $0x7C, v4  }
0x6d: {  	[tilespmem:s24+$0xFFFFFFE0] =	vst v2;
	v2 =	vbroadcast v4, $0x0  }
0x6e: {  	v3 =	vld.idx.msk [tilespmem:v3+s17+$0x0], $0xffff  }
0x6f: {  	v2 =	vor.u32 v63, v2  }
0x70: {  	s26 =	simm.s32 $0x5  }
0x71: {  	v4 =	vmov s26  }
0x72: {  	v4 =	vand.u32 $0x7D, v4  }
0x73: {  	[tilespmem:s24+$0xFFFFFFF0] =	vst v3;
	v3 =	vbroadcast v4, $0x0  }
0x74: {  	v2 =	vld.idx.msk [tilespmem:v2+s17+$0x0], $0xffff  }
0x75: {  	v3 =	vor.u32 v63, v3  }
0x76: {  	s26 =	simm.s32 $0x6  }
0x77: {  	v4 =	vmov s26  }
0x78: {  	v4 =	vand.u32 $0x7E, v4  }
0x79: {  	[tilespmem:s24+$0x0] =	vst v2;
	v2 =	vbroadcast v4, $0x0  }
0x7a: {  	v3 =	vld.idx.msk [tilespmem:v3+s17+$0x0], $0xffff  }
0x7b: {  	v2 =	vor.u32 v63, v2  }
0x7c: {  	s26 =	simm.s32 $0x7  }
0x7d: {  	v4 =	vmov s26  }
0x7e: {  	v4 =	vand.u32 $0x7F, v4  }
0x7f: {  	v4 =	vbroadcast v4, $0x0;
	[tilespmem:s24+$0x10] =	vst v3  }
0x80: {  	v2 =	vld.idx.msk [tilespmem:v2+s17+$0x0], $0xffff  }
0x81: {  	v3 =	vor.u32 v63, v4  }
0x82: {  	s29 =	smov.u32 s28  }
0x83: {  	s28 =	simm.s32 $0x8;
	s25 =	simm.s32 $0xF;
	s26 =	simm.s32 $0x17  }
.LBB2_6:
0x84: {  	p3 =	sne.s32 s26, $0x7F;
	v4 =	vmov s28  }
0x85: {  	v4 =	vand.u32 $0x78, v4;
	[tilespmem:s24+$0x20] =	vst v2  }
0x86: {  	v2 =	vbroadcast v4, $0x0;
	v3 =	vld.idx.msk [tilespmem:v3+s17+$0x0], $0xffff;
	_ =	sdelay $0x1  }
0x87: {  	v2 =	vor.u32 v63, v2;
	_ =	sdelay $0x1  }
0x88: {  	s28 =	sadd.s32 $0xFFFFFFFA, s25  }
0x89: {  	v4 =	vmov s28  }
0x8a: {  	v4 =	vand.u32 $0x79, v4;
	[tilespmem:s24+$0x30] =	vst v3  }
0x8b: {  	v3 =	vbroadcast v4, $0x0;
	v2 =	vld.idx.msk [tilespmem:v2+s17+$0x0], $0xffff;
	_ =	sdelay $0x1  }
0x8c: {  	v3 =	vor.u32 v63, v3;
	_ =	sdelay $0x1  }
0x8d: {  	s28 =	sadd.s32 $0xFFFFFFFB, s25  }
0x8e: {  	v4 =	vmov s28;
	s24 =	sadd.s32 $0x80, s24  }
0x8f: {  	[tilespmem:s24+$0xFFFFFFC0] =	vst v2;
	v2 =	vand.u32 $0x7A, v4  }
0x90: {  	v3 =	vld.idx.msk [tilespmem:v3+s17+$0x0], $0xffff;
	v2 =	vbroadcast v2, $0x0;
	_ =	sdelay $0x1  }
0x91: {  	v2 =	vor.u32 v63, v2;
	_ =	sdelay $0x1  }
0x92: {  	s28 =	sadd.s32 $0xFFFFFFFC, s25  }
0x93: {  	v4 =	vmov s28  }
0x94: {  	[tilespmem:s24+$0xFFFFFFD0] =	vst v3;
	v3 =	vand.u32 $0x7B, v4  }
0x95: {  	v2 =	vld.idx.msk [tilespmem:v2+s17+$0x0], $0xffff;
	v3 =	vbroadcast v3, $0x0;
	_ =	sdelay $0x1  }
0x96: {  	v3 =	vor.u32 v63, v3;
	_ =	sdelay $0x1  }
0x97: {  	s28 =	sadd.s32 $0xFFFFFFFD, s25  }
0x98: {  	v4 =	vmov s28  }
0x99: {  	[tilespmem:s24+$0xFFFFFFE0] =	vst v2;
	v2 =	vand.u32 $0x7C, v4  }
0x9a: {  	v3 =	vld.idx.msk [tilespmem:v3+s17+$0x0], $0xffff;
	v2 =	vbroadcast v2, $0x0;
	_ =	sdelay $0x1  }
0x9b: {  	v2 =	vor.u32 v63, v2;
	_ =	sdelay $0x1  }
0x9c: {  	s28 =	sadd.s32 $0xFFFFFFFE, s25  }
0x9d: {  	v4 =	vmov s28  }
0x9e: {  	[tilespmem:s24+$0xFFFFFFF0] =	vst v3;
	v3 =	vand.u32 $0x7D, v4  }
0x9f: {  	v2 =	vld.idx.msk [tilespmem:v2+s17+$0x0], $0xffff;
	v3 =	vbroadcast v3, $0x0;
	_ =	sdelay $0x1  }
0xa0: {  	v3 =	vor.u32 v63, v3;
	_ =	sdelay $0x1  }
0xa1: {  	s28 =	sadd.s32 $0xFFFFFFFF, s25  }
0xa2: {  	v4 =	vmov s28  }
0xa3: {  	[tilespmem:s24+$0x0] =	vst v2;
	v2 =	vand.u32 $0x7E, v4  }
0xa4: {  	v3 =	vld.idx.msk [tilespmem:v3+s17+$0x0], $0xffff;
	v2 =	vbroadcast v2, $0x0;
	_ =	sdelay $0x1  }
0xa5: {  	v2 =	vor.u32 v63, v2;
	_ =	sdelay $0x2  }
0xa6: {  	v4 =	vmov s25;
	s25 =	smov.u32 s26  }
0xa7: {  	[tilespmem:s24+$0x10] =	vst v3;
	v3 =	vand.u32 $0x7F, v4  }
.Ltmp6:
0xa8: {  	v2 =	vld.idx.msk [tilespmem:v2+s17+$0x0], $0xffff;
	v3 =	vbroadcast v3, $0x0;
	(pc) =	sbr.rel @p3 .LBB2_6-.Ltmp6, $3  }
0xa9: {  	_ = 	snop  }
0xaa: {  	v3 =	vor.u32 v63, v3;
	_ =	sdelay $0x1  }
0xab: {  	s26 =	sadd.s32 $0x8, s26;
	s28 =	sadd.s32 $0xFFFFFFF9, s25  }
0xac: {  	_ = 	snop  }
0xad: {  	v4 =	vmov s28  }
0xae: {  	v4 =	vand.u32 $0x78, v4  }
0xaf: {  	[tilespmem:s24+$0x20] =	vst v2;
	v2 =	vbroadcast v4, $0x0  }
0xb0: {  	v3 =	vld.idx.msk [tilespmem:v3+s17+$0x0], $0xffff  }
0xb1: {  	v2 =	vor.u32 v63, v2  }
0xb2: {  	s26 =	sadd.s32 $0xFFFFFFFA, s25  }
0xb3: {  	v9 =	vmov s26  }
0xb4: {  	v4 =	vand.u32 $0x79, v9  }
0xb5: {  	[tilespmem:s24+$0x30] =	vst v3;
	v3 =	vbroadcast v4, $0x0  }
0xb6: {  	v2 =	vld.idx.msk [tilespmem:v2+s17+$0x0], $0xffff  }
0xb7: {  	v3 =	vor.u32 v63, v3  }
0xb8: {  	s26 =	sadd.s32 $0xFFFFFFFB, s25  }
0xb9: {  	v10 =	vmov s26  }
0xba: {  	s24 =	sadd.s32 $0x80, s24;
	v4 =	vand.u32 $0x7A, v10  }
0xbb: {  	[tilespmem:s24+$0xFFFFFFC0] =	vst v2;
	v2 =	vbroadcast v4, $0x0  }
0xbc: {  	v3 =	vld.idx.msk [tilespmem:v3+s17+$0x0], $0xffff  }
0xbd: {  	v2 =	vor.u32 v63, v2  }
0xbe: {  	s26 =	sadd.s32 $0xFFFFFFFC, s25  }
0xbf: {  	v11 =	vmov s26  }
0xc0: {  	v4 =	vand.u32 $0x7B, v11  }
0xc1: {  	[tilespmem:s24+$0xFFFFFFD0] =	vst v3;
	v3 =	vbroadcast v4, $0x0  }
0xc2: {  	v2 =	vld.idx.msk [tilespmem:v2+s17+$0x0], $0xffff  }
0xc3: {  	v3 =	vor.u32 v63, v3  }
0xc4: {  	s26 =	sadd.s32 $0xFFFFFFFD, s25  }
0xc5: {  	v8 =	vmov s26  }
0xc6: {  	v4 =	vand.u32 $0x7C, v8  }
0xc7: {  	[tilespmem:s24+$0xFFFFFFE0] =	vst v2;
	v2 =	vbroadcast v4, $0x0  }
0xc8: {  	v3 =	vld.idx.msk [tilespmem:v3+s17+$0x0], $0xffff  }
0xc9: {  	v2 =	vor.u32 v63, v2  }
0xca: {  	s26 =	sadd.s32 $0xFFFFFFFE, s25  }
0xcb: {  	v9 =	vmov s26  }
0xcc: {  	v4 =	vand.u32 $0x7D, v9  }
0xcd: {  	[tilespmem:s24+$0xFFFFFFF0] =	vst v3;
	v3 =	vbroadcast v4, $0x0  }
0xce: {  	v2 =	vld.idx.msk [tilespmem:v2+s17+$0x0], $0xffff  }
0xcf: {  	v3 =	vor.u32 v63, v3  }
0xd0: {  	s26 =	sadd.s32 $0xFFFFFFFF, s25  }
0xd1: {  	v10 =	vmov s26  }
0xd2: {  	v4 =	vand.u32 $0x7E, v10  }
0xd3: {  	[tilespmem:s24+$0x0] =	vst v2;
	v2 =	vbroadcast v4, $0x0  }
0xd4: {  	v3 =	vld.idx.msk [tilespmem:v3+s17+$0x0], $0xffff  }
0xd5: {  	v2 =	vor.u32 v63, v2;
	_ =	sdelay $0x1  }
0xd6: {  	v11 =	vmov s25  }
0xd7: {  	v4 =	vand.u32 $0x7F, v11  }
0xd8: {  	[tilespmem:s24+$0x10] =	vst v3;
	v3 =	vbroadcast v4, $0x0  }
0xd9: {  	v2 =	vld.idx.msk [tilespmem:v2+s17+$0x0], $0xffff  }
0xda: {  	v3 =	vor.u32 v63, v3;
	_ =	sdelay $0x3  }
0xdb: {  	[tilespmem:s24+$0x20] =	vst v2  }
0xdc: {  	v2 =	vld.idx.msk [tilespmem:v3+s17+$0x0], $0xffff  }
.Ltmp7:
0xdd: {  	_ = 	snop;
	(pc) =	sbr.rel .LBB2_8-.Ltmp7, $2  }
0xde: {  	_ =	sdelay $0x2  }
0xdf: {  	s28 =	smov.u32 s29;
	[tilespmem:s24+$0x30] =	vst v2  }
.LBB2_9:
0xe0: {  	s3 =	simm.s32 @!p0 $0x6  }
0xe1: {  	_ =	swait.ge @!p0 [sflag:s3], $0x800  }
0xe2: {  	[sflag:s3] =	ssyncset.done @!p0 $0x0  }
0xe3: {  	[sflag:s3] =	ssyncadd.s32 @!p0 $0xFFFFF800  }
0xe4: {  	[bflag:$0x0] =	sbarrier.arrive $0xFFFF  }
0xe5: {  	v2 =	vld [tilespmem:$0x0];
	_ =	sdelay $0x4  }
0xe6: {  	(v2sf) =	vpush v2, $0x0;
	_ =	sdelay $0x1  }
0xe7: {  	(v2sf) =	vpush v2, $0x1;
	_ =	sdelay $0x2  }
0xe8: {  	(v2sf) =	vpush v2, $0x2;
	_ =	sdelay $0x2  }
0xe9: {  	(v2sf) =	vpush v2, $0x3;
	_ =	sdelay $0x6  }
0xea: {  	s23 =	spop (v2sf);
	(v2sf) =	vpush v2, $0x4;
	_ =	sdelay $0x1  }
0xeb: {  	s24 =	spop (v2sf);
	(v2sf) =	vpush v2, $0x5;
	_ =	sdelay $0x2  }
0xec: {  	s3 =	sand.u32 $0xFFFFF80, s23;
	s25 =	spop (v2sf);
	(v2sf) =	vpush v2, $0x6  }
0xed: {  	s3 =	sadd.s32 s1, s3  }
0xee: {  	[tilespmem:s21], [sflag:$0x1] =	stream.strided.gather [hbm4b:s3+s15], $0x800, s20, s15, $0x38;
	[tilespmem:$0x13800] =	vst v63  }
0xef: {  	s3 =	sand.u32 $0xFFFFF80, s24;
	s26 =	spop (v2sf);
	(v2sf) =	vpush v2, $0x7  }
0xf0: {  	s23 =	simm.s32 $0xE00;
	s3 =	sadd.s32 s1, s3  }
0xf1: {  	[tilespmem:s23], [sflag:$0x1] =	stream.strided.gather [hbm4b:s3+s15], $0x800, s20, s15, $0x38;
	[tilespmem:$0x13800] =	vst v63  }
0xf2: {  	s3 =	sand.u32 $0xFFFFF80, s25  }
0xf3: {  	s24 =	simm.s32 $0x1600;
	s3 =	sadd.s32 s1, s3  }
0xf4: {  	[tilespmem:s24], [sflag:$0x1] =	stream.strided.gather [hbm4b:s3+s15], $0x800, s20, s15, $0x38;
	[tilespmem:$0x13800] =	vst v63  }
0xf5: {  	s3 =	sand.u32 $0xFFFFF80, s26  }
0xf6: {  	s25 =	simm.s32 $0x1E00;
	s3 =	sadd.s32 s1, s3;
	s29 =	spop (v2sf);
	(v2sf) =	vpush v2, $0x8  }
0xf7: {  	[tilespmem:s25], [sflag:$0x1] =	stream.strided.gather [hbm4b:s3+s15], $0x800, s20, s15, $0x38;
	[tilespmem:$0x13800] =	vst v63  }
0xf8: {  	s3 =	sand.u32 $0xFFFFF80, s29;
	s13 =	spop (v2sf);
	(v2sf) =	vpush v2, $0x9  }
0xf9: {  	s26 =	simm.s32 $0x2600;
	s3 =	sadd.s32 s1, s3  }
0xfa: {  	[tilespmem:s26], [sflag:$0x1] =	stream.strided.gather [hbm4b:s3+s15], $0x800, s20, s15, $0x38;
	[tilespmem:$0x13800] =	vst v63  }
0xfb: {  	s22 =	spop (v2sf);
	(v2sf) =	vpush v2, $0xA;
	s3 =	sand.u32 $0xFFFFF80, s13  }
0xfc: {  	s13 =	simm.s32 $0x2E00;
	s3 =	sadd.s32 s1, s3  }
0xfd: {  	[tilespmem:s13], [sflag:$0x1] =	stream.strided.gather [hbm4b:s3+s15], $0x800, s20, s15, $0x38;
	[tilespmem:$0x13800] =	vst v63  }
0xfe: {  	s3 =	sand.u32 $0xFFFFF80, s22;
	s22 =	spop (v2sf);
	(v2sf) =	vpush v2, $0xB;
	_ =	sdelay $0x3  }
0xff: {  	s29 =	simm.s32 $0x3600;
	s3 =	sadd.s32 s1, s3  }
0x100: {  	[tilespmem:s29], [sflag:$0x1] =	stream.strided.gather [hbm4b:s3+s15], $0x800, s20, s15, $0x38;
	[tilespmem:$0x13800] =	vst v63  }
0x101: {  	s3 =	sand.u32 $0xFFFFF80, s22  }
0x102: {  	s29 =	simm.s32 $0x3E00;
	s3 =	sadd.s32 s1, s3;
	s22 =	spop (v2sf);
	(v2sf) =	vpush v2, $0xC  }
0x103: {  	[tilespmem:s29], [sflag:$0x1] =	stream.strided.gather [hbm4b:s3+s15], $0x800, s20, s15, $0x38;
	[tilespmem:$0x13800] =	vst v63  }
0x104: {  	s3 =	sand.u32 $0xFFFFF80, s22;
	s22 =	spop (v2sf);
	(v2sf) =	vpush v2, $0xD  }
0x105: {  	s29 =	simm.s32 $0x4600;
	s3 =	sadd.s32 s1, s3  }
0x106: {  	[tilespmem:s29], [sflag:$0x1] =	stream.strided.gather [hbm4b:s3+s15], $0x800, s20, s15, $0x38;
	[tilespmem:$0x13800] =	vst v63  }
0x107: {  	s3 =	sand.u32 $0xFFFFF80, s22;
	s22 =	spop (v2sf);
	(v2sf) =	vpush v2, $0xE  }
0x108: {  	s29 =	simm.s32 $0x4E00;
	s3 =	sadd.s32 s1, s3  }
0x109: {  	[tilespmem:s29], [sflag:$0x1] =	stream.strided.gather [hbm4b:s3+s15], $0x800, s20, s15, $0x38;
	[tilespmem:$0x13800] =	vst v63  }
0x10a: {  	s3 =	sand.u32 $0xFFFFF80, s22;
	s22 =	spop (v2sf);
	(v2sf) =	vpush v2, $0xF;
	_ =	sdelay $0x1  }
0x10b: {  	s29 =	simm.s32 $0x5600;
	s3 =	sadd.s32 s1, s3  }
0x10c: {  	[tilespmem:s29], [sflag:$0x1] =	stream.strided.gather [hbm4b:s3+s15], $0x800, s20, s15, $0x38;
	[tilespmem:$0x13800] =	vst v63  }
0x10d: {  	s3 =	sand.u32 $0xFFFFF80, s22  }
0x10e: {  	s29 =	simm.s32 $0x5E00;
	s3 =	sadd.s32 s1, s3  }
0x10f: {  	[tilespmem:s29], [sflag:$0x1] =	stream.strided.gather [hbm4b:s3+s15], $0x800, s20, s15, $0x38;
	[tilespmem:$0x13800] =	vst v63  }
0x110: {  	s22 =	spop (v2sf)  }
0x111: {  	s3 =	sand.u32 $0xFFFFF80, s22  }
0x112: {  	s29 =	simm.s32 $0x6600;
	s22 =	spop (v2sf);
	s3 =	sadd.s32 s1, s3  }
0x113: {  	[tilespmem:s29], [sflag:$0x1] =	stream.strided.gather [hbm4b:s3+s15], $0x800, s20, s15, $0x38;
	[tilespmem:$0x13800] =	vst v63  }
0x114: {  	s3 =	sand.u32 $0xFFFFF80, s22  }
0x115: {  	s29 =	simm.s32 $0x6E00;
	s22 =	spop (v2sf);
	s3 =	sadd.s32 s1, s3  }
0x116: {  	[tilespmem:s29], [sflag:$0x1] =	stream.strided.gather [hbm4b:s3+s15], $0x800, s20, s15, $0x38;
	[tilespmem:$0x13800] =	vst v63  }
0x117: {  	s3 =	sand.u32 $0xFFFFF80, s22  }
0x118: {  	s29 =	simm.s32 $0x7600;
	s22 =	spop (v2sf);
	s3 =	sadd.s32 s1, s3  }
0x119: {  	[tilespmem:s29], [sflag:$0x1] =	stream.strided.gather [hbm4b:s3+s15], $0x800, s20, s15, $0x38;
	[tilespmem:$0x13800] =	vst v63  }
.Ltmp8:
0x11a: {  	s3 =	sand.u32 $0xFFFFF80, s22;
	(pc) =	sbr.rel .LBB2_10-.Ltmp8, $4  }
0x11b: {  	s29 =	simm.s32 $0x7E00;
	s3 =	sadd.s32 s1, s3  }
0x11c: {  	[tilespmem:s29], [sflag:$0x1] =	stream.strided.gather [hbm4b:s3+s15], $0x800, s20, s15, $0x38;
	[tilespmem:$0x13800] =	vst v63  }
0x11d: {  	s3 =	simm.s32 $0x0  }
0x11e: {  	[tilespmem:s10], [sflag:$0x2] =	stream.indirect.gather [hbm4b:s5+s9], $0x80, s15, s9, $0xb8;
	[tilespmem:$0x13800] =	vst v63  }
.LBB2_12:
0x11f: {  	_ =	swait.ge [sflag:s2], $0x800  }
0x120: {  	[sflag:s2] =	ssyncset.done $0x0  }
0x121: {  	[sflag:s2] =	ssyncadd.s32 $0xFFFFF800  }
0x122: {  	_ =	swait.ge [sflag:s2], $0x800  }
0x123: {  	[sflag:s2] =	ssyncset.done $0x0  }
0x124: {  	[sflag:s2] =	ssyncadd.s32 $0xFFFFF800  }
0x125: {  	_ =	swait.ge [sflag:s2], $0x800  }
0x126: {  	[sflag:s2] =	ssyncset.done $0x0  }
0x127: {  	[sflag:s2] =	ssyncadd.s32 $0xFFFFF800  }
0x128: {  	_ =	swait.ge [sflag:s2], $0x800  }
0x129: {  	[sflag:s2] =	ssyncset.done $0x0  }
0x12a: {  	[sflag:s2] =	ssyncadd.s32 $0xFFFFF800  }
0x12b: {  	_ =	swait.ge [sflag:s2], $0x800  }
0x12c: {  	[sflag:s2] =	ssyncset.done $0x0  }
0x12d: {  	[sflag:s2] =	ssyncadd.s32 $0xFFFFF800  }
0x12e: {  	_ =	swait.ge [sflag:s2], $0x800  }
0x12f: {  	[sflag:s2] =	ssyncset.done $0x0  }
0x130: {  	[sflag:s2] =	ssyncadd.s32 $0xFFFFF800  }
0x131: {  	_ =	swait.ge [sflag:s2], $0x800  }
0x132: {  	[sflag:s2] =	ssyncset.done $0x0  }
0x133: {  	[sflag:s2] =	ssyncadd.s32 $0xFFFFF800  }
0x134: {  	_ =	swait.ge [sflag:s2], $0x800  }
0x135: {  	[sflag:s2] =	ssyncset.done $0x0  }
0x136: {  	[sflag:s2] =	ssyncadd.s32 $0xFFFFF800  }
0x137: {  	_ =	swait.ge [sflag:s2], $0x800  }
0x138: {  	[sflag:s2] =	ssyncset.done $0x0  }
0x139: {  	[sflag:s2] =	ssyncadd.s32 $0xFFFFF800  }
0x13a: {  	_ =	swait.ge [sflag:s2], $0x800  }
0x13b: {  	[sflag:s2] =	ssyncset.done $0x0  }
0x13c: {  	[sflag:s2] =	ssyncadd.s32 $0xFFFFF800  }
0x13d: {  	_ =	swait.ge [sflag:s2], $0x800  }
0x13e: {  	[sflag:s2] =	ssyncset.done $0x0  }
0x13f: {  	[sflag:s2] =	ssyncadd.s32 $0xFFFFF800  }
0x140: {  	_ =	swait.ge [sflag:s2], $0x800  }
0x141: {  	[sflag:s2] =	ssyncset.done $0x0  }
0x142: {  	[sflag:s2] =	ssyncadd.s32 $0xFFFFF800  }
0x143: {  	_ =	swait.ge [sflag:s2], $0x800  }
0x144: {  	[sflag:s2] =	ssyncset.done $0x0  }
0x145: {  	[sflag:s2] =	ssyncadd.s32 $0xFFFFF800  }
0x146: {  	_ =	swait.ge [sflag:s2], $0x800  }
0x147: {  	[sflag:s2] =	ssyncset.done $0x0  }
0x148: {  	[sflag:s2] =	ssyncadd.s32 $0xFFFFF800  }
0x149: {  	_ =	swait.ge [sflag:s2], $0x800  }
0x14a: {  	[sflag:s2] =	ssyncset.done $0x0  }
0x14b: {  	[sflag:s2] =	ssyncadd.s32 $0xFFFFF800  }
0x14c: {  	_ =	swait.ge [sflag:s2], $0x800  }
0x14d: {  	[sflag:s2] =	ssyncset.done $0x0  }
0x14e: {  	[sflag:s2] =	ssyncadd.s32 $0xFFFFF800  }
0x14f: {  	_ =	swait.ge [sflag:s11], $0x800  }
0x150: {  	[sflag:s11] =	ssyncset.done $0x0  }
0x151: {  	[sflag:s11] =	ssyncadd.s32 $0xFFFFF800  }
0x152: {  	v0 =	vld [tilespmem:s13+$0x10]  }
0x153: {  	v2 =	vld [tilespmem:s13+$0x210];
	_ =	sdelay $0x3  }
0x154: {  	v0 =	vand.u32 $0x7F, v0  }
0x155: {  	v2 =	vshll.u32 v2, $0x4;
	v3 =	vor.u32 v32, v0  }
0x156: {  	v2 =	vand.u32 $0x70, v2;
	v5 =	vor.u32 v34, v0  }
0x157: {  	v4 =	vor.u32 v33, v2  }
0x158: {  	v6 =	vor.u32 v35, v2  }
0x159: {  	v7 =	vor.u32 v36, v0  }
0x15a: {  	v8 =	vor.u32 v37, v2;
	v3 =	vld.idx.msk [tilespmem:v3+s21+$0x0], $0xffff  }
0x15b: {  	v10 =	vor.u32 v39, v2;
	v5 =	vld.idx.msk [tilespmem:v5+s21+$0x0], $0xffff  }
0x15c: {  	v9 =	vor.u32 v38, v0;
	v4 =	vld.idx.msk [tilespmem:v4+s10+$0x0], $0xffff  }
0x15d: {  	v11 =	vor.u32 v40, v0;
	v6 =	vld.idx.msk [tilespmem:v6+s10+$0x0], $0xffff  }
0x15e: {  	v7 =	vld.idx.msk [tilespmem:v7+s21+$0x0], $0xffff  }
0x15f: {  	v12 =	vor.u32 v41, v2;
	v8 =	vld.idx.msk [tilespmem:v8+s10+$0x0], $0xffff  }
0x160: {  	v13 =	vor.u32 v42, v0;
	v10 =	vld.idx.msk [tilespmem:v10+s10+$0x0], $0xffff  }
0x161: {  	v3 =	vmul.f32 v4, v3;
	v4 =	vld.idx.msk [tilespmem:v9+s21+$0x0], $0xffff;
	v9 =	vor.u32 v43, v2  }
0x162: {  	v5 =	vmul.f32 v6, v5;
	v6 =	vld.idx.msk [tilespmem:v11+s21+$0x0], $0xffff;
	v11 =	vor.u32 v45, v2  }
0x163: {  	v14 =	vor.u32 v44, v0;
	v3 =	vadd.f32 $0.0e+00, v3  }
0x164: {  	v63 =	vor.u32 v46, v0;
	v12 =	vld.idx.msk [tilespmem:v12+s10+$0x0], $0xffff  }
0x165: {  	v3 =	vadd.f32 v5, v3;
	v5 =	vmul.f32 v8, v7;
	v7 =	vld.idx.msk [tilespmem:v13+s21+$0x0], $0xffff;
	v8 =	vor.u32 v47, v2  }
0x166: {  	v13 =	vor.u32 v48, v0;
	v9 =	vld.idx.msk [tilespmem:v9+s10+$0x0], $0xffff  }
0x167: {  	v4 =	vmul.f32 v10, v4;
	v10 =	vor.u32 v49, v2;
	v11 =	vld.idx.msk [tilespmem:v11+s10+$0x0], $0xffff;
	v3 =	vadd.f32 v5, v3  }
0x168: {  	v5 =	vld.idx.msk [tilespmem:v14+s21+$0x0], $0xffff;
	v14 =	vor.u32 v50, v0  }
0x169: {  	v3 =	vadd.f32 v4, v3;
	v4 =	vmul.f32 v12, v6;
	v6 =	vld.idx.msk [tilespmem:v63+s21+$0x0], $0xffff;
	v12 =	vor.u32 v51, v2  }
0x16a: {  	v63 =	vor.u32 v52, v0;
	v8 =	vld.idx.msk [tilespmem:v8+s10+$0x0], $0xffff  }
0x16b: {  	v3 =	vadd.f32 v4, v3;
	v4 =	vmul.f32 v9, v7;
	v7 =	vld.idx.msk [tilespmem:v13+s21+$0x0], $0xffff;
	v9 =	vor.u32 v53, v2  }
0x16c: {  	v10 =	vld.idx.msk [tilespmem:v10+s10+$0x0], $0xffff;
	v13 =	vor.u32 v54, v0  }
0x16d: {  	v3 =	vadd.f32 v4, v3;
	v4 =	vmul.f32 v11, v5;
	v5 =	vld.idx.msk [tilespmem:v14+s21+$0x0], $0xffff;
	v11 =	vor.u32 v55, v2  }
0x16e: {  	v14 =	vor.u32 v56, v0;
	v12 =	vld.idx.msk [tilespmem:v12+s10+$0x0], $0xffff  }
0x16f: {  	v3 =	vadd.f32 v4, v3;
	v4 =	vmul.f32 v8, v6;
	v6 =	vld.idx.msk [tilespmem:v63+s21+$0x0], $0xffff;
	v8 =	vor.u32 v57, v2  }
0x170: {  	v63 =	vor.u32 v58, v0;
	v9 =	vld.idx.msk [tilespmem:v9+s10+$0x0], $0xffff  }
0x171: {  	v3 =	vadd.f32 v4, v3;
	v4 =	vmul.f32 v10, v7;
	v7 =	vld.idx.msk [tilespmem:v13+s21+$0x0], $0xffff;
	v10 =	vor.u32 v59, v2  }
0x172: {  	v13 =	vor.u32 v60, v0;
	v11 =	vld.idx.msk [tilespmem:v11+s10+$0x0], $0xffff  }
0x173: {  	v3 =	vadd.f32 v4, v3;
	v4 =	vmul.f32 v12, v5;
	v5 =	vld.idx.msk [tilespmem:v14+s21+$0x0], $0xffff;
	v12 =	vor.u32 v61, v2  }
0x174: {  	v0 =	vor.u32 v62, v0;
	v14 =	vor.u32 $0x80F, v1;
	v8 =	vld.idx.msk [tilespmem:v8+s10+$0x0], $0xffff  }
0x175: {  	v2 =	vor.u32 v14, v2;
	v3 =	vadd.f32 v4, v3;
	v4 =	vmul.f32 v9, v6;
	v6 =	vld.idx.msk [tilespmem:v63+s21+$0x0], $0xffff  }
0x176: {  	v9 =	vld.idx.msk [tilespmem:v10+s10+$0x0], $0xffff  }
0x177: {  	v3 =	vadd.f32 v4, v3;
	v4 =	vmul.f32 v11, v7;
	v7 =	vld.idx.msk [tilespmem:v13+s21+$0x0], $0xffff  }
0x178: {  	v63 =	vld.idx.msk [tilespmem:v12+s10+$0x0], $0xffff  }
0x179: {  	v0 =	vld.idx.msk [tilespmem:v0+s21+$0x0], $0xffff;
	v3 =	vadd.f32 v4, v3;
	v8 =	vmul.f32 v8, v5  }
0x17a: {  	v2 =	vld.idx.msk [tilespmem:v2+s10+$0x0], $0xffff  }
0x17b: {  	v3 =	vadd.f32 v8, v3;
	v11 =	vmul.f32 v9, v6;
	_ =	sdelay $0x1  }
0x17c: {  	s3 =	sadd.s32 $0x80, s3;
	v3 =	vadd.f32 v11, v3;
	v63 =	vmul.f32 v63, v7  }
0x17d: {  	p1 =	sne.s32 s3, $0x800  }
.Ltmp9:
0x17e: {  	v0 =	vmul.f32 v2, v0;
	v3 =	vadd.f32 v63, v3;
	(pc) =	sbr.rel @!p1 .LBB2_13-.Ltmp9, $3  }
0x17f: {  	_ = 	snop  }
0x180: {  	v0 =	vadd.f32 v0, v3;
	_ =	sdelay $0x1  }
0x181: {  	[tilespmem:s13+$0x13610] =	vst v0  }
.LBB2_10:
0x182: {  	s13 =	sshra.s32 s3, $0x2  }
0x183: {  	v2 =	vld [tilespmem:s13+$0x10];
	_ =	sdelay $0x4  }
0x184: {  	(v2sf) =	vpush v2, $0x0;
	_ =	sdelay $0x3  }
0x185: {  	(v2sf) =	vpush v2, $0x1;
	_ =	sdelay $0x3  }
0x186: {  	(v2sf) =	vpush v2, $0x2;
	_ =	sdelay $0x3  }
0x187: {  	(v2sf) =	vpush v2, $0x3;
	_ =	sdelay $0x2  }
0x188: {  	s22 =	spop (v2sf)  }
0x189: {  	(v2sf) =	vpush v2, $0x4;
	s22 =	sand.u32 $0xFFFFF80, s22  }
0x18a: {  	s29 =	simm.s32 $0x8600;
	s22 =	sadd.s32 s1, s22  }
0x18b: {  	[tilespmem:s29], [sflag:$0x3] =	stream.strided.gather [hbm4b:s22+s15], $0x800, s20, s15, $0x38;
	[tilespmem:$0x13800] =	vst v63  }
0x18c: {  	s29 =	spop (v2sf)  }
0x18d: {  	(v2sf) =	vpush v2, $0x5;
	s22 =	sand.u32 $0xFFFFF80, s29  }
0x18e: {  	s29 =	simm.s32 $0x8E00;
	s22 =	sadd.s32 s1, s22  }
0x18f: {  	[tilespmem:s29], [sflag:$0x3] =	stream.strided.gather [hbm4b:s22+s15], $0x800, s20, s15, $0x38;
	[tilespmem:$0x13800] =	vst v63  }
0x190: {  	s29 =	spop (v2sf)  }
0x191: {  	(v2sf) =	vpush v2, $0x6;
	s22 =	sand.u32 $0xFFFFF80, s29  }
0x192: {  	s29 =	simm.s32 $0x9600;
	s22 =	sadd.s32 s1, s22  }
0x193: {  	[tilespmem:s29], [sflag:$0x3] =	stream.strided.gather [hbm4b:s22+s15], $0x800, s20, s15, $0x38;
	[tilespmem:$0x13800] =	vst v63  }
0x194: {  	s29 =	spop (v2sf)  }
0x195: {  	(v2sf) =	vpush v2, $0x7;
	s22 =	sand.u32 $0xFFFFF80, s29  }
0x196: {  	s29 =	simm.s32 $0x9E00;
	s22 =	sadd.s32 s1, s22  }
0x197: {  	[tilespmem:s29], [sflag:$0x3] =	stream.strided.gather [hbm4b:s22+s15], $0x800, s20, s15, $0x38;
	[tilespmem:$0x13800] =	vst v63  }
0x198: {  	s29 =	spop (v2sf)  }
0x199: {  	(v2sf) =	vpush v2, $0x8;
	s22 =	sand.u32 $0xFFFFF80, s29  }
0x19a: {  	s29 =	simm.s32 $0xA600;
	s22 =	sadd.s32 s1, s22  }
0x19b: {  	[tilespmem:s29], [sflag:$0x3] =	stream.strided.gather [hbm4b:s22+s15], $0x800, s20, s15, $0x38;
	[tilespmem:$0x13800] =	vst v63  }
0x19c: {  	s29 =	spop (v2sf)  }
0x19d: {  	(v2sf) =	vpush v2, $0x9;
	s22 =	sand.u32 $0xFFFFF80, s29  }
0x19e: {  	s29 =	simm.s32 $0xAE00;
	s22 =	sadd.s32 s1, s22  }
0x19f: {  	[tilespmem:s29], [sflag:$0x3] =	stream.strided.gather [hbm4b:s22+s15], $0x800, s20, s15, $0x38;
	[tilespmem:$0x13800] =	vst v63  }
0x1a0: {  	s29 =	spop (v2sf)  }
0x1a1: {  	(v2sf) =	vpush v2, $0xA;
	s22 =	sand.u32 $0xFFFFF80, s29  }
0x1a2: {  	s29 =	simm.s32 $0xB600;
	s22 =	sadd.s32 s1, s22  }
0x1a3: {  	[tilespmem:s29], [sflag:$0x3] =	stream.strided.gather [hbm4b:s22+s15], $0x800, s20, s15, $0x38;
	[tilespmem:$0x13800] =	vst v63  }
0x1a4: {  	s29 =	spop (v2sf)  }
0x1a5: {  	(v2sf) =	vpush v2, $0xB;
	s22 =	sand.u32 $0xFFFFF80, s29  }
0x1a6: {  	s29 =	simm.s32 $0xBE00;
	s22 =	sadd.s32 s1, s22  }
0x1a7: {  	[tilespmem:s29], [sflag:$0x3] =	stream.strided.gather [hbm4b:s22+s15], $0x800, s20, s15, $0x38;
	[tilespmem:$0x13800] =	vst v63  }
0x1a8: {  	s29 =	spop (v2sf)  }
0x1a9: {  	(v2sf) =	vpush v2, $0xC;
	s22 =	sand.u32 $0xFFFFF80, s29  }
0x1aa: {  	s29 =	simm.s32 $0xC600;
	s22 =	sadd.s32 s1, s22  }
0x1ab: {  	[tilespmem:s29], [sflag:$0x3] =	stream.strided.gather [hbm4b:s22+s15], $0x800, s20, s15, $0x38;
	[tilespmem:$0x13800] =	vst v63  }
0x1ac: {  	s29 =	spop (v2sf)  }
0x1ad: {  	(v2sf) =	vpush v2, $0xD;
	s22 =	sand.u32 $0xFFFFF80, s29  }
0x1ae: {  	s29 =	simm.s32 $0xCE00;
	s22 =	sadd.s32 s1, s22  }
0x1af: {  	[tilespmem:s29], [sflag:$0x3] =	stream.strided.gather [hbm4b:s22+s15], $0x800, s20, s15, $0x38;
	[tilespmem:$0x13800] =	vst v63  }
0x1b0: {  	s29 =	spop (v2sf)  }
0x1b1: {  	(v2sf) =	vpush v2, $0xE;
	s22 =	sand.u32 $0xFFFFF80, s29  }
0x1b2: {  	s22 =	sadd.s32 s1, s22  }
0x1b3: {  	[tilespmem:s30], [sflag:$0x3] =	stream.strided.gather [hbm4b:s22+s15], $0x800, s20, s15, $0x38;
	[tilespmem:$0x13800] =	vst v63  }
0x1b4: {  	s29 =	spop (v2sf)  }
0x1b5: {  	(v2sf) =	vpush v2, $0xF;
	s22 =	sand.u32 $0xFFFFF80, s29  }
0x1b6: {  	s22 =	sadd.s32 s1, s22  }
0x1b7: {  	[tilespmem:s31], [sflag:$0x3] =	stream.strided.gather [hbm4b:s22+s15], $0x800, s20, s15, $0x38;
	[tilespmem:$0x13800] =	vst v63  }
0x1b8: {  	s29 =	spop (v2sf)  }
0x1b9: {  	s22 =	sand.u32 $0xFFFFF80, s29  }
0x1ba: {  	s22 =	sadd.s32 s1, s22  }
0x1bb: {  	[tilespmem:s0], [sflag:$0x3] =	stream.strided.gather [hbm4b:s22+s15], $0x800, s20, s15, $0x38;
	[tilespmem:$0x13800] =	vst v63  }
0x1bc: {  	s29 =	spop (v2sf)  }
0x1bd: {  	s22 =	sand.u32 $0xFFFFF80, s29  }
0x1be: {  	s22 =	sadd.s32 s1, s22  }
0x1bf: {  	[tilespmem:s4], [sflag:$0x3] =	stream.strided.gather [hbm4b:s22+s15], $0x800, s20, s15, $0x38;
	[tilespmem:$0x13800] =	vst v63  }
0x1c0: {  	s29 =	spop (v2sf)  }
0x1c1: {  	s22 =	sand.u32 $0xFFFFF80, s29  }
0x1c2: {  	s22 =	sadd.s32 s1, s22  }
0x1c3: {  	[tilespmem:s14], [sflag:$0x3] =	stream.strided.gather [hbm4b:s22+s15], $0x800, s20, s15, $0x38;
	[tilespmem:$0x13800] =	vst v63  }
0x1c4: {  	s29 =	spop (v2sf)  }
0x1c5: {  	s22 =	sand.u32 $0xFFFFF80, s29  }
0x1c6: {  	s22 =	sadd.s32 s1, s22  }
0x1c7: {  	[tilespmem:s16], [sflag:$0x3] =	stream.strided.gather [hbm4b:s22+s15], $0x800, s20, s15, $0x38;
	[tilespmem:$0x13800] =	vst v63  }
0x1c8: {  	s29 =	sadd.s32 $0x410, s13  }
0x1c9: {  	[tilespmem:s6], [sflag:$0x4] =	stream.indirect.gather [hbm4b:s5+s9], $0x80, s29, s9, $0xb8;
	[tilespmem:$0x13800] =	vst v63  }
0x1ca: {  	_ =	swait.ge [sflag:s18], $0x800  }
0x1cb: {  	[sflag:s18] =	ssyncset.done $0x0  }
0x1cc: {  	[sflag:s18] =	ssyncadd.s32 $0xFFFFF800  }
0x1cd: {  	_ =	swait.ge [sflag:s18], $0x800  }
0x1ce: {  	[sflag:s18] =	ssyncset.done $0x0  }
0x1cf: {  	[sflag:s18] =	ssyncadd.s32 $0xFFFFF800  }
0x1d0: {  	_ =	swait.ge [sflag:s18], $0x800  }
0x1d1: {  	[sflag:s18] =	ssyncset.done $0x0  }
0x1d2: {  	[sflag:s18] =	ssyncadd.s32 $0xFFFFF800  }
0x1d3: {  	_ =	swait.ge [sflag:s18], $0x800  }
0x1d4: {  	[sflag:s18] =	ssyncset.done $0x0  }
0x1d5: {  	[sflag:s18] =	ssyncadd.s32 $0xFFFFF800  }
0x1d6: {  	_ =	swait.ge [sflag:s18], $0x800  }
0x1d7: {  	[sflag:s18] =	ssyncset.done $0x0  }
0x1d8: {  	[sflag:s18] =	ssyncadd.s32 $0xFFFFF800  }
0x1d9: {  	_ =	swait.ge [sflag:s18], $0x800  }
0x1da: {  	[sflag:s18] =	ssyncset.done $0x0  }
0x1db: {  	[sflag:s18] =	ssyncadd.s32 $0xFFFFF800  }
0x1dc: {  	_ =	swait.ge [sflag:s18], $0x800  }
0x1dd: {  	[sflag:s18] =	ssyncset.done $0x0  }
0x1de: {  	[sflag:s18] =	ssyncadd.s32 $0xFFFFF800  }
0x1df: {  	_ =	swait.ge [sflag:s18], $0x800  }
0x1e0: {  	[sflag:s18] =	ssyncset.done $0x0  }
0x1e1: {  	[sflag:s18] =	ssyncadd.s32 $0xFFFFF800  }
0x1e2: {  	_ =	swait.ge [sflag:s18], $0x800  }
0x1e3: {  	[sflag:s18] =	ssyncset.done $0x0  }
0x1e4: {  	[sflag:s18] =	ssyncadd.s32 $0xFFFFF800  }
0x1e5: {  	_ =	swait.ge [sflag:s18], $0x800  }
0x1e6: {  	[sflag:s18] =	ssyncset.done $0x0  }
0x1e7: {  	[sflag:s18] =	ssyncadd.s32 $0xFFFFF800  }
0x1e8: {  	_ =	swait.ge [sflag:s18], $0x800  }
0x1e9: {  	[sflag:s18] =	ssyncset.done $0x0  }
0x1ea: {  	[sflag:s18] =	ssyncadd.s32 $0xFFFFF800  }
0x1eb: {  	_ =	swait.ge [sflag:s18], $0x800  }
0x1ec: {  	[sflag:s18] =	ssyncset.done $0x0  }
0x1ed: {  	[sflag:s18] =	ssyncadd.s32 $0xFFFFF800  }
0x1ee: {  	_ =	swait.ge [sflag:s18], $0x800  }
0x1ef: {  	[sflag:s18] =	ssyncset.done $0x0  }
0x1f0: {  	[sflag:s18] =	ssyncadd.s32 $0xFFFFF800  }
0x1f1: {  	_ =	swait.ge [sflag:s18], $0x800  }
0x1f2: {  	[sflag:s18] =	ssyncset.done $0x0  }
0x1f3: {  	[sflag:s18] =	ssyncadd.s32 $0xFFFFF800  }
0x1f4: {  	_ =	swait.ge [sflag:s18], $0x800  }
0x1f5: {  	[sflag:s18] =	ssyncset.done $0x0  }
0x1f6: {  	[sflag:s18] =	ssyncadd.s32 $0xFFFFF800  }
0x1f7: {  	_ =	swait.ge [sflag:s18], $0x800  }
0x1f8: {  	[sflag:s18] =	ssyncset.done $0x0  }
0x1f9: {  	[sflag:s18] =	ssyncadd.s32 $0xFFFFF800  }
0x1fa: {  	_ =	swait.ge [sflag:s8], $0x800  }
0x1fb: {  	[sflag:s8] =	ssyncset.done $0x0  }
0x1fc: {  	[sflag:s8] =	ssyncadd.s32 $0xFFFFF800  }
0x1fd: {  	v2 =	vld [tilespmem:s13+$0x0]  }
0x1fe: {  	v0 =	vld [tilespmem:$0x1FF20];
	_ =	sdelay $0x2  }
0x1ff: {  	v3 =	vld [tilespmem:s13+$0x200]  }
0x200: {  	v2 =	vand.u32 $0x7F, v2  }
0x201: {  	v5 =	vor.u32 v0, v2;
	v0 =	vld [tilespmem:$0x1FF30];
	_ =	sdelay $0x2  }
0x202: {  	v3 =	vshll.u32 v3, $0x4  }
0x203: {  	v3 =	vand.u32 $0x70, v3  }
0x204: {  	v6 =	vor.u32 v0, v3;
	v0 =	vld [tilespmem:$0x1FF40];
	_ =	sdelay $0x4  }
0x205: {  	v7 =	vor.u32 v0, v2;
	v0 =	vld [tilespmem:$0x1FF50];
	_ =	sdelay $0x4  }
0x206: {  	v8 =	vor.u32 v0, v3;
	v0 =	vld [tilespmem:$0x1FF60];
	_ =	sdelay $0x4  }
0x207: {  	v9 =	vor.u32 v0, v2;
	v0 =	vld [tilespmem:$0x1FF70];
	_ =	sdelay $0x1  }
0x208: {  	v4 =	vor.u32 v15, v2;
	_ =	sdelay $0x1  }
0x209: {  	v13 =	vld [tilespmem:$0x1FFB0];
	v63 =	vor.u32 v1, v3  }
0x20a: {  	v10 =	vor.u32 v0, v3;
	v0 =	vld [tilespmem:$0x1FF80]  }
0x20b: {  	v14 =	vld [tilespmem:$0x1FFE0]  }
0x20c: {  	v4 =	vld.idx.msk [tilespmem:v4+s21+$0x0], $0xffff  }
0x20d: {  	v5 =	vld.idx.msk [tilespmem:v5+s21+$0x0], $0xffff  }
0x20e: {  	v63 =	vld.idx.msk [tilespmem:v63+s10+$0x0], $0xffff  }
0x20f: {  	v11 =	vor.u32 v0, v2;
	v0 =	vld [tilespmem:$0x1FF90]  }
0x210: {  	v6 =	vld.idx.msk [tilespmem:v6+s10+$0x0], $0xffff  }
0x211: {  	v7 =	vld.idx.msk [tilespmem:v7+s21+$0x0], $0xffff  }
0x212: {  	v8 =	vld.idx.msk [tilespmem:v8+s10+$0x0], $0xffff  }
0x213: {  	v4 =	vmul.f32 v63, v4;
	v63 =	vor.u32 v13, v3;
	v13 =	vld [tilespmem:$0x1FFC0]  }
0x214: {  	v12 =	vor.u32 v0, v3;
	v0 =	vld [tilespmem:$0x1FFA0]  }
0x215: {  	v4 =	vadd.f32 $0.0e+00, v4;
	v5 =	vmul.f32 v6, v5;
	v6 =	vld.idx.msk [tilespmem:v11+s21+$0x0], $0xffff  }
0x216: {  	v11 =	vld [tilespmem:$0x1FFD0]  }
0x217: {  	v4 =	vadd.f32 v5, v4;
	v5 =	vmul.f32 v8, v7;
	v7 =	vld [tilespmem:$0x1FFF0]  }
0x218: {  	v9 =	vld.idx.msk [tilespmem:v9+s21+$0x0], $0xffff  }
0x219: {  	v10 =	vld.idx.msk [tilespmem:v10+s10+$0x0], $0xffff;
	v0 =	vor.u32 v0, v2  }
0x21a: {  	v13 =	vor.u32 v13, v2  }
0x21b: {  	v11 =	vor.u32 v11, v3;
	v12 =	vld.idx.msk [tilespmem:v12+s10+$0x0], $0xffff  }
0x21c: {  	v7 =	vor.u32 v7, v3  }
0x21d: {  	v14 =	vor.u32 v14, v2;
	v8 =	vld.idx.msk [tilespmem:v63+s10+$0x0], $0xffff  }
0x21e: {  	v4 =	vadd.f32 v5, v4;
	v5 =	vmul.f32 v10, v9;
	v10 =	vor.u32 v17, v3;
	v0 =	vld.idx.msk [tilespmem:v0+s21+$0x0], $0xffff  }
0x21f: {  	v63 =	vor.u32 v16, v2;
	v9 =	vld.idx.msk [tilespmem:v13+s21+$0x0], $0xffff  }
0x220: {  	v4 =	vadd.f32 v5, v4;
	v11 =	vld.idx.msk [tilespmem:v11+s10+$0x0], $0xffff;
	v5 =	vmul.f32 v12, v6;
	v12 =	vor.u32 v19, v3  }
0x221: {  	v13 =	vor.u32 v18, v2;
	v7 =	vld.idx.msk [tilespmem:v7+s10+$0x0], $0xffff  }
0x222: {  	v6 =	vld.idx.msk [tilespmem:v14+s21+$0x0], $0xffff;
	v14 =	vor.u32 v20, v2  }
0x223: {  	v10 =	vld.idx.msk [tilespmem:v10+s10+$0x0], $0xffff;
	v4 =	vadd.f32 v5, v4;
	v0 =	vmul.f32 v8, v0;
	v8 =	vor.u32 v21, v3  }
0x224: {  	v5 =	vld.idx.msk [tilespmem:v63+s21+$0x0], $0xffff;
	v63 =	vor.u32 v22, v2  }
0x225: {  	v12 =	vld.idx.msk [tilespmem:v12+s10+$0x0], $0xffff;
	v0 =	vadd.f32 v0, v4;
	v4 =	vmul.f32 v11, v9;
	v11 =	vor.u32 v23, v3  }
0x226: {  	v9 =	vld.idx.msk [tilespmem:v13+s21+$0x0], $0xffff;
	v13 =	vor.u32 v24, v2  }
0x227: {  	v0 =	vadd.f32 v4, v0;
	v4 =	vmul.f32 v7, v6;
	v6 =	vld.idx.msk [tilespmem:v14+s21+$0x0], $0xffff;
	v7 =	vor.u32 v25, v3  }
0x228: {  	v14 =	vor.u32 v26, v2;
	v8 =	vld.idx.msk [tilespmem:v8+s10+$0x0], $0xffff  }
0x229: {  	v0 =	vadd.f32 v4, v0;
	v4 =	vmul.f32 v10, v5;
	v5 =	vld.idx.msk [tilespmem:v63+s21+$0x0], $0xffff;
	v10 =	vor.u32 v27, v3  }
0x22a: {  	v63 =	vor.u32 v28, v2;
	v11 =	vld.idx.msk [tilespmem:v11+s10+$0x0], $0xffff  }
0x22b: {  	v0 =	vadd.f32 v4, v0;
	v4 =	vmul.f32 v12, v9;
	v9 =	vld.idx.msk [tilespmem:v13+s21+$0x0], $0xffff;
	v12 =	vor.u32 v29, v3  }
0x22c: {  	v2 =	vor.u32 v30, v2;
	v7 =	vld.idx.msk [tilespmem:v7+s10+$0x0], $0xffff  }
0x22d: {  	v3 =	vor.u32 v31, v3;
	v0 =	vadd.f32 v4, v0;
	v4 =	vmul.f32 v8, v6;
	v6 =	vld.idx.msk [tilespmem:v14+s21+$0x0], $0xffff  }
0x22e: {  	v8 =	vld.idx.msk [tilespmem:v10+s10+$0x0], $0xffff  }
0x22f: {  	v0 =	vadd.f32 v4, v0;
	v4 =	vmul.f32 v11, v5;
	v5 =	vld.idx.msk [tilespmem:v63+s21+$0x0], $0xffff  }
0x230: {  	v63 =	vld.idx.msk [tilespmem:v12+s10+$0x0], $0xffff  }
0x231: {  	v2 =	vld.idx.msk [tilespmem:v2+s21+$0x0], $0xffff;
	v0 =	vadd.f32 v4, v0;
	v9 =	vmul.f32 v7, v9  }
0x232: {  	v3 =	vld.idx.msk [tilespmem:v3+s10+$0x0], $0xffff  }
0x233: {  	v0 =	vadd.f32 v9, v0;
	v11 =	vmul.f32 v8, v6;
	_ =	sdelay $0x1  }
0x234: {  	v0 =	vadd.f32 v11, v0;
	v63 =	vmul.f32 v63, v5  }
0x235: {  	p1 =	seq.s32 s3, $0x780  }
.Ltmp10:
0x236: {  	v2 =	vmul.f32 v3, v2;
	v0 =	vadd.f32 v63, v0;
	(pc) =	sbr.rel @p1 .LBB2_12-.Ltmp10, $3  }
0x237: {  	_ = 	snop  }
0x238: {  	v0 =	vadd.f32 v2, v0;
	_ =	sdelay $0x1  }
0x239: {  	[tilespmem:s13+$0x13600] =	vst v0  }
0x23a: {  	v0 =	vld [tilespmem:s13+$0x20];
	_ =	sdelay $0x4  }
0x23b: {  	(v2sf) =	vpush v0, $0x0;
	_ =	sdelay $0x1  }
0x23c: {  	(v2sf) =	vpush v0, $0x1;
	_ =	sdelay $0x4  }
0x23d: {  	(v2sf) =	vpush v0, $0x2;
	_ =	sdelay $0x2  }
0x23e: {  	(v2sf) =	vpush v0, $0x3;
	_ =	sdelay $0x4  }
0x23f: {  	s22 =	spop (v2sf);
	(v2sf) =	vpush v0, $0x4;
	_ =	sdelay $0x1  }
0x240: {  	s29 =	spop (v2sf);
	(v2sf) =	vpush v0, $0x5  }
0x241: {  	s22 =	sand.u32 $0xFFFFF80, s22  }
0x242: {  	s22 =	sadd.s32 s1, s22  }
0x243: {  	[tilespmem:s21], [sflag:$0x1] =	stream.strided.gather [hbm4b:s22+s15], $0x800, s20, s15, $0x38;
	[tilespmem:$0x13800] =	vst v63  }
0x244: {  	s22 =	sand.u32 $0xFFFFF80, s29  }
0x245: {  	s29 =	spop (v2sf);
	(v2sf) =	vpush v0, $0x6;
	s22 =	sadd.s32 s1, s22  }
0x246: {  	[tilespmem:s23], [sflag:$0x1] =	stream.strided.gather [hbm4b:s22+s15], $0x800, s20, s15, $0x38;
	[tilespmem:$0x13800] =	vst v63  }
0x247: {  	s22 =	sand.u32 $0xFFFFF80, s29  }
0x248: {  	s29 =	spop (v2sf);
	s22 =	sadd.s32 s1, s22  }
0x249: {  	(v2sf) =	vpush v0, $0x7;
	[tilespmem:s24], [sflag:$0x1] =	stream.strided.gather [hbm4b:s22+s15], $0x800, s20, s15, $0x38;
	[tilespmem:$0x13800] =	vst v63  }
0x24a: {  	s22 =	sand.u32 $0xFFFFF80, s29  }
0x24b: {  	s22 =	sadd.s32 s1, s22  }
0x24c: {  	[tilespmem:s25], [sflag:$0x1] =	stream.strided.gather [hbm4b:s22+s15], $0x800, s20, s15, $0x38;
	[tilespmem:$0x13800] =	vst v63  }
0x24d: {  	s29 =	spop (v2sf);
	(v2sf) =	vpush v0, $0x8  }
0x24e: {  	s22 =	sand.u32 $0xFFFFF80, s29  }
0x24f: {  	s29 =	spop (v2sf);
	s22 =	sadd.s32 s1, s22  }
0x250: {  	[tilespmem:s26], [sflag:$0x1] =	stream.strided.gather [hbm4b:s22+s15], $0x800, s20, s15, $0x38;
	[tilespmem:$0x13800] =	vst v63  }
0x251: {  	(v2sf) =	vpush v0, $0x9;
	s22 =	sand.u32 $0xFFFFF80, s29  }
0x252: {  	s29 =	simm.s32 $0x2E00;
	s22 =	sadd.s32 s1, s22  }
0x253: {  	[tilespmem:s29], [sflag:$0x1] =	stream.strided.gather [hbm4b:s22+s15], $0x800, s20, s15, $0x38;
	[tilespmem:$0x13800] =	vst v63  }
0x254: {  	s29 =	spop (v2sf)  }
0x255: {  	(v2sf) =	vpush v0, $0xA;
	s22 =	sand.u32 $0xFFFFF80, s29  }
0x256: {  	s29 =	simm.s32 $0x3600;
	s22 =	sadd.s32 s1, s22  }
0x257: {  	[tilespmem:s29], [sflag:$0x1] =	stream.strided.gather [hbm4b:s22+s15], $0x800, s20, s15, $0x38;
	[tilespmem:$0x13800] =	vst v63  }
0x258: {  	s29 =	spop (v2sf)  }
0x259: {  	(v2sf) =	vpush v0, $0xB;
	s22 =	sand.u32 $0xFFFFF80, s29  }
0x25a: {  	s29 =	simm.s32 $0x3E00;
	s22 =	sadd.s32 s1, s22  }
0x25b: {  	[tilespmem:s29], [sflag:$0x1] =	stream.strided.gather [hbm4b:s22+s15], $0x800, s20, s15, $0x38;
	[tilespmem:$0x13800] =	vst v63  }
0x25c: {  	s29 =	spop (v2sf)  }
0x25d: {  	(v2sf) =	vpush v0, $0xC;
	s22 =	sand.u32 $0xFFFFF80, s29  }
0x25e: {  	s29 =	simm.s32 $0x4600;
	s22 =	sadd.s32 s1, s22  }
0x25f: {  	[tilespmem:s29], [sflag:$0x1] =	stream.strided.gather [hbm4b:s22+s15], $0x800, s20, s15, $0x38;
	[tilespmem:$0x13800] =	vst v63  }
0x260: {  	s29 =	spop (v2sf)  }
0x261: {  	(v2sf) =	vpush v0, $0xD;
	s22 =	sand.u32 $0xFFFFF80, s29  }
0x262: {  	s29 =	simm.s32 $0x4E00;
	s22 =	sadd.s32 s1, s22  }
0x263: {  	[tilespmem:s29], [sflag:$0x1] =	stream.strided.gather [hbm4b:s22+s15], $0x800, s20, s15, $0x38;
	[tilespmem:$0x13800] =	vst v63  }
0x264: {  	s29 =	spop (v2sf)  }
0x265: {  	(v2sf) =	vpush v0, $0xE;
	s22 =	sand.u32 $0xFFFFF80, s29  }
0x266: {  	s29 =	simm.s32 $0x5600;
	s22 =	sadd.s32 s1, s22  }
0x267: {  	[tilespmem:s29], [sflag:$0x1] =	stream.strided.gather [hbm4b:s22+s15], $0x800, s20, s15, $0x38;
	[tilespmem:$0x13800] =	vst v63  }
0x268: {  	s29 =	spop (v2sf)  }
0x269: {  	(v2sf) =	vpush v0, $0xF;
	s22 =	sand.u32 $0xFFFFF80, s29  }
0x26a: {  	s29 =	simm.s32 $0x5E00;
	s22 =	sadd.s32 s1, s22  }
0x26b: {  	[tilespmem:s29], [sflag:$0x1] =	stream.strided.gather [hbm4b:s22+s15], $0x800, s20, s15, $0x38;
	[tilespmem:$0x13800] =	vst v63  }
0x26c: {  	s29 =	spop (v2sf)  }
0x26d: {  	s22 =	sand.u32 $0xFFFFF80, s29  }
0x26e: {  	s29 =	simm.s32 $0x6600;
	s22 =	sadd.s32 s1, s22  }
0x26f: {  	[tilespmem:s29], [sflag:$0x1] =	stream.strided.gather [hbm4b:s22+s15], $0x800, s20, s15, $0x38;
	[tilespmem:$0x13800] =	vst v63  }
0x270: {  	s29 =	spop (v2sf)  }
0x271: {  	s22 =	sand.u32 $0xFFFFF80, s29  }
0x272: {  	s29 =	simm.s32 $0x6E00;
	s22 =	sadd.s32 s1, s22  }
0x273: {  	[tilespmem:s29], [sflag:$0x1] =	stream.strided.gather [hbm4b:s22+s15], $0x800, s20, s15, $0x38;
	[tilespmem:$0x13800] =	vst v63  }
0x274: {  	s29 =	spop (v2sf)  }
0x275: {  	s22 =	sand.u32 $0xFFFFF80, s29  }
0x276: {  	s29 =	simm.s32 $0x7600;
	s22 =	sadd.s32 s1, s22  }
0x277: {  	[tilespmem:s29], [sflag:$0x1] =	stream.strided.gather [hbm4b:s22+s15], $0x800, s20, s15, $0x38;
	[tilespmem:$0x13800] =	vst v63  }
0x278: {  	s29 =	spop (v2sf)  }
.Ltmp11:
0x279: {  	s22 =	sand.u32 $0xFFFFF80, s29;
	(pc) =	sbr.rel .LBB2_12-.Ltmp11, $4  }
0x27a: {  	s29 =	simm.s32 $0x7E00;
	s22 =	sadd.s32 s1, s22  }
0x27b: {  	[tilespmem:s29], [sflag:$0x1] =	stream.strided.gather [hbm4b:s22+s15], $0x800, s20, s15, $0x38;
	[tilespmem:$0x13800] =	vst v63  }
0x27c: {  	s29 =	sadd.s32 $0x420, s13  }
0x27d: {  	[tilespmem:s10], [sflag:$0x2] =	stream.indirect.gather [hbm4b:s5+s9], $0x80, s29, s9, $0xb8;
	[tilespmem:$0x13800] =	vst v63  }
.LBB2_14:
0x27e: {  	_ =	sfence.sel $0x180000  }
0x27f: {  	[bflag:$0x0] =	sbarrier.arrive $0xFFFF  }
0x280: {  	_ =	strace $0x90000047  }
0x281: {  	s0 =	stileid.u32;
	[bflag:$0x2] =	sbarrier.arrive $0xFFFF  }
0x282: {  	p0 =	sne.s32 s0, $0x0;
	s0 =	rddreg [dreg:$0x6]  }
0x283: {  	s0 =	sadd.s32 @!p0 $0x100000, s0  }
0x284: {  	[sflag:s0] =	ssyncadd.tile.s32 @!p0 $0x1;
	_ =	shalt  }
.Lfunc_end2:
_tile_overlayer_lowered:
.L_overlay_start_2:
0x285: {  	(tag) =	ssettag $0x2  }
0x286: {  	s0 =	rddreg [dreg:$0x0];
	s2 =	stileid.u32  }
0x287: {  	s1 =	rddreg [dreg:$0x1];
	p0 =	sne.s32 s2, $0x0  }
0x288: {  	s3 =	rddreg [dreg:$0x2];
	[bflag:$0x3] =	sbarrier.arrive $0xFFFF;
	s2 =	simm.s32 @!p0 $0x1C07  }
0x289: {  	[timem:s3], [sflag:s2] =	dma.local @!p0 [hbm:s0], s1  }
0x28a: {  	s0 =	simm.s32 @!p0 $0x7  }
0x28b: {  	_ =	swait.ge @!p0 [sflag:s0], s1  }
0x28c: {  	s1 =	ssub.s32 @!p0 $0x0, s1;
	[sflag:s0] =	ssyncset.done @!p0 $0x0  }
0x28d: {  	[sflag:s0] =	ssyncadd.s32 @!p0 s1  }
0x28e: {  	[bflag:$0x3] =	sbarrier.arrive $0xFFFF  }
0x28f: {  	_ =	shalt  }

</sc_bundles>
